<compile_context>
chip_gen: v7x
topology: tpu7x:2x2x1
jax: 0.10.2.dev20260603
libtpu: 0.0.44.dev20260713+nightly
codegen_flags: <defaults>
</compile_context>

<pallas_src>
import functools

import jax
import jax.numpy as jnp
from jax import lax
from jax.experimental import pallas as pl
from jax.experimental.pallas import tpu as pltpu
from jax.experimental.pallas import tpu_sc as plsc

H = 1024
IE = 512
E = 64
T = 4096
TILE = 128
PTILE = 1024
GTILE = 256
NT = T // TILE
ROWS = T * 2 + E * GTILE
NRT = ROWS // GTILE
F32 = jnp.float32


def _silu(v):
    return v * jax.nn.sigmoid(v)


def _dot_t(a, b):
    return lax.dot_general(a, b, (((1,), (1,)), ((), ())),
                           preferred_element_type=F32)


def _prologue_kernel(x_ref, gw_ref, bgu_ref, bd_ref,
                     z_ref, by_ref, e1_ref, e2_ref, w1_ref, w2_ref):
    x = x_ref[...]
    gu = _dot_t(x, bgu_ref[...])
    act = _silu(gu[:, :IE]) * gu[:, IE:]
    by_ref[...] = _dot_t(act, bd_ref[...])
    z_ref[...] = _silu(x[:, :IE]) * x[:, IE:]
    logits = _dot_t(x, gw_ref[...])
    ii = lax.broadcasted_iota(jnp.int32, logits.shape, 1)
    m1 = jnp.max(logits, axis=1, keepdims=True)
    e1 = jnp.min(jnp.where(logits == m1, ii, E), axis=1, keepdims=True)
    lm = jnp.where(ii == e1, -jnp.inf, logits)
    m2 = jnp.max(lm, axis=1, keepdims=True)
    e2 = jnp.min(jnp.where(lm == m2, ii, E), axis=1, keepdims=True)
    w1 = 1.0 / (1.0 + jnp.exp(m2 - m1))
    e1_ref[...] = e1
    e2_ref[...] = e2
    w1_ref[...] = w1
    w2_ref[...] = 1.0 - w1


def _prologue(xf, gate_w, bgu, bd):
    return pl.pallas_call(
        _prologue_kernel,
        grid=(T // PTILE,),
        in_specs=[
            pl.BlockSpec((PTILE, H), lambda t: (t, 0)),
            pl.BlockSpec((E, H), lambda t: (0, 0)),
            pl.BlockSpec((2 * IE, H), lambda t: (0, 0)),
            pl.BlockSpec((H, IE), lambda t: (0, 0)),
        ],
        out_specs=[
            pl.BlockSpec((PTILE, IE), lambda t: (t, 0)),
            pl.BlockSpec((PTILE, H), lambda t: (t, 0)),
            pl.BlockSpec((PTILE, 1), lambda t: (t, 0)),
            pl.BlockSpec((PTILE, 1), lambda t: (t, 0)),
            pl.BlockSpec((PTILE, 1), lambda t: (t, 0)),
            pl.BlockSpec((PTILE, 1), lambda t: (t, 0)),
        ],
        out_shape=[
            jax.ShapeDtypeStruct((T, IE), F32),
            jax.ShapeDtypeStruct((T, H), F32),
            jax.ShapeDtypeStruct((T, 1), jnp.int32),
            jax.ShapeDtypeStruct((T, 1), jnp.int32),
            jax.ShapeDtypeStruct((T, 1), F32),
            jax.ShapeDtypeStruct((T, 1), F32),
        ],
    )(xf, gate_w, bgu, bd)


def _route_kernel(e1_ref, e2_ref, s1_ref, s2_ref, te_ref, r1_ref, r2_ref):
    ii = lax.broadcasted_iota(jnp.int32, (TILE, E), 1)
    rr = lax.broadcasted_iota(jnp.int32, (TILE, TILE), 0)
    cc = lax.broadcasted_iota(jnp.int32, (TILE, TILE), 1)
    tril = (cc < rr).astype(F32)

    def sweep(e_ref, r_ref, carry):
        for b in range(NT):
            eb = e_ref[pl.ds(b * TILE, TILE), :]
            oh = (eb == ii).astype(F32)
            exc = lax.dot_general(tril, oh, (((1,), (0,)), ((), ())),
                                  preferred_element_type=F32) + carry
            r_ref[pl.ds(b * TILE, TILE), :] = jnp.sum(oh * exc, axis=1,
                                                      keepdims=True)
            carry = carry + jnp.sum(oh, axis=0, keepdims=True)
        return carry

    cnt1 = sweep(e1_ref, r1_ref, jnp.zeros((1, E), F32))
    cnt = sweep(e2_ref, r2_ref, cnt1)

    pc = (((cnt.astype(jnp.int32) + (GTILE - 1)) // GTILE) * GTILE).astype(F32)
    re = lax.broadcasted_iota(jnp.int32, (E, E), 0)
    ce = lax.broadcasted_iota(jnp.int32, (E, E), 1)
    ut = (re < ce).astype(F32)
    po = lax.dot_general(pc, ut, (((1,), (0,)), ((), ())),
                         preferred_element_type=F32)

    for b in range(NT):
        for e_ref, r_ref, s_ref in ((e1_ref, r1_ref, s1_ref),
                                    (e2_ref, r2_ref, s2_ref)):
            eb = e_ref[pl.ds(b * TILE, TILE), :]
            oh = (eb == ii).astype(F32)
            base = jnp.sum(oh * po, axis=1, keepdims=True)
            s_ref[pl.ds(b * TILE, TILE), :] = (
                base + r_ref[pl.ds(b * TILE, TILE), :]).astype(jnp.int32)

    lt = (ce < re).astype(F32)
    po_col = lax.dot_general(lt, pc, (((1,), (1,)), ((), ())),
                             preferred_element_type=F32)
    starts = (lax.broadcasted_iota(jnp.int32, (1, NRT), 1)
              * GTILE).astype(F32)
    m = (po_col <= starts).astype(F32)
    te_ref[...] = (jnp.sum(m, axis=0, keepdims=True) - 1.0).astype(jnp.int32)


def _route(e1, e2):
    return pl.pallas_call(
        _route_kernel,
        out_shape=[
            jax.ShapeDtypeStruct((T, 1), jnp.int32),
            jax.ShapeDtypeStruct((T, 1), jnp.int32),
            jax.ShapeDtypeStruct((1, NRT), jnp.int32),
        ],
        scratch_shapes=[
            pltpu.VMEM((T, 1), F32),
            pltpu.VMEM((T, 1), F32),
        ],
    )(e1, e2)


NC = 2
NS = 16
NW = NC * NS
SCH = 128
CPW = 2 * T // NW // SCH


def _sc_scatter_body(z_hbm, slots_hbm, zs_hbm, idx_v, rows_v):
    wid = lax.axis_index("s") * NC + lax.axis_index("c")
    pltpu.sync_copy(slots_hbm.at[wid], idx_v)
    for j in range(CPW):
        a0 = (wid * CPW + j) * SCH
        t0 = lax.rem(a0, T)
        pltpu.sync_copy(z_hbm.at[pl.ds(t0, SCH)], rows_v)
        pltpu.sync_copy(rows_v, zs_hbm.at[idx_v.at[j]])


def _scatter_z(z, slots_km):
    return pl.kernel(
        _sc_scatter_body,
        mesh=plsc.VectorSubcoreMesh(core_axis_name="c", subcore_axis_name="s"),
        out_type=jax.ShapeDtypeStruct((ROWS, IE), F32),
        scratch_types=[
            pltpu.VMEM((CPW, SCH), jnp.int32),
            pltpu.VMEM((SCH, IE), F32),
        ],
    )(z, slots_km.reshape(NW, CPW, SCH))


WSPLIT = 4
WCH = H // WSPLIT


def _gmm_kernel(te_ref, zs_ref, *w_and_out):
    w_refs, out_ref = w_and_out[:WSPLIT], w_and_out[WSPLIT]
    z = zs_ref[...]
    for c in range(WSPLIT):
        out_ref[:, c * WCH:(c + 1) * WCH] = _dot_t(z, w_refs[c][0, 0])


def _grouped_matmul(z_sorted, expert_down_w, te):
    edw = expert_down_w.reshape(E, WSPLIT, WCH, IE)
    grid_spec = pltpu.PrefetchScalarGridSpec(
        num_scalar_prefetch=1,
        grid=(NRT,),
        in_specs=[pl.BlockSpec((GTILE, IE), lambda j, te: (j, 0))] + [
            pl.BlockSpec((1, 1, WCH, IE),
                         functools.partial(
                             lambda c, j, te: (te[j], c, 0, 0), c))
            for c in range(WSPLIT)
        ],
        out_specs=pl.BlockSpec((GTILE, H), lambda j, te: (j, 0)),
    )
    return pl.pallas_call(
        _gmm_kernel,
        grid_spec=grid_spec,
        out_shape=jax.ShapeDtypeStruct((ROWS, H), F32),
    )(te, z_sorted, *([edw] * WSPLIT))


GCH = 32
GPW = T // NW // GCH


def _sc_gather_body(ys_hbm, s1_hbm, s2_hbm, y1_hbm, y2_hbm, idx_v, rows_v):
    wid = lax.axis_index("s") * NC + lax.axis_index("c")
    base = wid * (T // NW)
    for s_hbm, y_hbm in ((s1_hbm, y1_hbm), (s2_hbm, y2_hbm)):
        for j in range(GPW):
            b = base + j * GCH
            pltpu.sync_copy(s_hbm.at[pl.ds(b, GCH)], idx_v)
            pltpu.sync_copy(ys_hbm.at[idx_v], rows_v)
            pltpu.sync_copy(rows_v, y_hbm.at[pl.ds(b, GCH)])


def _gather_y(ys, s1, s2):
    return pl.kernel(
        _sc_gather_body,
        mesh=plsc.VectorSubcoreMesh(core_axis_name="c", subcore_axis_name="s"),
        out_type=[
            jax.ShapeDtypeStruct((T, H), F32),
            jax.ShapeDtypeStruct((T, H), F32),
        ],
        scratch_types=[
            pltpu.VMEM((GCH,), jnp.int32),
            pltpu.VMEM((GCH, H), F32),
        ],
    )(ys, s1.reshape(-1), s2.reshape(-1))


def _combine_kernel(by_ref, y1_ref, y2_ref, w1_ref, w2_ref, out_ref):
    out_ref[...] = (by_ref[...] + w1_ref[...] * y1_ref[...]
                    + w2_ref[...] * y2_ref[...])


CTILE = 512


def _combine(base_y, y1, y2, w1, w2):
    tok_spec = pl.BlockSpec((CTILE, H), lambda t: (t, 0))
    w_spec = pl.BlockSpec((CTILE, 1), lambda t: (t, 0))
    return pl.pallas_call(
        _combine_kernel,
        grid=(T // CTILE,),
        in_specs=[tok_spec, tok_spec, tok_spec, w_spec, w_spec],
        out_specs=tok_spec,
        out_shape=jax.ShapeDtypeStruct((T, H), F32),
    )(base_y, y1, y2, w1, w2)


def kernel(x, gate_w, base_gate_up_w, base_down_w,
           expert_gate_up_w, expert_down_w):
    orig_shape = x.shape
    xf = x.reshape(-1, H)

    z, base_y, e1, e2, w1, w2 = _prologue(xf, gate_w,
                                          base_gate_up_w, base_down_w)
    s1, s2, te = _route(e1, e2)

    slots_km = jnp.concatenate([s1.reshape(-1), s2.reshape(-1)])
    z_sorted = _scatter_z(z, slots_km)

    ys = _grouped_matmul(z_sorted, expert_down_w, te.reshape(-1))

    y1, y2 = _gather_y(ys, s1, s2)
    out = _combine(base_y, y1, y2, w1, w2)
    return out.reshape(orig_shape)

# --- scband reference (transcript-rebuilt; emitter-appended) ---
"""Pipeline reference for scband-llama-mo-e-30425548325398 (READ-ONLY COPY).

The authoritative reference and input builder live on the scoring server;
editing this copy changes nothing except your own understanding.
"""

import jax, jax.numpy as jnp
import numpy as np

H = 1024
I = 512
E = 64
K = 2
B = 1
S = 4096


def _silu(v):
    return v * jax.nn.sigmoid(v)


def setup_inputs(seed: int = 0):
    key = jax.random.key(seed)
    ks = jax.random.split(key, 6)
    return {
        "x": jax.random.normal(ks[0], (B, S, H), dtype=jnp.float32),
        "gate_w": jax.random.normal(ks[1], (E, H), dtype=jnp.float32) * 0.02,
        "base_gate_up_w": jax.random.normal(ks[2], (2 * I, H), dtype=jnp.float32) * 0.02,
        "base_down_w": jax.random.normal(ks[3], (H, I), dtype=jnp.float32) * 0.02,
        "expert_gate_up_w": jax.random.normal(ks[4], (E, 2 * I, H), dtype=jnp.float32) * 0.02,
        "expert_down_w": jax.random.normal(ks[5], (E, H, I), dtype=jnp.float32) * 0.02,
    }


def reference(x, gate_w, base_gate_up_w, base_down_w, expert_gate_up_w, expert_down_w):
    orig_shape = x.shape
    hd = orig_shape[-1]
    xf = x.reshape(-1, hd)
    T = xf.shape[0]
    # base_mlp: LlamaMLP (gate_up -> SiluAndMul -> down)
    gu = xf @ base_gate_up_w.T
    d = gu.shape[-1] // 2
    base_y = (_silu(gu[:, :d]) * gu[:, d:]) @ base_down_w.T
    # router
    logits = xf @ gate_w.T
    probs = jax.nn.softmax(logits.astype(jnp.float32), axis=1)
    topw, sel = jax.lax.top_k(probs, K)
    topw = topw / jnp.sum(topw, axis=-1, keepdims=True)
    topw = topw.astype(xf.dtype)
    final = jnp.zeros((T, hd), dtype=xf.dtype)
    for e in range(E):
        # expert_mask = one_hot(sel).permute(2,1,0)[e] is [K, T]
        match = (sel == e)
        w_e = jnp.sum(jnp.where(match, topw, jnp.zeros_like(topw)), axis=-1)
        # faithful to the original bug: gate_up is computed but its OUTPUT is unused;
        # the activation is applied to the raw input x instead.
        _dead = xf @ expert_gate_up_w[e].T
        dd = xf.shape[-1] // 2
        y = _silu(xf[:, :dd]) * xf[:, dd:]
        y = y @ expert_down_w[e].T
        y = y * w_e[:, None]
        final = final + y
    return (final + base_y).reshape(orig_shape)

if __name__ == "__main__":
    import jax
    _d = setup_inputs()
    print(jax.jit(kernel)(*tuple(_d.values())))

</pallas_src>

<mosaic_0001>
#map = affine_map<(d0, d1) -> (0, 0)>
#map1 = affine_map<(d0, d1) -> (0)>
module attributes {stable_mosaic.version = 14 : i64} {
  func.func @_sc_gather_body(%arg0: i32, %arg1: i32, %arg2: memref<24576x1024xf32, #tpu.memory_space<hbm>>, %arg3: memref<4096xi32, #tpu.memory_space<hbm>>, %arg4: memref<4096xi32, #tpu.memory_space<hbm>>, %arg5: memref<4096x1024xf32, #tpu.memory_space<hbm>>, %arg6: memref<4096x1024xf32, #tpu.memory_space<hbm>>, %arg7: memref<32xi32, #tpu.memory_space<vmem>>, %arg8: memref<32x1024xf32, #tpu.memory_space<vmem>>) attributes {dimension_semantics = [#tpu.dimension_semantics<core_parallel>, #tpu.dimension_semantics<subcore_parallel>], iteration_bounds = array<i64: 2, 16>, scalar_prefetch = 0 : i64, scratch_operands = 2 : i64, tpu.core_type = #tpu.core_type<sc_vector_subcore>, window_params = [{transform_indices = #map}, {transform_indices = #map1}, {transform_indices = #map1}, {transform_indices = #map}, {transform_indices = #map}]} {
    %mul3A = arith.constant 2 : i32
    %mul3A_0 = arith.muli %arg1, %mul3A : i32
    %add3A = arith.addi %mul3A_0, %arg0 : i32
    %mul3A_1 = arith.constant 128 : i32
    %mul3A_2 = arith.muli %add3A, %mul3A_1 : i32
    %add3A_3 = arith.constant 0 : i32
    %add3A_4 = arith.addi %mul3A_2, %add3A_3 : i32
    "tpu.region"() ({
      %run_scoped3A = tpu.sem_alloc : memref<!tpu.dma_semaphore, #tpu.memory_space<semaphore_mem>>
      %dma_start3A = tpu.memref_slice %arg3[%add3A_4] : memref<4096xi32, #tpu.memory_space<hbm>> -> memref<32xi32, #tpu.memory_space<hbm>>
      %dma_start3A_19 = tpu.memref_slice %arg3[%add3A_4] : memref<4096xi32, #tpu.memory_space<hbm>> -> memref<32xi32, #tpu.memory_space<hbm>>
      tpu.enqueue_dma source(%dma_start3A_19 : memref<32xi32, #tpu.memory_space<hbm>>) target(%arg7 : memref<32xi32, #tpu.memory_space<vmem>>) target_semaphore(%run_scoped3A : memref<!tpu.dma_semaphore, #tpu.memory_space<semaphore_mem>>)
      %dma_wait3A = tpu.memref_slice %arg3[%add3A_4] : memref<4096xi32, #tpu.memory_space<hbm>> -> memref<32xi32, #tpu.memory_space<hbm>>
      %dma_wait3A_20 = tpu.memref_slice %arg3[%add3A_4] : memref<4096xi32, #tpu.memory_space<hbm>> -> memref<32xi32, #tpu.memory_space<hbm>>
      tpu.wait_dma2 semaphore(%run_scoped3A : memref<!tpu.dma_semaphore, #tpu.memory_space<semaphore_mem>>) src(%dma_wait3A_20 : memref<32xi32, #tpu.memory_space<hbm>>) dst(%arg7 : memref<32xi32, #tpu.memory_space<vmem>>)
      tpu.yield
    }) : () -> ()
    "tpu.region"() ({
      %run_scoped3A = tpu.sem_alloc : memref<!tpu.dma_semaphore, #tpu.memory_space<semaphore_mem>>
      %dma_start3A = arith.constant 0 : i32
      %dma_start3A_19 = arith.constant 0 : i32
      %dma_start3A_20 = tpu.memref_slice %arg2[%dma_start3A, %dma_start3A_19] : memref<24576x1024xf32, #tpu.memory_space<hbm>> -> memref<24576x1024xf32, #tpu.memory_space<hbm>>
      tpu.enqueue_indirect_dma source(%dma_start3A_20 : memref<24576x1024xf32, #tpu.memory_space<hbm>>) target(%arg8 : memref<32x1024xf32, #tpu.memory_space<vmem>>) offsets(%arg7 : memref<32xi32, #tpu.memory_space<vmem>>) semaphore(%run_scoped3A : memref<!tpu.dma_semaphore, #tpu.memory_space<semaphore_mem>>)
      %dma_wait3A = arith.constant 0 : i32
      %dma_wait3A_21 = arith.constant 0 : i32
      %dma_wait3A_22 = tpu.memref_slice %arg2[%dma_wait3A, %dma_wait3A_21] : memref<24576x1024xf32, #tpu.memory_space<hbm>> -> memref<24576x1024xf32, #tpu.memory_space<hbm>>
      tpu.wait_indirect_dma semaphore(%run_scoped3A : memref<!tpu.dma_semaphore, #tpu.memory_space<semaphore_mem>>) src(%dma_wait3A_22 : memref<24576x1024xf32, #tpu.memory_space<hbm>>) dst(%arg8 : memref<32x1024xf32, #tpu.memory_space<vmem>>)
      tpu.yield
    }) : () -> ()
    "tpu.region"() ({
      %run_scoped3A = tpu.sem_alloc : memref<!tpu.dma_semaphore, #tpu.memory_space<semaphore_mem>>
      %dma_start3A = arith.constant 0 : i32
      %dma_start3A_19 = tpu.memref_slice %arg5[%add3A_4, %dma_start3A] : memref<4096x1024xf32, #tpu.memory_space<hbm>> -> memref<32x1024xf32, #tpu.memory_space<hbm>>
      %dma_start3A_20 = arith.constant 0 : i32
      %dma_start3A_21 = tpu.memref_slice %arg5[%add3A_4, %dma_start3A_20] : memref<4096x1024xf32, #tpu.memory_space<hbm>> -> memref<32x1024xf32, #tpu.memory_space<hbm>>
      tpu.enqueue_dma source(%arg8 : memref<32x1024xf32, #tpu.memory_space<vmem>>) target(%dma_start3A_21 : memref<32x1024xf32, #tpu.memory_space<hbm>>) target_semaphore(%run_scoped3A : memref<!tpu.dma_semaphore, #tpu.memory_space<semaphore_mem>>)
      %dma_wait3A = arith.constant 0 : i32
      %dma_wait3A_22 = tpu.memref_slice %arg5[%add3A_4, %dma_wait3A] : memref<4096x1024xf32, #tpu.memory_space<hbm>> -> memref<32x1024xf32, #tpu.memory_space<hbm>>
      %dma_wait3A_23 = arith.constant 0 : i32
      %dma_wait3A_24 = tpu.memref_slice %arg5[%add3A_4, %dma_wait3A_23] : memref<4096x1024xf32, #tpu.memory_space<hbm>> -> memref<32x1024xf32, #tpu.memory_space<hbm>>
      tpu.wait_dma2 semaphore(%run_scoped3A : memref<!tpu.dma_semaphore, #tpu.memory_space<semaphore_mem>>) src(%arg8 : memref<32x1024xf32, #tpu.memory_space<vmem>>) dst(%dma_wait3A_24 : memref<32x1024xf32, #tpu.memory_space<hbm>>)
      tpu.yield
    }) : () -> ()
    %add3A_5 = arith.constant 32 : i32
    %add3A_6 = arith.addi %mul3A_2, %add3A_5 : i32
    "tpu.region"() ({
      %run_scoped3A = tpu.sem_alloc : memref<!tpu.dma_semaphore, #tpu.memory_space<semaphore_mem>>
      %dma_start3A = tpu.memref_slice %arg3[%add3A_6] : memref<4096xi32, #tpu.memory_space<hbm>> -> memref<32xi32, #tpu.memory_space<hbm>>
      %dma_start3A_19 = tpu.memref_slice %arg3[%add3A_6] : memref<4096xi32, #tpu.memory_space<hbm>> -> memref<32xi32, #tpu.memory_space<hbm>>
      tpu.enqueue_dma source(%dma_start3A_19 : memref<32xi32, #tpu.memory_space<hbm>>) target(%arg7 : memref<32xi32, #tpu.memory_space<vmem>>) target_semaphore(%run_scoped3A : memref<!tpu.dma_semaphore, #tpu.memory_space<semaphore_mem>>)
      %dma_wait3A = tpu.memref_slice %arg3[%add3A_6] : memref<4096xi32, #tpu.memory_space<hbm>> -> memref<32xi32, #tpu.memory_space<hbm>>
      %dma_wait3A_20 = tpu.memref_slice %arg3[%add3A_6] : memref<4096xi32, #tpu.memory_space<hbm>> -> memref<32xi32, #tpu.memory_space<hbm>>
      tpu.wait_dma2 semaphore(%run_scoped3A : memref<!tpu.dma_semaphore, #tpu.memory_space<semaphore_mem>>) src(%dma_wait3A_20 : memref<32xi32, #tpu.memory_space<hbm>>) dst(%arg7 : memref<32xi32, #tpu.memory_space<vmem>>)
      tpu.yield
    }) : () -> ()
    "tpu.region"() ({
      %run_scoped3A = tpu.sem_alloc : memref<!tpu.dma_semaphore, #tpu.memory_space<semaphore_mem>>
      %dma_start3A = arith.constant 0 : i32
      %dma_start3A_19 = arith.constant 0 : i32
      %dma_start3A_20 = tpu.memref_slice %arg2[%dma_start3A, %dma_start3A_19] : memref<24576x1024xf32, #tpu.memory_space<hbm>> -> memref<24576x1024xf32, #tpu.memory_space<hbm>>
      tpu.enqueue_indirect_dma source(%dma_start3A_20 : memref<24576x1024xf32, #tpu.memory_space<hbm>>) target(%arg8 : memref<32x1024xf32, #tpu.memory_space<vmem>>) offsets(%arg7 : memref<32xi32, #tpu.memory_space<vmem>>) semaphore(%run_scoped3A : memref<!tpu.dma_semaphore, #tpu.memory_space<semaphore_mem>>)
      %dma_wait3A = arith.constant 0 : i32
      %dma_wait3A_21 = arith.constant 0 : i32
      %dma_wait3A_22 = tpu.memref_slice %arg2[%dma_wait3A, %dma_wait3A_21] : memref<24576x1024xf32, #tpu.memory_space<hbm>> -> memref<24576x1024xf32, #tpu.memory_space<hbm>>
      tpu.wait_indirect_dma semaphore(%run_scoped3A : memref<!tpu.dma_semaphore, #tpu.memory_space<semaphore_mem>>) src(%dma_wait3A_22 : memref<24576x1024xf32, #tpu.memory_space<hbm>>) dst(%arg8 : memref<32x1024xf32, #tpu.memory_space<vmem>>)
      tpu.yield
    }) : () -> ()
    "tpu.region"() ({
      %run_scoped3A = tpu.sem_alloc : memref<!tpu.dma_semaphore, #tpu.memory_space<semaphore_mem>>
      %dma_start3A = arith.constant 0 : i32
      %dma_start3A_19 = tpu.memref_slice %arg5[%add3A_6, %dma_start3A] : memref<4096x1024xf32, #tpu.memory_space<hbm>> -> memref<32x1024xf32, #tpu.memory_space<hbm>>
      %dma_start3A_20 = arith.constant 0 : i32
      %dma_start3A_21 = tpu.memref_slice %arg5[%add3A_6, %dma_start3A_20] : memref<4096x1024xf32, #tpu.memory_space<hbm>> -> memref<32x1024xf32, #tpu.memory_space<hbm>>
      tpu.enqueue_dma source(%arg8 : memref<32x1024xf32, #tpu.memory_space<vmem>>) target(%dma_start3A_21 : memref<32x1024xf32, #tpu.memory_space<hbm>>) target_semaphore(%run_scoped3A : memref<!tpu.dma_semaphore, #tpu.memory_space<semaphore_mem>>)
      %dma_wait3A = arith.constant 0 : i32
      %dma_wait3A_22 = tpu.memref_slice %arg5[%add3A_6, %dma_wait3A] : memref<4096x1024xf32, #tpu.memory_space<hbm>> -> memref<32x1024xf32, #tpu.memory_space<hbm>>
      %dma_wait3A_23 = arith.constant 0 : i32
      %dma_wait3A_24 = tpu.memref_slice %arg5[%add3A_6, %dma_wait3A_23] : memref<4096x1024xf32, #tpu.memory_space<hbm>> -> memref<32x1024xf32, #tpu.memory_space<hbm>>
      tpu.wait_dma2 semaphore(%run_scoped3A : memref<!tpu.dma_semaphore, #tpu.memory_space<semaphore_mem>>) src(%arg8 : memref<32x1024xf32, #tpu.memory_space<vmem>>) dst(%dma_wait3A_24 : memref<32x1024xf32, #tpu.memory_space<hbm>>)
      tpu.yield
    }) : () -> ()
    %add3A_7 = arith.constant 64 : i32
    %add3A_8 = arith.addi %mul3A_2, %add3A_7 : i32
    "tpu.region"() ({
      %run_scoped3A = tpu.sem_alloc : memref<!tpu.dma_semaphore, #tpu.memory_space<semaphore_mem>>
      %dma_start3A = tpu.memref_slice %arg3[%add3A_8] : memref<4096xi32, #tpu.memory_space<hbm>> -> memref<32xi32, #tpu.memory_space<hbm>>
      %dma_start3A_19 = tpu.memref_slice %arg3[%add3A_8] : memref<4096xi32, #tpu.memory_space<hbm>> -> memref<32xi32, #tpu.memory_space<hbm>>
      tpu.enqueue_dma source(%dma_start3A_19 : memref<32xi32, #tpu.memory_space<hbm>>) target(%arg7 : memref<32xi32, #tpu.memory_space<vmem>>) target_semaphore(%run_scoped3A : memref<!tpu.dma_semaphore, #tpu.memory_space<semaphore_mem>>)
      %dma_wait3A = tpu.memref_slice %arg3[%add3A_8] : memref<4096xi32, #tpu.memory_space<hbm>> -> memref<32xi32, #tpu.memory_space<hbm>>
      %dma_wait3A_20 = tpu.memref_slice %arg3[%add3A_8] : memref<4096xi32, #tpu.memory_space<hbm>> -> memref<32xi32, #tpu.memory_space<hbm>>
      tpu.wait_dma2 semaphore(%run_scoped3A : memref<!tpu.dma_semaphore, #tpu.memory_space<semaphore_mem>>) src(%dma_wait3A_20 : memref<32xi32, #tpu.memory_space<hbm>>) dst(%arg7 : memref<32xi32, #tpu.memory_space<vmem>>)
      tpu.yield
    }) : () -> ()
    "tpu.region"() ({
      %run_scoped3A = tpu.sem_alloc : memref<!tpu.dma_semaphore, #tpu.memory_space<semaphore_mem>>
      %dma_start3A = arith.constant 0 : i32
      %dma_start3A_19 = arith.constant 0 : i32
      %dma_start3A_20 = tpu.memref_slice %arg2[%dma_start3A, %dma_start3A_19] : memref<24576x1024xf32, #tpu.memory_space<hbm>> -> memref<24576x1024xf32, #tpu.memory_space<hbm>>
      tpu.enqueue_indirect_dma source(%dma_start3A_20 : memref<24576x1024xf32, #tpu.memory_space<hbm>>) target(%arg8 : memref<32x1024xf32, #tpu.memory_space<vmem>>) offsets(%arg7 : memref<32xi32, #tpu.memory_space<vmem>>) semaphore(%run_scoped3A : memref<!tpu.dma_semaphore, #tpu.memory_space<semaphore_mem>>)
      %dma_wait3A = arith.constant 0 : i32
      %dma_wait3A_21 = arith.constant 0 : i32
      %dma_wait3A_22 = tpu.memref_slice %arg2[%dma_wait3A, %dma_wait3A_21] : memref<24576x1024xf32, #tpu.memory_space<hbm>> -> memref<24576x1024xf32, #tpu.memory_space<hbm>>
      tpu.wait_indirect_dma semaphore(%run_scoped3A : memref<!tpu.dma_semaphore, #tpu.memory_space<semaphore_mem>>) src(%dma_wait3A_22 : memref<24576x1024xf32, #tpu.memory_space<hbm>>) dst(%arg8 : memref<32x1024xf32, #tpu.memory_space<vmem>>)
      tpu.yield
    }) : () -> ()
    "tpu.region"() ({
      %run_scoped3A = tpu.sem_alloc : memref<!tpu.dma_semaphore, #tpu.memory_space<semaphore_mem>>
      %dma_start3A = arith.constant 0 : i32
      %dma_start3A_19 = tpu.memref_slice %arg5[%add3A_8, %dma_start3A] : memref<4096x1024xf32, #tpu.memory_space<hbm>> -> memref<32x1024xf32, #tpu.memory_space<hbm>>
      %dma_start3A_20 = arith.constant 0 : i32
      %dma_start3A_21 = tpu.memref_slice %arg5[%add3A_8, %dma_start3A_20] : memref<4096x1024xf32, #tpu.memory_space<hbm>> -> memref<32x1024xf32, #tpu.memory_space<hbm>>
      tpu.enqueue_dma source(%arg8 : memref<32x1024xf32, #tpu.memory_space<vmem>>) target(%dma_start3A_21 : memref<32x1024xf32, #tpu.memory_space<hbm>>) target_semaphore(%run_scoped3A : memref<!tpu.dma_semaphore, #tpu.memory_space<semaphore_mem>>)
      %dma_wait3A = arith.constant 0 : i32
      %dma_wait3A_22 = tpu.memref_slice %arg5[%add3A_8, %dma_wait3A] : memref<4096x1024xf32, #tpu.memory_space<hbm>> -> memref<32x1024xf32, #tpu.memory_space<hbm>>
      %dma_wait3A_23 = arith.constant 0 : i32
      %dma_wait3A_24 = tpu.memref_slice %arg5[%add3A_8, %dma_wait3A_23] : memref<4096x1024xf32, #tpu.memory_space<hbm>> -> memref<32x1024xf32, #tpu.memory_space<hbm>>
      tpu.wait_dma2 semaphore(%run_scoped3A : memref<!tpu.dma_semaphore, #tpu.memory_space<semaphore_mem>>) src(%arg8 : memref<32x1024xf32, #tpu.memory_space<vmem>>) dst(%dma_wait3A_24 : memref<32x1024xf32, #tpu.memory_space<hbm>>)
      tpu.yield
    }) : () -> ()
    %add3A_9 = arith.constant 96 : i32
    %add3A_10 = arith.addi %mul3A_2, %add3A_9 : i32
    "tpu.region"() ({
      %run_scoped3A = tpu.sem_alloc : memref<!tpu.dma_semaphore, #tpu.memory_space<semaphore_mem>>
      %dma_start3A = tpu.memref_slice %arg3[%add3A_10] : memref<4096xi32, #tpu.memory_space<hbm>> -> memref<32xi32, #tpu.memory_space<hbm>>
      %dma_start3A_19 = tpu.memref_slice %arg3[%add3A_10] : memref<4096xi32, #tpu.memory_space<hbm>> -> memref<32xi32, #tpu.memory_space<hbm>>
      tpu.enqueue_dma source(%dma_start3A_19 : memref<32xi32, #tpu.memory_space<hbm>>) target(%arg7 : memref<32xi32, #tpu.memory_space<vmem>>) target_semaphore(%run_scoped3A : memref<!tpu.dma_semaphore, #tpu.memory_space<semaphore_mem>>)
      %dma_wait3A = tpu.memref_slice %arg3[%add3A_10] : memref<4096xi32, #tpu.memory_space<hbm>> -> memref<32xi32, #tpu.memory_space<hbm>>
      %dma_wait3A_20 = tpu.memref_slice %arg3[%add3A_10] : memref<4096xi32, #tpu.memory_space<hbm>> -> memref<32xi32, #tpu.memory_space<hbm>>
      tpu.wait_dma2 semaphore(%run_scoped3A : memref<!tpu.dma_semaphore, #tpu.memory_space<semaphore_mem>>) src(%dma_wait3A_20 : memref<32xi32, #tpu.memory_space<hbm>>) dst(%arg7 : memref<32xi32, #tpu.memory_space<vmem>>)
      tpu.yield
    }) : () -> ()
    "tpu.region"() ({
      %run_scoped3A = tpu.sem_alloc : memref<!tpu.dma_semaphore, #tpu.memory_space<semaphore_mem>>
      %dma_start3A = arith.constant 0 : i32
      %dma_start3A_19 = arith.constant 0 : i32
      %dma_start3A_20 = tpu.memref_slice %arg2[%dma_start3A, %dma_start3A_19] : memref<24576x1024xf32, #tpu.memory_space<hbm>> -> memref<24576x1024xf32, #tpu.memory_space<hbm>>
      tpu.enqueue_indirect_dma source(%dma_start3A_20 : memref<24576x1024xf32, #tpu.memory_space<hbm>>) target(%arg8 : memref<32x1024xf32, #tpu.memory_space<vmem>>) offsets(%arg7 : memref<32xi32, #tpu.memory_space<vmem>>) semaphore(%run_scoped3A : memref<!tpu.dma_semaphore, #tpu.memory_space<semaphore_mem>>)
      %dma_wait3A = arith.constant 0 : i32
      %dma_wait3A_21 = arith.constant 0 : i32
      %dma_wait3A_22 = tpu.memref_slice %arg2[%dma_wait3A, %dma_wait3A_21] : memref<24576x1024xf32, #tpu.memory_space<hbm>> -> memref<24576x1024xf32, #tpu.memory_space<hbm>>
      tpu.wait_indirect_dma semaphore(%run_scoped3A : memref<!tpu.dma_semaphore, #tpu.memory_space<semaphore_mem>>) src(%dma_wait3A_22 : memref<24576x1024xf32, #tpu.memory_space<hbm>>) dst(%arg8 : memref<32x1024xf32, #tpu.memory_space<vmem>>)
      tpu.yield
    }) : () -> ()
    "tpu.region"() ({
      %run_scoped3A = tpu.sem_alloc : memref<!tpu.dma_semaphore, #tpu.memory_space<semaphore_mem>>
      %dma_start3A = arith.constant 0 : i32
      %dma_start3A_19 = tpu.memref_slice %arg5[%add3A_10, %dma_start3A] : memref<4096x1024xf32, #tpu.memory_space<hbm>> -> memref<32x1024xf32, #tpu.memory_space<hbm>>
      %dma_start3A_20 = arith.constant 0 : i32
      %dma_start3A_21 = tpu.memref_slice %arg5[%add3A_10, %dma_start3A_20] : memref<4096x1024xf32, #tpu.memory_space<hbm>> -> memref<32x1024xf32, #tpu.memory_space<hbm>>
      tpu.enqueue_dma source(%arg8 : memref<32x1024xf32, #tpu.memory_space<vmem>>) target(%dma_start3A_21 : memref<32x1024xf32, #tpu.memory_space<hbm>>) target_semaphore(%run_scoped3A : memref<!tpu.dma_semaphore, #tpu.memory_space<semaphore_mem>>)
      %dma_wait3A = arith.constant 0 : i32
      %dma_wait3A_22 = tpu.memref_slice %arg5[%add3A_10, %dma_wait3A] : memref<4096x1024xf32, #tpu.memory_space<hbm>> -> memref<32x1024xf32, #tpu.memory_space<hbm>>
      %dma_wait3A_23 = arith.constant 0 : i32
      %dma_wait3A_24 = tpu.memref_slice %arg5[%add3A_10, %dma_wait3A_23] : memref<4096x1024xf32, #tpu.memory_space<hbm>> -> memref<32x1024xf32, #tpu.memory_space<hbm>>
      tpu.wait_dma2 semaphore(%run_scoped3A : memref<!tpu.dma_semaphore, #tpu.memory_space<semaphore_mem>>) src(%arg8 : memref<32x1024xf32, #tpu.memory_space<vmem>>) dst(%dma_wait3A_24 : memref<32x1024xf32, #tpu.memory_space<hbm>>)
      tpu.yield
    }) : () -> ()
    %add3A_11 = arith.constant 0 : i32
    %add3A_12 = arith.addi %mul3A_2, %add3A_11 : i32
    "tpu.region"() ({
      %run_scoped3A = tpu.sem_alloc : memref<!tpu.dma_semaphore, #tpu.memory_space<semaphore_mem>>
      %dma_start3A = tpu.memref_slice %arg4[%add3A_12] : memref<4096xi32, #tpu.memory_space<hbm>> -> memref<32xi32, #tpu.memory_space<hbm>>
      %dma_start3A_19 = tpu.memref_slice %arg4[%add3A_12] : memref<4096xi32, #tpu.memory_space<hbm>> -> memref<32xi32, #tpu.memory_space<hbm>>
      tpu.enqueue_dma source(%dma_start3A_19 : memref<32xi32, #tpu.memory_space<hbm>>) target(%arg7 : memref<32xi32, #tpu.memory_space<vmem>>) target_semaphore(%run_scoped3A : memref<!tpu.dma_semaphore, #tpu.memory_space<semaphore_mem>>)
      %dma_wait3A = tpu.memref_slice %arg4[%add3A_12] : memref<4096xi32, #tpu.memory_space<hbm>> -> memref<32xi32, #tpu.memory_space<hbm>>
      %dma_wait3A_20 = tpu.memref_slice %arg4[%add3A_12] : memref<4096xi32, #tpu.memory_space<hbm>> -> memref<32xi32, #tpu.memory_space<hbm>>
      tpu.wait_dma2 semaphore(%run_scoped3A : memref<!tpu.dma_semaphore, #tpu.memory_space<semaphore_mem>>) src(%dma_wait3A_20 : memref<32xi32, #tpu.memory_space<hbm>>) dst(%arg7 : memref<32xi32, #tpu.memory_space<vmem>>)
      tpu.yield
    }) : () -> ()
    "tpu.region"() ({
      %run_scoped3A = tpu.sem_alloc : memref<!tpu.dma_semaphore, #tpu.memory_space<semaphore_mem>>
      %dma_start3A = arith.constant 0 : i32
      %dma_start3A_19 = arith.constant 0 : i32
      %dma_start3A_20 = tpu.memref_slice %arg2[%dma_start3A, %dma_start3A_19] : memref<24576x1024xf32, #tpu.memory_space<hbm>> -> memref<24576x1024xf32, #tpu.memory_space<hbm>>
      tpu.enqueue_indirect_dma source(%dma_start3A_20 : memref<24576x1024xf32, #tpu.memory_space<hbm>>) target(%arg8 : memref<32x1024xf32, #tpu.memory_space<vmem>>) offsets(%arg7 : memref<32xi32, #tpu.memory_space<vmem>>) semaphore(%run_scoped3A : memref<!tpu.dma_semaphore, #tpu.memory_space<semaphore_mem>>)
      %dma_wait3A = arith.constant 0 : i32
      %dma_wait3A_21 = arith.constant 0 : i32
      %dma_wait3A_22 = tpu.memref_slice %arg2[%dma_wait3A, %dma_wait3A_21] : memref<24576x1024xf32, #tpu.memory_space<hbm>> -> memref<24576x1024xf32, #tpu.memory_space<hbm>>
      tpu.wait_indirect_dma semaphore(%run_scoped3A : memref<!tpu.dma_semaphore, #tpu.memory_space<semaphore_mem>>) src(%dma_wait3A_22 : memref<24576x1024xf32, #tpu.memory_space<hbm>>) dst(%arg8 : memref<32x1024xf32, #tpu.memory_space<vmem>>)
      tpu.yield
    }) : () -> ()
    "tpu.region"() ({
      %run_scoped3A = tpu.sem_alloc : memref<!tpu.dma_semaphore, #tpu.memory_space<semaphore_mem>>
      %dma_start3A = arith.constant 0 : i32
      %dma_start3A_19 = tpu.memref_slice %arg6[%add3A_12, %dma_start3A] : memref<4096x1024xf32, #tpu.memory_space<hbm>> -> memref<32x1024xf32, #tpu.memory_space<hbm>>
      %dma_start3A_20 = arith.constant 0 : i32
      %dma_start3A_21 = tpu.memref_slice %arg6[%add3A_12, %dma_start3A_20] : memref<4096x1024xf32, #tpu.memory_space<hbm>> -> memref<32x1024xf32, #tpu.memory_space<hbm>>
      tpu.enqueue_dma source(%arg8 : memref<32x1024xf32, #tpu.memory_space<vmem>>) target(%dma_start3A_21 : memref<32x1024xf32, #tpu.memory_space<hbm>>) target_semaphore(%run_scoped3A : memref<!tpu.dma_semaphore, #tpu.memory_space<semaphore_mem>>)
      %dma_wait3A = arith.constant 0 : i32
      %dma_wait3A_22 = tpu.memref_slice %arg6[%add3A_12, %dma_wait3A] : memref<4096x1024xf32, #tpu.memory_space<hbm>> -> memref<32x1024xf32, #tpu.memory_space<hbm>>
      %dma_wait3A_23 = arith.constant 0 : i32
      %dma_wait3A_24 = tpu.memref_slice %arg6[%add3A_12, %dma_wait3A_23] : memref<4096x1024xf32, #tpu.memory_space<hbm>> -> memref<32x1024xf32, #tpu.memory_space<hbm>>
      tpu.wait_dma2 semaphore(%run_scoped3A : memref<!tpu.dma_semaphore, #tpu.memory_space<semaphore_mem>>) src(%arg8 : memref<32x1024xf32, #tpu.memory_space<vmem>>) dst(%dma_wait3A_24 : memref<32x1024xf32, #tpu.memory_space<hbm>>)
      tpu.yield
    }) : () -> ()
    %add3A_13 = arith.constant 32 : i32
    %add3A_14 = arith.addi %mul3A_2, %add3A_13 : i32
    "tpu.region"() ({
      %run_scoped3A = tpu.sem_alloc : memref<!tpu.dma_semaphore, #tpu.memory_space<semaphore_mem>>
      %dma_start3A = tpu.memref_slice %arg4[%add3A_14] : memref<4096xi32, #tpu.memory_space<hbm>> -> memref<32xi32, #tpu.memory_space<hbm>>
      %dma_start3A_19 = tpu.memref_slice %arg4[%add3A_14] : memref<4096xi32, #tpu.memory_space<hbm>> -> memref<32xi32, #tpu.memory_space<hbm>>
      tpu.enqueue_dma source(%dma_start3A_19 : memref<32xi32, #tpu.memory_space<hbm>>) target(%arg7 : memref<32xi32, #tpu.memory_space<vmem>>) target_semaphore(%run_scoped3A : memref<!tpu.dma_semaphore, #tpu.memory_space<semaphore_mem>>)
      %dma_wait3A = tpu.memref_slice %arg4[%add3A_14] : memref<4096xi32, #tpu.memory_space<hbm>> -> memref<32xi32, #tpu.memory_space<hbm>>
      %dma_wait3A_20 = tpu.memref_slice %arg4[%add3A_14] : memref<4096xi32, #tpu.memory_space<hbm>> -> memref<32xi32, #tpu.memory_space<hbm>>
      tpu.wait_dma2 semaphore(%run_scoped3A : memref<!tpu.dma_semaphore, #tpu.memory_space<semaphore_mem>>) src(%dma_wait3A_20 : memref<32xi32, #tpu.memory_space<hbm>>) dst(%arg7 : memref<32xi32, #tpu.memory_space<vmem>>)
      tpu.yield
    }) : () -> ()
    "tpu.region"() ({
      %run_scoped3A = tpu.sem_alloc : memref<!tpu.dma_semaphore, #tpu.memory_space<semaphore_mem>>
      %dma_start3A = arith.constant 0 : i32
      %dma_start3A_19 = arith.constant 0 : i32
      %dma_start3A_20 = tpu.memref_slice %arg2[%dma_start3A, %dma_start3A_19] : memref<24576x1024xf32, #tpu.memory_space<hbm>> -> memref<24576x1024xf32, #tpu.memory_space<hbm>>
      tpu.enqueue_indirect_dma source(%dma_start3A_20 : memref<24576x1024xf32, #tpu.memory_space<hbm>>) target(%arg8 : memref<32x1024xf32, #tpu.memory_space<vmem>>) offsets(%arg7 : memref<32xi32, #tpu.memory_space<vmem>>) semaphore(%run_scoped3A : memref<!tpu.dma_semaphore, #tpu.memory_space<semaphore_mem>>)
      %dma_wait3A = arith.constant 0 : i32
      %dma_wait3A_21 = arith.constant 0 : i32
      %dma_wait3A_22 = tpu.memref_slice %arg2[%dma_wait3A, %dma_wait3A_21] : memref<24576x1024xf32, #tpu.memory_space<hbm>> -> memref<24576x1024xf32, #tpu.memory_space<hbm>>
      tpu.wait_indirect_dma semaphore(%run_scoped3A : memref<!tpu.dma_semaphore, #tpu.memory_space<semaphore_mem>>) src(%dma_wait3A_22 : memref<24576x1024xf32, #tpu.memory_space<hbm>>) dst(%arg8 : memref<32x1024xf32, #tpu.memory_space<vmem>>)
      tpu.yield
    }) : () -> ()
    "tpu.region"() ({
      %run_scoped3A = tpu.sem_alloc : memref<!tpu.dma_semaphore, #tpu.memory_space<semaphore_mem>>
      %dma_start3A = arith.constant 0 : i32
      %dma_start3A_19 = tpu.memref_slice %arg6[%add3A_14, %dma_start3A] : memref<4096x1024xf32, #tpu.memory_space<hbm>> -> memref<32x1024xf32, #tpu.memory_space<hbm>>
      %dma_start3A_20 = arith.constant 0 : i32
      %dma_start3A_21 = tpu.memref_slice %arg6[%add3A_14, %dma_start3A_20] : memref<4096x1024xf32, #tpu.memory_space<hbm>> -> memref<32x1024xf32, #tpu.memory_space<hbm>>
      tpu.enqueue_dma source(%arg8 : memref<32x1024xf32, #tpu.memory_space<vmem>>) target(%dma_start3A_21 : memref<32x1024xf32, #tpu.memory_space<hbm>>) target_semaphore(%run_scoped3A : memref<!tpu.dma_semaphore, #tpu.memory_space<semaphore_mem>>)
      %dma_wait3A = arith.constant 0 : i32
      %dma_wait3A_22 = tpu.memref_slice %arg6[%add3A_14, %dma_wait3A] : memref<4096x1024xf32, #tpu.memory_space<hbm>> -> memref<32x1024xf32, #tpu.memory_space<hbm>>
      %dma_wait3A_23 = arith.constant 0 : i32
      %dma_wait3A_24 = tpu.memref_slice %arg6[%add3A_14, %dma_wait3A_23] : memref<4096x1024xf32, #tpu.memory_space<hbm>> -> memref<32x1024xf32, #tpu.memory_space<hbm>>
      tpu.wait_dma2 semaphore(%run_scoped3A : memref<!tpu.dma_semaphore, #tpu.memory_space<semaphore_mem>>) src(%arg8 : memref<32x1024xf32, #tpu.memory_space<vmem>>) dst(%dma_wait3A_24 : memref<32x1024xf32, #tpu.memory_space<hbm>>)
      tpu.yield
    }) : () -> ()
    %add3A_15 = arith.constant 64 : i32
    %add3A_16 = arith.addi %mul3A_2, %add3A_15 : i32
    "tpu.region"() ({
      %run_scoped3A = tpu.sem_alloc : memref<!tpu.dma_semaphore, #tpu.memory_space<semaphore_mem>>
      %dma_start3A = tpu.memref_slice %arg4[%add3A_16] : memref<4096xi32, #tpu.memory_space<hbm>> -> memref<32xi32, #tpu.memory_space<hbm>>
      %dma_start3A_19 = tpu.memref_slice %arg4[%add3A_16] : memref<4096xi32, #tpu.memory_space<hbm>> -> memref<32xi32, #tpu.memory_space<hbm>>
      tpu.enqueue_dma source(%dma_start3A_19 : memref<32xi32, #tpu.memory_space<hbm>>) target(%arg7 : memref<32xi32, #tpu.memory_space<vmem>>) target_semaphore(%run_scoped3A : memref<!tpu.dma_semaphore, #tpu.memory_space<semaphore_mem>>)
      %dma_wait3A = tpu.memref_slice %arg4[%add3A_16] : memref<4096xi32, #tpu.memory_space<hbm>> -> memref<32xi32, #tpu.memory_space<hbm>>
      %dma_wait3A_20 = tpu.memref_slice %arg4[%add3A_16] : memref<4096xi32, #tpu.memory_space<hbm>> -> memref<32xi32, #tpu.memory_space<hbm>>
      tpu.wait_dma2 semaphore(%run_scoped3A : memref<!tpu.dma_semaphore, #tpu.memory_space<semaphore_mem>>) src(%dma_wait3A_20 : memref<32xi32, #tpu.memory_space<hbm>>) dst(%arg7 : memref<32xi32, #tpu.memory_space<vmem>>)
      tpu.yield
    }) : () -> ()
    "tpu.region"() ({
      %run_scoped3A = tpu.sem_alloc : memref<!tpu.dma_semaphore, #tpu.memory_space<semaphore_mem>>
      %dma_start3A = arith.constant 0 : i32
      %dma_start3A_19 = arith.constant 0 : i32
      %dma_start3A_20 = tpu.memref_slice %arg2[%dma_start3A, %dma_start3A_19] : memref<24576x1024xf32, #tpu.memory_space<hbm>> -> memref<24576x1024xf32, #tpu.memory_space<hbm>>
      tpu.enqueue_indirect_dma source(%dma_start3A_20 : memref<24576x1024xf32, #tpu.memory_space<hbm>>) target(%arg8 : memref<32x1024xf32, #tpu.memory_space<vmem>>) offsets(%arg7 : memref<32xi32, #tpu.memory_space<vmem>>) semaphore(%run_scoped3A : memref<!tpu.dma_semaphore, #tpu.memory_space<semaphore_mem>>)
      %dma_wait3A = arith.constant 0 : i32
      %dma_wait3A_21 = arith.constant 0 : i32
      %dma_wait3A_22 = tpu.memref_slice %arg2[%dma_wait3A, %dma_wait3A_21] : memref<24576x1024xf32, #tpu.memory_space<hbm>> -> memref<24576x1024xf32, #tpu.memory_space<hbm>>
      tpu.wait_indirect_dma semaphore(%run_scoped3A : memref<!tpu.dma_semaphore, #tpu.memory_space<semaphore_mem>>) src(%dma_wait3A_22 : memref<24576x1024xf32, #tpu.memory_space<hbm>>) dst(%arg8 : memref<32x1024xf32, #tpu.memory_space<vmem>>)
      tpu.yield
    }) : () -> ()
    "tpu.region"() ({
      %run_scoped3A = tpu.sem_alloc : memref<!tpu.dma_semaphore, #tpu.memory_space<semaphore_mem>>
      %dma_start3A = arith.constant 0 : i32
      %dma_start3A_19 = tpu.memref_slice %arg6[%add3A_16, %dma_start3A] : memref<4096x1024xf32, #tpu.memory_space<hbm>> -> memref<32x1024xf32, #tpu.memory_space<hbm>>
      %dma_start3A_20 = arith.constant 0 : i32
      %dma_start3A_21 = tpu.memref_slice %arg6[%add3A_16, %dma_start3A_20] : memref<4096x1024xf32, #tpu.memory_space<hbm>> -> memref<32x1024xf32, #tpu.memory_space<hbm>>
      tpu.enqueue_dma source(%arg8 : memref<32x1024xf32, #tpu.memory_space<vmem>>) target(%dma_start3A_21 : memref<32x1024xf32, #tpu.memory_space<hbm>>) target_semaphore(%run_scoped3A : memref<!tpu.dma_semaphore, #tpu.memory_space<semaphore_mem>>)
      %dma_wait3A = arith.constant 0 : i32
      %dma_wait3A_22 = tpu.memref_slice %arg6[%add3A_16, %dma_wait3A] : memref<4096x1024xf32, #tpu.memory_space<hbm>> -> memref<32x1024xf32, #tpu.memory_space<hbm>>
      %dma_wait3A_23 = arith.constant 0 : i32
      %dma_wait3A_24 = tpu.memref_slice %arg6[%add3A_16, %dma_wait3A_23] : memref<4096x1024xf32, #tpu.memory_space<hbm>> -> memref<32x1024xf32, #tpu.memory_space<hbm>>
      tpu.wait_dma2 semaphore(%run_scoped3A : memref<!tpu.dma_semaphore, #tpu.memory_space<semaphore_mem>>) src(%arg8 : memref<32x1024xf32, #tpu.memory_space<vmem>>) dst(%dma_wait3A_24 : memref<32x1024xf32, #tpu.memory_space<hbm>>)
      tpu.yield
    }) : () -> ()
    %add3A_17 = arith.constant 96 : i32
    %add3A_18 = arith.addi %mul3A_2, %add3A_17 : i32
    "tpu.region"() ({
      %run_scoped3A = tpu.sem_alloc : memref<!tpu.dma_semaphore, #tpu.memory_space<semaphore_mem>>
      %dma_start3A = tpu.memref_slice %arg4[%add3A_18] : memref<4096xi32, #tpu.memory_space<hbm>> -> memref<32xi32, #tpu.memory_space<hbm>>
      %dma_start3A_19 = tpu.memref_slice %arg4[%add3A_18] : memref<4096xi32, #tpu.memory_space<hbm>> -> memref<32xi32, #tpu.memory_space<hbm>>
      tpu.enqueue_dma source(%dma_start3A_19 : memref<32xi32, #tpu.memory_space<hbm>>) target(%arg7 : memref<32xi32, #tpu.memory_space<vmem>>) target_semaphore(%run_scoped3A : memref<!tpu.dma_semaphore, #tpu.memory_space<semaphore_mem>>)
      %dma_wait3A = tpu.memref_slice %arg4[%add3A_18] : memref<4096xi32, #tpu.memory_space<hbm>> -> memref<32xi32, #tpu.memory_space<hbm>>
      %dma_wait3A_20 = tpu.memref_slice %arg4[%add3A_18] : memref<4096xi32, #tpu.memory_space<hbm>> -> memref<32xi32, #tpu.memory_space<hbm>>
      tpu.wait_dma2 semaphore(%run_scoped3A : memref<!tpu.dma_semaphore, #tpu.memory_space<semaphore_mem>>) src(%dma_wait3A_20 : memref<32xi32, #tpu.memory_space<hbm>>) dst(%arg7 : memref<32xi32, #tpu.memory_space<vmem>>)
      tpu.yield
    }) : () -> ()
    "tpu.region"() ({
      %run_scoped3A = tpu.sem_alloc : memref<!tpu.dma_semaphore, #tpu.memory_space<semaphore_mem>>
      %dma_start3A = arith.constant 0 : i32
      %dma_start3A_19 = arith.constant 0 : i32
      %dma_start3A_20 = tpu.memref_slice %arg2[%dma_start3A, %dma_start3A_19] : memref<24576x1024xf32, #tpu.memory_space<hbm>> -> memref<24576x1024xf32, #tpu.memory_space<hbm>>
      tpu.enqueue_indirect_dma source(%dma_start3A_20 : memref<24576x1024xf32, #tpu.memory_space<hbm>>) target(%arg8 : memref<32x1024xf32, #tpu.memory_space<vmem>>) offsets(%arg7 : memref<32xi32, #tpu.memory_space<vmem>>) semaphore(%run_scoped3A : memref<!tpu.dma_semaphore, #tpu.memory_space<semaphore_mem>>)
      %dma_wait3A = arith.constant 0 : i32
      %dma_wait3A_21 = arith.constant 0 : i32
      %dma_wait3A_22 = tpu.memref_slice %arg2[%dma_wait3A, %dma_wait3A_21] : memref<24576x1024xf32, #tpu.memory_space<hbm>> -> memref<24576x1024xf32, #tpu.memory_space<hbm>>
      tpu.wait_indirect_dma semaphore(%run_scoped3A : memref<!tpu.dma_semaphore, #tpu.memory_space<semaphore_mem>>) src(%dma_wait3A_22 : memref<24576x1024xf32, #tpu.memory_space<hbm>>) dst(%arg8 : memref<32x1024xf32, #tpu.memory_space<vmem>>)
      tpu.yield
    }) : () -> ()
    "tpu.region"() ({
      %run_scoped3A = tpu.sem_alloc : memref<!tpu.dma_semaphore, #tpu.memory_space<semaphore_mem>>
      %dma_start3A = arith.constant 0 : i32
      %dma_start3A_19 = tpu.memref_slice %arg6[%add3A_18, %dma_start3A] : memref<4096x1024xf32, #tpu.memory_space<hbm>> -> memref<32x1024xf32, #tpu.memory_space<hbm>>
      %dma_start3A_20 = arith.constant 0 : i32
      %dma_start3A_21 = tpu.memref_slice %arg6[%add3A_18, %dma_start3A_20] : memref<4096x1024xf32, #tpu.memory_space<hbm>> -> memref<32x1024xf32, #tpu.memory_space<hbm>>
      tpu.enqueue_dma source(%arg8 : memref<32x1024xf32, #tpu.memory_space<vmem>>) target(%dma_start3A_21 : memref<32x1024xf32, #tpu.memory_space<hbm>>) target_semaphore(%run_scoped3A : memref<!tpu.dma_semaphore, #tpu.memory_space<semaphore_mem>>)
      %dma_wait3A = arith.constant 0 : i32
      %dma_wait3A_22 = tpu.memref_slice %arg6[%add3A_18, %dma_wait3A] : memref<4096x1024xf32, #tpu.memory_space<hbm>> -> memref<32x1024xf32, #tpu.memory_space<hbm>>
      %dma_wait3A_23 = arith.constant 0 : i32
      %dma_wait3A_24 = tpu.memref_slice %arg6[%add3A_18, %dma_wait3A_23] : memref<4096x1024xf32, #tpu.memory_space<hbm>> -> memref<32x1024xf32, #tpu.memory_space<hbm>>
      tpu.wait_dma2 semaphore(%run_scoped3A : memref<!tpu.dma_semaphore, #tpu.memory_space<semaphore_mem>>) src(%arg8 : memref<32x1024xf32, #tpu.memory_space<vmem>>) dst(%dma_wait3A_24 : memref<32x1024xf32, #tpu.memory_space<hbm>>)
      tpu.yield
    }) : () -> ()
    return
  }
}

#map = affine_map<(d0, d1) -> (0, 0)>
#map1 = affine_map<(d0, d1) -> (0, 0, 0)>
module attributes {stable_mosaic.version = 14 : i64} {
  func.func @_sc_scatter_body(%arg0: i32, %arg1: i32, %arg2: memref<4096x512xf32, #tpu.memory_space<hbm>>, %arg3: memref<32x2x128xi32, #tpu.memory_space<hbm>>, %arg4: memref<24576x512xf32, #tpu.memory_space<hbm>>, %arg5: memref<2x128xi32, #tpu.memory_space<vmem>>, %arg6: memref<128x512xf32, #tpu.memory_space<vmem>>) attributes {dimension_semantics = [#tpu.dimension_semantics<core_parallel>, #tpu.dimension_semantics<subcore_parallel>], iteration_bounds = array<i64: 2, 16>, scalar_prefetch = 0 : i64, scratch_operands = 2 : i64, tpu.core_type = #tpu.core_type<sc_vector_subcore>, window_params = [{transform_indices = #map}, {transform_indices = #map1}, {transform_indices = #map}]} {
    %mul3A = arith.constant 2 : i32
    %mul3A_0 = arith.muli %arg1, %mul3A : i32
    %add3A = arith.addi %mul3A_0, %arg0 : i32
    "tpu.region"() ({
      %run_scoped3A_17 = tpu.sem_alloc : memref<!tpu.dma_semaphore, #tpu.memory_space<semaphore_mem>>
      %dma_start3A = arith.constant 0 : i32
      %dma_start3A_18 = arith.constant 0 : i32
      %dma_start3A_19 = tpu.memref_slice %arg3[%add3A, %dma_start3A, %dma_start3A_18] : memref<32x2x128xi32, #tpu.memory_space<hbm>> -> memref<1x2x128xi32, #tpu.memory_space<hbm>>
      %dma_start3A_20 = tpu.memref_squeeze %dma_start3A_19 : memref<1x2x128xi32, #tpu.memory_space<hbm>> -> memref<2x128xi32, #tpu.memory_space<hbm>>
      %dma_start3A_21 = arith.constant 0 : i32
      %dma_start3A_22 = arith.constant 0 : i32
      %dma_start3A_23 = tpu.memref_slice %arg3[%add3A, %dma_start3A_21, %dma_start3A_22] : memref<32x2x128xi32, #tpu.memory_space<hbm>> -> memref<1x2x128xi32, #tpu.memory_space<hbm>>
      %dma_start3A_24 = tpu.memref_squeeze %dma_start3A_23 : memref<1x2x128xi32, #tpu.memory_space<hbm>> -> memref<2x128xi32, #tpu.memory_space<hbm>>
      tpu.enqueue_dma source(%dma_start3A_24 : memref<2x128xi32, #tpu.memory_space<hbm>>) target(%arg5 : memref<2x128xi32, #tpu.memory_space<vmem>>) target_semaphore(%run_scoped3A_17 : memref<!tpu.dma_semaphore, #tpu.memory_space<semaphore_mem>>)
      %dma_wait3A = arith.constant 0 : i32
      %dma_wait3A_25 = arith.constant 0 : i32
      %dma_wait3A_26 = tpu.memref_slice %arg3[%add3A, %dma_wait3A, %dma_wait3A_25] : memref<32x2x128xi32, #tpu.memory_space<hbm>> -> memref<1x2x128xi32, #tpu.memory_space<hbm>>
      %dma_wait3A_27 = tpu.memref_squeeze %dma_wait3A_26 : memref<1x2x128xi32, #tpu.memory_space<hbm>> -> memref<2x128xi32, #tpu.memory_space<hbm>>
      %dma_wait3A_28 = arith.constant 0 : i32
      %dma_wait3A_29 = arith.constant 0 : i32
      %dma_wait3A_30 = tpu.memref_slice %arg3[%add3A, %dma_wait3A_28, %dma_wait3A_29] : memref<32x2x128xi32, #tpu.memory_space<hbm>> -> memref<1x2x128xi32, #tpu.memory_space<hbm>>
      %dma_wait3A_31 = tpu.memref_squeeze %dma_wait3A_30 : memref<1x2x128xi32, #tpu.memory_space<hbm>> -> memref<2x128xi32, #tpu.memory_space<hbm>>
      tpu.wait_dma2 semaphore(%run_scoped3A_17 : memref<!tpu.dma_semaphore, #tpu.memory_space<semaphore_mem>>) src(%dma_wait3A_31 : memref<2x128xi32, #tpu.memory_space<hbm>>) dst(%arg5 : memref<2x128xi32, #tpu.memory_space<vmem>>)
      tpu.yield
    }) : () -> ()
    %mul3A_1 = arith.constant 2 : i32
    %mul3A_2 = arith.muli %add3A, %mul3A_1 : i32
    %add3A_3 = arith.constant 0 : i32
    %add3A_4 = arith.addi %mul3A_2, %add3A_3 : i32
    %mul3A_5 = arith.constant 128 : i32
    %mul3A_6 = arith.muli %add3A_4, %mul3A_5 : i32
    %rem3A = arith.constant 4096 : i32
    %rem3A_7 = arith.remsi %mul3A_6, %rem3A : i32
    "tpu.region"() ({
      %run_scoped3A_17 = tpu.sem_alloc : memref<!tpu.dma_semaphore, #tpu.memory_space<semaphore_mem>>
      %dma_start3A = arith.constant 0 : i32
      %dma_start3A_18 = tpu.memref_slice %arg2[%rem3A_7, %dma_start3A] : memref<4096x512xf32, #tpu.memory_space<hbm>> -> memref<128x512xf32, #tpu.memory_space<hbm>>
      %dma_start3A_19 = arith.constant 0 : i32
      %dma_start3A_20 = tpu.memref_slice %arg2[%rem3A_7, %dma_start3A_19] : memref<4096x512xf32, #tpu.memory_space<hbm>> -> memref<128x512xf32, #tpu.memory_space<hbm>>
      tpu.enqueue_dma source(%dma_start3A_20 : memref<128x512xf32, #tpu.memory_space<hbm>>) target(%arg6 : memref<128x512xf32, #tpu.memory_space<vmem>>) target_semaphore(%run_scoped3A_17 : memref<!tpu.dma_semaphore, #tpu.memory_space<semaphore_mem>>)
      %dma_wait3A = arith.constant 0 : i32
      %dma_wait3A_21 = tpu.memref_slice %arg2[%rem3A_7, %dma_wait3A] : memref<4096x512xf32, #tpu.memory_space<hbm>> -> memref<128x512xf32, #tpu.memory_space<hbm>>
      %dma_wait3A_22 = arith.constant 0 : i32
      %dma_wait3A_23 = tpu.memref_slice %arg2[%rem3A_7, %dma_wait3A_22] : memref<4096x512xf32, #tpu.memory_space<hbm>> -> memref<128x512xf32, #tpu.memory_space<hbm>>
      tpu.wait_dma2 semaphore(%run_scoped3A_17 : memref<!tpu.dma_semaphore, #tpu.memory_space<semaphore_mem>>) src(%dma_wait3A_23 : memref<128x512xf32, #tpu.memory_space<hbm>>) dst(%arg6 : memref<128x512xf32, #tpu.memory_space<vmem>>)
      tpu.yield
    }) : () -> ()
    %run_scoped3A = arith.constant 0 : i32
    "tpu.region"() ({
      %run_scoped3A_17 = tpu.sem_alloc : memref<!tpu.dma_semaphore, #tpu.memory_space<semaphore_mem>>
      %dma_start3A = arith.constant 0 : i32
      %dma_start3A_18 = tpu.memref_slice %arg5[%run_scoped3A, %dma_start3A] : memref<2x128xi32, #tpu.memory_space<vmem>> -> memref<1x128xi32, #tpu.memory_space<vmem>>
      %dma_start3A_19 = tpu.memref_squeeze %dma_start3A_18 : memref<1x128xi32, #tpu.memory_space<vmem>> -> memref<128xi32, #tpu.memory_space<vmem>>
      %dma_start3A_20 = arith.constant 0 : i32
      %dma_start3A_21 = arith.constant 0 : i32
      %dma_start3A_22 = tpu.memref_slice %arg4[%dma_start3A_20, %dma_start3A_21] : memref<24576x512xf32, #tpu.memory_space<hbm>> -> memref<24576x512xf32, #tpu.memory_space<hbm>>
      tpu.enqueue_indirect_dma source(%arg6 : memref<128x512xf32, #tpu.memory_space<vmem>>) target(%dma_start3A_22 : memref<24576x512xf32, #tpu.memory_space<hbm>>) offsets(%dma_start3A_19 : memref<128xi32, #tpu.memory_space<vmem>>) semaphore(%run_scoped3A_17 : memref<!tpu.dma_semaphore, #tpu.memory_space<semaphore_mem>>)
      %dma_wait3A = arith.constant 0 : i32
      %dma_wait3A_23 = tpu.memref_slice %arg5[%run_scoped3A, %dma_wait3A] : memref<2x128xi32, #tpu.memory_space<vmem>> -> memref<1x128xi32, #tpu.memory_space<vmem>>
      %dma_wait3A_24 = tpu.memref_squeeze %dma_wait3A_23 : memref<1x128xi32, #tpu.memory_space<vmem>> -> memref<128xi32, #tpu.memory_space<vmem>>
      %dma_wait3A_25 = arith.constant 0 : i32
      %dma_wait3A_26 = arith.constant 0 : i32
      %dma_wait3A_27 = tpu.memref_slice %arg4[%dma_wait3A_25, %dma_wait3A_26] : memref<24576x512xf32, #tpu.memory_space<hbm>> -> memref<24576x512xf32, #tpu.memory_space<hbm>>
      tpu.wait_indirect_dma semaphore(%run_scoped3A_17 : memref<!tpu.dma_semaphore, #tpu.memory_space<semaphore_mem>>) src(%arg6 : memref<128x512xf32, #tpu.memory_space<vmem>>) dst(%dma_wait3A_27 : memref<24576x512xf32, #tpu.memory_space<hbm>>)
      tpu.yield
    }) : () -> ()
    %mul3A_8 = arith.constant 2 : i32
    %mul3A_9 = arith.muli %add3A, %mul3A_8 : i32
    %add3A_10 = arith.constant 1 : i32
    %add3A_11 = arith.addi %mul3A_9, %add3A_10 : i32
    %mul3A_12 = arith.constant 128 : i32
    %mul3A_13 = arith.muli %add3A_11, %mul3A_12 : i32
    %rem3A_14 = arith.constant 4096 : i32
    %rem3A_15 = arith.remsi %mul3A_13, %rem3A_14 : i32
    "tpu.region"() ({
      %run_scoped3A_17 = tpu.sem_alloc : memref<!tpu.dma_semaphore, #tpu.memory_space<semaphore_mem>>
      %dma_start3A = arith.constant 0 : i32
      %dma_start3A_18 = tpu.memref_slice %arg2[%rem3A_15, %dma_start3A] : memref<4096x512xf32, #tpu.memory_space<hbm>> -> memref<128x512xf32, #tpu.memory_space<hbm>>
      %dma_start3A_19 = arith.constant 0 : i32
      %dma_start3A_20 = tpu.memref_slice %arg2[%rem3A_15, %dma_start3A_19] : memref<4096x512xf32, #tpu.memory_space<hbm>> -> memref<128x512xf32, #tpu.memory_space<hbm>>
      tpu.enqueue_dma source(%dma_start3A_20 : memref<128x512xf32, #tpu.memory_space<hbm>>) target(%arg6 : memref<128x512xf32, #tpu.memory_space<vmem>>) target_semaphore(%run_scoped3A_17 : memref<!tpu.dma_semaphore, #tpu.memory_space<semaphore_mem>>)
      %dma_wait3A = arith.constant 0 : i32
      %dma_wait3A_21 = tpu.memref_slice %arg2[%rem3A_15, %dma_wait3A] : memref<4096x512xf32, #tpu.memory_space<hbm>> -> memref<128x512xf32, #tpu.memory_space<hbm>>
      %dma_wait3A_22 = arith.constant 0 : i32
      %dma_wait3A_23 = tpu.memref_slice %arg2[%rem3A_15, %dma_wait3A_22] : memref<4096x512xf32, #tpu.memory_space<hbm>> -> memref<128x512xf32, #tpu.memory_space<hbm>>
      tpu.wait_dma2 semaphore(%run_scoped3A_17 : memref<!tpu.dma_semaphore, #tpu.memory_space<semaphore_mem>>) src(%dma_wait3A_23 : memref<128x512xf32, #tpu.memory_space<hbm>>) dst(%arg6 : memref<128x512xf32, #tpu.memory_space<vmem>>)
      tpu.yield
    }) : () -> ()
    %run_scoped3A_16 = arith.constant 1 : i32
    "tpu.region"() ({
      %run_scoped3A_17 = tpu.sem_alloc : memref<!tpu.dma_semaphore, #tpu.memory_space<semaphore_mem>>
      %dma_start3A = arith.constant 0 : i32
      %dma_start3A_18 = tpu.memref_slice %arg5[%run_scoped3A_16, %dma_start3A] : memref<2x128xi32, #tpu.memory_space<vmem>> -> memref<1x128xi32, #tpu.memory_space<vmem>>
      %dma_start3A_19 = tpu.memref_squeeze %dma_start3A_18 : memref<1x128xi32, #tpu.memory_space<vmem>> -> memref<128xi32, #tpu.memory_space<vmem>>
      %dma_start3A_20 = arith.constant 0 : i32
      %dma_start3A_21 = arith.constant 0 : i32
      %dma_start3A_22 = tpu.memref_slice %arg4[%dma_start3A_20, %dma_start3A_21] : memref<24576x512xf32, #tpu.memory_space<hbm>> -> memref<24576x512xf32, #tpu.memory_space<hbm>>
      tpu.enqueue_indirect_dma source(%arg6 : memref<128x512xf32, #tpu.memory_space<vmem>>) target(%dma_start3A_22 : memref<24576x512xf32, #tpu.memory_space<hbm>>) offsets(%dma_start3A_19 : memref<128xi32, #tpu.memory_space<vmem>>) semaphore(%run_scoped3A_17 : memref<!tpu.dma_semaphore, #tpu.memory_space<semaphore_mem>>)
      %dma_wait3A = arith.constant 0 : i32
      %dma_wait3A_23 = tpu.memref_slice %arg5[%run_scoped3A_16, %dma_wait3A] : memref<2x128xi32, #tpu.memory_space<vmem>> -> memref<1x128xi32, #tpu.memory_space<vmem>>
      %dma_wait3A_24 = tpu.memref_squeeze %dma_wait3A_23 : memref<1x128xi32, #tpu.memory_space<vmem>> -> memref<128xi32, #tpu.memory_space<vmem>>
      %dma_wait3A_25 = arith.constant 0 : i32
      %dma_wait3A_26 = arith.constant 0 : i32
      %dma_wait3A_27 = tpu.memref_slice %arg4[%dma_wait3A_25, %dma_wait3A_26] : memref<24576x512xf32, #tpu.memory_space<hbm>> -> memref<24576x512xf32, #tpu.memory_space<hbm>>
      tpu.wait_indirect_dma semaphore(%run_scoped3A_17 : memref<!tpu.dma_semaphore, #tpu.memory_space<semaphore_mem>>) src(%arg6 : memref<128x512xf32, #tpu.memory_space<vmem>>) dst(%dma_wait3A_27 : memref<24576x512xf32, #tpu.memory_space<hbm>>)
      tpu.yield
    }) : () -> ()
    return
  }
}

module attributes {stable_mosaic.version = 14 : i64} {
  func.func @_prologue_kernel(%arg0: i32, %arg1: memref<1024x1024xf32, #tpu.memory_space<vmem>>, %arg2: memref<64x1024xf32, #tpu.memory_space<vmem>>, %arg3: memref<1024x1024xf32, #tpu.memory_space<vmem>>, %arg4: memref<1024x512xf32, #tpu.memory_space<vmem>>, %arg5: memref<1024x512xf32, #tpu.memory_space<vmem>>, %arg6: memref<1024x1024xf32, #tpu.memory_space<vmem>>, %arg7: memref<1024x1xi32, #tpu.memory_space<vmem>>, %arg8: memref<1024x1xi32, #tpu.memory_space<vmem>>, %arg9: memref<1024x1xf32, #tpu.memory_space<vmem>>, %arg10: memref<1024x1xf32, #tpu.memory_space<vmem>>) attributes {dimension_semantics = [#tpu.dimension_semantics<arbitrary>], iteration_bounds = array<i64: 4>, scalar_prefetch = 0 : i64, scratch_operands = 0 : i64, tpu.core_type = #tpu.core_type<tc>, window_params = [{transform_indices = @transform_0, window_bounds = array<i64: 1024, 1024>}, {pipeline_mode = #tpu.pipeline_mode<synchronous>, transform_indices = @transform_1, window_bounds = array<i64: 64, 1024>}, {pipeline_mode = #tpu.pipeline_mode<synchronous>, transform_indices = @transform_2, window_bounds = array<i64: 1024, 1024>}, {pipeline_mode = #tpu.pipeline_mode<synchronous>, transform_indices = @transform_3, window_bounds = array<i64: 1024, 512>}, {transform_indices = @transform_4, window_bounds = array<i64: 1024, 512>}, {transform_indices = @transform_5, window_bounds = array<i64: 1024, 1024>}, {transform_indices = @transform_6, window_bounds = array<i64: 1024, 1>}, {transform_indices = @transform_7, window_bounds = array<i64: 1024, 1>}, {transform_indices = @transform_8, window_bounds = array<i64: 1024, 1>}, {transform_indices = @transform_9, window_bounds = array<i64: 1024, 1>}]} {
    %get3A = arith.constant 0 : index
    %get3A_0 = arith.constant 0 : index
    %get3A_1 = vector.load %arg1[%get3A, %get3A_0] : memref<1024x1024xf32, #tpu.memory_space<vmem>>, vector<1024x1024xf32>
    %get3A_2 = arith.constant 0 : index
    %get3A_3 = arith.constant 0 : index
    %get3A_4 = vector.load %arg3[%get3A_2, %get3A_3] : memref<1024x1024xf32, #tpu.memory_space<vmem>>, vector<1024x1024xf32>
    %dot_general3A = arith.constant dense<0.000000e+00> : vector<1024x1024xf32>
    %dot_general3A_5 = tpu.matmul %get3A_1, %get3A_4, %dot_general3A {dimension_numbers = #tpu.dot_dimension_numbers<[1], [1], [0], [0], [0, 0, 1, 0], [], []>, transpose_lhs_hint = false} : vector<1024x1024xf32>, vector<1024x1024xf32>, vector<1024x1024xf32> -> vector<1024x1024xf32>
    %slice3A = vector.extract_strided_slice %dot_general3A_5 {offsets = [0, 0], sizes = [1024, 512], strides = [1, 1]} : vector<1024x1024xf32> to vector<1024x512xf32>
    %logistic3A = arith.negf %slice3A : vector<1024x512xf32>
    %logistic3A_6 = math.exp %logistic3A : vector<1024x512xf32>
    %logistic3A_7 = arith.constant 1.000000e+00 : f32
    %logistic3A_8 = vector.broadcast %logistic3A_7 : f32 to vector<1024x512xf32>
    %logistic3A_9 = arith.addf %logistic3A_8, %logistic3A_6 : vector<1024x512xf32>
    %logistic3A_10 = arith.divf %logistic3A_8, %logistic3A_9 : vector<1024x512xf32>
    %mul3A = arith.mulf %slice3A, %logistic3A_10 : vector<1024x512xf32>
    %slice3A_11 = vector.extract_strided_slice %dot_general3A_5 {offsets = [0, 512], sizes = [1024, 512], strides = [1, 1]} : vector<1024x1024xf32> to vector<1024x512xf32>
    %mul3A_12 = arith.mulf %mul3A, %slice3A_11 : vector<1024x512xf32>
    %get3A_13 = arith.constant 0 : index
    %get3A_14 = arith.constant 0 : index
    %get3A_15 = vector.load %arg4[%get3A_13, %get3A_14] : memref<1024x512xf32, #tpu.memory_space<vmem>>, vector<1024x512xf32>
    %dot_general3A_16 = arith.constant dense<0.000000e+00> : vector<1024x1024xf32>
    %dot_general3A_17 = tpu.matmul %mul3A_12, %get3A_15, %dot_general3A_16 {dimension_numbers = #tpu.dot_dimension_numbers<[1], [1], [0], [0], [0, 0, 1, 0], [], []>, transpose_lhs_hint = false} : vector<1024x512xf32>, vector<1024x512xf32>, vector<1024x1024xf32> -> vector<1024x1024xf32>
    %swap3A = arith.constant 0 : index
    %swap3A_18 = arith.constant 0 : index
    %swap3A_19 = vector.load %arg6[%swap3A, %swap3A_18] : memref<1024x1024xf32, #tpu.memory_space<vmem>>, vector<1024x1024xf32>
    tpu.vector_store %arg6[%swap3A, %swap3A_18], %dot_general3A_17 {strides = array<i32>} : memref<1024x1024xf32, #tpu.memory_space<vmem>>, vector<1024x1024xf32>,
    %slice3A_20 = vector.extract_strided_slice %get3A_1 {offsets = [0, 0], sizes = [1024, 512], strides = [1, 1]} : vector<1024x1024xf32> to vector<1024x512xf32>
    %logistic3A_21 = arith.negf %slice3A_20 : vector<1024x512xf32>
    %logistic3A_22 = math.exp %logistic3A_21 : vector<1024x512xf32>
    %logistic3A_23 = arith.constant 1.000000e+00 : f32
    %logistic3A_24 = vector.broadcast %logistic3A_23 : f32 to vector<1024x512xf32>
    %logistic3A_25 = arith.addf %logistic3A_24, %logistic3A_22 : vector<1024x512xf32>
    %logistic3A_26 = arith.divf %logistic3A_24, %logistic3A_25 : vector<1024x512xf32>
    %mul3A_27 = arith.mulf %slice3A_20, %logistic3A_26 : vector<1024x512xf32>
    %slice3A_28 = vector.extract_strided_slice %get3A_1 {offsets = [0, 512], sizes = [1024, 512], strides = [1, 1]} : vector<1024x1024xf32> to vector<1024x512xf32>
    %mul3A_29 = arith.mulf %mul3A_27, %slice3A_28 : vector<1024x512xf32>
    %swap3A_30 = arith.constant 0 : index
    %swap3A_31 = arith.constant 0 : index
    %swap3A_32 = vector.load %arg5[%swap3A_30, %swap3A_31] : memref<1024x512xf32, #tpu.memory_space<vmem>>, vector<1024x512xf32>
    tpu.vector_store %arg5[%swap3A_30, %swap3A_31], %mul3A_29 {strides = array<i32>} : memref<1024x512xf32, #tpu.memory_space<vmem>>, vector<1024x512xf32>,
    %get3A_33 = arith.constant 0 : index
    %get3A_34 = arith.constant 0 : index
    %get3A_35 = vector.load %arg2[%get3A_33, %get3A_34] : memref<64x1024xf32, #tpu.memory_space<vmem>>, vector<64x1024xf32>
    %dot_general3A_36 = arith.constant dense<0.000000e+00> : vector<1024x64xf32>
    %dot_general3A_37 = tpu.matmul %get3A_1, %get3A_35, %dot_general3A_36 {dimension_numbers = #tpu.dot_dimension_numbers<[1], [1], [0], [0], [0, 0, 1, 0], [], []>, transpose_lhs_hint = false} : vector<1024x1024xf32>, vector<64x1024xf32>, vector<1024x64xf32> -> vector<1024x64xf32>
    %iota3A = tpu.iota {dimensions = array<i32: 1>} : vector<1024x64xi32>
    %reduce_max3A = arith.constant dense<0xFF800000> : vector<1024xf32>
    %reduce_max3A_38 = vector.multi_reduction <maximumf>, %dot_general3A_37, %reduce_max3A [1] : vector<1024x64xf32> to vector<1024xf32>
    %broadcast_in_dim3A = vector.shape_cast %reduce_max3A_38 : vector<1024xf32> to vector<1024x1xf32>
    %eq3A = vector.broadcast %broadcast_in_dim3A : vector<1024x1xf32> to vector<1024x64xf32>
    %eq3A_39 = arith.cmpf oeq, %dot_general3A_37, %eq3A : vector<1024x64xf32>
    %jit3A = arith.constant 64 : i32
    %broadcast_in_dim3A_40 = vector.broadcast %jit3A : i32 to vector<1024x64xi32>
    %select_n3A = arith.select %eq3A_39, %iota3A, %broadcast_in_dim3A_40 : vector<1024x64xi1>, vector<1024x64xi32>
    %reduce_min3A = arith.constant dense<2147483647> : vector<1024xi32>
    %reduce_min3A_41 = vector.multi_reduction <minsi>, %select_n3A, %reduce_min3A [1] : vector<1024x64xi32> to vector<1024xi32>
    %broadcast_in_dim3A_42 = vector.shape_cast %reduce_min3A_41 : vector<1024xi32> to vector<1024x1xi32>
    %eq3A_43 = vector.broadcast %broadcast_in_dim3A_42 : vector<1024x1xi32> to vector<1024x64xi32>
    %eq3A_44 = arith.cmpi eq, %iota3A, %eq3A_43 : vector<1024x64xi32>
    %jit3A_45 = arith.constant 0xFF800000 : f32
    %broadcast_in_dim3A_46 = vector.broadcast %jit3A_45 : f32 to vector<1024x64xf32>
    %select_n3A_47 = arith.select %eq3A_44, %broadcast_in_dim3A_46, %dot_general3A_37 : vector<1024x64xi1>, vector<1024x64xf32>
    %reduce_max3A_48 = arith.constant dense<0xFF800000> : vector<1024xf32>
    %reduce_max3A_49 = vector.multi_reduction <maximumf>, %select_n3A_47, %reduce_max3A_48 [1] : vector<1024x64xf32> to vector<1024xf32>
    %broadcast_in_dim3A_50 = vector.shape_cast %reduce_max3A_49 : vector<1024xf32> to vector<1024x1xf32>
    %eq3A_51 = vector.broadcast %broadcast_in_dim3A_50 : vector<1024x1xf32> to vector<1024x64xf32>
    %eq3A_52 = arith.cmpf oeq, %select_n3A_47, %eq3A_51 : vector<1024x64xf32>
    %jit3A_53 = arith.constant 64 : i32
    %broadcast_in_dim3A_54 = vector.broadcast %jit3A_53 : i32 to vector<1024x64xi32>
    %select_n3A_55 = arith.select %eq3A_52, %iota3A, %broadcast_in_dim3A_54 : vector<1024x64xi1>, vector<1024x64xi32>
    %reduce_min3A_56 = arith.constant dense<2147483647> : vector<1024xi32>
    %reduce_min3A_57 = vector.multi_reduction <minsi>, %select_n3A_55, %reduce_min3A_56 [1] : vector<1024x64xi32> to vector<1024xi32>
    %broadcast_in_dim3A_58 = vector.shape_cast %reduce_min3A_57 : vector<1024xi32> to vector<1024x1xi32>
    %sub3A = arith.subf %broadcast_in_dim3A_50, %broadcast_in_dim3A : vector<1024x1xf32>
    %exp3A = math.exp %sub3A : vector<1024x1xf32>
    %add3A = arith.constant 1.000000e+00 : f32
    %add3A_59 = vector.broadcast %add3A : f32 to vector<1024x1xf32>
    %add3A_60 = arith.addf %add3A_59, %exp3A : vector<1024x1xf32>
    %div3A = arith.constant 1.000000e+00 : f32
    %div3A_61 = vector.broadcast %div3A : f32 to vector<1024x1xf32>
    %div3A_62 = arith.divf %div3A_61, %add3A_60 : vector<1024x1xf32>
    %swap3A_63 = arith.constant 0 : index
    %swap3A_64 = arith.constant 0 : index
    %swap3A_65 = vector.load %arg7[%swap3A_63, %swap3A_64] : memref<1024x1xi32, #tpu.memory_space<vmem>>, vector<1024x1xi32>
    tpu.vector_store %arg7[%swap3A_63, %swap3A_64], %broadcast_in_dim3A_42 {strides = array<i32>} : memref<1024x1xi32, #tpu.memory_space<vmem>>, vector<1024x1xi32>,
    %swap3A_66 = arith.constant 0 : index
    %swap3A_67 = arith.constant 0 : index
    %swap3A_68 = vector.load %arg8[%swap3A_66, %swap3A_67] : memref<1024x1xi32, #tpu.memory_space<vmem>>, vector<1024x1xi32>
    tpu.vector_store %arg8[%swap3A_66, %swap3A_67], %broadcast_in_dim3A_58 {strides = array<i32>} : memref<1024x1xi32, #tpu.memory_space<vmem>>, vector<1024x1xi32>,
    %swap3A_69 = arith.constant 0 : index
    %swap3A_70 = arith.constant 0 : index
    %swap3A_71 = vector.load %arg9[%swap3A_69, %swap3A_70] : memref<1024x1xf32, #tpu.memory_space<vmem>>, vector<1024x1xf32>
    tpu.vector_store %arg9[%swap3A_69, %swap3A_70], %div3A_62 {strides = array<i32>} : memref<1024x1xf32, #tpu.memory_space<vmem>>, vector<1024x1xf32>,
    %sub3A_72 = arith.constant 1.000000e+00 : f32
    %sub3A_73 = vector.broadcast %sub3A_72 : f32 to vector<1024x1xf32>
    %sub3A_74 = arith.subf %sub3A_73, %div3A_62 : vector<1024x1xf32>
    %swap3A_75 = arith.constant 0 : index
    %swap3A_76 = arith.constant 0 : index
    %swap3A_77 = vector.load %arg10[%swap3A_75, %swap3A_76] : memref<1024x1xf32, #tpu.memory_space<vmem>>, vector<1024x1xf32>
    tpu.vector_store %arg10[%swap3A_75, %swap3A_76], %sub3A_74 {strides = array<i32>} : memref<1024x1xf32, #tpu.memory_space<vmem>>, vector<1024x1xf32>,
    return
  }
  func.func @transform_0(%arg0: i32) -> (i32, i32) {
    %c0_i32 = arith.constant 0 : i32
    %c0_i32_0 = arith.constant 0 : i32
    return %arg0, %c0_i32 : i32, i32
  }
  func.func @transform_1(%arg0: i32) -> (i32, i32) {
    %c0_i32 = arith.constant 0 : i32
    %c0_i32_0 = arith.constant 0 : i32
    %c0_i32_1 = arith.constant 0 : i32
    return %c0_i32, %c0_i32_0 : i32, i32
  }
  func.func @transform_2(%arg0: i32) -> (i32, i32) {
    %c0_i32 = arith.constant 0 : i32
    %c0_i32_0 = arith.constant 0 : i32
    %c0_i32_1 = arith.constant 0 : i32
    return %c0_i32, %c0_i32_0 : i32, i32
  }
  func.func @transform_3(%arg0: i32) -> (i32, i32) {
    %c0_i32 = arith.constant 0 : i32
    %c0_i32_0 = arith.constant 0 : i32
    %c0_i32_1 = arith.constant 0 : i32
    return %c0_i32, %c0_i32_0 : i32, i32
  }
  func.func @transform_4(%arg0: i32) -> (i32, i32) {
    %c0_i32 = arith.constant 0 : i32
    %c0_i32_0 = arith.constant 0 : i32
    return %arg0, %c0_i32 : i32, i32
  }
  func.func @transform_5(%arg0: i32) -> (i32, i32) {
    %c0_i32 = arith.constant 0 : i32
    %c0_i32_0 = arith.constant 0 : i32
    return %arg0, %c0_i32 : i32, i32
  }
  func.func @transform_6(%arg0: i32) -> (i32, i32) {
    %c0_i32 = arith.constant 0 : i32
    %c0_i32_0 = arith.constant 0 : i32
    return %arg0, %c0_i32 : i32, i32
  }
  func.func @transform_7(%arg0: i32) -> (i32, i32) {
    %c0_i32 = arith.constant 0 : i32
    %c0_i32_0 = arith.constant 0 : i32
    return %arg0, %c0_i32 : i32, i32
  }
  func.func @transform_8(%arg0: i32) -> (i32, i32) {
    %c0_i32 = arith.constant 0 : i32
    %c0_i32_0 = arith.constant 0 : i32
    return %arg0, %c0_i32 : i32, i32
  }
  func.func @transform_9(%arg0: i32) -> (i32, i32) {
    %c0_i32 = arith.constant 0 : i32
    %c0_i32_0 = arith.constant 0 : i32
    return %arg0, %c0_i32 : i32, i32
  }
}

module attributes {stable_mosaic.version = 14 : i64} {
  func.func @_gmm_kernel(%arg0: i32, %arg1: memref<96xi32, #tpu.memory_space<smem>>, %arg2: memref<256x512xf32, #tpu.memory_space<vmem>>, %arg3: memref<1x1x256x512xf32, #tpu.memory_space<vmem>>, %arg4: memref<1x1x256x512xf32, #tpu.memory_space<vmem>>, %arg5: memref<1x1x256x512xf32, #tpu.memory_space<vmem>>, %arg6: memref<1x1x256x512xf32, #tpu.memory_space<vmem>>, %arg7: memref<256x1024xf32, #tpu.memory_space<vmem>>) attributes {dimension_semantics = [#tpu.dimension_semantics<arbitrary>], iteration_bounds = array<i64: 96>, scalar_prefetch = 1 : i64, scratch_operands = 0 : i64, tpu.core_type = #tpu.core_type<tc>, window_params = [{transform_indices = @transform_0, window_bounds = array<i64: 256, 512>}, {transform_indices = @transform_1, window_bounds = array<i64: 1, 1, 256, 512>}, {transform_indices = @transform_2, window_bounds = array<i64: 1, 1, 256, 512>}, {transform_indices = @transform_3, window_bounds = array<i64: 1, 1, 256, 512>}, {transform_indices = @transform_4, window_bounds = array<i64: 1, 1, 256, 512>}, {transform_indices = @transform_5, window_bounds = array<i64: 256, 1024>}]} {
    %get3A = arith.constant 0 : index
    %get3A_0 = arith.constant 0 : index
    %get3A_1 = vector.load %arg2[%get3A, %get3A_0] : memref<256x512xf32, #tpu.memory_space<vmem>>, vector<256x512xf32>
    %get3A_2 = arith.constant 0 : index
    %get3A_3 = arith.constant 0 : index
    %get3A_4 = arith.constant 0 : index
    %get3A_5 = arith.constant 0 : index
    %get3A_6 = vector.load %arg3[%get3A_2, %get3A_3, %get3A_4, %get3A_5] : memref<1x1x256x512xf32, #tpu.memory_space<vmem>>, vector<1x1x256x512xf32>
    %get3A_7 = vector.shape_cast %get3A_6 : vector<1x1x256x512xf32> to vector<256x512xf32>
    %dot_general3A = arith.constant dense<0.000000e+00> : vector<256x256xf32>
    %dot_general3A_8 = tpu.matmul %get3A_1, %get3A_7, %dot_general3A {dimension_numbers = #tpu.dot_dimension_numbers<[1], [1], [0], [0], [0, 0, 1, 0], [], []>, transpose_lhs_hint = false} : vector<256x512xf32>, vector<256x512xf32>, vector<256x256xf32> -> vector<256x256xf32>
    %swap3A = arith.constant 0 : index
    %swap3A_9 = arith.constant 0 : index
    %swap3A_10 = vector.load %arg7[%swap3A, %swap3A_9] : memref<256x1024xf32, #tpu.memory_space<vmem>>, vector<256x256xf32>
    tpu.vector_store %arg7[%swap3A, %swap3A_9], %dot_general3A_8 {strides = array<i32>} : memref<256x1024xf32, #tpu.memory_space<vmem>>, vector<256x256xf32>,
    %get3A_11 = arith.constant 0 : index
    %get3A_12 = arith.constant 0 : index
    %get3A_13 = arith.constant 0 : index
    %get3A_14 = arith.constant 0 : index
    %get3A_15 = vector.load %arg4[%get3A_11, %get3A_12, %get3A_13, %get3A_14] : memref<1x1x256x512xf32, #tpu.memory_space<vmem>>, vector<1x1x256x512xf32>
    %get3A_16 = vector.shape_cast %get3A_15 : vector<1x1x256x512xf32> to vector<256x512xf32>
    %dot_general3A_17 = arith.constant dense<0.000000e+00> : vector<256x256xf32>
    %dot_general3A_18 = tpu.matmul %get3A_1, %get3A_16, %dot_general3A_17 {dimension_numbers = #tpu.dot_dimension_numbers<[1], [1], [0], [0], [0, 0, 1, 0], [], []>, transpose_lhs_hint = false} : vector<256x512xf32>, vector<256x512xf32>, vector<256x256xf32> -> vector<256x256xf32>
    %swap3A_19 = arith.constant 0 : index
    %swap3A_20 = arith.constant 256 : index
    %swap3A_21 = vector.load %arg7[%swap3A_19, %swap3A_20] : memref<256x1024xf32, #tpu.memory_space<vmem>>, vector<256x256xf32>
    tpu.vector_store %arg7[%swap3A_19, %swap3A_20], %dot_general3A_18 {strides = array<i32>} : memref<256x1024xf32, #tpu.memory_space<vmem>>, vector<256x256xf32>,
    %get3A_22 = arith.constant 0 : index
    %get3A_23 = arith.constant 0 : index
    %get3A_24 = arith.constant 0 : index
    %get3A_25 = arith.constant 0 : index
    %get3A_26 = vector.load %arg5[%get3A_22, %get3A_23, %get3A_24, %get3A_25] : memref<1x1x256x512xf32, #tpu.memory_space<vmem>>, vector<1x1x256x512xf32>
    %get3A_27 = vector.shape_cast %get3A_26 : vector<1x1x256x512xf32> to vector<256x512xf32>
    %dot_general3A_28 = arith.constant dense<0.000000e+00> : vector<256x256xf32>
    %dot_general3A_29 = tpu.matmul %get3A_1, %get3A_27, %dot_general3A_28 {dimension_numbers = #tpu.dot_dimension_numbers<[1], [1], [0], [0], [0, 0, 1, 0], [], []>, transpose_lhs_hint = false} : vector<256x512xf32>, vector<256x512xf32>, vector<256x256xf32> -> vector<256x256xf32>
    %swap3A_30 = arith.constant 0 : index
    %swap3A_31 = arith.constant 512 : index
    %swap3A_32 = vector.load %arg7[%swap3A_30, %swap3A_31] : memref<256x1024xf32, #tpu.memory_space<vmem>>, vector<256x256xf32>
    tpu.vector_store %arg7[%swap3A_30, %swap3A_31], %dot_general3A_29 {strides = array<i32>} : memref<256x1024xf32, #tpu.memory_space<vmem>>, vector<256x256xf32>,
    %get3A_33 = arith.constant 0 : index
    %get3A_34 = arith.constant 0 : index
    %get3A_35 = arith.constant 0 : index
    %get3A_36 = arith.constant 0 : index
    %get3A_37 = vector.load %arg6[%get3A_33, %get3A_34, %get3A_35, %get3A_36] : memref<1x1x256x512xf32, #tpu.memory_space<vmem>>, vector<1x1x256x512xf32>
    %get3A_38 = vector.shape_cast %get3A_37 : vector<1x1x256x512xf32> to vector<256x512xf32>
    %dot_general3A_39 = arith.constant dense<0.000000e+00> : vector<256x256xf32>
    %dot_general3A_40 = tpu.matmul %get3A_1, %get3A_38, %dot_general3A_39 {dimension_numbers = #tpu.dot_dimension_numbers<[1], [1], [0], [0], [0, 0, 1, 0], [], []>, transpose_lhs_hint = false} : vector<256x512xf32>, vector<256x512xf32>, vector<256x256xf32> -> vector<256x256xf32>
    %swap3A_41 = arith.constant 0 : index
    %swap3A_42 = arith.constant 768 : index
    %swap3A_43 = vector.load %arg7[%swap3A_41, %swap3A_42] : memref<256x1024xf32, #tpu.memory_space<vmem>>, vector<256x256xf32>
    tpu.vector_store %arg7[%swap3A_41, %swap3A_42], %dot_general3A_40 {strides = array<i32>} : memref<256x1024xf32, #tpu.memory_space<vmem>>, vector<256x256xf32>,
    return
  }
  func.func @transform_0(%arg0: i32, %arg1: memref<96xi32, #tpu.memory_space<smem>>) -> (i32, i32) {
    %c0_i32 = arith.constant 0 : i32
    %c0_i32_0 = arith.constant 0 : i32
    return %arg0, %c0_i32 : i32, i32
  }
  func.func @transform_1(%arg0: i32, %arg1: memref<96xi32, #tpu.memory_space<smem>>) -> (i32, i32, i32, i32) {
    %get3A = arith.index_cast %arg0 : i32 to index
    %get3A_0 = memref.load %arg1[%get3A] : memref<96xi32, #tpu.memory_space<smem>>
    %c0_i32 = arith.constant 0 : i32
    %c0_i32_1 = arith.constant 0 : i32
    %c0_i32_2 = arith.constant 0 : i32
    %c0_i32_3 = arith.constant 0 : i32
    return %get3A_0, %c0_i32, %c0_i32_1, %c0_i32_2 : i32, i32, i32, i32
  }
  func.func @transform_2(%arg0: i32, %arg1: memref<96xi32, #tpu.memory_space<smem>>) -> (i32, i32, i32, i32) {
    %get3A = arith.index_cast %arg0 : i32 to index
    %get3A_0 = memref.load %arg1[%get3A] : memref<96xi32, #tpu.memory_space<smem>>
    %c1_i32 = arith.constant 1 : i32
    %c0_i32 = arith.constant 0 : i32
    %c0_i32_1 = arith.constant 0 : i32
    %c0_i32_2 = arith.constant 0 : i32
    return %get3A_0, %c1_i32, %c0_i32, %c0_i32_1 : i32, i32, i32, i32
  }
  func.func @transform_3(%arg0: i32, %arg1: memref<96xi32, #tpu.memory_space<smem>>) -> (i32, i32, i32, i32) {
    %get3A = arith.index_cast %arg0 : i32 to index
    %get3A_0 = memref.load %arg1[%get3A] : memref<96xi32, #tpu.memory_space<smem>>
    %c2_i32 = arith.constant 2 : i32
    %c0_i32 = arith.constant 0 : i32
    %c0_i32_1 = arith.constant 0 : i32
    %c0_i32_2 = arith.constant 0 : i32
    return %get3A_0, %c2_i32, %c0_i32, %c0_i32_1 : i32, i32, i32, i32
  }
  func.func @transform_4(%arg0: i32, %arg1: memref<96xi32, #tpu.memory_space<smem>>) -> (i32, i32, i32, i32) {
    %get3A = arith.index_cast %arg0 : i32 to index
    %get3A_0 = memref.load %arg1[%get3A] : memref<96xi32, #tpu.memory_space<smem>>
    %c3_i32 = arith.constant 3 : i32
    %c0_i32 = arith.constant 0 : i32
    %c0_i32_1 = arith.constant 0 : i32
    %c0_i32_2 = arith.constant 0 : i32
    return %get3A_0, %c3_i32, %c0_i32, %c0_i32_1 : i32, i32, i32, i32
  }
  func.func @transform_5(%arg0: i32, %arg1: memref<96xi32, #tpu.memory_space<smem>>) -> (i32, i32) {
    %c0_i32 = arith.constant 0 : i32
    %c0_i32_0 = arith.constant 0 : i32
    return %arg0, %c0_i32 : i32, i32
  }
}

module attributes {stable_mosaic.version = 14 : i64} {
  func.func @_route_kernel(%arg0: memref<4096x1xi32, #tpu.memory_space<vmem>>, %arg1: memref<4096x1xi32, #tpu.memory_space<vmem>>, %arg2: memref<4096x1xi32, #tpu.memory_space<vmem>>, %arg3: memref<4096x1xi32, #tpu.memory_space<vmem>>, %arg4: memref<1x96xi32, #tpu.memory_space<vmem>>, %arg5: memref<4096x1xf32, #tpu.memory_space<vmem>>, %arg6: memref<4096x1xf32, #tpu.memory_space<vmem>>) attributes {dimension_semantics = [], scalar_prefetch = 0 : i64, scratch_operands = 2 : i64, tpu.core_type = #tpu.core_type<tc>} {
    %iota3A = tpu.iota {dimensions = array<i32: 1>} : vector<128x64xi32>
    %iota3A_0 = tpu.iota {dimensions = array<i32: 0>} : vector<128x128xi32>
    %iota3A_1 = tpu.iota {dimensions = array<i32: 1>} : vector<128x128xi32>
    %lt3A = arith.cmpi slt, %iota3A_1, %iota3A_0 : vector<128x128xi32>
    %convert_element_type3A = arith.extui %lt3A : vector<128x128xi1> to vector<128x128xi32>
    %convert_element_type3A_2 = arith.sitofp %convert_element_type3A : vector<128x128xi32> to vector<128x128xf32>
    %broadcast_in_dim3A = arith.constant 0.000000e+00 : f32
    %broadcast_in_dim3A_3 = vector.broadcast %broadcast_in_dim3A : f32 to vector<1x64xf32>
    %get3A = arith.constant 0 : index
    %get3A_4 = arith.constant 0 : index
    %get3A_5 = vector.load %arg0[%get3A, %get3A_4] : memref<4096x1xi32, #tpu.memory_space<vmem>>, vector<128x1xi32>
    %eq3A = vector.broadcast %get3A_5 : vector<128x1xi32> to vector<128x64xi32>
    %eq3A_6 = arith.cmpi eq, %eq3A, %iota3A : vector<128x64xi32>
    %convert_element_type3A_7 = arith.extui %eq3A_6 : vector<128x64xi1> to vector<128x64xi32>
    %convert_element_type3A_8 = arith.sitofp %convert_element_type3A_7 : vector<128x64xi32> to vector<128x64xf32>
    %dot_general3A = arith.constant dense<0.000000e+00> : vector<128x64xf32>
    %dot_general3A_9 = tpu.matmul %convert_element_type3A_2, %convert_element_type3A_8, %dot_general3A {dimension_numbers = #tpu.dot_dimension_numbers<[1], [0], [0], [1], [0, 0, 1, 1], [], []>, transpose_lhs_hint = false} : vector<128x128xf32>, vector<128x64xf32>, vector<128x64xf32> -> vector<128x64xf32>
    %add3A = vector.broadcast %broadcast_in_dim3A_3 : vector<1x64xf32> to vector<128x64xf32>
    %add3A_10 = arith.addf %dot_general3A_9, %add3A : vector<128x64xf32>
    %mul3A = arith.mulf %convert_element_type3A_8, %add3A_10 : vector<128x64xf32>
    %reduce_sum3A = arith.constant dense<0.000000e+00> : vector<128xf32>
    %reduce_sum3A_11 = vector.multi_reduction <add>, %mul3A, %reduce_sum3A [1] : vector<128x64xf32> to vector<128xf32>
    %broadcast_in_dim3A_12 = vector.shape_cast %reduce_sum3A_11 : vector<128xf32> to vector<128x1xf32>
    %swap3A = arith.constant 0 : index
    %swap3A_13 = arith.constant 0 : index
    %swap3A_14 = vector.load %arg5[%swap3A, %swap3A_13] : memref<4096x1xf32, #tpu.memory_space<vmem>>, vector<128x1xf32>
    tpu.vector_store %arg5[%swap3A, %swap3A_13], %broadcast_in_dim3A_12 {strides = array<i32>} : memref<4096x1xf32, #tpu.memory_space<vmem>>, vector<128x1xf32>,
    %reduce_sum3A_15 = arith.constant dense<0.000000e+00> : vector<64xf32>
    %reduce_sum3A_16 = vector.multi_reduction <add>, %convert_element_type3A_8, %reduce_sum3A_15 [0] : vector<128x64xf32> to vector<64xf32>
    %broadcast_in_dim3A_17 = vector.shape_cast %reduce_sum3A_16 : vector<64xf32> to vector<1x64xf32>
    %add3A_18 = arith.addf %broadcast_in_dim3A_3, %broadcast_in_dim3A_17 : vector<1x64xf32>
    %get3A_19 = arith.constant 128 : index
    %get3A_20 = arith.constant 0 : index
    %get3A_21 = vector.load %arg0[%get3A_19, %get3A_20] : memref<4096x1xi32, #tpu.memory_space<vmem>>, vector<128x1xi32>
    %eq3A_22 = vector.broadcast %get3A_21 : vector<128x1xi32> to vector<128x64xi32>
    %eq3A_23 = arith.cmpi eq, %eq3A_22, %iota3A : vector<128x64xi32>
    %convert_element_type3A_24 = arith.extui %eq3A_23 : vector<128x64xi1> to vector<128x64xi32>
    %convert_element_type3A_25 = arith.sitofp %convert_element_type3A_24 : vector<128x64xi32> to vector<128x64xf32>
    %dot_general3A_26 = arith.constant dense<0.000000e+00> : vector<128x64xf32>
    %dot_general3A_27 = tpu.matmul %convert_element_type3A_2, %convert_element_type3A_25, %dot_general3A_26 {dimension_numbers = #tpu.dot_dimension_numbers<[1], [0], [0], [1], [0, 0, 1, 1], [], []>, transpose_lhs_hint = false} : vector<128x128xf32>, vector<128x64xf32>, vector<128x64xf32> -> vector<128x64xf32>
    %add3A_28 = vector.broadcast %add3A_18 : vector<1x64xf32> to vector<128x64xf32>
    %add3A_29 = arith.addf %dot_general3A_27, %add3A_28 : vector<128x64xf32>
    %mul3A_30 = arith.mulf %convert_element_type3A_25, %add3A_29 : vector<128x64xf32>
    %reduce_sum3A_31 = arith.constant dense<0.000000e+00> : vector<128xf32>
    %reduce_sum3A_32 = vector.multi_reduction <add>, %mul3A_30, %reduce_sum3A_31 [1] : vector<128x64xf32> to vector<128xf32>
    %broadcast_in_dim3A_33 = vector.shape_cast %reduce_sum3A_32 : vector<128xf32> to vector<128x1xf32>
    %swap3A_34 = arith.constant 128 : index
    %swap3A_35 = arith.constant 0 : index
    %swap3A_36 = vector.load %arg5[%swap3A_34, %swap3A_35] : memref<4096x1xf32, #tpu.memory_space<vmem>>, vector<128x1xf32>
    tpu.vector_store %arg5[%swap3A_34, %swap3A_35], %broadcast_in_dim3A_33 {strides = array<i32>} : memref<4096x1xf32, #tpu.memory_space<vmem>>, vector<128x1xf32>,
    %reduce_sum3A_37 = arith.constant dense<0.000000e+00> : vector<64xf32>
    %reduce_sum3A_38 = vector.multi_reduction <add>, %convert_element_type3A_25, %reduce_sum3A_37 [0] : vector<128x64xf32> to vector<64xf32>
    %broadcast_in_dim3A_39 = vector.shape_cast %reduce_sum3A_38 : vector<64xf32> to vector<1x64xf32>
    %add3A_40 = arith.addf %add3A_18, %broadcast_in_dim3A_39 : vector<1x64xf32>
    %get3A_41 = arith.constant 256 : index
    %get3A_42 = arith.constant 0 : index
    %get3A_43 = vector.load %arg0[%get3A_41, %get3A_42] : memref<4096x1xi32, #tpu.memory_space<vmem>>, vector<128x1xi32>
    %eq3A_44 = vector.broadcast %get3A_43 : vector<128x1xi32> to vector<128x64xi32>
    %eq3A_45 = arith.cmpi eq, %eq3A_44, %iota3A : vector<128x64xi32>
    %convert_element_type3A_46 = arith.extui %eq3A_45 : vector<128x64xi1> to vector<128x64xi32>
    %convert_element_type3A_47 = arith.sitofp %convert_element_type3A_46 : vector<128x64xi32> to vector<128x64xf32>
    %dot_general3A_48 = arith.constant dense<0.000000e+00> : vector<128x64xf32>
    %dot_general3A_49 = tpu.matmul %convert_element_type3A_2, %convert_element_type3A_47, %dot_general3A_48 {dimension_numbers = #tpu.dot_dimension_numbers<[1], [0], [0], [1], [0, 0, 1, 1], [], []>, transpose_lhs_hint = false} : vector<128x128xf32>, vector<128x64xf32>, vector<128x64xf32> -> vector<128x64xf32>
    %add3A_50 = vector.broadcast %add3A_40 : vector<1x64xf32> to vector<128x64xf32>
    %add3A_51 = arith.addf %dot_general3A_49, %add3A_50 : vector<128x64xf32>
    %mul3A_52 = arith.mulf %convert_element_type3A_47, %add3A_51 : vector<128x64xf32>
    %reduce_sum3A_53 = arith.constant dense<0.000000e+00> : vector<128xf32>
    %reduce_sum3A_54 = vector.multi_reduction <add>, %mul3A_52, %reduce_sum3A_53 [1] : vector<128x64xf32> to vector<128xf32>
    %broadcast_in_dim3A_55 = vector.shape_cast %reduce_sum3A_54 : vector<128xf32> to vector<128x1xf32>
    %swap3A_56 = arith.constant 256 : index
    %swap3A_57 = arith.constant 0 : index
    %swap3A_58 = vector.load %arg5[%swap3A_56, %swap3A_57] : memref<4096x1xf32, #tpu.memory_space<vmem>>, vector<128x1xf32>
    tpu.vector_store %arg5[%swap3A_56, %swap3A_57], %broadcast_in_dim3A_55 {strides = array<i32>} : memref<4096x1xf32, #tpu.memory_space<vmem>>, vector<128x1xf32>,
    %reduce_sum3A_59 = arith.constant dense<0.000000e+00> : vector<64xf32>
    %reduce_sum3A_60 = vector.multi_reduction <add>, %convert_element_type3A_47, %reduce_sum3A_59 [0] : vector<128x64xf32> to vector<64xf32>
    %broadcast_in_dim3A_61 = vector.shape_cast %reduce_sum3A_60 : vector<64xf32> to vector<1x64xf32>
    %add3A_62 = arith.addf %add3A_40, %broadcast_in_dim3A_61 : vector<1x64xf32>
    %get3A_63 = arith.constant 384 : index
    %get3A_64 = arith.constant 0 : index
    %get3A_65 = vector.load %arg0[%get3A_63, %get3A_64] : memref<4096x1xi32, #tpu.memory_space<vmem>>, vector<128x1xi32>
    %eq3A_66 = vector.broadcast %get3A_65 : vector<128x1xi32> to vector<128x64xi32>
    %eq3A_67 = arith.cmpi eq, %eq3A_66, %iota3A : vector<128x64xi32>
    %convert_element_type3A_68 = arith.extui %eq3A_67 : vector<128x64xi1> to vector<128x64xi32>
    %convert_element_type3A_69 = arith.sitofp %convert_element_type3A_68 : vector<128x64xi32> to vector<128x64xf32>
    %dot_general3A_70 = arith.constant dense<0.000000e+00> : vector<128x64xf32>
    %dot_general3A_71 = tpu.matmul %convert_element_type3A_2, %convert_element_type3A_69, %dot_general3A_70 {dimension_numbers = #tpu.dot_dimension_numbers<[1], [0], [0], [1], [0, 0, 1, 1], [], []>, transpose_lhs_hint = false} : vector<128x128xf32>, vector<128x64xf32>, vector<128x64xf32> -> vector<128x64xf32>
    %add3A_72 = vector.broadcast %add3A_62 : vector<1x64xf32> to vector<128x64xf32>
    %add3A_73 = arith.addf %dot_general3A_71, %add3A_72 : vector<128x64xf32>
    %mul3A_74 = arith.mulf %convert_element_type3A_69, %add3A_73 : vector<128x64xf32>
    %reduce_sum3A_75 = arith.constant dense<0.000000e+00> : vector<128xf32>
    %reduce_sum3A_76 = vector.multi_reduction <add>, %mul3A_74, %reduce_sum3A_75 [1] : vector<128x64xf32> to vector<128xf32>
    %broadcast_in_dim3A_77 = vector.shape_cast %reduce_sum3A_76 : vector<128xf32> to vector<128x1xf32>
    %swap3A_78 = arith.constant 384 : index
    %swap3A_79 = arith.constant 0 : index
    %swap3A_80 = vector.load %arg5[%swap3A_78, %swap3A_79] : memref<4096x1xf32, #tpu.memory_space<vmem>>, vector<128x1xf32>
    tpu.vector_store %arg5[%swap3A_78, %swap3A_79], %broadcast_in_dim3A_77 {strides = array<i32>} : memref<4096x1xf32, #tpu.memory_space<vmem>>, vector<128x1xf32>,
    %reduce_sum3A_81 = arith.constant dense<0.000000e+00> : vector<64xf32>
    %reduce_sum3A_82 = vector.multi_reduction <add>, %convert_element_type3A_69, %reduce_sum3A_81 [0] : vector<128x64xf32> to vector<64xf32>
    %broadcast_in_dim3A_83 = vector.shape_cast %reduce_sum3A_82 : vector<64xf32> to vector<1x64xf32>
    %add3A_84 = arith.addf %add3A_62, %broadcast_in_dim3A_83 : vector<1x64xf32>
    %get3A_85 = arith.constant 512 : index
    %get3A_86 = arith.constant 0 : index
    %get3A_87 = vector.load %arg0[%get3A_85, %get3A_86] : memref<4096x1xi32, #tpu.memory_space<vmem>>, vector<128x1xi32>
    %eq3A_88 = vector.broadcast %get3A_87 : vector<128x1xi32> to vector<128x64xi32>
    %eq3A_89 = arith.cmpi eq, %eq3A_88, %iota3A : vector<128x64xi32>
    %convert_element_type3A_90 = arith.extui %eq3A_89 : vector<128x64xi1> to vector<128x64xi32>
    %convert_element_type3A_91 = arith.sitofp %convert_element_type3A_90 : vector<128x64xi32> to vector<128x64xf32>
    %dot_general3A_92 = arith.constant dense<0.000000e+00> : vector<128x64xf32>
    %dot_general3A_93 = tpu.matmul %convert_element_type3A_2, %convert_element_type3A_91, %dot_general3A_92 {dimension_numbers = #tpu.dot_dimension_numbers<[1], [0], [0], [1], [0, 0, 1, 1], [], []>, transpose_lhs_hint = false} : vector<128x128xf32>, vector<128x64xf32>, vector<128x64xf32> -> vector<128x64xf32>
    %add3A_94 = vector.broadcast %add3A_84 : vector<1x64xf32> to vector<128x64xf32>
    %add3A_95 = arith.addf %dot_general3A_93, %add3A_94 : vector<128x64xf32>
    %mul3A_96 = arith.mulf %convert_element_type3A_91, %add3A_95 : vector<128x64xf32>
    %reduce_sum3A_97 = arith.constant dense<0.000000e+00> : vector<128xf32>
    %reduce_sum3A_98 = vector.multi_reduction <add>, %mul3A_96, %reduce_sum3A_97 [1] : vector<128x64xf32> to vector<128xf32>
    %broadcast_in_dim3A_99 = vector.shape_cast %reduce_sum3A_98 : vector<128xf32> to vector<128x1xf32>
    %swap3A_100 = arith.constant 512 : index
    %swap3A_101 = arith.constant 0 : index
    %swap3A_102 = vector.load %arg5[%swap3A_100, %swap3A_101] : memref<4096x1xf32, #tpu.memory_space<vmem>>, vector<128x1xf32>
    tpu.vector_store %arg5[%swap3A_100, %swap3A_101], %broadcast_in_dim3A_99 {strides = array<i32>} : memref<4096x1xf32, #tpu.memory_space<vmem>>, vector<128x1xf32>,
    %reduce_sum3A_103 = arith.constant dense<0.000000e+00> : vector<64xf32>
    %reduce_sum3A_104 = vector.multi_reduction <add>, %convert_element_type3A_91, %reduce_sum3A_103 [0] : vector<128x64xf32> to vector<64xf32>
    %broadcast_in_dim3A_105 = vector.shape_cast %reduce_sum3A_104 : vector<64xf32> to vector<1x64xf32>
    %add3A_106 = arith.addf %add3A_84, %broadcast_in_dim3A_105 : vector<1x64xf32>
    %get3A_107 = arith.constant 640 : index
    %get3A_108 = arith.constant 0 : index
    %get3A_109 = vector.load %arg0[%get3A_107, %get3A_108] : memref<4096x1xi32, #tpu.memory_space<vmem>>, vector<128x1xi32>
    %eq3A_110 = vector.broadcast %get3A_109 : vector<128x1xi32> to vector<128x64xi32>
    %eq3A_111 = arith.cmpi eq, %eq3A_110, %iota3A : vector<128x64xi32>
    %convert_element_type3A_112 = arith.extui %eq3A_111 : vector<128x64xi1> to vector<128x64xi32>
    %convert_element_type3A_113 = arith.sitofp %convert_element_type3A_112 : vector<128x64xi32> to vector<128x64xf32>
    %dot_general3A_114 = arith.constant dense<0.000000e+00> : vector<128x64xf32>
    %dot_general3A_115 = tpu.matmul %convert_element_type3A_2, %convert_element_type3A_113, %dot_general3A_114 {dimension_numbers = #tpu.dot_dimension_numbers<[1], [0], [0], [1], [0, 0, 1, 1], [], []>, transpose_lhs_hint = false} : vector<128x128xf32>, vector<128x64xf32>, vector<128x64xf32> -> vector<128x64xf32>
    %add3A_116 = vector.broadcast %add3A_106 : vector<1x64xf32> to vector<128x64xf32>
    %add3A_117 = arith.addf %dot_general3A_115, %add3A_116 : vector<128x64xf32>
    %mul3A_118 = arith.mulf %convert_element_type3A_113, %add3A_117 : vector<128x64xf32>
    %reduce_sum3A_119 = arith.constant dense<0.000000e+00> : vector<128xf32>
    %reduce_sum3A_120 = vector.multi_reduction <add>, %mul3A_118, %reduce_sum3A_119 [1] : vector<128x64xf32> to vector<128xf32>
    %broadcast_in_dim3A_121 = vector.shape_cast %reduce_sum3A_120 : vector<128xf32> to vector<128x1xf32>
    %swap3A_122 = arith.constant 640 : index
    %swap3A_123 = arith.constant 0 : index
    %swap3A_124 = vector.load %arg5[%swap3A_122, %swap3A_123] : memref<4096x1xf32, #tpu.memory_space<vmem>>, vector<128x1xf32>
    tpu.vector_store %arg5[%swap3A_122, %swap3A_123], %broadcast_in_dim3A_121 {strides = array<i32>} : memref<4096x1xf32, #tpu.memory_space<vmem>>, vector<128x1xf32>,
    %reduce_sum3A_125 = arith.constant dense<0.000000e+00> : vector<64xf32>
    %reduce_sum3A_126 = vector.multi_reduction <add>, %convert_element_type3A_113, %reduce_sum3A_125 [0] : vector<128x64xf32> to vector<64xf32>
    %broadcast_in_dim3A_127 = vector.shape_cast %reduce_sum3A_126 : vector<64xf32> to vector<1x64xf32>
    %add3A_128 = arith.addf %add3A_106, %broadcast_in_dim3A_127 : vector<1x64xf32>
    %get3A_129 = arith.constant 768 : index
    %get3A_130 = arith.constant 0 : index
    %get3A_131 = vector.load %arg0[%get3A_129, %get3A_130] : memref<4096x1xi32, #tpu.memory_space<vmem>>, vector<128x1xi32>
    %eq3A_132 = vector.broadcast %get3A_131 : vector<128x1xi32> to vector<128x64xi32>
    %eq3A_133 = arith.cmpi eq, %eq3A_132, %iota3A : vector<128x64xi32>
    %convert_element_type3A_134 = arith.extui %eq3A_133 : vector<128x64xi1> to vector<128x64xi32>
    %convert_element_type3A_135 = arith.sitofp %convert_element_type3A_134 : vector<128x64xi32> to vector<128x64xf32>
    %dot_general3A_136 = arith.constant dense<0.000000e+00> : vector<128x64xf32>
    %dot_general3A_137 = tpu.matmul %convert_element_type3A_2, %convert_element_type3A_135, %dot_general3A_136 {dimension_numbers = #tpu.dot_dimension_numbers<[1], [0], [0], [1], [0, 0, 1, 1], [], []>, transpose_lhs_hint = false} : vector<128x128xf32>, vector<128x64xf32>, vector<128x64xf32> -> vector<128x64xf32>
    %add3A_138 = vector.broadcast %add3A_128 : vector<1x64xf32> to vector<128x64xf32>
    %add3A_139 = arith.addf %dot_general3A_137, %add3A_138 : vector<128x64xf32>
    %mul3A_140 = arith.mulf %convert_element_type3A_135, %add3A_139 : vector<128x64xf32>
    %reduce_sum3A_141 = arith.constant dense<0.000000e+00> : vector<128xf32>
    %reduce_sum3A_142 = vector.multi_reduction <add>, %mul3A_140, %reduce_sum3A_141 [1] : vector<128x64xf32> to vector<128xf32>
    %broadcast_in_dim3A_143 = vector.shape_cast %reduce_sum3A_142 : vector<128xf32> to vector<128x1xf32>
    %swap3A_144 = arith.constant 768 : index
    %swap3A_145 = arith.constant 0 : index
    %swap3A_146 = vector.load %arg5[%swap3A_144, %swap3A_145] : memref<4096x1xf32, #tpu.memory_space<vmem>>, vector<128x1xf32>
    tpu.vector_store %arg5[%swap3A_144, %swap3A_145], %broadcast_in_dim3A_143 {strides = array<i32>} : memref<4096x1xf32, #tpu.memory_space<vmem>>, vector<128x1xf32>,
    %reduce_sum3A_147 = arith.constant dense<0.000000e+00> : vector<64xf32>
    %reduce_sum3A_148 = vector.multi_reduction <add>, %convert_element_type3A_135, %reduce_sum3A_147 [0] : vector<128x64xf32> to vector<64xf32>
    %broadcast_in_dim3A_149 = vector.shape_cast %reduce_sum3A_148 : vector<64xf32> to vector<1x64xf32>
    %add3A_150 = arith.addf %add3A_128, %broadcast_in_dim3A_149 : vector<1x64xf32>
    %get3A_151 = arith.constant 896 : index
    %get3A_152 = arith.constant 0 : index
    %get3A_153 = vector.load %arg0[%get3A_151, %get3A_152] : memref<4096x1xi32, #tpu.memory_space<vmem>>, vector<128x1xi32>
    %eq3A_154 = vector.broadcast %get3A_153 : vector<128x1xi32> to vector<128x64xi32>
    %eq3A_155 = arith.cmpi eq, %eq3A_154, %iota3A : vector<128x64xi32>
    %convert_element_type3A_156 = arith.extui %eq3A_155 : vector<128x64xi1> to vector<128x64xi32>
    %convert_element_type3A_157 = arith.sitofp %convert_element_type3A_156 : vector<128x64xi32> to vector<128x64xf32>
    %dot_general3A_158 = arith.constant dense<0.000000e+00> : vector<128x64xf32>
    %dot_general3A_159 = tpu.matmul %convert_element_type3A_2, %convert_element_type3A_157, %dot_general3A_158 {dimension_numbers = #tpu.dot_dimension_numbers<[1], [0], [0], [1], [0, 0, 1, 1], [], []>, transpose_lhs_hint = false} : vector<128x128xf32>, vector<128x64xf32>, vector<128x64xf32> -> vector<128x64xf32>
    %add3A_160 = vector.broadcast %add3A_150 : vector<1x64xf32> to vector<128x64xf32>
    %add3A_161 = arith.addf %dot_general3A_159, %add3A_160 : vector<128x64xf32>
    %mul3A_162 = arith.mulf %convert_element_type3A_157, %add3A_161 : vector<128x64xf32>
    %reduce_sum3A_163 = arith.constant dense<0.000000e+00> : vector<128xf32>
    %reduce_sum3A_164 = vector.multi_reduction <add>, %mul3A_162, %reduce_sum3A_163 [1] : vector<128x64xf32> to vector<128xf32>
    %broadcast_in_dim3A_165 = vector.shape_cast %reduce_sum3A_164 : vector<128xf32> to vector<128x1xf32>
    %swap3A_166 = arith.constant 896 : index
    %swap3A_167 = arith.constant 0 : index
    %swap3A_168 = vector.load %arg5[%swap3A_166, %swap3A_167] : memref<4096x1xf32, #tpu.memory_space<vmem>>, vector<128x1xf32>
    tpu.vector_store %arg5[%swap3A_166, %swap3A_167], %broadcast_in_dim3A_165 {strides = array<i32>} : memref<4096x1xf32, #tpu.memory_space<vmem>>, vector<128x1xf32>,
    %reduce_sum3A_169 = arith.constant dense<0.000000e+00> : vector<64xf32>
    %reduce_sum3A_170 = vector.multi_reduction <add>, %convert_element_type3A_157, %reduce_sum3A_169 [0] : vector<128x64xf32> to vector<64xf32>
    %broadcast_in_dim3A_171 = vector.shape_cast %reduce_sum3A_170 : vector<64xf32> to vector<1x64xf32>
    %add3A_172 = arith.addf %add3A_150, %broadcast_in_dim3A_171 : vector<1x64xf32>
    %get3A_173 = arith.constant 1024 : index
    %get3A_174 = arith.constant 0 : index
    %get3A_175 = vector.load %arg0[%get3A_173, %get3A_174] : memref<4096x1xi32, #tpu.memory_space<vmem>>, vector<128x1xi32>
    %eq3A_176 = vector.broadcast %get3A_175 : vector<128x1xi32> to vector<128x64xi32>
    %eq3A_177 = arith.cmpi eq, %eq3A_176, %iota3A : vector<128x64xi32>
    %convert_element_type3A_178 = arith.extui %eq3A_177 : vector<128x64xi1> to vector<128x64xi32>
    %convert_element_type3A_179 = arith.sitofp %convert_element_type3A_178 : vector<128x64xi32> to vector<128x64xf32>
    %dot_general3A_180 = arith.constant dense<0.000000e+00> : vector<128x64xf32>
    %dot_general3A_181 = tpu.matmul %convert_element_type3A_2, %convert_element_type3A_179, %dot_general3A_180 {dimension_numbers = #tpu.dot_dimension_numbers<[1], [0], [0], [1], [0, 0, 1, 1], [], []>, transpose_lhs_hint = false} : vector<128x128xf32>, vector<128x64xf32>, vector<128x64xf32> -> vector<128x64xf32>
    %add3A_182 = vector.broadcast %add3A_172 : vector<1x64xf32> to vector<128x64xf32>
    %add3A_183 = arith.addf %dot_general3A_181, %add3A_182 : vector<128x64xf32>
    %mul3A_184 = arith.mulf %convert_element_type3A_179, %add3A_183 : vector<128x64xf32>
    %reduce_sum3A_185 = arith.constant dense<0.000000e+00> : vector<128xf32>
    %reduce_sum3A_186 = vector.multi_reduction <add>, %mul3A_184, %reduce_sum3A_185 [1] : vector<128x64xf32> to vector<128xf32>
    %broadcast_in_dim3A_187 = vector.shape_cast %reduce_sum3A_186 : vector<128xf32> to vector<128x1xf32>
    %swap3A_188 = arith.constant 1024 : index
    %swap3A_189 = arith.constant 0 : index
    %swap3A_190 = vector.load %arg5[%swap3A_188, %swap3A_189] : memref<4096x1xf32, #tpu.memory_space<vmem>>, vector<128x1xf32>
    tpu.vector_store %arg5[%swap3A_188, %swap3A_189], %broadcast_in_dim3A_187 {strides = array<i32>} : memref<4096x1xf32, #tpu.memory_space<vmem>>, vector<128x1xf32>,
    %reduce_sum3A_191 = arith.constant dense<0.000000e+00> : vector<64xf32>
    %reduce_sum3A_192 = vector.multi_reduction <add>, %convert_element_type3A_179, %reduce_sum3A_191 [0] : vector<128x64xf32> to vector<64xf32>
    %broadcast_in_dim3A_193 = vector.shape_cast %reduce_sum3A_192 : vector<64xf32> to vector<1x64xf32>
    %add3A_194 = arith.addf %add3A_172, %broadcast_in_dim3A_193 : vector<1x64xf32>
    %get3A_195 = arith.constant 1152 : index
    %get3A_196 = arith.constant 0 : index
    %get3A_197 = vector.load %arg0[%get3A_195, %get3A_196] : memref<4096x1xi32, #tpu.memory_space<vmem>>, vector<128x1xi32>
    %eq3A_198 = vector.broadcast %get3A_197 : vector<128x1xi32> to vector<128x64xi32>
    %eq3A_199 = arith.cmpi eq, %eq3A_198, %iota3A : vector<128x64xi32>
    %convert_element_type3A_200 = arith.extui %eq3A_199 : vector<128x64xi1> to vector<128x64xi32>
    %convert_element_type3A_201 = arith.sitofp %convert_element_type3A_200 : vector<128x64xi32> to vector<128x64xf32>
    %dot_general3A_202 = arith.constant dense<0.000000e+00> : vector<128x64xf32>
    %dot_general3A_203 = tpu.matmul %convert_element_type3A_2, %convert_element_type3A_201, %dot_general3A_202 {dimension_numbers = #tpu.dot_dimension_numbers<[1], [0], [0], [1], [0, 0, 1, 1], [], []>, transpose_lhs_hint = false} : vector<128x128xf32>, vector<128x64xf32>, vector<128x64xf32> -> vector<128x64xf32>
    %add3A_204 = vector.broadcast %add3A_194 : vector<1x64xf32> to vector<128x64xf32>
    %add3A_205 = arith.addf %dot_general3A_203, %add3A_204 : vector<128x64xf32>
    %mul3A_206 = arith.mulf %convert_element_type3A_201, %add3A_205 : vector<128x64xf32>
    %reduce_sum3A_207 = arith.constant dense<0.000000e+00> : vector<128xf32>
    %reduce_sum3A_208 = vector.multi_reduction <add>, %mul3A_206, %reduce_sum3A_207 [1] : vector<128x64xf32> to vector<128xf32>
    %broadcast_in_dim3A_209 = vector.shape_cast %reduce_sum3A_208 : vector<128xf32> to vector<128x1xf32>
    %swap3A_210 = arith.constant 1152 : index
    %swap3A_211 = arith.constant 0 : index
    %swap3A_212 = vector.load %arg5[%swap3A_210, %swap3A_211] : memref<4096x1xf32, #tpu.memory_space<vmem>>, vector<128x1xf32>
    tpu.vector_store %arg5[%swap3A_210, %swap3A_211], %broadcast_in_dim3A_209 {strides = array<i32>} : memref<4096x1xf32, #tpu.memory_space<vmem>>, vector<128x1xf32>,
    %reduce_sum3A_213 = arith.constant dense<0.000000e+00> : vector<64xf32>
    %reduce_sum3A_214 = vector.multi_reduction <add>, %convert_element_type3A_201, %reduce_sum3A_213 [0] : vector<128x64xf32> to vector<64xf32>
    %broadcast_in_dim3A_215 = vector.shape_cast %reduce_sum3A_214 : vector<64xf32> to vector<1x64xf32>
    %add3A_216 = arith.addf %add3A_194, %broadcast_in_dim3A_215 : vector<1x64xf32>
    %get3A_217 = arith.constant 1280 : index
    %get3A_218 = arith.constant 0 : index
    %get3A_219 = vector.load %arg0[%get3A_217, %get3A_218] : memref<4096x1xi32, #tpu.memory_space<vmem>>, vector<128x1xi32>
    %eq3A_220 = vector.broadcast %get3A_219 : vector<128x1xi32> to vector<128x64xi32>
    %eq3A_221 = arith.cmpi eq, %eq3A_220, %iota3A : vector<128x64xi32>
    %convert_element_type3A_222 = arith.extui %eq3A_221 : vector<128x64xi1> to vector<128x64xi32>
    %convert_element_type3A_223 = arith.sitofp %convert_element_type3A_222 : vector<128x64xi32> to vector<128x64xf32>
    %dot_general3A_224 = arith.constant dense<0.000000e+00> : vector<128x64xf32>
    %dot_general3A_225 = tpu.matmul %convert_element_type3A_2, %convert_element_type3A_223, %dot_general3A_224 {dimension_numbers = #tpu.dot_dimension_numbers<[1], [0], [0], [1], [0, 0, 1, 1], [], []>, transpose_lhs_hint = false} : vector<128x128xf32>, vector<128x64xf32>, vector<128x64xf32> -> vector<128x64xf32>
    %add3A_226 = vector.broadcast %add3A_216 : vector<1x64xf32> to vector<128x64xf32>
    %add3A_227 = arith.addf %dot_general3A_225, %add3A_226 : vector<128x64xf32>
    %mul3A_228 = arith.mulf %convert_element_type3A_223, %add3A_227 : vector<128x64xf32>
    %reduce_sum3A_229 = arith.constant dense<0.000000e+00> : vector<128xf32>
    %reduce_sum3A_230 = vector.multi_reduction <add>, %mul3A_228, %reduce_sum3A_229 [1] : vector<128x64xf32> to vector<128xf32>
    %broadcast_in_dim3A_231 = vector.shape_cast %reduce_sum3A_230 : vector<128xf32> to vector<128x1xf32>
    %swap3A_232 = arith.constant 1280 : index
    %swap3A_233 = arith.constant 0 : index
    %swap3A_234 = vector.load %arg5[%swap3A_232, %swap3A_233] : memref<4096x1xf32, #tpu.memory_space<vmem>>, vector<128x1xf32>
    tpu.vector_store %arg5[%swap3A_232, %swap3A_233], %broadcast_in_dim3A_231 {strides = array<i32>} : memref<4096x1xf32, #tpu.memory_space<vmem>>, vector<128x1xf32>,
    %reduce_sum3A_235 = arith.constant dense<0.000000e+00> : vector<64xf32>
    %reduce_sum3A_236 = vector.multi_reduction <add>, %convert_element_type3A_223, %reduce_sum3A_235 [0] : vector<128x64xf32> to vector<64xf32>
    %broadcast_in_dim3A_237 = vector.shape_cast %reduce_sum3A_236 : vector<64xf32> to vector<1x64xf32>
    %add3A_238 = arith.addf %add3A_216, %broadcast_in_dim3A_237 : vector<1x64xf32>
    %get3A_239 = arith.constant 1408 : index
    %get3A_240 = arith.constant 0 : index
    %get3A_241 = vector.load %arg0[%get3A_239, %get3A_240] : memref<4096x1xi32, #tpu.memory_space<vmem>>, vector<128x1xi32>
    %eq3A_242 = vector.broadcast %get3A_241 : vector<128x1xi32> to vector<128x64xi32>
    %eq3A_243 = arith.cmpi eq, %eq3A_242, %iota3A : vector<128x64xi32>
    %convert_element_type3A_244 = arith.extui %eq3A_243 : vector<128x64xi1> to vector<128x64xi32>
    %convert_element_type3A_245 = arith.sitofp %convert_element_type3A_244 : vector<128x64xi32> to vector<128x64xf32>
    %dot_general3A_246 = arith.constant dense<0.000000e+00> : vector<128x64xf32>
    %dot_general3A_247 = tpu.matmul %convert_element_type3A_2, %convert_element_type3A_245, %dot_general3A_246 {dimension_numbers = #tpu.dot_dimension_numbers<[1], [0], [0], [1], [0, 0, 1, 1], [], []>, transpose_lhs_hint = false} : vector<128x128xf32>, vector<128x64xf32>, vector<128x64xf32> -> vector<128x64xf32>
    %add3A_248 = vector.broadcast %add3A_238 : vector<1x64xf32> to vector<128x64xf32>
    %add3A_249 = arith.addf %dot_general3A_247, %add3A_248 : vector<128x64xf32>
    %mul3A_250 = arith.mulf %convert_element_type3A_245, %add3A_249 : vector<128x64xf32>
    %reduce_sum3A_251 = arith.constant dense<0.000000e+00> : vector<128xf32>
    %reduce_sum3A_252 = vector.multi_reduction <add>, %mul3A_250, %reduce_sum3A_251 [1] : vector<128x64xf32> to vector<128xf32>
    %broadcast_in_dim3A_253 = vector.shape_cast %reduce_sum3A_252 : vector<128xf32> to vector<128x1xf32>
    %swap3A_254 = arith.constant 1408 : index
    %swap3A_255 = arith.constant 0 : index
    %swap3A_256 = vector.load %arg5[%swap3A_254, %swap3A_255] : memref<4096x1xf32, #tpu.memory_space<vmem>>, vector<128x1xf32>
    tpu.vector_store %arg5[%swap3A_254, %swap3A_255], %broadcast_in_dim3A_253 {strides = array<i32>} : memref<4096x1xf32, #tpu.memory_space<vmem>>, vector<128x1xf32>,
    %reduce_sum3A_257 = arith.constant dense<0.000000e+00> : vector<64xf32>
    %reduce_sum3A_258 = vector.multi_reduction <add>, %convert_element_type3A_245, %reduce_sum3A_257 [0] : vector<128x64xf32> to vector<64xf32>
    %broadcast_in_dim3A_259 = vector.shape_cast %reduce_sum3A_258 : vector<64xf32> to vector<1x64xf32>
    %add3A_260 = arith.addf %add3A_238, %broadcast_in_dim3A_259 : vector<1x64xf32>
    %get3A_261 = arith.constant 1536 : index
    %get3A_262 = arith.constant 0 : index
    %get3A_263 = vector.load %arg0[%get3A_261, %get3A_262] : memref<4096x1xi32, #tpu.memory_space<vmem>>, vector<128x1xi32>
    %eq3A_264 = vector.broadcast %get3A_263 : vector<128x1xi32> to vector<128x64xi32>
    %eq3A_265 = arith.cmpi eq, %eq3A_264, %iota3A : vector<128x64xi32>
    %convert_element_type3A_266 = arith.extui %eq3A_265 : vector<128x64xi1> to vector<128x64xi32>
    %convert_element_type3A_267 = arith.sitofp %convert_element_type3A_266 : vector<128x64xi32> to vector<128x64xf32>
    %dot_general3A_268 = arith.constant dense<0.000000e+00> : vector<128x64xf32>
    %dot_general3A_269 = tpu.matmul %convert_element_type3A_2, %convert_element_type3A_267, %dot_general3A_268 {dimension_numbers = #tpu.dot_dimension_numbers<[1], [0], [0], [1], [0, 0, 1, 1], [], []>, transpose_lhs_hint = false} : vector<128x128xf32>, vector<128x64xf32>, vector<128x64xf32> -> vector<128x64xf32>
    %add3A_270 = vector.broadcast %add3A_260 : vector<1x64xf32> to vector<128x64xf32>
    %add3A_271 = arith.addf %dot_general3A_269, %add3A_270 : vector<128x64xf32>
    %mul3A_272 = arith.mulf %convert_element_type3A_267, %add3A_271 : vector<128x64xf32>
    %reduce_sum3A_273 = arith.constant dense<0.000000e+00> : vector<128xf32>
    %reduce_sum3A_274 = vector.multi_reduction <add>, %mul3A_272, %reduce_sum3A_273 [1] : vector<128x64xf32> to vector<128xf32>
    %broadcast_in_dim3A_275 = vector.shape_cast %reduce_sum3A_274 : vector<128xf32> to vector<128x1xf32>
    %swap3A_276 = arith.constant 1536 : index
    %swap3A_277 = arith.constant 0 : index
    %swap3A_278 = vector.load %arg5[%swap3A_276, %swap3A_277] : memref<4096x1xf32, #tpu.memory_space<vmem>>, vector<128x1xf32>
    tpu.vector_store %arg5[%swap3A_276, %swap3A_277], %broadcast_in_dim3A_275 {strides = array<i32>} : memref<4096x1xf32, #tpu.memory_space<vmem>>, vector<128x1xf32>,
    %reduce_sum3A_279 = arith.constant dense<0.000000e+00> : vector<64xf32>
    %reduce_sum3A_280 = vector.multi_reduction <add>, %convert_element_type3A_267, %reduce_sum3A_279 [0] : vector<128x64xf32> to vector<64xf32>
    %broadcast_in_dim3A_281 = vector.shape_cast %reduce_sum3A_280 : vector<64xf32> to vector<1x64xf32>
    %add3A_282 = arith.addf %add3A_260, %broadcast_in_dim3A_281 : vector<1x64xf32>
    %get3A_283 = arith.constant 1664 : index
    %get3A_284 = arith.constant 0 : index
    %get3A_285 = vector.load %arg0[%get3A_283, %get3A_284] : memref<4096x1xi32, #tpu.memory_space<vmem>>, vector<128x1xi32>
    %eq3A_286 = vector.broadcast %get3A_285 : vector<128x1xi32> to vector<128x64xi32>
    %eq3A_287 = arith.cmpi eq, %eq3A_286, %iota3A : vector<128x64xi32>
    %convert_element_type3A_288 = arith.extui %eq3A_287 : vector<128x64xi1> to vector<128x64xi32>
    %convert_element_type3A_289 = arith.sitofp %convert_element_type3A_288 : vector<128x64xi32> to vector<128x64xf32>
    %dot_general3A_290 = arith.constant dense<0.000000e+00> : vector<128x64xf32>
    %dot_general3A_291 = tpu.matmul %convert_element_type3A_2, %convert_element_type3A_289, %dot_general3A_290 {dimension_numbers = #tpu.dot_dimension_numbers<[1], [0], [0], [1], [0, 0, 1, 1], [], []>, transpose_lhs_hint = false} : vector<128x128xf32>, vector<128x64xf32>, vector<128x64xf32> -> vector<128x64xf32>
    %add3A_292 = vector.broadcast %add3A_282 : vector<1x64xf32> to vector<128x64xf32>
    %add3A_293 = arith.addf %dot_general3A_291, %add3A_292 : vector<128x64xf32>
    %mul3A_294 = arith.mulf %convert_element_type3A_289, %add3A_293 : vector<128x64xf32>
    %reduce_sum3A_295 = arith.constant dense<0.000000e+00> : vector<128xf32>
    %reduce_sum3A_296 = vector.multi_reduction <add>, %mul3A_294, %reduce_sum3A_295 [1] : vector<128x64xf32> to vector<128xf32>
    %broadcast_in_dim3A_297 = vector.shape_cast %reduce_sum3A_296 : vector<128xf32> to vector<128x1xf32>
    %swap3A_298 = arith.constant 1664 : index
    %swap3A_299 = arith.constant 0 : index
    %swap3A_300 = vector.load %arg5[%swap3A_298, %swap3A_299] : memref<4096x1xf32, #tpu.memory_space<vmem>>, vector<128x1xf32>
    tpu.vector_store %arg5[%swap3A_298, %swap3A_299], %broadcast_in_dim3A_297 {strides = array<i32>} : memref<4096x1xf32, #tpu.memory_space<vmem>>, vector<128x1xf32>,
    %reduce_sum3A_301 = arith.constant dense<0.000000e+00> : vector<64xf32>
    %reduce_sum3A_302 = vector.multi_reduction <add>, %convert_element_type3A_289, %reduce_sum3A_301 [0] : vector<128x64xf32> to vector<64xf32>
    %broadcast_in_dim3A_303 = vector.shape_cast %reduce_sum3A_302 : vector<64xf32> to vector<1x64xf32>
    %add3A_304 = arith.addf %add3A_282, %broadcast_in_dim3A_303 : vector<1x64xf32>
    %get3A_305 = arith.constant 1792 : index
    %get3A_306 = arith.constant 0 : index
    %get3A_307 = vector.load %arg0[%get3A_305, %get3A_306] : memref<4096x1xi32, #tpu.memory_space<vmem>>, vector<128x1xi32>
    %eq3A_308 = vector.broadcast %get3A_307 : vector<128x1xi32> to vector<128x64xi32>
    %eq3A_309 = arith.cmpi eq, %eq3A_308, %iota3A : vector<128x64xi32>
    %convert_element_type3A_310 = arith.extui %eq3A_309 : vector<128x64xi1> to vector<128x64xi32>
    %convert_element_type3A_311 = arith.sitofp %convert_element_type3A_310 : vector<128x64xi32> to vector<128x64xf32>
    %dot_general3A_312 = arith.constant dense<0.000000e+00> : vector<128x64xf32>
    %dot_general3A_313 = tpu.matmul %convert_element_type3A_2, %convert_element_type3A_311, %dot_general3A_312 {dimension_numbers = #tpu.dot_dimension_numbers<[1], [0], [0], [1], [0, 0, 1, 1], [], []>, transpose_lhs_hint = false} : vector<128x128xf32>, vector<128x64xf32>, vector<128x64xf32> -> vector<128x64xf32>
    %add3A_314 = vector.broadcast %add3A_304 : vector<1x64xf32> to vector<128x64xf32>
    %add3A_315 = arith.addf %dot_general3A_313, %add3A_314 : vector<128x64xf32>
    %mul3A_316 = arith.mulf %convert_element_type3A_311, %add3A_315 : vector<128x64xf32>
    %reduce_sum3A_317 = arith.constant dense<0.000000e+00> : vector<128xf32>
    %reduce_sum3A_318 = vector.multi_reduction <add>, %mul3A_316, %reduce_sum3A_317 [1] : vector<128x64xf32> to vector<128xf32>
    %broadcast_in_dim3A_319 = vector.shape_cast %reduce_sum3A_318 : vector<128xf32> to vector<128x1xf32>
    %swap3A_320 = arith.constant 1792 : index
    %swap3A_321 = arith.constant 0 : index
    %swap3A_322 = vector.load %arg5[%swap3A_320, %swap3A_321] : memref<4096x1xf32, #tpu.memory_space<vmem>>, vector<128x1xf32>
    tpu.vector_store %arg5[%swap3A_320, %swap3A_321], %broadcast_in_dim3A_319 {strides = array<i32>} : memref<4096x1xf32, #tpu.memory_space<vmem>>, vector<128x1xf32>,
    %reduce_sum3A_323 = arith.constant dense<0.000000e+00> : vector<64xf32>
    %reduce_sum3A_324 = vector.multi_reduction <add>, %convert_element_type3A_311, %reduce_sum3A_323 [0] : vector<128x64xf32> to vector<64xf32>
    %broadcast_in_dim3A_325 = vector.shape_cast %reduce_sum3A_324 : vector<64xf32> to vector<1x64xf32>
    %add3A_326 = arith.addf %add3A_304, %broadcast_in_dim3A_325 : vector<1x64xf32>
    %get3A_327 = arith.constant 1920 : index
    %get3A_328 = arith.constant 0 : index
    %get3A_329 = vector.load %arg0[%get3A_327, %get3A_328] : memref<4096x1xi32, #tpu.memory_space<vmem>>, vector<128x1xi32>
    %eq3A_330 = vector.broadcast %get3A_329 : vector<128x1xi32> to vector<128x64xi32>
    %eq3A_331 = arith.cmpi eq, %eq3A_330, %iota3A : vector<128x64xi32>
    %convert_element_type3A_332 = arith.extui %eq3A_331 : vector<128x64xi1> to vector<128x64xi32>
    %convert_element_type3A_333 = arith.sitofp %convert_element_type3A_332 : vector<128x64xi32> to vector<128x64xf32>
    %dot_general3A_334 = arith.constant dense<0.000000e+00> : vector<128x64xf32>
    %dot_general3A_335 = tpu.matmul %convert_element_type3A_2, %convert_element_type3A_333, %dot_general3A_334 {dimension_numbers = #tpu.dot_dimension_numbers<[1], [0], [0], [1], [0, 0, 1, 1], [], []>, transpose_lhs_hint = false} : vector<128x128xf32>, vector<128x64xf32>, vector<128x64xf32> -> vector<128x64xf32>
    %add3A_336 = vector.broadcast %add3A_326 : vector<1x64xf32> to vector<128x64xf32>
    %add3A_337 = arith.addf %dot_general3A_335, %add3A_336 : vector<128x64xf32>
    %mul3A_338 = arith.mulf %convert_element_type3A_333, %add3A_337 : vector<128x64xf32>
    %reduce_sum3A_339 = arith.constant dense<0.000000e+00> : vector<128xf32>
    %reduce_sum3A_340 = vector.multi_reduction <add>, %mul3A_338, %reduce_sum3A_339 [1] : vector<128x64xf32> to vector<128xf32>
    %broadcast_in_dim3A_341 = vector.shape_cast %reduce_sum3A_340 : vector<128xf32> to vector<128x1xf32>
    %swap3A_342 = arith.constant 1920 : index
    %swap3A_343 = arith.constant 0 : index
    %swap3A_344 = vector.load %arg5[%swap3A_342, %swap3A_343] : memref<4096x1xf32, #tpu.memory_space<vmem>>, vector<128x1xf32>
    tpu.vector_store %arg5[%swap3A_342, %swap3A_343], %broadcast_in_dim3A_341 {strides = array<i32>} : memref<4096x1xf32, #tpu.memory_space<vmem>>, vector<128x1xf32>,
    %reduce_sum3A_345 = arith.constant dense<0.000000e+00> : vector<64xf32>
    %reduce_sum3A_346 = vector.multi_reduction <add>, %convert_element_type3A_333, %reduce_sum3A_345 [0] : vector<128x64xf32> to vector<64xf32>
    %broadcast_in_dim3A_347 = vector.shape_cast %reduce_sum3A_346 : vector<64xf32> to vector<1x64xf32>
    %add3A_348 = arith.addf %add3A_326, %broadcast_in_dim3A_347 : vector<1x64xf32>
    %get3A_349 = arith.constant 2048 : index
    %get3A_350 = arith.constant 0 : index
    %get3A_351 = vector.load %arg0[%get3A_349, %get3A_350] : memref<4096x1xi32, #tpu.memory_space<vmem>>, vector<128x1xi32>
    %eq3A_352 = vector.broadcast %get3A_351 : vector<128x1xi32> to vector<128x64xi32>
    %eq3A_353 = arith.cmpi eq, %eq3A_352, %iota3A : vector<128x64xi32>
    %convert_element_type3A_354 = arith.extui %eq3A_353 : vector<128x64xi1> to vector<128x64xi32>
    %convert_element_type3A_355 = arith.sitofp %convert_element_type3A_354 : vector<128x64xi32> to vector<128x64xf32>
    %dot_general3A_356 = arith.constant dense<0.000000e+00> : vector<128x64xf32>
    %dot_general3A_357 = tpu.matmul %convert_element_type3A_2, %convert_element_type3A_355, %dot_general3A_356 {dimension_numbers = #tpu.dot_dimension_numbers<[1], [0], [0], [1], [0, 0, 1, 1], [], []>, transpose_lhs_hint = false} : vector<128x128xf32>, vector<128x64xf32>, vector<128x64xf32> -> vector<128x64xf32>
    %add3A_358 = vector.broadcast %add3A_348 : vector<1x64xf32> to vector<128x64xf32>
    %add3A_359 = arith.addf %dot_general3A_357, %add3A_358 : vector<128x64xf32>
    %mul3A_360 = arith.mulf %convert_element_type3A_355, %add3A_359 : vector<128x64xf32>
    %reduce_sum3A_361 = arith.constant dense<0.000000e+00> : vector<128xf32>
    %reduce_sum3A_362 = vector.multi_reduction <add>, %mul3A_360, %reduce_sum3A_361 [1] : vector<128x64xf32> to vector<128xf32>
    %broadcast_in_dim3A_363 = vector.shape_cast %reduce_sum3A_362 : vector<128xf32> to vector<128x1xf32>
    %swap3A_364 = arith.constant 2048 : index
    %swap3A_365 = arith.constant 0 : index
    %swap3A_366 = vector.load %arg5[%swap3A_364, %swap3A_365] : memref<4096x1xf32, #tpu.memory_space<vmem>>, vector<128x1xf32>
    tpu.vector_store %arg5[%swap3A_364, %swap3A_365], %broadcast_in_dim3A_363 {strides = array<i32>} : memref<4096x1xf32, #tpu.memory_space<vmem>>, vector<128x1xf32>,
    %reduce_sum3A_367 = arith.constant dense<0.000000e+00> : vector<64xf32>
    %reduce_sum3A_368 = vector.multi_reduction <add>, %convert_element_type3A_355, %reduce_sum3A_367 [0] : vector<128x64xf32> to vector<64xf32>
    %broadcast_in_dim3A_369 = vector.shape_cast %reduce_sum3A_368 : vector<64xf32> to vector<1x64xf32>
    %add3A_370 = arith.addf %add3A_348, %broadcast_in_dim3A_369 : vector<1x64xf32>
    %get3A_371 = arith.constant 2176 : index
    %get3A_372 = arith.constant 0 : index
    %get3A_373 = vector.load %arg0[%get3A_371, %get3A_372] : memref<4096x1xi32, #tpu.memory_space<vmem>>, vector<128x1xi32>
    %eq3A_374 = vector.broadcast %get3A_373 : vector<128x1xi32> to vector<128x64xi32>
    %eq3A_375 = arith.cmpi eq, %eq3A_374, %iota3A : vector<128x64xi32>
    %convert_element_type3A_376 = arith.extui %eq3A_375 : vector<128x64xi1> to vector<128x64xi32>
    %convert_element_type3A_377 = arith.sitofp %convert_element_type3A_376 : vector<128x64xi32> to vector<128x64xf32>
    %dot_general3A_378 = arith.constant dense<0.000000e+00> : vector<128x64xf32>
    %dot_general3A_379 = tpu.matmul %convert_element_type3A_2, %convert_element_type3A_377, %dot_general3A_378 {dimension_numbers = #tpu.dot_dimension_numbers<[1], [0], [0], [1], [0, 0, 1, 1], [], []>, transpose_lhs_hint = false} : vector<128x128xf32>, vector<128x64xf32>, vector<128x64xf32> -> vector<128x64xf32>
    %add3A_380 = vector.broadcast %add3A_370 : vector<1x64xf32> to vector<128x64xf32>
    %add3A_381 = arith.addf %dot_general3A_379, %add3A_380 : vector<128x64xf32>
    %mul3A_382 = arith.mulf %convert_element_type3A_377, %add3A_381 : vector<128x64xf32>
    %reduce_sum3A_383 = arith.constant dense<0.000000e+00> : vector<128xf32>
    %reduce_sum3A_384 = vector.multi_reduction <add>, %mul3A_382, %reduce_sum3A_383 [1] : vector<128x64xf32> to vector<128xf32>
    %broadcast_in_dim3A_385 = vector.shape_cast %reduce_sum3A_384 : vector<128xf32> to vector<128x1xf32>
    %swap3A_386 = arith.constant 2176 : index
    %swap3A_387 = arith.constant 0 : index
    %swap3A_388 = vector.load %arg5[%swap3A_386, %swap3A_387] : memref<4096x1xf32, #tpu.memory_space<vmem>>, vector<128x1xf32>
    tpu.vector_store %arg5[%swap3A_386, %swap3A_387], %broadcast_in_dim3A_385 {strides = array<i32>} : memref<4096x1xf32, #tpu.memory_space<vmem>>, vector<128x1xf32>,
    %reduce_sum3A_389 = arith.constant dense<0.000000e+00> : vector<64xf32>
    %reduce_sum3A_390 = vector.multi_reduction <add>, %convert_element_type3A_377, %reduce_sum3A_389 [0] : vector<128x64xf32> to vector<64xf32>
    %broadcast_in_dim3A_391 = vector.shape_cast %reduce_sum3A_390 : vector<64xf32> to vector<1x64xf32>
    %add3A_392 = arith.addf %add3A_370, %broadcast_in_dim3A_391 : vector<1x64xf32>
    %get3A_393 = arith.constant 2304 : index
    %get3A_394 = arith.constant 0 : index
    %get3A_395 = vector.load %arg0[%get3A_393, %get3A_394] : memref<4096x1xi32, #tpu.memory_space<vmem>>, vector<128x1xi32>
    %eq3A_396 = vector.broadcast %get3A_395 : vector<128x1xi32> to vector<128x64xi32>
    %eq3A_397 = arith.cmpi eq, %eq3A_396, %iota3A : vector<128x64xi32>
    %convert_element_type3A_398 = arith.extui %eq3A_397 : vector<128x64xi1> to vector<128x64xi32>
    %convert_element_type3A_399 = arith.sitofp %convert_element_type3A_398 : vector<128x64xi32> to vector<128x64xf32>
    %dot_general3A_400 = arith.constant dense<0.000000e+00> : vector<128x64xf32>
    %dot_general3A_401 = tpu.matmul %convert_element_type3A_2, %convert_element_type3A_399, %dot_general3A_400 {dimension_numbers = #tpu.dot_dimension_numbers<[1], [0], [0], [1], [0, 0, 1, 1], [], []>, transpose_lhs_hint = false} : vector<128x128xf32>, vector<128x64xf32>, vector<128x64xf32> -> vector<128x64xf32>
    %add3A_402 = vector.broadcast %add3A_392 : vector<1x64xf32> to vector<128x64xf32>
    %add3A_403 = arith.addf %dot_general3A_401, %add3A_402 : vector<128x64xf32>
    %mul3A_404 = arith.mulf %convert_element_type3A_399, %add3A_403 : vector<128x64xf32>
    %reduce_sum3A_405 = arith.constant dense<0.000000e+00> : vector<128xf32>
    %reduce_sum3A_406 = vector.multi_reduction <add>, %mul3A_404, %reduce_sum3A_405 [1] : vector<128x64xf32> to vector<128xf32>
    %broadcast_in_dim3A_407 = vector.shape_cast %reduce_sum3A_406 : vector<128xf32> to vector<128x1xf32>
    %swap3A_408 = arith.constant 2304 : index
    %swap3A_409 = arith.constant 0 : index
    %swap3A_410 = vector.load %arg5[%swap3A_408, %swap3A_409] : memref<4096x1xf32, #tpu.memory_space<vmem>>, vector<128x1xf32>
    tpu.vector_store %arg5[%swap3A_408, %swap3A_409], %broadcast_in_dim3A_407 {strides = array<i32>} : memref<4096x1xf32, #tpu.memory_space<vmem>>, vector<128x1xf32>,
    %reduce_sum3A_411 = arith.constant dense<0.000000e+00> : vector<64xf32>
    %reduce_sum3A_412 = vector.multi_reduction <add>, %convert_element_type3A_399, %reduce_sum3A_411 [0] : vector<128x64xf32> to vector<64xf32>
    %broadcast_in_dim3A_413 = vector.shape_cast %reduce_sum3A_412 : vector<64xf32> to vector<1x64xf32>
    %add3A_414 = arith.addf %add3A_392, %broadcast_in_dim3A_413 : vector<1x64xf32>
    %get3A_415 = arith.constant 2432 : index
    %get3A_416 = arith.constant 0 : index
    %get3A_417 = vector.load %arg0[%get3A_415, %get3A_416] : memref<4096x1xi32, #tpu.memory_space<vmem>>, vector<128x1xi32>
    %eq3A_418 = vector.broadcast %get3A_417 : vector<128x1xi32> to vector<128x64xi32>
    %eq3A_419 = arith.cmpi eq, %eq3A_418, %iota3A : vector<128x64xi32>
    %convert_element_type3A_420 = arith.extui %eq3A_419 : vector<128x64xi1> to vector<128x64xi32>
    %convert_element_type3A_421 = arith.sitofp %convert_element_type3A_420 : vector<128x64xi32> to vector<128x64xf32>
    %dot_general3A_422 = arith.constant dense<0.000000e+00> : vector<128x64xf32>
    %dot_general3A_423 = tpu.matmul %convert_element_type3A_2, %convert_element_type3A_421, %dot_general3A_422 {dimension_numbers = #tpu.dot_dimension_numbers<[1], [0], [0], [1], [0, 0, 1, 1], [], []>, transpose_lhs_hint = false} : vector<128x128xf32>, vector<128x64xf32>, vector<128x64xf32> -> vector<128x64xf32>
    %add3A_424 = vector.broadcast %add3A_414 : vector<1x64xf32> to vector<128x64xf32>
    %add3A_425 = arith.addf %dot_general3A_423, %add3A_424 : vector<128x64xf32>
    %mul3A_426 = arith.mulf %convert_element_type3A_421, %add3A_425 : vector<128x64xf32>
    %reduce_sum3A_427 = arith.constant dense<0.000000e+00> : vector<128xf32>
    %reduce_sum3A_428 = vector.multi_reduction <add>, %mul3A_426, %reduce_sum3A_427 [1] : vector<128x64xf32> to vector<128xf32>
    %broadcast_in_dim3A_429 = vector.shape_cast %reduce_sum3A_428 : vector<128xf32> to vector<128x1xf32>
    %swap3A_430 = arith.constant 2432 : index
    %swap3A_431 = arith.constant 0 : index
    %swap3A_432 = vector.load %arg5[%swap3A_430, %swap3A_431] : memref<4096x1xf32, #tpu.memory_space<vmem>>, vector<128x1xf32>
    tpu.vector_store %arg5[%swap3A_430, %swap3A_431], %broadcast_in_dim3A_429 {strides = array<i32>} : memref<4096x1xf32, #tpu.memory_space<vmem>>, vector<128x1xf32>,
    %reduce_sum3A_433 = arith.constant dense<0.000000e+00> : vector<64xf32>
    %reduce_sum3A_434 = vector.multi_reduction <add>, %convert_element_type3A_421, %reduce_sum3A_433 [0] : vector<128x64xf32> to vector<64xf32>
    %broadcast_in_dim3A_435 = vector.shape_cast %reduce_sum3A_434 : vector<64xf32> to vector<1x64xf32>
    %add3A_436 = arith.addf %add3A_414, %broadcast_in_dim3A_435 : vector<1x64xf32>
    %get3A_437 = arith.constant 2560 : index
    %get3A_438 = arith.constant 0 : index
    %get3A_439 = vector.load %arg0[%get3A_437, %get3A_438] : memref<4096x1xi32, #tpu.memory_space<vmem>>, vector<128x1xi32>
    %eq3A_440 = vector.broadcast %get3A_439 : vector<128x1xi32> to vector<128x64xi32>
    %eq3A_441 = arith.cmpi eq, %eq3A_440, %iota3A : vector<128x64xi32>
    %convert_element_type3A_442 = arith.extui %eq3A_441 : vector<128x64xi1> to vector<128x64xi32>
    %convert_element_type3A_443 = arith.sitofp %convert_element_type3A_442 : vector<128x64xi32> to vector<128x64xf32>
    %dot_general3A_444 = arith.constant dense<0.000000e+00> : vector<128x64xf32>
    %dot_general3A_445 = tpu.matmul %convert_element_type3A_2, %convert_element_type3A_443, %dot_general3A_444 {dimension_numbers = #tpu.dot_dimension_numbers<[1], [0], [0], [1], [0, 0, 1, 1], [], []>, transpose_lhs_hint = false} : vector<128x128xf32>, vector<128x64xf32>, vector<128x64xf32> -> vector<128x64xf32>
    %add3A_446 = vector.broadcast %add3A_436 : vector<1x64xf32> to vector<128x64xf32>
    %add3A_447 = arith.addf %dot_general3A_445, %add3A_446 : vector<128x64xf32>
    %mul3A_448 = arith.mulf %convert_element_type3A_443, %add3A_447 : vector<128x64xf32>
    %reduce_sum3A_449 = arith.constant dense<0.000000e+00> : vector<128xf32>
    %reduce_sum3A_450 = vector.multi_reduction <add>, %mul3A_448, %reduce_sum3A_449 [1] : vector<128x64xf32> to vector<128xf32>
    %broadcast_in_dim3A_451 = vector.shape_cast %reduce_sum3A_450 : vector<128xf32> to vector<128x1xf32>
    %swap3A_452 = arith.constant 2560 : index
    %swap3A_453 = arith.constant 0 : index
    %swap3A_454 = vector.load %arg5[%swap3A_452, %swap3A_453] : memref<4096x1xf32, #tpu.memory_space<vmem>>, vector<128x1xf32>
    tpu.vector_store %arg5[%swap3A_452, %swap3A_453], %broadcast_in_dim3A_451 {strides = array<i32>} : memref<4096x1xf32, #tpu.memory_space<vmem>>, vector<128x1xf32>,
    %reduce_sum3A_455 = arith.constant dense<0.000000e+00> : vector<64xf32>
    %reduce_sum3A_456 = vector.multi_reduction <add>, %convert_element_type3A_443, %reduce_sum3A_455 [0] : vector<128x64xf32> to vector<64xf32>
    %broadcast_in_dim3A_457 = vector.shape_cast %reduce_sum3A_456 : vector<64xf32> to vector<1x64xf32>
    %add3A_458 = arith.addf %add3A_436, %broadcast_in_dim3A_457 : vector<1x64xf32>
    %get3A_459 = arith.constant 2688 : index
    %get3A_460 = arith.constant 0 : index
    %get3A_461 = vector.load %arg0[%get3A_459, %get3A_460] : memref<4096x1xi32, #tpu.memory_space<vmem>>, vector<128x1xi32>
    %eq3A_462 = vector.broadcast %get3A_461 : vector<128x1xi32> to vector<128x64xi32>
    %eq3A_463 = arith.cmpi eq, %eq3A_462, %iota3A : vector<128x64xi32>
    %convert_element_type3A_464 = arith.extui %eq3A_463 : vector<128x64xi1> to vector<128x64xi32>
    %convert_element_type3A_465 = arith.sitofp %convert_element_type3A_464 : vector<128x64xi32> to vector<128x64xf32>
    %dot_general3A_466 = arith.constant dense<0.000000e+00> : vector<128x64xf32>
    %dot_general3A_467 = tpu.matmul %convert_element_type3A_2, %convert_element_type3A_465, %dot_general3A_466 {dimension_numbers = #tpu.dot_dimension_numbers<[1], [0], [0], [1], [0, 0, 1, 1], [], []>, transpose_lhs_hint = false} : vector<128x128xf32>, vector<128x64xf32>, vector<128x64xf32> -> vector<128x64xf32>
    %add3A_468 = vector.broadcast %add3A_458 : vector<1x64xf32> to vector<128x64xf32>
    %add3A_469 = arith.addf %dot_general3A_467, %add3A_468 : vector<128x64xf32>
    %mul3A_470 = arith.mulf %convert_element_type3A_465, %add3A_469 : vector<128x64xf32>
    %reduce_sum3A_471 = arith.constant dense<0.000000e+00> : vector<128xf32>
    %reduce_sum3A_472 = vector.multi_reduction <add>, %mul3A_470, %reduce_sum3A_471 [1] : vector<128x64xf32> to vector<128xf32>
    %broadcast_in_dim3A_473 = vector.shape_cast %reduce_sum3A_472 : vector<128xf32> to vector<128x1xf32>
    %swap3A_474 = arith.constant 2688 : index
    %swap3A_475 = arith.constant 0 : index
    %swap3A_476 = vector.load %arg5[%swap3A_474, %swap3A_475] : memref<4096x1xf32, #tpu.memory_space<vmem>>, vector<128x1xf32>
    tpu.vector_store %arg5[%swap3A_474, %swap3A_475], %broadcast_in_dim3A_473 {strides = array<i32>} : memref<4096x1xf32, #tpu.memory_space<vmem>>, vector<128x1xf32>,
    %reduce_sum3A_477 = arith.constant dense<0.000000e+00> : vector<64xf32>
    %reduce_sum3A_478 = vector.multi_reduction <add>, %convert_element_type3A_465, %reduce_sum3A_477 [0] : vector<128x64xf32> to vector<64xf32>
    %broadcast_in_dim3A_479 = vector.shape_cast %reduce_sum3A_478 : vector<64xf32> to vector<1x64xf32>
    %add3A_480 = arith.addf %add3A_458, %broadcast_in_dim3A_479 : vector<1x64xf32>
    %get3A_481 = arith.constant 2816 : index
    %get3A_482 = arith.constant 0 : index
    %get3A_483 = vector.load %arg0[%get3A_481, %get3A_482] : memref<4096x1xi32, #tpu.memory_space<vmem>>, vector<128x1xi32>
    %eq3A_484 = vector.broadcast %get3A_483 : vector<128x1xi32> to vector<128x64xi32>
    %eq3A_485 = arith.cmpi eq, %eq3A_484, %iota3A : vector<128x64xi32>
    %convert_element_type3A_486 = arith.extui %eq3A_485 : vector<128x64xi1> to vector<128x64xi32>
    %convert_element_type3A_487 = arith.sitofp %convert_element_type3A_486 : vector<128x64xi32> to vector<128x64xf32>
    %dot_general3A_488 = arith.constant dense<0.000000e+00> : vector<128x64xf32>
    %dot_general3A_489 = tpu.matmul %convert_element_type3A_2, %convert_element_type3A_487, %dot_general3A_488 {dimension_numbers = #tpu.dot_dimension_numbers<[1], [0], [0], [1], [0, 0, 1, 1], [], []>, transpose_lhs_hint = false} : vector<128x128xf32>, vector<128x64xf32>, vector<128x64xf32> -> vector<128x64xf32>
    %add3A_490 = vector.broadcast %add3A_480 : vector<1x64xf32> to vector<128x64xf32>
    %add3A_491 = arith.addf %dot_general3A_489, %add3A_490 : vector<128x64xf32>
    %mul3A_492 = arith.mulf %convert_element_type3A_487, %add3A_491 : vector<128x64xf32>
    %reduce_sum3A_493 = arith.constant dense<0.000000e+00> : vector<128xf32>
    %reduce_sum3A_494 = vector.multi_reduction <add>, %mul3A_492, %reduce_sum3A_493 [1] : vector<128x64xf32> to vector<128xf32>
    %broadcast_in_dim3A_495 = vector.shape_cast %reduce_sum3A_494 : vector<128xf32> to vector<128x1xf32>
    %swap3A_496 = arith.constant 2816 : index
    %swap3A_497 = arith.constant 0 : index
    %swap3A_498 = vector.load %arg5[%swap3A_496, %swap3A_497] : memref<4096x1xf32, #tpu.memory_space<vmem>>, vector<128x1xf32>
    tpu.vector_store %arg5[%swap3A_496, %swap3A_497], %broadcast_in_dim3A_495 {strides = array<i32>} : memref<4096x1xf32, #tpu.memory_space<vmem>>, vector<128x1xf32>,
    %reduce_sum3A_499 = arith.constant dense<0.000000e+00> : vector<64xf32>
    %reduce_sum3A_500 = vector.multi_reduction <add>, %convert_element_type3A_487, %reduce_sum3A_499 [0] : vector<128x64xf32> to vector<64xf32>
    %broadcast_in_dim3A_501 = vector.shape_cast %reduce_sum3A_500 : vector<64xf32> to vector<1x64xf32>
    %add3A_502 = arith.addf %add3A_480, %broadcast_in_dim3A_501 : vector<1x64xf32>
    %get3A_503 = arith.constant 2944 : index
    %get3A_504 = arith.constant 0 : index
    %get3A_505 = vector.load %arg0[%get3A_503, %get3A_504] : memref<4096x1xi32, #tpu.memory_space<vmem>>, vector<128x1xi32>
    %eq3A_506 = vector.broadcast %get3A_505 : vector<128x1xi32> to vector<128x64xi32>
    %eq3A_507 = arith.cmpi eq, %eq3A_506, %iota3A : vector<128x64xi32>
    %convert_element_type3A_508 = arith.extui %eq3A_507 : vector<128x64xi1> to vector<128x64xi32>
    %convert_element_type3A_509 = arith.sitofp %convert_element_type3A_508 : vector<128x64xi32> to vector<128x64xf32>
    %dot_general3A_510 = arith.constant dense<0.000000e+00> : vector<128x64xf32>
    %dot_general3A_511 = tpu.matmul %convert_element_type3A_2, %convert_element_type3A_509, %dot_general3A_510 {dimension_numbers = #tpu.dot_dimension_numbers<[1], [0], [0], [1], [0, 0, 1, 1], [], []>, transpose_lhs_hint = false} : vector<128x128xf32>, vector<128x64xf32>, vector<128x64xf32> -> vector<128x64xf32>
    %add3A_512 = vector.broadcast %add3A_502 : vector<1x64xf32> to vector<128x64xf32>
    %add3A_513 = arith.addf %dot_general3A_511, %add3A_512 : vector<128x64xf32>
    %mul3A_514 = arith.mulf %convert_element_type3A_509, %add3A_513 : vector<128x64xf32>
    %reduce_sum3A_515 = arith.constant dense<0.000000e+00> : vector<128xf32>
    %reduce_sum3A_516 = vector.multi_reduction <add>, %mul3A_514, %reduce_sum3A_515 [1] : vector<128x64xf32> to vector<128xf32>
    %broadcast_in_dim3A_517 = vector.shape_cast %reduce_sum3A_516 : vector<128xf32> to vector<128x1xf32>
    %swap3A_518 = arith.constant 2944 : index
    %swap3A_519 = arith.constant 0 : index
    %swap3A_520 = vector.load %arg5[%swap3A_518, %swap3A_519] : memref<4096x1xf32, #tpu.memory_space<vmem>>, vector<128x1xf32>
    tpu.vector_store %arg5[%swap3A_518, %swap3A_519], %broadcast_in_dim3A_517 {strides = array<i32>} : memref<4096x1xf32, #tpu.memory_space<vmem>>, vector<128x1xf32>,
    %reduce_sum3A_521 = arith.constant dense<0.000000e+00> : vector<64xf32>
    %reduce_sum3A_522 = vector.multi_reduction <add>, %convert_element_type3A_509, %reduce_sum3A_521 [0] : vector<128x64xf32> to vector<64xf32>
    %broadcast_in_dim3A_523 = vector.shape_cast %reduce_sum3A_522 : vector<64xf32> to vector<1x64xf32>
    %add3A_524 = arith.addf %add3A_502, %broadcast_in_dim3A_523 : vector<1x64xf32>
    %get3A_525 = arith.constant 3072 : index
    %get3A_526 = arith.constant 0 : index
    %get3A_527 = vector.load %arg0[%get3A_525, %get3A_526] : memref<4096x1xi32, #tpu.memory_space<vmem>>, vector<128x1xi32>
    %eq3A_528 = vector.broadcast %get3A_527 : vector<128x1xi32> to vector<128x64xi32>
    %eq3A_529 = arith.cmpi eq, %eq3A_528, %iota3A : vector<128x64xi32>
    %convert_element_type3A_530 = arith.extui %eq3A_529 : vector<128x64xi1> to vector<128x64xi32>
    %convert_element_type3A_531 = arith.sitofp %convert_element_type3A_530 : vector<128x64xi32> to vector<128x64xf32>
    %dot_general3A_532 = arith.constant dense<0.000000e+00> : vector<128x64xf32>
    %dot_general3A_533 = tpu.matmul %convert_element_type3A_2, %convert_element_type3A_531, %dot_general3A_532 {dimension_numbers = #tpu.dot_dimension_numbers<[1], [0], [0], [1], [0, 0, 1, 1], [], []>, transpose_lhs_hint = false} : vector<128x128xf32>, vector<128x64xf32>, vector<128x64xf32> -> vector<128x64xf32>
    %add3A_534 = vector.broadcast %add3A_524 : vector<1x64xf32> to vector<128x64xf32>
    %add3A_535 = arith.addf %dot_general3A_533, %add3A_534 : vector<128x64xf32>
    %mul3A_536 = arith.mulf %convert_element_type3A_531, %add3A_535 : vector<128x64xf32>
    %reduce_sum3A_537 = arith.constant dense<0.000000e+00> : vector<128xf32>
    %reduce_sum3A_538 = vector.multi_reduction <add>, %mul3A_536, %reduce_sum3A_537 [1] : vector<128x64xf32> to vector<128xf32>
    %broadcast_in_dim3A_539 = vector.shape_cast %reduce_sum3A_538 : vector<128xf32> to vector<128x1xf32>
    %swap3A_540 = arith.constant 3072 : index
    %swap3A_541 = arith.constant 0 : index
    %swap3A_542 = vector.load %arg5[%swap3A_540, %swap3A_541] : memref<4096x1xf32, #tpu.memory_space<vmem>>, vector<128x1xf32>
    tpu.vector_store %arg5[%swap3A_540, %swap3A_541], %broadcast_in_dim3A_539 {strides = array<i32>} : memref<4096x1xf32, #tpu.memory_space<vmem>>, vector<128x1xf32>,
    %reduce_sum3A_543 = arith.constant dense<0.000000e+00> : vector<64xf32>
    %reduce_sum3A_544 = vector.multi_reduction <add>, %convert_element_type3A_531, %reduce_sum3A_543 [0] : vector<128x64xf32> to vector<64xf32>
    %broadcast_in_dim3A_545 = vector.shape_cast %reduce_sum3A_544 : vector<64xf32> to vector<1x64xf32>
    %add3A_546 = arith.addf %add3A_524, %broadcast_in_dim3A_545 : vector<1x64xf32>
    %get3A_547 = arith.constant 3200 : index
    %get3A_548 = arith.constant 0 : index
    %get3A_549 = vector.load %arg0[%get3A_547, %get3A_548] : memref<4096x1xi32, #tpu.memory_space<vmem>>, vector<128x1xi32>
    %eq3A_550 = vector.broadcast %get3A_549 : vector<128x1xi32> to vector<128x64xi32>
    %eq3A_551 = arith.cmpi eq, %eq3A_550, %iota3A : vector<128x64xi32>
    %convert_element_type3A_552 = arith.extui %eq3A_551 : vector<128x64xi1> to vector<128x64xi32>
    %convert_element_type3A_553 = arith.sitofp %convert_element_type3A_552 : vector<128x64xi32> to vector<128x64xf32>
    %dot_general3A_554 = arith.constant dense<0.000000e+00> : vector<128x64xf32>
    %dot_general3A_555 = tpu.matmul %convert_element_type3A_2, %convert_element_type3A_553, %dot_general3A_554 {dimension_numbers = #tpu.dot_dimension_numbers<[1], [0], [0], [1], [0, 0, 1, 1], [], []>, transpose_lhs_hint = false} : vector<128x128xf32>, vector<128x64xf32>, vector<128x64xf32> -> vector<128x64xf32>
    %add3A_556 = vector.broadcast %add3A_546 : vector<1x64xf32> to vector<128x64xf32>
    %add3A_557 = arith.addf %dot_general3A_555, %add3A_556 : vector<128x64xf32>
    %mul3A_558 = arith.mulf %convert_element_type3A_553, %add3A_557 : vector<128x64xf32>
    %reduce_sum3A_559 = arith.constant dense<0.000000e+00> : vector<128xf32>
    %reduce_sum3A_560 = vector.multi_reduction <add>, %mul3A_558, %reduce_sum3A_559 [1] : vector<128x64xf32> to vector<128xf32>
    %broadcast_in_dim3A_561 = vector.shape_cast %reduce_sum3A_560 : vector<128xf32> to vector<128x1xf32>
    %swap3A_562 = arith.constant 3200 : index
    %swap3A_563 = arith.constant 0 : index
    %swap3A_564 = vector.load %arg5[%swap3A_562, %swap3A_563] : memref<4096x1xf32, #tpu.memory_space<vmem>>, vector<128x1xf32>
    tpu.vector_store %arg5[%swap3A_562, %swap3A_563], %broadcast_in_dim3A_561 {strides = array<i32>} : memref<4096x1xf32, #tpu.memory_space<vmem>>, vector<128x1xf32>,
    %reduce_sum3A_565 = arith.constant dense<0.000000e+00> : vector<64xf32>
    %reduce_sum3A_566 = vector.multi_reduction <add>, %convert_element_type3A_553, %reduce_sum3A_565 [0] : vector<128x64xf32> to vector<64xf32>
    %broadcast_in_dim3A_567 = vector.shape_cast %reduce_sum3A_566 : vector<64xf32> to vector<1x64xf32>
    %add3A_568 = arith.addf %add3A_546, %broadcast_in_dim3A_567 : vector<1x64xf32>
    %get3A_569 = arith.constant 3328 : index
    %get3A_570 = arith.constant 0 : index
    %get3A_571 = vector.load %arg0[%get3A_569, %get3A_570] : memref<4096x1xi32, #tpu.memory_space<vmem>>, vector<128x1xi32>
    %eq3A_572 = vector.broadcast %get3A_571 : vector<128x1xi32> to vector<128x64xi32>
    %eq3A_573 = arith.cmpi eq, %eq3A_572, %iota3A : vector<128x64xi32>
    %convert_element_type3A_574 = arith.extui %eq3A_573 : vector<128x64xi1> to vector<128x64xi32>
    %convert_element_type3A_575 = arith.sitofp %convert_element_type3A_574 : vector<128x64xi32> to vector<128x64xf32>
    %dot_general3A_576 = arith.constant dense<0.000000e+00> : vector<128x64xf32>
    %dot_general3A_577 = tpu.matmul %convert_element_type3A_2, %convert_element_type3A_575, %dot_general3A_576 {dimension_numbers = #tpu.dot_dimension_numbers<[1], [0], [0], [1], [0, 0, 1, 1], [], []>, transpose_lhs_hint = false} : vector<128x128xf32>, vector<128x64xf32>, vector<128x64xf32> -> vector<128x64xf32>
    %add3A_578 = vector.broadcast %add3A_568 : vector<1x64xf32> to vector<128x64xf32>
    %add3A_579 = arith.addf %dot_general3A_577, %add3A_578 : vector<128x64xf32>
    %mul3A_580 = arith.mulf %convert_element_type3A_575, %add3A_579 : vector<128x64xf32>
    %reduce_sum3A_581 = arith.constant dense<0.000000e+00> : vector<128xf32>
    %reduce_sum3A_582 = vector.multi_reduction <add>, %mul3A_580, %reduce_sum3A_581 [1] : vector<128x64xf32> to vector<128xf32>
    %broadcast_in_dim3A_583 = vector.shape_cast %reduce_sum3A_582 : vector<128xf32> to vector<128x1xf32>
    %swap3A_584 = arith.constant 3328 : index
    %swap3A_585 = arith.constant 0 : index
    %swap3A_586 = vector.load %arg5[%swap3A_584, %swap3A_585] : memref<4096x1xf32, #tpu.memory_space<vmem>>, vector<128x1xf32>
    tpu.vector_store %arg5[%swap3A_584, %swap3A_585], %broadcast_in_dim3A_583 {strides = array<i32>} : memref<4096x1xf32, #tpu.memory_space<vmem>>, vector<128x1xf32>,
    %reduce_sum3A_587 = arith.constant dense<0.000000e+00> : vector<64xf32>
    %reduce_sum3A_588 = vector.multi_reduction <add>, %convert_element_type3A_575, %reduce_sum3A_587 [0] : vector<128x64xf32> to vector<64xf32>
    %broadcast_in_dim3A_589 = vector.shape_cast %reduce_sum3A_588 : vector<64xf32> to vector<1x64xf32>
    %add3A_590 = arith.addf %add3A_568, %broadcast_in_dim3A_589 : vector<1x64xf32>
    %get3A_591 = arith.constant 3456 : index
    %get3A_592 = arith.constant 0 : index
    %get3A_593 = vector.load %arg0[%get3A_591, %get3A_592] : memref<4096x1xi32, #tpu.memory_space<vmem>>, vector<128x1xi32>
    %eq3A_594 = vector.broadcast %get3A_593 : vector<128x1xi32> to vector<128x64xi32>
    %eq3A_595 = arith.cmpi eq, %eq3A_594, %iota3A : vector<128x64xi32>
    %convert_element_type3A_596 = arith.extui %eq3A_595 : vector<128x64xi1> to vector<128x64xi32>
    %convert_element_type3A_597 = arith.sitofp %convert_element_type3A_596 : vector<128x64xi32> to vector<128x64xf32>
    %dot_general3A_598 = arith.constant dense<0.000000e+00> : vector<128x64xf32>
    %dot_general3A_599 = tpu.matmul %convert_element_type3A_2, %convert_element_type3A_597, %dot_general3A_598 {dimension_numbers = #tpu.dot_dimension_numbers<[1], [0], [0], [1], [0, 0, 1, 1], [], []>, transpose_lhs_hint = false} : vector<128x128xf32>, vector<128x64xf32>, vector<128x64xf32> -> vector<128x64xf32>
    %add3A_600 = vector.broadcast %add3A_590 : vector<1x64xf32> to vector<128x64xf32>
    %add3A_601 = arith.addf %dot_general3A_599, %add3A_600 : vector<128x64xf32>
    %mul3A_602 = arith.mulf %convert_element_type3A_597, %add3A_601 : vector<128x64xf32>
    %reduce_sum3A_603 = arith.constant dense<0.000000e+00> : vector<128xf32>
    %reduce_sum3A_604 = vector.multi_reduction <add>, %mul3A_602, %reduce_sum3A_603 [1] : vector<128x64xf32> to vector<128xf32>
    %broadcast_in_dim3A_605 = vector.shape_cast %reduce_sum3A_604 : vector<128xf32> to vector<128x1xf32>
    %swap3A_606 = arith.constant 3456 : index
    %swap3A_607 = arith.constant 0 : index
    %swap3A_608 = vector.load %arg5[%swap3A_606, %swap3A_607] : memref<4096x1xf32, #tpu.memory_space<vmem>>, vector<128x1xf32>
    tpu.vector_store %arg5[%swap3A_606, %swap3A_607], %broadcast_in_dim3A_605 {strides = array<i32>} : memref<4096x1xf32, #tpu.memory_space<vmem>>, vector<128x1xf32>,
    %reduce_sum3A_609 = arith.constant dense<0.000000e+00> : vector<64xf32>
    %reduce_sum3A_610 = vector.multi_reduction <add>, %convert_element_type3A_597, %reduce_sum3A_609 [0] : vector<128x64xf32> to vector<64xf32>
    %broadcast_in_dim3A_611 = vector.shape_cast %reduce_sum3A_610 : vector<64xf32> to vector<1x64xf32>
    %add3A_612 = arith.addf %add3A_590, %broadcast_in_dim3A_611 : vector<1x64xf32>
    %get3A_613 = arith.constant 3584 : index
    %get3A_614 = arith.constant 0 : index
    %get3A_615 = vector.load %arg0[%get3A_613, %get3A_614] : memref<4096x1xi32, #tpu.memory_space<vmem>>, vector<128x1xi32>
    %eq3A_616 = vector.broadcast %get3A_615 : vector<128x1xi32> to vector<128x64xi32>
    %eq3A_617 = arith.cmpi eq, %eq3A_616, %iota3A : vector<128x64xi32>
    %convert_element_type3A_618 = arith.extui %eq3A_617 : vector<128x64xi1> to vector<128x64xi32>
    %convert_element_type3A_619 = arith.sitofp %convert_element_type3A_618 : vector<128x64xi32> to vector<128x64xf32>
    %dot_general3A_620 = arith.constant dense<0.000000e+00> : vector<128x64xf32>
    %dot_general3A_621 = tpu.matmul %convert_element_type3A_2, %convert_element_type3A_619, %dot_general3A_620 {dimension_numbers = #tpu.dot_dimension_numbers<[1], [0], [0], [1], [0, 0, 1, 1], [], []>, transpose_lhs_hint = false} : vector<128x128xf32>, vector<128x64xf32>, vector<128x64xf32> -> vector<128x64xf32>
    %add3A_622 = vector.broadcast %add3A_612 : vector<1x64xf32> to vector<128x64xf32>
    %add3A_623 = arith.addf %dot_general3A_621, %add3A_622 : vector<128x64xf32>
    %mul3A_624 = arith.mulf %convert_element_type3A_619, %add3A_623 : vector<128x64xf32>
    %reduce_sum3A_625 = arith.constant dense<0.000000e+00> : vector<128xf32>
    %reduce_sum3A_626 = vector.multi_reduction <add>, %mul3A_624, %reduce_sum3A_625 [1] : vector<128x64xf32> to vector<128xf32>
    %broadcast_in_dim3A_627 = vector.shape_cast %reduce_sum3A_626 : vector<128xf32> to vector<128x1xf32>
    %swap3A_628 = arith.constant 3584 : index
    %swap3A_629 = arith.constant 0 : index
    %swap3A_630 = vector.load %arg5[%swap3A_628, %swap3A_629] : memref<4096x1xf32, #tpu.memory_space<vmem>>, vector<128x1xf32>
    tpu.vector_store %arg5[%swap3A_628, %swap3A_629], %broadcast_in_dim3A_627 {strides = array<i32>} : memref<4096x1xf32, #tpu.memory_space<vmem>>, vector<128x1xf32>,
    %reduce_sum3A_631 = arith.constant dense<0.000000e+00> : vector<64xf32>
    %reduce_sum3A_632 = vector.multi_reduction <add>, %convert_element_type3A_619, %reduce_sum3A_631 [0] : vector<128x64xf32> to vector<64xf32>
    %broadcast_in_dim3A_633 = vector.shape_cast %reduce_sum3A_632 : vector<64xf32> to vector<1x64xf32>
    %add3A_634 = arith.addf %add3A_612, %broadcast_in_dim3A_633 : vector<1x64xf32>
    %get3A_635 = arith.constant 3712 : index
    %get3A_636 = arith.constant 0 : index
    %get3A_637 = vector.load %arg0[%get3A_635, %get3A_636] : memref<4096x1xi32, #tpu.memory_space<vmem>>, vector<128x1xi32>
    %eq3A_638 = vector.broadcast %get3A_637 : vector<128x1xi32> to vector<128x64xi32>
    %eq3A_639 = arith.cmpi eq, %eq3A_638, %iota3A : vector<128x64xi32>
    %convert_element_type3A_640 = arith.extui %eq3A_639 : vector<128x64xi1> to vector<128x64xi32>
    %convert_element_type3A_641 = arith.sitofp %convert_element_type3A_640 : vector<128x64xi32> to vector<128x64xf32>
    %dot_general3A_642 = arith.constant dense<0.000000e+00> : vector<128x64xf32>
    %dot_general3A_643 = tpu.matmul %convert_element_type3A_2, %convert_element_type3A_641, %dot_general3A_642 {dimension_numbers = #tpu.dot_dimension_numbers<[1], [0], [0], [1], [0, 0, 1, 1], [], []>, transpose_lhs_hint = false} : vector<128x128xf32>, vector<128x64xf32>, vector<128x64xf32> -> vector<128x64xf32>
    %add3A_644 = vector.broadcast %add3A_634 : vector<1x64xf32> to vector<128x64xf32>
    %add3A_645 = arith.addf %dot_general3A_643, %add3A_644 : vector<128x64xf32>
    %mul3A_646 = arith.mulf %convert_element_type3A_641, %add3A_645 : vector<128x64xf32>
    %reduce_sum3A_647 = arith.constant dense<0.000000e+00> : vector<128xf32>
    %reduce_sum3A_648 = vector.multi_reduction <add>, %mul3A_646, %reduce_sum3A_647 [1] : vector<128x64xf32> to vector<128xf32>
    %broadcast_in_dim3A_649 = vector.shape_cast %reduce_sum3A_648 : vector<128xf32> to vector<128x1xf32>
    %swap3A_650 = arith.constant 3712 : index
    %swap3A_651 = arith.constant 0 : index
    %swap3A_652 = vector.load %arg5[%swap3A_650, %swap3A_651] : memref<4096x1xf32, #tpu.memory_space<vmem>>, vector<128x1xf32>
    tpu.vector_store %arg5[%swap3A_650, %swap3A_651], %broadcast_in_dim3A_649 {strides = array<i32>} : memref<4096x1xf32, #tpu.memory_space<vmem>>, vector<128x1xf32>,
    %reduce_sum3A_653 = arith.constant dense<0.000000e+00> : vector<64xf32>
    %reduce_sum3A_654 = vector.multi_reduction <add>, %convert_element_type3A_641, %reduce_sum3A_653 [0] : vector<128x64xf32> to vector<64xf32>
    %broadcast_in_dim3A_655 = vector.shape_cast %reduce_sum3A_654 : vector<64xf32> to vector<1x64xf32>
    %add3A_656 = arith.addf %add3A_634, %broadcast_in_dim3A_655 : vector<1x64xf32>
    %get3A_657 = arith.constant 3840 : index
    %get3A_658 = arith.constant 0 : index
    %get3A_659 = vector.load %arg0[%get3A_657, %get3A_658] : memref<4096x1xi32, #tpu.memory_space<vmem>>, vector<128x1xi32>
    %eq3A_660 = vector.broadcast %get3A_659 : vector<128x1xi32> to vector<128x64xi32>
    %eq3A_661 = arith.cmpi eq, %eq3A_660, %iota3A : vector<128x64xi32>
    %convert_element_type3A_662 = arith.extui %eq3A_661 : vector<128x64xi1> to vector<128x64xi32>
    %convert_element_type3A_663 = arith.sitofp %convert_element_type3A_662 : vector<128x64xi32> to vector<128x64xf32>
    %dot_general3A_664 = arith.constant dense<0.000000e+00> : vector<128x64xf32>
    %dot_general3A_665 = tpu.matmul %convert_element_type3A_2, %convert_element_type3A_663, %dot_general3A_664 {dimension_numbers = #tpu.dot_dimension_numbers<[1], [0], [0], [1], [0, 0, 1, 1], [], []>, transpose_lhs_hint = false} : vector<128x128xf32>, vector<128x64xf32>, vector<128x64xf32> -> vector<128x64xf32>
    %add3A_666 = vector.broadcast %add3A_656 : vector<1x64xf32> to vector<128x64xf32>
    %add3A_667 = arith.addf %dot_general3A_665, %add3A_666 : vector<128x64xf32>
    %mul3A_668 = arith.mulf %convert_element_type3A_663, %add3A_667 : vector<128x64xf32>
    %reduce_sum3A_669 = arith.constant dense<0.000000e+00> : vector<128xf32>
    %reduce_sum3A_670 = vector.multi_reduction <add>, %mul3A_668, %reduce_sum3A_669 [1] : vector<128x64xf32> to vector<128xf32>
    %broadcast_in_dim3A_671 = vector.shape_cast %reduce_sum3A_670 : vector<128xf32> to vector<128x1xf32>
    %swap3A_672 = arith.constant 3840 : index
    %swap3A_673 = arith.constant 0 : index
    %swap3A_674 = vector.load %arg5[%swap3A_672, %swap3A_673] : memref<4096x1xf32, #tpu.memory_space<vmem>>, vector<128x1xf32>
    tpu.vector_store %arg5[%swap3A_672, %swap3A_673], %broadcast_in_dim3A_671 {strides = array<i32>} : memref<4096x1xf32, #tpu.memory_space<vmem>>, vector<128x1xf32>,
    %reduce_sum3A_675 = arith.constant dense<0.000000e+00> : vector<64xf32>
    %reduce_sum3A_676 = vector.multi_reduction <add>, %convert_element_type3A_663, %reduce_sum3A_675 [0] : vector<128x64xf32> to vector<64xf32>
    %broadcast_in_dim3A_677 = vector.shape_cast %reduce_sum3A_676 : vector<64xf32> to vector<1x64xf32>
    %add3A_678 = arith.addf %add3A_656, %broadcast_in_dim3A_677 : vector<1x64xf32>
    %get3A_679 = arith.constant 3968 : index
    %get3A_680 = arith.constant 0 : index
    %get3A_681 = vector.load %arg0[%get3A_679, %get3A_680] : memref<4096x1xi32, #tpu.memory_space<vmem>>, vector<128x1xi32>
    %eq3A_682 = vector.broadcast %get3A_681 : vector<128x1xi32> to vector<128x64xi32>
    %eq3A_683 = arith.cmpi eq, %eq3A_682, %iota3A : vector<128x64xi32>
    %convert_element_type3A_684 = arith.extui %eq3A_683 : vector<128x64xi1> to vector<128x64xi32>
    %convert_element_type3A_685 = arith.sitofp %convert_element_type3A_684 : vector<128x64xi32> to vector<128x64xf32>
    %dot_general3A_686 = arith.constant dense<0.000000e+00> : vector<128x64xf32>
    %dot_general3A_687 = tpu.matmul %convert_element_type3A_2, %convert_element_type3A_685, %dot_general3A_686 {dimension_numbers = #tpu.dot_dimension_numbers<[1], [0], [0], [1], [0, 0, 1, 1], [], []>, transpose_lhs_hint = false} : vector<128x128xf32>, vector<128x64xf32>, vector<128x64xf32> -> vector<128x64xf32>
    %add3A_688 = vector.broadcast %add3A_678 : vector<1x64xf32> to vector<128x64xf32>
    %add3A_689 = arith.addf %dot_general3A_687, %add3A_688 : vector<128x64xf32>
    %mul3A_690 = arith.mulf %convert_element_type3A_685, %add3A_689 : vector<128x64xf32>
    %reduce_sum3A_691 = arith.constant dense<0.000000e+00> : vector<128xf32>
    %reduce_sum3A_692 = vector.multi_reduction <add>, %mul3A_690, %reduce_sum3A_691 [1] : vector<128x64xf32> to vector<128xf32>
    %broadcast_in_dim3A_693 = vector.shape_cast %reduce_sum3A_692 : vector<128xf32> to vector<128x1xf32>
    %swap3A_694 = arith.constant 3968 : index
    %swap3A_695 = arith.constant 0 : index
    %swap3A_696 = vector.load %arg5[%swap3A_694, %swap3A_695] : memref<4096x1xf32, #tpu.memory_space<vmem>>, vector<128x1xf32>
    tpu.vector_store %arg5[%swap3A_694, %swap3A_695], %broadcast_in_dim3A_693 {strides = array<i32>} : memref<4096x1xf32, #tpu.memory_space<vmem>>, vector<128x1xf32>,
    %reduce_sum3A_697 = arith.constant dense<0.000000e+00> : vector<64xf32>
    %reduce_sum3A_698 = vector.multi_reduction <add>, %convert_element_type3A_685, %reduce_sum3A_697 [0] : vector<128x64xf32> to vector<64xf32>
    %broadcast_in_dim3A_699 = vector.shape_cast %reduce_sum3A_698 : vector<64xf32> to vector<1x64xf32>
    %add3A_700 = arith.addf %add3A_678, %broadcast_in_dim3A_699 : vector<1x64xf32>
    %get3A_701 = arith.constant 0 : index
    %get3A_702 = arith.constant 0 : index
    %get3A_703 = vector.load %arg1[%get3A_701, %get3A_702] : memref<4096x1xi32, #tpu.memory_space<vmem>>, vector<128x1xi32>
    %eq3A_704 = vector.broadcast %get3A_703 : vector<128x1xi32> to vector<128x64xi32>
    %eq3A_705 = arith.cmpi eq, %eq3A_704, %iota3A : vector<128x64xi32>
    %convert_element_type3A_706 = arith.extui %eq3A_705 : vector<128x64xi1> to vector<128x64xi32>
    %convert_element_type3A_707 = arith.sitofp %convert_element_type3A_706 : vector<128x64xi32> to vector<128x64xf32>
    %dot_general3A_708 = arith.constant dense<0.000000e+00> : vector<128x64xf32>
    %dot_general3A_709 = tpu.matmul %convert_element_type3A_2, %convert_element_type3A_707, %dot_general3A_708 {dimension_numbers = #tpu.dot_dimension_numbers<[1], [0], [0], [1], [0, 0, 1, 1], [], []>, transpose_lhs_hint = false} : vector<128x128xf32>, vector<128x64xf32>, vector<128x64xf32> -> vector<128x64xf32>
    %add3A_710 = vector.broadcast %add3A_700 : vector<1x64xf32> to vector<128x64xf32>
    %add3A_711 = arith.addf %dot_general3A_709, %add3A_710 : vector<128x64xf32>
    %mul3A_712 = arith.mulf %convert_element_type3A_707, %add3A_711 : vector<128x64xf32>
    %reduce_sum3A_713 = arith.constant dense<0.000000e+00> : vector<128xf32>
    %reduce_sum3A_714 = vector.multi_reduction <add>, %mul3A_712, %reduce_sum3A_713 [1] : vector<128x64xf32> to vector<128xf32>
    %broadcast_in_dim3A_715 = vector.shape_cast %reduce_sum3A_714 : vector<128xf32> to vector<128x1xf32>
    %swap3A_716 = arith.constant 0 : index
    %swap3A_717 = arith.constant 0 : index
    %swap3A_718 = vector.load %arg6[%swap3A_716, %swap3A_717] : memref<4096x1xf32, #tpu.memory_space<vmem>>, vector<128x1xf32>
    tpu.vector_store %arg6[%swap3A_716, %swap3A_717], %broadcast_in_dim3A_715 {strides = array<i32>} : memref<4096x1xf32, #tpu.memory_space<vmem>>, vector<128x1xf32>,
    %reduce_sum3A_719 = arith.constant dense<0.000000e+00> : vector<64xf32>
    %reduce_sum3A_720 = vector.multi_reduction <add>, %convert_element_type3A_707, %reduce_sum3A_719 [0] : vector<128x64xf32> to vector<64xf32>
    %broadcast_in_dim3A_721 = vector.shape_cast %reduce_sum3A_720 : vector<64xf32> to vector<1x64xf32>
    %add3A_722 = arith.addf %add3A_700, %broadcast_in_dim3A_721 : vector<1x64xf32>
    %get3A_723 = arith.constant 128 : index
    %get3A_724 = arith.constant 0 : index
    %get3A_725 = vector.load %arg1[%get3A_723, %get3A_724] : memref<4096x1xi32, #tpu.memory_space<vmem>>, vector<128x1xi32>
    %eq3A_726 = vector.broadcast %get3A_725 : vector<128x1xi32> to vector<128x64xi32>
    %eq3A_727 = arith.cmpi eq, %eq3A_726, %iota3A : vector<128x64xi32>
    %convert_element_type3A_728 = arith.extui %eq3A_727 : vector<128x64xi1> to vector<128x64xi32>
    %convert_element_type3A_729 = arith.sitofp %convert_element_type3A_728 : vector<128x64xi32> to vector<128x64xf32>
    %dot_general3A_730 = arith.constant dense<0.000000e+00> : vector<128x64xf32>
    %dot_general3A_731 = tpu.matmul %convert_element_type3A_2, %convert_element_type3A_729, %dot_general3A_730 {dimension_numbers = #tpu.dot_dimension_numbers<[1], [0], [0], [1], [0, 0, 1, 1], [], []>, transpose_lhs_hint = false} : vector<128x128xf32>, vector<128x64xf32>, vector<128x64xf32> -> vector<128x64xf32>
    %add3A_732 = vector.broadcast %add3A_722 : vector<1x64xf32> to vector<128x64xf32>
    %add3A_733 = arith.addf %dot_general3A_731, %add3A_732 : vector<128x64xf32>
    %mul3A_734 = arith.mulf %convert_element_type3A_729, %add3A_733 : vector<128x64xf32>
    %reduce_sum3A_735 = arith.constant dense<0.000000e+00> : vector<128xf32>
    %reduce_sum3A_736 = vector.multi_reduction <add>, %mul3A_734, %reduce_sum3A_735 [1] : vector<128x64xf32> to vector<128xf32>
    %broadcast_in_dim3A_737 = vector.shape_cast %reduce_sum3A_736 : vector<128xf32> to vector<128x1xf32>
    %swap3A_738 = arith.constant 128 : index
    %swap3A_739 = arith.constant 0 : index
    %swap3A_740 = vector.load %arg6[%swap3A_738, %swap3A_739] : memref<4096x1xf32, #tpu.memory_space<vmem>>, vector<128x1xf32>
    tpu.vector_store %arg6[%swap3A_738, %swap3A_739], %broadcast_in_dim3A_737 {strides = array<i32>} : memref<4096x1xf32, #tpu.memory_space<vmem>>, vector<128x1xf32>,
    %reduce_sum3A_741 = arith.constant dense<0.000000e+00> : vector<64xf32>
    %reduce_sum3A_742 = vector.multi_reduction <add>, %convert_element_type3A_729, %reduce_sum3A_741 [0] : vector<128x64xf32> to vector<64xf32>
    %broadcast_in_dim3A_743 = vector.shape_cast %reduce_sum3A_742 : vector<64xf32> to vector<1x64xf32>
    %add3A_744 = arith.addf %add3A_722, %broadcast_in_dim3A_743 : vector<1x64xf32>
    %get3A_745 = arith.constant 256 : index
    %get3A_746 = arith.constant 0 : index
    %get3A_747 = vector.load %arg1[%get3A_745, %get3A_746] : memref<4096x1xi32, #tpu.memory_space<vmem>>, vector<128x1xi32>
    %eq3A_748 = vector.broadcast %get3A_747 : vector<128x1xi32> to vector<128x64xi32>
    %eq3A_749 = arith.cmpi eq, %eq3A_748, %iota3A : vector<128x64xi32>
    %convert_element_type3A_750 = arith.extui %eq3A_749 : vector<128x64xi1> to vector<128x64xi32>
    %convert_element_type3A_751 = arith.sitofp %convert_element_type3A_750 : vector<128x64xi32> to vector<128x64xf32>
    %dot_general3A_752 = arith.constant dense<0.000000e+00> : vector<128x64xf32>
    %dot_general3A_753 = tpu.matmul %convert_element_type3A_2, %convert_element_type3A_751, %dot_general3A_752 {dimension_numbers = #tpu.dot_dimension_numbers<[1], [0], [0], [1], [0, 0, 1, 1], [], []>, transpose_lhs_hint = false} : vector<128x128xf32>, vector<128x64xf32>, vector<128x64xf32> -> vector<128x64xf32>
    %add3A_754 = vector.broadcast %add3A_744 : vector<1x64xf32> to vector<128x64xf32>
    %add3A_755 = arith.addf %dot_general3A_753, %add3A_754 : vector<128x64xf32>
    %mul3A_756 = arith.mulf %convert_element_type3A_751, %add3A_755 : vector<128x64xf32>
    %reduce_sum3A_757 = arith.constant dense<0.000000e+00> : vector<128xf32>
    %reduce_sum3A_758 = vector.multi_reduction <add>, %mul3A_756, %reduce_sum3A_757 [1] : vector<128x64xf32> to vector<128xf32>
    %broadcast_in_dim3A_759 = vector.shape_cast %reduce_sum3A_758 : vector<128xf32> to vector<128x1xf32>
    %swap3A_760 = arith.constant 256 : index
    %swap3A_761 = arith.constant 0 : index
    %swap3A_762 = vector.load %arg6[%swap3A_760, %swap3A_761] : memref<4096x1xf32, #tpu.memory_space<vmem>>, vector<128x1xf32>
    tpu.vector_store %arg6[%swap3A_760, %swap3A_761], %broadcast_in_dim3A_759 {strides = array<i32>} : memref<4096x1xf32, #tpu.memory_space<vmem>>, vector<128x1xf32>,
    %reduce_sum3A_763 = arith.constant dense<0.000000e+00> : vector<64xf32>
    %reduce_sum3A_764 = vector.multi_reduction <add>, %convert_element_type3A_751, %reduce_sum3A_763 [0] : vector<128x64xf32> to vector<64xf32>
    %broadcast_in_dim3A_765 = vector.shape_cast %reduce_sum3A_764 : vector<64xf32> to vector<1x64xf32>
    %add3A_766 = arith.addf %add3A_744, %broadcast_in_dim3A_765 : vector<1x64xf32>
    %get3A_767 = arith.constant 384 : index
    %get3A_768 = arith.constant 0 : index
    %get3A_769 = vector.load %arg1[%get3A_767, %get3A_768] : memref<4096x1xi32, #tpu.memory_space<vmem>>, vector<128x1xi32>
    %eq3A_770 = vector.broadcast %get3A_769 : vector<128x1xi32> to vector<128x64xi32>
    %eq3A_771 = arith.cmpi eq, %eq3A_770, %iota3A : vector<128x64xi32>
    %convert_element_type3A_772 = arith.extui %eq3A_771 : vector<128x64xi1> to vector<128x64xi32>
    %convert_element_type3A_773 = arith.sitofp %convert_element_type3A_772 : vector<128x64xi32> to vector<128x64xf32>
    %dot_general3A_774 = arith.constant dense<0.000000e+00> : vector<128x64xf32>
    %dot_general3A_775 = tpu.matmul %convert_element_type3A_2, %convert_element_type3A_773, %dot_general3A_774 {dimension_numbers = #tpu.dot_dimension_numbers<[1], [0], [0], [1], [0, 0, 1, 1], [], []>, transpose_lhs_hint = false} : vector<128x128xf32>, vector<128x64xf32>, vector<128x64xf32> -> vector<128x64xf32>
    %add3A_776 = vector.broadcast %add3A_766 : vector<1x64xf32> to vector<128x64xf32>
    %add3A_777 = arith.addf %dot_general3A_775, %add3A_776 : vector<128x64xf32>
    %mul3A_778 = arith.mulf %convert_element_type3A_773, %add3A_777 : vector<128x64xf32>
    %reduce_sum3A_779 = arith.constant dense<0.000000e+00> : vector<128xf32>
    %reduce_sum3A_780 = vector.multi_reduction <add>, %mul3A_778, %reduce_sum3A_779 [1] : vector<128x64xf32> to vector<128xf32>
    %broadcast_in_dim3A_781 = vector.shape_cast %reduce_sum3A_780 : vector<128xf32> to vector<128x1xf32>
    %swap3A_782 = arith.constant 384 : index
    %swap3A_783 = arith.constant 0 : index
    %swap3A_784 = vector.load %arg6[%swap3A_782, %swap3A_783] : memref<4096x1xf32, #tpu.memory_space<vmem>>, vector<128x1xf32>
    tpu.vector_store %arg6[%swap3A_782, %swap3A_783], %broadcast_in_dim3A_781 {strides = array<i32>} : memref<4096x1xf32, #tpu.memory_space<vmem>>, vector<128x1xf32>,
    %reduce_sum3A_785 = arith.constant dense<0.000000e+00> : vector<64xf32>
    %reduce_sum3A_786 = vector.multi_reduction <add>, %convert_element_type3A_773, %reduce_sum3A_785 [0] : vector<128x64xf32> to vector<64xf32>
    %broadcast_in_dim3A_787 = vector.shape_cast %reduce_sum3A_786 : vector<64xf32> to vector<1x64xf32>
    %add3A_788 = arith.addf %add3A_766, %broadcast_in_dim3A_787 : vector<1x64xf32>
    %get3A_789 = arith.constant 512 : index
    %get3A_790 = arith.constant 0 : index
    %get3A_791 = vector.load %arg1[%get3A_789, %get3A_790] : memref<4096x1xi32, #tpu.memory_space<vmem>>, vector<128x1xi32>
    %eq3A_792 = vector.broadcast %get3A_791 : vector<128x1xi32> to vector<128x64xi32>
    %eq3A_793 = arith.cmpi eq, %eq3A_792, %iota3A : vector<128x64xi32>
    %convert_element_type3A_794 = arith.extui %eq3A_793 : vector<128x64xi1> to vector<128x64xi32>
    %convert_element_type3A_795 = arith.sitofp %convert_element_type3A_794 : vector<128x64xi32> to vector<128x64xf32>
    %dot_general3A_796 = arith.constant dense<0.000000e+00> : vector<128x64xf32>
    %dot_general3A_797 = tpu.matmul %convert_element_type3A_2, %convert_element_type3A_795, %dot_general3A_796 {dimension_numbers = #tpu.dot_dimension_numbers<[1], [0], [0], [1], [0, 0, 1, 1], [], []>, transpose_lhs_hint = false} : vector<128x128xf32>, vector<128x64xf32>, vector<128x64xf32> -> vector<128x64xf32>
    %add3A_798 = vector.broadcast %add3A_788 : vector<1x64xf32> to vector<128x64xf32>
    %add3A_799 = arith.addf %dot_general3A_797, %add3A_798 : vector<128x64xf32>
    %mul3A_800 = arith.mulf %convert_element_type3A_795, %add3A_799 : vector<128x64xf32>
    %reduce_sum3A_801 = arith.constant dense<0.000000e+00> : vector<128xf32>
    %reduce_sum3A_802 = vector.multi_reduction <add>, %mul3A_800, %reduce_sum3A_801 [1] : vector<128x64xf32> to vector<128xf32>
    %broadcast_in_dim3A_803 = vector.shape_cast %reduce_sum3A_802 : vector<128xf32> to vector<128x1xf32>
    %swap3A_804 = arith.constant 512 : index
    %swap3A_805 = arith.constant 0 : index
    %swap3A_806 = vector.load %arg6[%swap3A_804, %swap3A_805] : memref<4096x1xf32, #tpu.memory_space<vmem>>, vector<128x1xf32>
    tpu.vector_store %arg6[%swap3A_804, %swap3A_805], %broadcast_in_dim3A_803 {strides = array<i32>} : memref<4096x1xf32, #tpu.memory_space<vmem>>, vector<128x1xf32>,
    %reduce_sum3A_807 = arith.constant dense<0.000000e+00> : vector<64xf32>
    %reduce_sum3A_808 = vector.multi_reduction <add>, %convert_element_type3A_795, %reduce_sum3A_807 [0] : vector<128x64xf32> to vector<64xf32>
    %broadcast_in_dim3A_809 = vector.shape_cast %reduce_sum3A_808 : vector<64xf32> to vector<1x64xf32>
    %add3A_810 = arith.addf %add3A_788, %broadcast_in_dim3A_809 : vector<1x64xf32>
    %get3A_811 = arith.constant 640 : index
    %get3A_812 = arith.constant 0 : index
    %get3A_813 = vector.load %arg1[%get3A_811, %get3A_812] : memref<4096x1xi32, #tpu.memory_space<vmem>>, vector<128x1xi32>
    %eq3A_814 = vector.broadcast %get3A_813 : vector<128x1xi32> to vector<128x64xi32>
    %eq3A_815 = arith.cmpi eq, %eq3A_814, %iota3A : vector<128x64xi32>
    %convert_element_type3A_816 = arith.extui %eq3A_815 : vector<128x64xi1> to vector<128x64xi32>
    %convert_element_type3A_817 = arith.sitofp %convert_element_type3A_816 : vector<128x64xi32> to vector<128x64xf32>
    %dot_general3A_818 = arith.constant dense<0.000000e+00> : vector<128x64xf32>
    %dot_general3A_819 = tpu.matmul %convert_element_type3A_2, %convert_element_type3A_817, %dot_general3A_818 {dimension_numbers = #tpu.dot_dimension_numbers<[1], [0], [0], [1], [0, 0, 1, 1], [], []>, transpose_lhs_hint = false} : vector<128x128xf32>, vector<128x64xf32>, vector<128x64xf32> -> vector<128x64xf32>
    %add3A_820 = vector.broadcast %add3A_810 : vector<1x64xf32> to vector<128x64xf32>
    %add3A_821 = arith.addf %dot_general3A_819, %add3A_820 : vector<128x64xf32>
    %mul3A_822 = arith.mulf %convert_element_type3A_817, %add3A_821 : vector<128x64xf32>
    %reduce_sum3A_823 = arith.constant dense<0.000000e+00> : vector<128xf32>
    %reduce_sum3A_824 = vector.multi_reduction <add>, %mul3A_822, %reduce_sum3A_823 [1] : vector<128x64xf32> to vector<128xf32>
    %broadcast_in_dim3A_825 = vector.shape_cast %reduce_sum3A_824 : vector<128xf32> to vector<128x1xf32>
    %swap3A_826 = arith.constant 640 : index
    %swap3A_827 = arith.constant 0 : index
    %swap3A_828 = vector.load %arg6[%swap3A_826, %swap3A_827] : memref<4096x1xf32, #tpu.memory_space<vmem>>, vector<128x1xf32>
    tpu.vector_store %arg6[%swap3A_826, %swap3A_827], %broadcast_in_dim3A_825 {strides = array<i32>} : memref<4096x1xf32, #tpu.memory_space<vmem>>, vector<128x1xf32>,
    %reduce_sum3A_829 = arith.constant dense<0.000000e+00> : vector<64xf32>
    %reduce_sum3A_830 = vector.multi_reduction <add>, %convert_element_type3A_817, %reduce_sum3A_829 [0] : vector<128x64xf32> to vector<64xf32>
    %broadcast_in_dim3A_831 = vector.shape_cast %reduce_sum3A_830 : vector<64xf32> to vector<1x64xf32>
    %add3A_832 = arith.addf %add3A_810, %broadcast_in_dim3A_831 : vector<1x64xf32>
    %get3A_833 = arith.constant 768 : index
    %get3A_834 = arith.constant 0 : index
    %get3A_835 = vector.load %arg1[%get3A_833, %get3A_834] : memref<4096x1xi32, #tpu.memory_space<vmem>>, vector<128x1xi32>
    %eq3A_836 = vector.broadcast %get3A_835 : vector<128x1xi32> to vector<128x64xi32>
    %eq3A_837 = arith.cmpi eq, %eq3A_836, %iota3A : vector<128x64xi32>
    %convert_element_type3A_838 = arith.extui %eq3A_837 : vector<128x64xi1> to vector<128x64xi32>
    %convert_element_type3A_839 = arith.sitofp %convert_element_type3A_838 : vector<128x64xi32> to vector<128x64xf32>
    %dot_general3A_840 = arith.constant dense<0.000000e+00> : vector<128x64xf32>
    %dot_general3A_841 = tpu.matmul %convert_element_type3A_2, %convert_element_type3A_839, %dot_general3A_840 {dimension_numbers = #tpu.dot_dimension_numbers<[1], [0], [0], [1], [0, 0, 1, 1], [], []>, transpose_lhs_hint = false} : vector<128x128xf32>, vector<128x64xf32>, vector<128x64xf32> -> vector<128x64xf32>
    %add3A_842 = vector.broadcast %add3A_832 : vector<1x64xf32> to vector<128x64xf32>
    %add3A_843 = arith.addf %dot_general3A_841, %add3A_842 : vector<128x64xf32>
    %mul3A_844 = arith.mulf %convert_element_type3A_839, %add3A_843 : vector<128x64xf32>
    %reduce_sum3A_845 = arith.constant dense<0.000000e+00> : vector<128xf32>
    %reduce_sum3A_846 = vector.multi_reduction <add>, %mul3A_844, %reduce_sum3A_845 [1] : vector<128x64xf32> to vector<128xf32>
    %broadcast_in_dim3A_847 = vector.shape_cast %reduce_sum3A_846 : vector<128xf32> to vector<128x1xf32>
    %swap3A_848 = arith.constant 768 : index
    %swap3A_849 = arith.constant 0 : index
    %swap3A_850 = vector.load %arg6[%swap3A_848, %swap3A_849] : memref<4096x1xf32, #tpu.memory_space<vmem>>, vector<128x1xf32>
    tpu.vector_store %arg6[%swap3A_848, %swap3A_849], %broadcast_in_dim3A_847 {strides = array<i32>} : memref<4096x1xf32, #tpu.memory_space<vmem>>, vector<128x1xf32>,
    %reduce_sum3A_851 = arith.constant dense<0.000000e+00> : vector<64xf32>
    %reduce_sum3A_852 = vector.multi_reduction <add>, %convert_element_type3A_839, %reduce_sum3A_851 [0] : vector<128x64xf32> to vector<64xf32>
    %broadcast_in_dim3A_853 = vector.shape_cast %reduce_sum3A_852 : vector<64xf32> to vector<1x64xf32>
    %add3A_854 = arith.addf %add3A_832, %broadcast_in_dim3A_853 : vector<1x64xf32>
    %get3A_855 = arith.constant 896 : index
    %get3A_856 = arith.constant 0 : index
    %get3A_857 = vector.load %arg1[%get3A_855, %get3A_856] : memref<4096x1xi32, #tpu.memory_space<vmem>>, vector<128x1xi32>
    %eq3A_858 = vector.broadcast %get3A_857 : vector<128x1xi32> to vector<128x64xi32>
    %eq3A_859 = arith.cmpi eq, %eq3A_858, %iota3A : vector<128x64xi32>
    %convert_element_type3A_860 = arith.extui %eq3A_859 : vector<128x64xi1> to vector<128x64xi32>
    %convert_element_type3A_861 = arith.sitofp %convert_element_type3A_860 : vector<128x64xi32> to vector<128x64xf32>
    %dot_general3A_862 = arith.constant dense<0.000000e+00> : vector<128x64xf32>
    %dot_general3A_863 = tpu.matmul %convert_element_type3A_2, %convert_element_type3A_861, %dot_general3A_862 {dimension_numbers = #tpu.dot_dimension_numbers<[1], [0], [0], [1], [0, 0, 1, 1], [], []>, transpose_lhs_hint = false} : vector<128x128xf32>, vector<128x64xf32>, vector<128x64xf32> -> vector<128x64xf32>
    %add3A_864 = vector.broadcast %add3A_854 : vector<1x64xf32> to vector<128x64xf32>
    %add3A_865 = arith.addf %dot_general3A_863, %add3A_864 : vector<128x64xf32>
    %mul3A_866 = arith.mulf %convert_element_type3A_861, %add3A_865 : vector<128x64xf32>
    %reduce_sum3A_867 = arith.constant dense<0.000000e+00> : vector<128xf32>
    %reduce_sum3A_868 = vector.multi_reduction <add>, %mul3A_866, %reduce_sum3A_867 [1] : vector<128x64xf32> to vector<128xf32>
    %broadcast_in_dim3A_869 = vector.shape_cast %reduce_sum3A_868 : vector<128xf32> to vector<128x1xf32>
    %swap3A_870 = arith.constant 896 : index
    %swap3A_871 = arith.constant 0 : index
    %swap3A_872 = vector.load %arg6[%swap3A_870, %swap3A_871] : memref<4096x1xf32, #tpu.memory_space<vmem>>, vector<128x1xf32>
    tpu.vector_store %arg6[%swap3A_870, %swap3A_871], %broadcast_in_dim3A_869 {strides = array<i32>} : memref<4096x1xf32, #tpu.memory_space<vmem>>, vector<128x1xf32>,
    %reduce_sum3A_873 = arith.constant dense<0.000000e+00> : vector<64xf32>
    %reduce_sum3A_874 = vector.multi_reduction <add>, %convert_element_type3A_861, %reduce_sum3A_873 [0] : vector<128x64xf32> to vector<64xf32>
    %broadcast_in_dim3A_875 = vector.shape_cast %reduce_sum3A_874 : vector<64xf32> to vector<1x64xf32>
    %add3A_876 = arith.addf %add3A_854, %broadcast_in_dim3A_875 : vector<1x64xf32>
    %get3A_877 = arith.constant 1024 : index
    %get3A_878 = arith.constant 0 : index
    %get3A_879 = vector.load %arg1[%get3A_877, %get3A_878] : memref<4096x1xi32, #tpu.memory_space<vmem>>, vector<128x1xi32>
    %eq3A_880 = vector.broadcast %get3A_879 : vector<128x1xi32> to vector<128x64xi32>
    %eq3A_881 = arith.cmpi eq, %eq3A_880, %iota3A : vector<128x64xi32>
    %convert_element_type3A_882 = arith.extui %eq3A_881 : vector<128x64xi1> to vector<128x64xi32>
    %convert_element_type3A_883 = arith.sitofp %convert_element_type3A_882 : vector<128x64xi32> to vector<128x64xf32>
    %dot_general3A_884 = arith.constant dense<0.000000e+00> : vector<128x64xf32>
    %dot_general3A_885 = tpu.matmul %convert_element_type3A_2, %convert_element_type3A_883, %dot_general3A_884 {dimension_numbers = #tpu.dot_dimension_numbers<[1], [0], [0], [1], [0, 0, 1, 1], [], []>, transpose_lhs_hint = false} : vector<128x128xf32>, vector<128x64xf32>, vector<128x64xf32> -> vector<128x64xf32>
    %add3A_886 = vector.broadcast %add3A_876 : vector<1x64xf32> to vector<128x64xf32>
    %add3A_887 = arith.addf %dot_general3A_885, %add3A_886 : vector<128x64xf32>
    %mul3A_888 = arith.mulf %convert_element_type3A_883, %add3A_887 : vector<128x64xf32>
    %reduce_sum3A_889 = arith.constant dense<0.000000e+00> : vector<128xf32>
    %reduce_sum3A_890 = vector.multi_reduction <add>, %mul3A_888, %reduce_sum3A_889 [1] : vector<128x64xf32> to vector<128xf32>
    %broadcast_in_dim3A_891 = vector.shape_cast %reduce_sum3A_890 : vector<128xf32> to vector<128x1xf32>
    %swap3A_892 = arith.constant 1024 : index
    %swap3A_893 = arith.constant 0 : index
    %swap3A_894 = vector.load %arg6[%swap3A_892, %swap3A_893] : memref<4096x1xf32, #tpu.memory_space<vmem>>, vector<128x1xf32>
    tpu.vector_store %arg6[%swap3A_892, %swap3A_893], %broadcast_in_dim3A_891 {strides = array<i32>} : memref<4096x1xf32, #tpu.memory_space<vmem>>, vector<128x1xf32>,
    %reduce_sum3A_895 = arith.constant dense<0.000000e+00> : vector<64xf32>
    %reduce_sum3A_896 = vector.multi_reduction <add>, %convert_element_type3A_883, %reduce_sum3A_895 [0] : vector<128x64xf32> to vector<64xf32>
    %broadcast_in_dim3A_897 = vector.shape_cast %reduce_sum3A_896 : vector<64xf32> to vector<1x64xf32>
    %add3A_898 = arith.addf %add3A_876, %broadcast_in_dim3A_897 : vector<1x64xf32>
    %get3A_899 = arith.constant 1152 : index
    %get3A_900 = arith.constant 0 : index
    %get3A_901 = vector.load %arg1[%get3A_899, %get3A_900] : memref<4096x1xi32, #tpu.memory_space<vmem>>, vector<128x1xi32>
    %eq3A_902 = vector.broadcast %get3A_901 : vector<128x1xi32> to vector<128x64xi32>
    %eq3A_903 = arith.cmpi eq, %eq3A_902, %iota3A : vector<128x64xi32>
    %convert_element_type3A_904 = arith.extui %eq3A_903 : vector<128x64xi1> to vector<128x64xi32>
    %convert_element_type3A_905 = arith.sitofp %convert_element_type3A_904 : vector<128x64xi32> to vector<128x64xf32>
    %dot_general3A_906 = arith.constant dense<0.000000e+00> : vector<128x64xf32>
    %dot_general3A_907 = tpu.matmul %convert_element_type3A_2, %convert_element_type3A_905, %dot_general3A_906 {dimension_numbers = #tpu.dot_dimension_numbers<[1], [0], [0], [1], [0, 0, 1, 1], [], []>, transpose_lhs_hint = false} : vector<128x128xf32>, vector<128x64xf32>, vector<128x64xf32> -> vector<128x64xf32>
    %add3A_908 = vector.broadcast %add3A_898 : vector<1x64xf32> to vector<128x64xf32>
    %add3A_909 = arith.addf %dot_general3A_907, %add3A_908 : vector<128x64xf32>
    %mul3A_910 = arith.mulf %convert_element_type3A_905, %add3A_909 : vector<128x64xf32>
    %reduce_sum3A_911 = arith.constant dense<0.000000e+00> : vector<128xf32>
    %reduce_sum3A_912 = vector.multi_reduction <add>, %mul3A_910, %reduce_sum3A_911 [1] : vector<128x64xf32> to vector<128xf32>
    %broadcast_in_dim3A_913 = vector.shape_cast %reduce_sum3A_912 : vector<128xf32> to vector<128x1xf32>
    %swap3A_914 = arith.constant 1152 : index
    %swap3A_915 = arith.constant 0 : index
    %swap3A_916 = vector.load %arg6[%swap3A_914, %swap3A_915] : memref<4096x1xf32, #tpu.memory_space<vmem>>, vector<128x1xf32>
    tpu.vector_store %arg6[%swap3A_914, %swap3A_915], %broadcast_in_dim3A_913 {strides = array<i32>} : memref<4096x1xf32, #tpu.memory_space<vmem>>, vector<128x1xf32>,
    %reduce_sum3A_917 = arith.constant dense<0.000000e+00> : vector<64xf32>
    %reduce_sum3A_918 = vector.multi_reduction <add>, %convert_element_type3A_905, %reduce_sum3A_917 [0] : vector<128x64xf32> to vector<64xf32>
    %broadcast_in_dim3A_919 = vector.shape_cast %reduce_sum3A_918 : vector<64xf32> to vector<1x64xf32>
    %add3A_920 = arith.addf %add3A_898, %broadcast_in_dim3A_919 : vector<1x64xf32>
    %get3A_921 = arith.constant 1280 : index
    %get3A_922 = arith.constant 0 : index
    %get3A_923 = vector.load %arg1[%get3A_921, %get3A_922] : memref<4096x1xi32, #tpu.memory_space<vmem>>, vector<128x1xi32>
    %eq3A_924 = vector.broadcast %get3A_923 : vector<128x1xi32> to vector<128x64xi32>
    %eq3A_925 = arith.cmpi eq, %eq3A_924, %iota3A : vector<128x64xi32>
    %convert_element_type3A_926 = arith.extui %eq3A_925 : vector<128x64xi1> to vector<128x64xi32>
    %convert_element_type3A_927 = arith.sitofp %convert_element_type3A_926 : vector<128x64xi32> to vector<128x64xf32>
    %dot_general3A_928 = arith.constant dense<0.000000e+00> : vector<128x64xf32>
    %dot_general3A_929 = tpu.matmul %convert_element_type3A_2, %convert_element_type3A_927, %dot_general3A_928 {dimension_numbers = #tpu.dot_dimension_numbers<[1], [0], [0], [1], [0, 0, 1, 1], [], []>, transpose_lhs_hint = false} : vector<128x128xf32>, vector<128x64xf32>, vector<128x64xf32> -> vector<128x64xf32>
    %add3A_930 = vector.broadcast %add3A_920 : vector<1x64xf32> to vector<128x64xf32>
    %add3A_931 = arith.addf %dot_general3A_929, %add3A_930 : vector<128x64xf32>
    %mul3A_932 = arith.mulf %convert_element_type3A_927, %add3A_931 : vector<128x64xf32>
    %reduce_sum3A_933 = arith.constant dense<0.000000e+00> : vector<128xf32>
    %reduce_sum3A_934 = vector.multi_reduction <add>, %mul3A_932, %reduce_sum3A_933 [1] : vector<128x64xf32> to vector<128xf32>
    %broadcast_in_dim3A_935 = vector.shape_cast %reduce_sum3A_934 : vector<128xf32> to vector<128x1xf32>
    %swap3A_936 = arith.constant 1280 : index
    %swap3A_937 = arith.constant 0 : index
    %swap3A_938 = vector.load %arg6[%swap3A_936, %swap3A_937] : memref<4096x1xf32, #tpu.memory_space<vmem>>, vector<128x1xf32>
    tpu.vector_store %arg6[%swap3A_936, %swap3A_937], %broadcast_in_dim3A_935 {strides = array<i32>} : memref<4096x1xf32, #tpu.memory_space<vmem>>, vector<128x1xf32>,
    %reduce_sum3A_939 = arith.constant dense<0.000000e+00> : vector<64xf32>
    %reduce_sum3A_940 = vector.multi_reduction <add>, %convert_element_type3A_927, %reduce_sum3A_939 [0] : vector<128x64xf32> to vector<64xf32>
    %broadcast_in_dim3A_941 = vector.shape_cast %reduce_sum3A_940 : vector<64xf32> to vector<1x64xf32>
    %add3A_942 = arith.addf %add3A_920, %broadcast_in_dim3A_941 : vector<1x64xf32>
    %get3A_943 = arith.constant 1408 : index
    %get3A_944 = arith.constant 0 : index
    %get3A_945 = vector.load %arg1[%get3A_943, %get3A_944] : memref<4096x1xi32, #tpu.memory_space<vmem>>, vector<128x1xi32>
    %eq3A_946 = vector.broadcast %get3A_945 : vector<128x1xi32> to vector<128x64xi32>
    %eq3A_947 = arith.cmpi eq, %eq3A_946, %iota3A : vector<128x64xi32>
    %convert_element_type3A_948 = arith.extui %eq3A_947 : vector<128x64xi1> to vector<128x64xi32>
    %convert_element_type3A_949 = arith.sitofp %convert_element_type3A_948 : vector<128x64xi32> to vector<128x64xf32>
    %dot_general3A_950 = arith.constant dense<0.000000e+00> : vector<128x64xf32>
    %dot_general3A_951 = tpu.matmul %convert_element_type3A_2, %convert_element_type3A_949, %dot_general3A_950 {dimension_numbers = #tpu.dot_dimension_numbers<[1], [0], [0], [1], [0, 0, 1, 1], [], []>, transpose_lhs_hint = false} : vector<128x128xf32>, vector<128x64xf32>, vector<128x64xf32> -> vector<128x64xf32>
    %add3A_952 = vector.broadcast %add3A_942 : vector<1x64xf32> to vector<128x64xf32>
    %add3A_953 = arith.addf %dot_general3A_951, %add3A_952 : vector<128x64xf32>
    %mul3A_954 = arith.mulf %convert_element_type3A_949, %add3A_953 : vector<128x64xf32>
    %reduce_sum3A_955 = arith.constant dense<0.000000e+00> : vector<128xf32>
    %reduce_sum3A_956 = vector.multi_reduction <add>, %mul3A_954, %reduce_sum3A_955 [1] : vector<128x64xf32> to vector<128xf32>
    %broadcast_in_dim3A_957 = vector.shape_cast %reduce_sum3A_956 : vector<128xf32> to vector<128x1xf32>
    %swap3A_958 = arith.constant 1408 : index
    %swap3A_959 = arith.constant 0 : index
    %swap3A_960 = vector.load %arg6[%swap3A_958, %swap3A_959] : memref<4096x1xf32, #tpu.memory_space<vmem>>, vector<128x1xf32>
    tpu.vector_store %arg6[%swap3A_958, %swap3A_959], %broadcast_in_dim3A_957 {strides = array<i32>} : memref<4096x1xf32, #tpu.memory_space<vmem>>, vector<128x1xf32>,
    %reduce_sum3A_961 = arith.constant dense<0.000000e+00> : vector<64xf32>
    %reduce_sum3A_962 = vector.multi_reduction <add>, %convert_element_type3A_949, %reduce_sum3A_961 [0] : vector<128x64xf32> to vector<64xf32>
    %broadcast_in_dim3A_963 = vector.shape_cast %reduce_sum3A_962 : vector<64xf32> to vector<1x64xf32>
    %add3A_964 = arith.addf %add3A_942, %broadcast_in_dim3A_963 : vector<1x64xf32>
    %get3A_965 = arith.constant 1536 : index
    %get3A_966 = arith.constant 0 : index
    %get3A_967 = vector.load %arg1[%get3A_965, %get3A_966] : memref<4096x1xi32, #tpu.memory_space<vmem>>, vector<128x1xi32>
    %eq3A_968 = vector.broadcast %get3A_967 : vector<128x1xi32> to vector<128x64xi32>
    %eq3A_969 = arith.cmpi eq, %eq3A_968, %iota3A : vector<128x64xi32>
    %convert_element_type3A_970 = arith.extui %eq3A_969 : vector<128x64xi1> to vector<128x64xi32>
    %convert_element_type3A_971 = arith.sitofp %convert_element_type3A_970 : vector<128x64xi32> to vector<128x64xf32>
    %dot_general3A_972 = arith.constant dense<0.000000e+00> : vector<128x64xf32>
    %dot_general3A_973 = tpu.matmul %convert_element_type3A_2, %convert_element_type3A_971, %dot_general3A_972 {dimension_numbers = #tpu.dot_dimension_numbers<[1], [0], [0], [1], [0, 0, 1, 1], [], []>, transpose_lhs_hint = false} : vector<128x128xf32>, vector<128x64xf32>, vector<128x64xf32> -> vector<128x64xf32>
    %add3A_974 = vector.broadcast %add3A_964 : vector<1x64xf32> to vector<128x64xf32>
    %add3A_975 = arith.addf %dot_general3A_973, %add3A_974 : vector<128x64xf32>
    %mul3A_976 = arith.mulf %convert_element_type3A_971, %add3A_975 : vector<128x64xf32>
    %reduce_sum3A_977 = arith.constant dense<0.000000e+00> : vector<128xf32>
    %reduce_sum3A_978 = vector.multi_reduction <add>, %mul3A_976, %reduce_sum3A_977 [1] : vector<128x64xf32> to vector<128xf32>
    %broadcast_in_dim3A_979 = vector.shape_cast %reduce_sum3A_978 : vector<128xf32> to vector<128x1xf32>
    %swap3A_980 = arith.constant 1536 : index
    %swap3A_981 = arith.constant 0 : index
    %swap3A_982 = vector.load %arg6[%swap3A_980, %swap3A_981] : memref<4096x1xf32, #tpu.memory_space<vmem>>, vector<128x1xf32>
    tpu.vector_store %arg6[%swap3A_980, %swap3A_981], %broadcast_in_dim3A_979 {strides = array<i32>} : memref<4096x1xf32, #tpu.memory_space<vmem>>, vector<128x1xf32>,
    %reduce_sum3A_983 = arith.constant dense<0.000000e+00> : vector<64xf32>
    %reduce_sum3A_984 = vector.multi_reduction <add>, %convert_element_type3A_971, %reduce_sum3A_983 [0] : vector<128x64xf32> to vector<64xf32>
    %broadcast_in_dim3A_985 = vector.shape_cast %reduce_sum3A_984 : vector<64xf32> to vector<1x64xf32>
    %add3A_986 = arith.addf %add3A_964, %broadcast_in_dim3A_985 : vector<1x64xf32>
    %get3A_987 = arith.constant 1664 : index
    %get3A_988 = arith.constant 0 : index
    %get3A_989 = vector.load %arg1[%get3A_987, %get3A_988] : memref<4096x1xi32, #tpu.memory_space<vmem>>, vector<128x1xi32>
    %eq3A_990 = vector.broadcast %get3A_989 : vector<128x1xi32> to vector<128x64xi32>
    %eq3A_991 = arith.cmpi eq, %eq3A_990, %iota3A : vector<128x64xi32>
    %convert_element_type3A_992 = arith.extui %eq3A_991 : vector<128x64xi1> to vector<128x64xi32>
    %convert_element_type3A_993 = arith.sitofp %convert_element_type3A_992 : vector<128x64xi32> to vector<128x64xf32>
    %dot_general3A_994 = arith.constant dense<0.000000e+00> : vector<128x64xf32>
    %dot_general3A_995 = tpu.matmul %convert_element_type3A_2, %convert_element_type3A_993, %dot_general3A_994 {dimension_numbers = #tpu.dot_dimension_numbers<[1], [0], [0], [1], [0, 0, 1, 1], [], []>, transpose_lhs_hint = false} : vector<128x128xf32>, vector<128x64xf32>, vector<128x64xf32> -> vector<128x64xf32>
    %add3A_996 = vector.broadcast %add3A_986 : vector<1x64xf32> to vector<128x64xf32>
    %add3A_997 = arith.addf %dot_general3A_995, %add3A_996 : vector<128x64xf32>
    %mul3A_998 = arith.mulf %convert_element_type3A_993, %add3A_997 : vector<128x64xf32>
    %reduce_sum3A_999 = arith.constant dense<0.000000e+00> : vector<128xf32>
    %reduce_sum3A_1000 = vector.multi_reduction <add>, %mul3A_998, %reduce_sum3A_999 [1] : vector<128x64xf32> to vector<128xf32>
    %broadcast_in_dim3A_1001 = vector.shape_cast %reduce_sum3A_1000 : vector<128xf32> to vector<128x1xf32>
    %swap3A_1002 = arith.constant 1664 : index
    %swap3A_1003 = arith.constant 0 : index
    %swap3A_1004 = vector.load %arg6[%swap3A_1002, %swap3A_1003] : memref<4096x1xf32, #tpu.memory_space<vmem>>, vector<128x1xf32>
    tpu.vector_store %arg6[%swap3A_1002, %swap3A_1003], %broadcast_in_dim3A_1001 {strides = array<i32>} : memref<4096x1xf32, #tpu.memory_space<vmem>>, vector<128x1xf32>,
    %reduce_sum3A_1005 = arith.constant dense<0.000000e+00> : vector<64xf32>
    %reduce_sum3A_1006 = vector.multi_reduction <add>, %convert_element_type3A_993, %reduce_sum3A_1005 [0] : vector<128x64xf32> to vector<64xf32>
    %broadcast_in_dim3A_1007 = vector.shape_cast %reduce_sum3A_1006 : vector<64xf32> to vector<1x64xf32>
    %add3A_1008 = arith.addf %add3A_986, %broadcast_in_dim3A_1007 : vector<1x64xf32>
    %get3A_1009 = arith.constant 1792 : index
    %get3A_1010 = arith.constant 0 : index
    %get3A_1011 = vector.load %arg1[%get3A_1009, %get3A_1010] : memref<4096x1xi32, #tpu.memory_space<vmem>>, vector<128x1xi32>
    %eq3A_1012 = vector.broadcast %get3A_1011 : vector<128x1xi32> to vector<128x64xi32>
    %eq3A_1013 = arith.cmpi eq, %eq3A_1012, %iota3A : vector<128x64xi32>
    %convert_element_type3A_1014 = arith.extui %eq3A_1013 : vector<128x64xi1> to vector<128x64xi32>
    %convert_element_type3A_1015 = arith.sitofp %convert_element_type3A_1014 : vector<128x64xi32> to vector<128x64xf32>
    %dot_general3A_1016 = arith.constant dense<0.000000e+00> : vector<128x64xf32>
    %dot_general3A_1017 = tpu.matmul %convert_element_type3A_2, %convert_element_type3A_1015, %dot_general3A_1016 {dimension_numbers = #tpu.dot_dimension_numbers<[1], [0], [0], [1], [0, 0, 1, 1], [], []>, transpose_lhs_hint = false} : vector<128x128xf32>, vector<128x64xf32>, vector<128x64xf32> -> vector<128x64xf32>
    %add3A_1018 = vector.broadcast %add3A_1008 : vector<1x64xf32> to vector<128x64xf32>
    %add3A_1019 = arith.addf %dot_general3A_1017, %add3A_1018 : vector<128x64xf32>
    %mul3A_1020 = arith.mulf %convert_element_type3A_1015, %add3A_1019 : vector<128x64xf32>
    %reduce_sum3A_1021 = arith.constant dense<0.000000e+00> : vector<128xf32>
    %reduce_sum3A_1022 = vector.multi_reduction <add>, %mul3A_1020, %reduce_sum3A_1021 [1] : vector<128x64xf32> to vector<128xf32>
    %broadcast_in_dim3A_1023 = vector.shape_cast %reduce_sum3A_1022 : vector<128xf32> to vector<128x1xf32>
    %swap3A_1024 = arith.constant 1792 : index
    %swap3A_1025 = arith.constant 0 : index
    %swap3A_1026 = vector.load %arg6[%swap3A_1024, %swap3A_1025] : memref<4096x1xf32, #tpu.memory_space<vmem>>, vector<128x1xf32>
    tpu.vector_store %arg6[%swap3A_1024, %swap3A_1025], %broadcast_in_dim3A_1023 {strides = array<i32>} : memref<4096x1xf32, #tpu.memory_space<vmem>>, vector<128x1xf32>,
    %reduce_sum3A_1027 = arith.constant dense<0.000000e+00> : vector<64xf32>
    %reduce_sum3A_1028 = vector.multi_reduction <add>, %convert_element_type3A_1015, %reduce_sum3A_1027 [0] : vector<128x64xf32> to vector<64xf32>
    %broadcast_in_dim3A_1029 = vector.shape_cast %reduce_sum3A_1028 : vector<64xf32> to vector<1x64xf32>
    %add3A_1030 = arith.addf %add3A_1008, %broadcast_in_dim3A_1029 : vector<1x64xf32>
    %get3A_1031 = arith.constant 1920 : index
    %get3A_1032 = arith.constant 0 : index
    %get3A_1033 = vector.load %arg1[%get3A_1031, %get3A_1032] : memref<4096x1xi32, #tpu.memory_space<vmem>>, vector<128x1xi32>
    %eq3A_1034 = vector.broadcast %get3A_1033 : vector<128x1xi32> to vector<128x64xi32>
    %eq3A_1035 = arith.cmpi eq, %eq3A_1034, %iota3A : vector<128x64xi32>
    %convert_element_type3A_1036 = arith.extui %eq3A_1035 : vector<128x64xi1> to vector<128x64xi32>
    %convert_element_type3A_1037 = arith.sitofp %convert_element_type3A_1036 : vector<128x64xi32> to vector<128x64xf32>
    %dot_general3A_1038 = arith.constant dense<0.000000e+00> : vector<128x64xf32>
    %dot_general3A_1039 = tpu.matmul %convert_element_type3A_2, %convert_element_type3A_1037, %dot_general3A_1038 {dimension_numbers = #tpu.dot_dimension_numbers<[1], [0], [0], [1], [0, 0, 1, 1], [], []>, transpose_lhs_hint = false} : vector<128x128xf32>, vector<128x64xf32>, vector<128x64xf32> -> vector<128x64xf32>
    %add3A_1040 = vector.broadcast %add3A_1030 : vector<1x64xf32> to vector<128x64xf32>
    %add3A_1041 = arith.addf %dot_general3A_1039, %add3A_1040 : vector<128x64xf32>
    %mul3A_1042 = arith.mulf %convert_element_type3A_1037, %add3A_1041 : vector<128x64xf32>
    %reduce_sum3A_1043 = arith.constant dense<0.000000e+00> : vector<128xf32>
    %reduce_sum3A_1044 = vector.multi_reduction <add>, %mul3A_1042, %reduce_sum3A_1043 [1] : vector<128x64xf32> to vector<128xf32>
    %broadcast_in_dim3A_1045 = vector.shape_cast %reduce_sum3A_1044 : vector<128xf32> to vector<128x1xf32>
    %swap3A_1046 = arith.constant 1920 : index
    %swap3A_1047 = arith.constant 0 : index
    %swap3A_1048 = vector.load %arg6[%swap3A_1046, %swap3A_1047] : memref<4096x1xf32, #tpu.memory_space<vmem>>, vector<128x1xf32>
    tpu.vector_store %arg6[%swap3A_1046, %swap3A_1047], %broadcast_in_dim3A_1045 {strides = array<i32>} : memref<4096x1xf32, #tpu.memory_space<vmem>>, vector<128x1xf32>,
    %reduce_sum3A_1049 = arith.constant dense<0.000000e+00> : vector<64xf32>
    %reduce_sum3A_1050 = vector.multi_reduction <add>, %convert_element_type3A_1037, %reduce_sum3A_1049 [0] : vector<128x64xf32> to vector<64xf32>
    %broadcast_in_dim3A_1051 = vector.shape_cast %reduce_sum3A_1050 : vector<64xf32> to vector<1x64xf32>
    %add3A_1052 = arith.addf %add3A_1030, %broadcast_in_dim3A_1051 : vector<1x64xf32>
    %get3A_1053 = arith.constant 2048 : index
    %get3A_1054 = arith.constant 0 : index
    %get3A_1055 = vector.load %arg1[%get3A_1053, %get3A_1054] : memref<4096x1xi32, #tpu.memory_space<vmem>>, vector<128x1xi32>
    %eq3A_1056 = vector.broadcast %get3A_1055 : vector<128x1xi32> to vector<128x64xi32>
    %eq3A_1057 = arith.cmpi eq, %eq3A_1056, %iota3A : vector<128x64xi32>
    %convert_element_type3A_1058 = arith.extui %eq3A_1057 : vector<128x64xi1> to vector<128x64xi32>
    %convert_element_type3A_1059 = arith.sitofp %convert_element_type3A_1058 : vector<128x64xi32> to vector<128x64xf32>
    %dot_general3A_1060 = arith.constant dense<0.000000e+00> : vector<128x64xf32>
    %dot_general3A_1061 = tpu.matmul %convert_element_type3A_2, %convert_element_type3A_1059, %dot_general3A_1060 {dimension_numbers = #tpu.dot_dimension_numbers<[1], [0], [0], [1], [0, 0, 1, 1], [], []>, transpose_lhs_hint = false} : vector<128x128xf32>, vector<128x64xf32>, vector<128x64xf32> -> vector<128x64xf32>
    %add3A_1062 = vector.broadcast %add3A_1052 : vector<1x64xf32> to vector<128x64xf32>
    %add3A_1063 = arith.addf %dot_general3A_1061, %add3A_1062 : vector<128x64xf32>
    %mul3A_1064 = arith.mulf %convert_element_type3A_1059, %add3A_1063 : vector<128x64xf32>
    %reduce_sum3A_1065 = arith.constant dense<0.000000e+00> : vector<128xf32>
    %reduce_sum3A_1066 = vector.multi_reduction <add>, %mul3A_1064, %reduce_sum3A_1065 [1] : vector<128x64xf32> to vector<128xf32>
    %broadcast_in_dim3A_1067 = vector.shape_cast %reduce_sum3A_1066 : vector<128xf32> to vector<128x1xf32>
    %swap3A_1068 = arith.constant 2048 : index
    %swap3A_1069 = arith.constant 0 : index
    %swap3A_1070 = vector.load %arg6[%swap3A_1068, %swap3A_1069] : memref<4096x1xf32, #tpu.memory_space<vmem>>, vector<128x1xf32>
    tpu.vector_store %arg6[%swap3A_1068, %swap3A_1069], %broadcast_in_dim3A_1067 {strides = array<i32>} : memref<4096x1xf32, #tpu.memory_space<vmem>>, vector<128x1xf32>,
    %reduce_sum3A_1071 = arith.constant dense<0.000000e+00> : vector<64xf32>
    %reduce_sum3A_1072 = vector.multi_reduction <add>, %convert_element_type3A_1059, %reduce_sum3A_1071 [0] : vector<128x64xf32> to vector<64xf32>
    %broadcast_in_dim3A_1073 = vector.shape_cast %reduce_sum3A_1072 : vector<64xf32> to vector<1x64xf32>
    %add3A_1074 = arith.addf %add3A_1052, %broadcast_in_dim3A_1073 : vector<1x64xf32>
    %get3A_1075 = arith.constant 2176 : index
    %get3A_1076 = arith.constant 0 : index
    %get3A_1077 = vector.load %arg1[%get3A_1075, %get3A_1076] : memref<4096x1xi32, #tpu.memory_space<vmem>>, vector<128x1xi32>
    %eq3A_1078 = vector.broadcast %get3A_1077 : vector<128x1xi32> to vector<128x64xi32>
    %eq3A_1079 = arith.cmpi eq, %eq3A_1078, %iota3A : vector<128x64xi32>
    %convert_element_type3A_1080 = arith.extui %eq3A_1079 : vector<128x64xi1> to vector<128x64xi32>
    %convert_element_type3A_1081 = arith.sitofp %convert_element_type3A_1080 : vector<128x64xi32> to vector<128x64xf32>
    %dot_general3A_1082 = arith.constant dense<0.000000e+00> : vector<128x64xf32>
    %dot_general3A_1083 = tpu.matmul %convert_element_type3A_2, %convert_element_type3A_1081, %dot_general3A_1082 {dimension_numbers = #tpu.dot_dimension_numbers<[1], [0], [0], [1], [0, 0, 1, 1], [], []>, transpose_lhs_hint = false} : vector<128x128xf32>, vector<128x64xf32>, vector<128x64xf32> -> vector<128x64xf32>
    %add3A_1084 = vector.broadcast %add3A_1074 : vector<1x64xf32> to vector<128x64xf32>
    %add3A_1085 = arith.addf %dot_general3A_1083, %add3A_1084 : vector<128x64xf32>
    %mul3A_1086 = arith.mulf %convert_element_type3A_1081, %add3A_1085 : vector<128x64xf32>
    %reduce_sum3A_1087 = arith.constant dense<0.000000e+00> : vector<128xf32>
    %reduce_sum3A_1088 = vector.multi_reduction <add>, %mul3A_1086, %reduce_sum3A_1087 [1] : vector<128x64xf32> to vector<128xf32>
    %broadcast_in_dim3A_1089 = vector.shape_cast %reduce_sum3A_1088 : vector<128xf32> to vector<128x1xf32>
    %swap3A_1090 = arith.constant 2176 : index
    %swap3A_1091 = arith.constant 0 : index
    %swap3A_1092 = vector.load %arg6[%swap3A_1090, %swap3A_1091] : memref<4096x1xf32, #tpu.memory_space<vmem>>, vector<128x1xf32>
    tpu.vector_store %arg6[%swap3A_1090, %swap3A_1091], %broadcast_in_dim3A_1089 {strides = array<i32>} : memref<4096x1xf32, #tpu.memory_space<vmem>>, vector<128x1xf32>,
    %reduce_sum3A_1093 = arith.constant dense<0.000000e+00> : vector<64xf32>
    %reduce_sum3A_1094 = vector.multi_reduction <add>, %convert_element_type3A_1081, %reduce_sum3A_1093 [0] : vector<128x64xf32> to vector<64xf32>
    %broadcast_in_dim3A_1095 = vector.shape_cast %reduce_sum3A_1094 : vector<64xf32> to vector<1x64xf32>
    %add3A_1096 = arith.addf %add3A_1074, %broadcast_in_dim3A_1095 : vector<1x64xf32>
    %get3A_1097 = arith.constant 2304 : index
    %get3A_1098 = arith.constant 0 : index
    %get3A_1099 = vector.load %arg1[%get3A_1097, %get3A_1098] : memref<4096x1xi32, #tpu.memory_space<vmem>>, vector<128x1xi32>
    %eq3A_1100 = vector.broadcast %get3A_1099 : vector<128x1xi32> to vector<128x64xi32>
    %eq3A_1101 = arith.cmpi eq, %eq3A_1100, %iota3A : vector<128x64xi32>
    %convert_element_type3A_1102 = arith.extui %eq3A_1101 : vector<128x64xi1> to vector<128x64xi32>
    %convert_element_type3A_1103 = arith.sitofp %convert_element_type3A_1102 : vector<128x64xi32> to vector<128x64xf32>
    %dot_general3A_1104 = arith.constant dense<0.000000e+00> : vector<128x64xf32>
    %dot_general3A_1105 = tpu.matmul %convert_element_type3A_2, %convert_element_type3A_1103, %dot_general3A_1104 {dimension_numbers = #tpu.dot_dimension_numbers<[1], [0], [0], [1], [0, 0, 1, 1], [], []>, transpose_lhs_hint = false} : vector<128x128xf32>, vector<128x64xf32>, vector<128x64xf32> -> vector<128x64xf32>
    %add3A_1106 = vector.broadcast %add3A_1096 : vector<1x64xf32> to vector<128x64xf32>
    %add3A_1107 = arith.addf %dot_general3A_1105, %add3A_1106 : vector<128x64xf32>
    %mul3A_1108 = arith.mulf %convert_element_type3A_1103, %add3A_1107 : vector<128x64xf32>
    %reduce_sum3A_1109 = arith.constant dense<0.000000e+00> : vector<128xf32>
    %reduce_sum3A_1110 = vector.multi_reduction <add>, %mul3A_1108, %reduce_sum3A_1109 [1] : vector<128x64xf32> to vector<128xf32>
    %broadcast_in_dim3A_1111 = vector.shape_cast %reduce_sum3A_1110 : vector<128xf32> to vector<128x1xf32>
    %swap3A_1112 = arith.constant 2304 : index
    %swap3A_1113 = arith.constant 0 : index
    %swap3A_1114 = vector.load %arg6[%swap3A_1112, %swap3A_1113] : memref<4096x1xf32, #tpu.memory_space<vmem>>, vector<128x1xf32>
    tpu.vector_store %arg6[%swap3A_1112, %swap3A_1113], %broadcast_in_dim3A_1111 {strides = array<i32>} : memref<4096x1xf32, #tpu.memory_space<vmem>>, vector<128x1xf32>,
    %reduce_sum3A_1115 = arith.constant dense<0.000000e+00> : vector<64xf32>
    %reduce_sum3A_1116 = vector.multi_reduction <add>, %convert_element_type3A_1103, %reduce_sum3A_1115 [0] : vector<128x64xf32> to vector<64xf32>
    %broadcast_in_dim3A_1117 = vector.shape_cast %reduce_sum3A_1116 : vector<64xf32> to vector<1x64xf32>
    %add3A_1118 = arith.addf %add3A_1096, %broadcast_in_dim3A_1117 : vector<1x64xf32>
    %get3A_1119 = arith.constant 2432 : index
    %get3A_1120 = arith.constant 0 : index
    %get3A_1121 = vector.load %arg1[%get3A_1119, %get3A_1120] : memref<4096x1xi32, #tpu.memory_space<vmem>>, vector<128x1xi32>
    %eq3A_1122 = vector.broadcast %get3A_1121 : vector<128x1xi32> to vector<128x64xi32>
    %eq3A_1123 = arith.cmpi eq, %eq3A_1122, %iota3A : vector<128x64xi32>
    %convert_element_type3A_1124 = arith.extui %eq3A_1123 : vector<128x64xi1> to vector<128x64xi32>
    %convert_element_type3A_1125 = arith.sitofp %convert_element_type3A_1124 : vector<128x64xi32> to vector<128x64xf32>
    %dot_general3A_1126 = arith.constant dense<0.000000e+00> : vector<128x64xf32>
    %dot_general3A_1127 = tpu.matmul %convert_element_type3A_2, %convert_element_type3A_1125, %dot_general3A_1126 {dimension_numbers = #tpu.dot_dimension_numbers<[1], [0], [0], [1], [0, 0, 1, 1], [], []>, transpose_lhs_hint = false} : vector<128x128xf32>, vector<128x64xf32>, vector<128x64xf32> -> vector<128x64xf32>
    %add3A_1128 = vector.broadcast %add3A_1118 : vector<1x64xf32> to vector<128x64xf32>
    %add3A_1129 = arith.addf %dot_general3A_1127, %add3A_1128 : vector<128x64xf32>
    %mul3A_1130 = arith.mulf %convert_element_type3A_1125, %add3A_1129 : vector<128x64xf32>
    %reduce_sum3A_1131 = arith.constant dense<0.000000e+00> : vector<128xf32>
    %reduce_sum3A_1132 = vector.multi_reduction <add>, %mul3A_1130, %reduce_sum3A_1131 [1] : vector<128x64xf32> to vector<128xf32>
    %broadcast_in_dim3A_1133 = vector.shape_cast %reduce_sum3A_1132 : vector<128xf32> to vector<128x1xf32>
    %swap3A_1134 = arith.constant 2432 : index
    %swap3A_1135 = arith.constant 0 : index
    %swap3A_1136 = vector.load %arg6[%swap3A_1134, %swap3A_1135] : memref<4096x1xf32, #tpu.memory_space<vmem>>, vector<128x1xf32>
    tpu.vector_store %arg6[%swap3A_1134, %swap3A_1135], %broadcast_in_dim3A_1133 {strides = array<i32>} : memref<4096x1xf32, #tpu.memory_space<vmem>>, vector<128x1xf32>,
    %reduce_sum3A_1137 = arith.constant dense<0.000000e+00> : vector<64xf32>
    %reduce_sum3A_1138 = vector.multi_reduction <add>, %convert_element_type3A_1125, %reduce_sum3A_1137 [0] : vector<128x64xf32> to vector<64xf32>
    %broadcast_in_dim3A_1139 = vector.shape_cast %reduce_sum3A_1138 : vector<64xf32> to vector<1x64xf32>
    %add3A_1140 = arith.addf %add3A_1118, %broadcast_in_dim3A_1139 : vector<1x64xf32>
    %get3A_1141 = arith.constant 2560 : index
    %get3A_1142 = arith.constant 0 : index
    %get3A_1143 = vector.load %arg1[%get3A_1141, %get3A_1142] : memref<4096x1xi32, #tpu.memory_space<vmem>>, vector<128x1xi32>
    %eq3A_1144 = vector.broadcast %get3A_1143 : vector<128x1xi32> to vector<128x64xi32>
    %eq3A_1145 = arith.cmpi eq, %eq3A_1144, %iota3A : vector<128x64xi32>
    %convert_element_type3A_1146 = arith.extui %eq3A_1145 : vector<128x64xi1> to vector<128x64xi32>
    %convert_element_type3A_1147 = arith.sitofp %convert_element_type3A_1146 : vector<128x64xi32> to vector<128x64xf32>
    %dot_general3A_1148 = arith.constant dense<0.000000e+00> : vector<128x64xf32>
    %dot_general3A_1149 = tpu.matmul %convert_element_type3A_2, %convert_element_type3A_1147, %dot_general3A_1148 {dimension_numbers = #tpu.dot_dimension_numbers<[1], [0], [0], [1], [0, 0, 1, 1], [], []>, transpose_lhs_hint = false} : vector<128x128xf32>, vector<128x64xf32>, vector<128x64xf32> -> vector<128x64xf32>
    %add3A_1150 = vector.broadcast %add3A_1140 : vector<1x64xf32> to vector<128x64xf32>
    %add3A_1151 = arith.addf %dot_general3A_1149, %add3A_1150 : vector<128x64xf32>
    %mul3A_1152 = arith.mulf %convert_element_type3A_1147, %add3A_1151 : vector<128x64xf32>
    %reduce_sum3A_1153 = arith.constant dense<0.000000e+00> : vector<128xf32>
    %reduce_sum3A_1154 = vector.multi_reduction <add>, %mul3A_1152, %reduce_sum3A_1153 [1] : vector<128x64xf32> to vector<128xf32>
    %broadcast_in_dim3A_1155 = vector.shape_cast %reduce_sum3A_1154 : vector<128xf32> to vector<128x1xf32>
    %swap3A_1156 = arith.constant 2560 : index
    %swap3A_1157 = arith.constant 0 : index
    %swap3A_1158 = vector.load %arg6[%swap3A_1156, %swap3A_1157] : memref<4096x1xf32, #tpu.memory_space<vmem>>, vector<128x1xf32>
    tpu.vector_store %arg6[%swap3A_1156, %swap3A_1157], %broadcast_in_dim3A_1155 {strides = array<i32>} : memref<4096x1xf32, #tpu.memory_space<vmem>>, vector<128x1xf32>,
    %reduce_sum3A_1159 = arith.constant dense<0.000000e+00> : vector<64xf32>
    %reduce_sum3A_1160 = vector.multi_reduction <add>, %convert_element_type3A_1147, %reduce_sum3A_1159 [0] : vector<128x64xf32> to vector<64xf32>
    %broadcast_in_dim3A_1161 = vector.shape_cast %reduce_sum3A_1160 : vector<64xf32> to vector<1x64xf32>
    %add3A_1162 = arith.addf %add3A_1140, %broadcast_in_dim3A_1161 : vector<1x64xf32>
    %get3A_1163 = arith.constant 2688 : index
    %get3A_1164 = arith.constant 0 : index
    %get3A_1165 = vector.load %arg1[%get3A_1163, %get3A_1164] : memref<4096x1xi32, #tpu.memory_space<vmem>>, vector<128x1xi32>
    %eq3A_1166 = vector.broadcast %get3A_1165 : vector<128x1xi32> to vector<128x64xi32>
    %eq3A_1167 = arith.cmpi eq, %eq3A_1166, %iota3A : vector<128x64xi32>
    %convert_element_type3A_1168 = arith.extui %eq3A_1167 : vector<128x64xi1> to vector<128x64xi32>
    %convert_element_type3A_1169 = arith.sitofp %convert_element_type3A_1168 : vector<128x64xi32> to vector<128x64xf32>
    %dot_general3A_1170 = arith.constant dense<0.000000e+00> : vector<128x64xf32>
    %dot_general3A_1171 = tpu.matmul %convert_element_type3A_2, %convert_element_type3A_1169, %dot_general3A_1170 {dimension_numbers = #tpu.dot_dimension_numbers<[1], [0], [0], [1], [0, 0, 1, 1], [], []>, transpose_lhs_hint = false} : vector<128x128xf32>, vector<128x64xf32>, vector<128x64xf32> -> vector<128x64xf32>
    %add3A_1172 = vector.broadcast %add3A_1162 : vector<1x64xf32> to vector<128x64xf32>
    %add3A_1173 = arith.addf %dot_general3A_1171, %add3A_1172 : vector<128x64xf32>
    %mul3A_1174 = arith.mulf %convert_element_type3A_1169, %add3A_1173 : vector<128x64xf32>
    %reduce_sum3A_1175 = arith.constant dense<0.000000e+00> : vector<128xf32>
    %reduce_sum3A_1176 = vector.multi_reduction <add>, %mul3A_1174, %reduce_sum3A_1175 [1] : vector<128x64xf32> to vector<128xf32>
    %broadcast_in_dim3A_1177 = vector.shape_cast %reduce_sum3A_1176 : vector<128xf32> to vector<128x1xf32>
    %swap3A_1178 = arith.constant 2688 : index
    %swap3A_1179 = arith.constant 0 : index
    %swap3A_1180 = vector.load %arg6[%swap3A_1178, %swap3A_1179] : memref<4096x1xf32, #tpu.memory_space<vmem>>, vector<128x1xf32>
    tpu.vector_store %arg6[%swap3A_1178, %swap3A_1179], %broadcast_in_dim3A_1177 {strides = array<i32>} : memref<4096x1xf32, #tpu.memory_space<vmem>>, vector<128x1xf32>,
    %reduce_sum3A_1181 = arith.constant dense<0.000000e+00> : vector<64xf32>
    %reduce_sum3A_1182 = vector.multi_reduction <add>, %convert_element_type3A_1169, %reduce_sum3A_1181 [0] : vector<128x64xf32> to vector<64xf32>
    %broadcast_in_dim3A_1183 = vector.shape_cast %reduce_sum3A_1182 : vector<64xf32> to vector<1x64xf32>
    %add3A_1184 = arith.addf %add3A_1162, %broadcast_in_dim3A_1183 : vector<1x64xf32>
    %get3A_1185 = arith.constant 2816 : index
    %get3A_1186 = arith.constant 0 : index
    %get3A_1187 = vector.load %arg1[%get3A_1185, %get3A_1186] : memref<4096x1xi32, #tpu.memory_space<vmem>>, vector<128x1xi32>
    %eq3A_1188 = vector.broadcast %get3A_1187 : vector<128x1xi32> to vector<128x64xi32>
    %eq3A_1189 = arith.cmpi eq, %eq3A_1188, %iota3A : vector<128x64xi32>
    %convert_element_type3A_1190 = arith.extui %eq3A_1189 : vector<128x64xi1> to vector<128x64xi32>
    %convert_element_type3A_1191 = arith.sitofp %convert_element_type3A_1190 : vector<128x64xi32> to vector<128x64xf32>
    %dot_general3A_1192 = arith.constant dense<0.000000e+00> : vector<128x64xf32>
    %dot_general3A_1193 = tpu.matmul %convert_element_type3A_2, %convert_element_type3A_1191, %dot_general3A_1192 {dimension_numbers = #tpu.dot_dimension_numbers<[1], [0], [0], [1], [0, 0, 1, 1], [], []>, transpose_lhs_hint = false} : vector<128x128xf32>, vector<128x64xf32>, vector<128x64xf32> -> vector<128x64xf32>
    %add3A_1194 = vector.broadcast %add3A_1184 : vector<1x64xf32> to vector<128x64xf32>
    %add3A_1195 = arith.addf %dot_general3A_1193, %add3A_1194 : vector<128x64xf32>
    %mul3A_1196 = arith.mulf %convert_element_type3A_1191, %add3A_1195 : vector<128x64xf32>
    %reduce_sum3A_1197 = arith.constant dense<0.000000e+00> : vector<128xf32>
    %reduce_sum3A_1198 = vector.multi_reduction <add>, %mul3A_1196, %reduce_sum3A_1197 [1] : vector<128x64xf32> to vector<128xf32>
    %broadcast_in_dim3A_1199 = vector.shape_cast %reduce_sum3A_1198 : vector<128xf32> to vector<128x1xf32>
    %swap3A_1200 = arith.constant 2816 : index
    %swap3A_1201 = arith.constant 0 : index
    %swap3A_1202 = vector.load %arg6[%swap3A_1200, %swap3A_1201] : memref<4096x1xf32, #tpu.memory_space<vmem>>, vector<128x1xf32>
    tpu.vector_store %arg6[%swap3A_1200, %swap3A_1201], %broadcast_in_dim3A_1199 {strides = array<i32>} : memref<4096x1xf32, #tpu.memory_space<vmem>>, vector<128x1xf32>,
    %reduce_sum3A_1203 = arith.constant dense<0.000000e+00> : vector<64xf32>
    %reduce_sum3A_1204 = vector.multi_reduction <add>, %convert_element_type3A_1191, %reduce_sum3A_1203 [0] : vector<128x64xf32> to vector<64xf32>
    %broadcast_in_dim3A_1205 = vector.shape_cast %reduce_sum3A_1204 : vector<64xf32> to vector<1x64xf32>
    %add3A_1206 = arith.addf %add3A_1184, %broadcast_in_dim3A_1205 : vector<1x64xf32>
    %get3A_1207 = arith.constant 2944 : index
    %get3A_1208 = arith.constant 0 : index
    %get3A_1209 = vector.load %arg1[%get3A_1207, %get3A_1208] : memref<4096x1xi32, #tpu.memory_space<vmem>>, vector<128x1xi32>
    %eq3A_1210 = vector.broadcast %get3A_1209 : vector<128x1xi32> to vector<128x64xi32>
    %eq3A_1211 = arith.cmpi eq, %eq3A_1210, %iota3A : vector<128x64xi32>
    %convert_element_type3A_1212 = arith.extui %eq3A_1211 : vector<128x64xi1> to vector<128x64xi32>
    %convert_element_type3A_1213 = arith.sitofp %convert_element_type3A_1212 : vector<128x64xi32> to vector<128x64xf32>
    %dot_general3A_1214 = arith.constant dense<0.000000e+00> : vector<128x64xf32>
    %dot_general3A_1215 = tpu.matmul %convert_element_type3A_2, %convert_element_type3A_1213, %dot_general3A_1214 {dimension_numbers = #tpu.dot_dimension_numbers<[1], [0], [0], [1], [0, 0, 1, 1], [], []>, transpose_lhs_hint = false} : vector<128x128xf32>, vector<128x64xf32>, vector<128x64xf32> -> vector<128x64xf32>
    %add3A_1216 = vector.broadcast %add3A_1206 : vector<1x64xf32> to vector<128x64xf32>
    %add3A_1217 = arith.addf %dot_general3A_1215, %add3A_1216 : vector<128x64xf32>
    %mul3A_1218 = arith.mulf %convert_element_type3A_1213, %add3A_1217 : vector<128x64xf32>
    %reduce_sum3A_1219 = arith.constant dense<0.000000e+00> : vector<128xf32>
    %reduce_sum3A_1220 = vector.multi_reduction <add>, %mul3A_1218, %reduce_sum3A_1219 [1] : vector<128x64xf32> to vector<128xf32>
    %broadcast_in_dim3A_1221 = vector.shape_cast %reduce_sum3A_1220 : vector<128xf32> to vector<128x1xf32>
    %swap3A_1222 = arith.constant 2944 : index
    %swap3A_1223 = arith.constant 0 : index
    %swap3A_1224 = vector.load %arg6[%swap3A_1222, %swap3A_1223] : memref<4096x1xf32, #tpu.memory_space<vmem>>, vector<128x1xf32>
    tpu.vector_store %arg6[%swap3A_1222, %swap3A_1223], %broadcast_in_dim3A_1221 {strides = array<i32>} : memref<4096x1xf32, #tpu.memory_space<vmem>>, vector<128x1xf32>,
    %reduce_sum3A_1225 = arith.constant dense<0.000000e+00> : vector<64xf32>
    %reduce_sum3A_1226 = vector.multi_reduction <add>, %convert_element_type3A_1213, %reduce_sum3A_1225 [0] : vector<128x64xf32> to vector<64xf32>
    %broadcast_in_dim3A_1227 = vector.shape_cast %reduce_sum3A_1226 : vector<64xf32> to vector<1x64xf32>
    %add3A_1228 = arith.addf %add3A_1206, %broadcast_in_dim3A_1227 : vector<1x64xf32>
    %get3A_1229 = arith.constant 3072 : index
    %get3A_1230 = arith.constant 0 : index
    %get3A_1231 = vector.load %arg1[%get3A_1229, %get3A_1230] : memref<4096x1xi32, #tpu.memory_space<vmem>>, vector<128x1xi32>
    %eq3A_1232 = vector.broadcast %get3A_1231 : vector<128x1xi32> to vector<128x64xi32>
    %eq3A_1233 = arith.cmpi eq, %eq3A_1232, %iota3A : vector<128x64xi32>
    %convert_element_type3A_1234 = arith.extui %eq3A_1233 : vector<128x64xi1> to vector<128x64xi32>
    %convert_element_type3A_1235 = arith.sitofp %convert_element_type3A_1234 : vector<128x64xi32> to vector<128x64xf32>
    %dot_general3A_1236 = arith.constant dense<0.000000e+00> : vector<128x64xf32>
    %dot_general3A_1237 = tpu.matmul %convert_element_type3A_2, %convert_element_type3A_1235, %dot_general3A_1236 {dimension_numbers = #tpu.dot_dimension_numbers<[1], [0], [0], [1], [0, 0, 1, 1], [], []>, transpose_lhs_hint = false} : vector<128x128xf32>, vector<128x64xf32>, vector<128x64xf32> -> vector<128x64xf32>
    %add3A_1238 = vector.broadcast %add3A_1228 : vector<1x64xf32> to vector<128x64xf32>
    %add3A_1239 = arith.addf %dot_general3A_1237, %add3A_1238 : vector<128x64xf32>
    %mul3A_1240 = arith.mulf %convert_element_type3A_1235, %add3A_1239 : vector<128x64xf32>
    %reduce_sum3A_1241 = arith.constant dense<0.000000e+00> : vector<128xf32>
    %reduce_sum3A_1242 = vector.multi_reduction <add>, %mul3A_1240, %reduce_sum3A_1241 [1] : vector<128x64xf32> to vector<128xf32>
    %broadcast_in_dim3A_1243 = vector.shape_cast %reduce_sum3A_1242 : vector<128xf32> to vector<128x1xf32>
    %swap3A_1244 = arith.constant 3072 : index
    %swap3A_1245 = arith.constant 0 : index
    %swap3A_1246 = vector.load %arg6[%swap3A_1244, %swap3A_1245] : memref<4096x1xf32, #tpu.memory_space<vmem>>, vector<128x1xf32>
    tpu.vector_store %arg6[%swap3A_1244, %swap3A_1245], %broadcast_in_dim3A_1243 {strides = array<i32>} : memref<4096x1xf32, #tpu.memory_space<vmem>>, vector<128x1xf32>,
    %reduce_sum3A_1247 = arith.constant dense<0.000000e+00> : vector<64xf32>
    %reduce_sum3A_1248 = vector.multi_reduction <add>, %convert_element_type3A_1235, %reduce_sum3A_1247 [0] : vector<128x64xf32> to vector<64xf32>
    %broadcast_in_dim3A_1249 = vector.shape_cast %reduce_sum3A_1248 : vector<64xf32> to vector<1x64xf32>
    %add3A_1250 = arith.addf %add3A_1228, %broadcast_in_dim3A_1249 : vector<1x64xf32>
    %get3A_1251 = arith.constant 3200 : index
    %get3A_1252 = arith.constant 0 : index
    %get3A_1253 = vector.load %arg1[%get3A_1251, %get3A_1252] : memref<4096x1xi32, #tpu.memory_space<vmem>>, vector<128x1xi32>
    %eq3A_1254 = vector.broadcast %get3A_1253 : vector<128x1xi32> to vector<128x64xi32>
    %eq3A_1255 = arith.cmpi eq, %eq3A_1254, %iota3A : vector<128x64xi32>
    %convert_element_type3A_1256 = arith.extui %eq3A_1255 : vector<128x64xi1> to vector<128x64xi32>
    %convert_element_type3A_1257 = arith.sitofp %convert_element_type3A_1256 : vector<128x64xi32> to vector<128x64xf32>
    %dot_general3A_1258 = arith.constant dense<0.000000e+00> : vector<128x64xf32>
    %dot_general3A_1259 = tpu.matmul %convert_element_type3A_2, %convert_element_type3A_1257, %dot_general3A_1258 {dimension_numbers = #tpu.dot_dimension_numbers<[1], [0], [0], [1], [0, 0, 1, 1], [], []>, transpose_lhs_hint = false} : vector<128x128xf32>, vector<128x64xf32>, vector<128x64xf32> -> vector<128x64xf32>
    %add3A_1260 = vector.broadcast %add3A_1250 : vector<1x64xf32> to vector<128x64xf32>
    %add3A_1261 = arith.addf %dot_general3A_1259, %add3A_1260 : vector<128x64xf32>
    %mul3A_1262 = arith.mulf %convert_element_type3A_1257, %add3A_1261 : vector<128x64xf32>
    %reduce_sum3A_1263 = arith.constant dense<0.000000e+00> : vector<128xf32>
    %reduce_sum3A_1264 = vector.multi_reduction <add>, %mul3A_1262, %reduce_sum3A_1263 [1] : vector<128x64xf32> to vector<128xf32>
    %broadcast_in_dim3A_1265 = vector.shape_cast %reduce_sum3A_1264 : vector<128xf32> to vector<128x1xf32>
    %swap3A_1266 = arith.constant 3200 : index
    %swap3A_1267 = arith.constant 0 : index
    %swap3A_1268 = vector.load %arg6[%swap3A_1266, %swap3A_1267] : memref<4096x1xf32, #tpu.memory_space<vmem>>, vector<128x1xf32>
    tpu.vector_store %arg6[%swap3A_1266, %swap3A_1267], %broadcast_in_dim3A_1265 {strides = array<i32>} : memref<4096x1xf32, #tpu.memory_space<vmem>>, vector<128x1xf32>,
    %reduce_sum3A_1269 = arith.constant dense<0.000000e+00> : vector<64xf32>
    %reduce_sum3A_1270 = vector.multi_reduction <add>, %convert_element_type3A_1257, %reduce_sum3A_1269 [0] : vector<128x64xf32> to vector<64xf32>
    %broadcast_in_dim3A_1271 = vector.shape_cast %reduce_sum3A_1270 : vector<64xf32> to vector<1x64xf32>
    %add3A_1272 = arith.addf %add3A_1250, %broadcast_in_dim3A_1271 : vector<1x64xf32>
    %get3A_1273 = arith.constant 3328 : index
    %get3A_1274 = arith.constant 0 : index
    %get3A_1275 = vector.load %arg1[%get3A_1273, %get3A_1274] : memref<4096x1xi32, #tpu.memory_space<vmem>>, vector<128x1xi32>
    %eq3A_1276 = vector.broadcast %get3A_1275 : vector<128x1xi32> to vector<128x64xi32>
    %eq3A_1277 = arith.cmpi eq, %eq3A_1276, %iota3A : vector<128x64xi32>
    %convert_element_type3A_1278 = arith.extui %eq3A_1277 : vector<128x64xi1> to vector<128x64xi32>
    %convert_element_type3A_1279 = arith.sitofp %convert_element_type3A_1278 : vector<128x64xi32> to vector<128x64xf32>
    %dot_general3A_1280 = arith.constant dense<0.000000e+00> : vector<128x64xf32>
    %dot_general3A_1281 = tpu.matmul %convert_element_type3A_2, %convert_element_type3A_1279, %dot_general3A_1280 {dimension_numbers = #tpu.dot_dimension_numbers<[1], [0], [0], [1], [0, 0, 1, 1], [], []>, transpose_lhs_hint = false} : vector<128x128xf32>, vector<128x64xf32>, vector<128x64xf32> -> vector<128x64xf32>
    %add3A_1282 = vector.broadcast %add3A_1272 : vector<1x64xf32> to vector<128x64xf32>
    %add3A_1283 = arith.addf %dot_general3A_1281, %add3A_1282 : vector<128x64xf32>
    %mul3A_1284 = arith.mulf %convert_element_type3A_1279, %add3A_1283 : vector<128x64xf32>
    %reduce_sum3A_1285 = arith.constant dense<0.000000e+00> : vector<128xf32>
    %reduce_sum3A_1286 = vector.multi_reduction <add>, %mul3A_1284, %reduce_sum3A_1285 [1] : vector<128x64xf32> to vector<128xf32>
    %broadcast_in_dim3A_1287 = vector.shape_cast %reduce_sum3A_1286 : vector<128xf32> to vector<128x1xf32>
    %swap3A_1288 = arith.constant 3328 : index
    %swap3A_1289 = arith.constant 0 : index
    %swap3A_1290 = vector.load %arg6[%swap3A_1288, %swap3A_1289] : memref<4096x1xf32, #tpu.memory_space<vmem>>, vector<128x1xf32>
    tpu.vector_store %arg6[%swap3A_1288, %swap3A_1289], %broadcast_in_dim3A_1287 {strides = array<i32>} : memref<4096x1xf32, #tpu.memory_space<vmem>>, vector<128x1xf32>,
    %reduce_sum3A_1291 = arith.constant dense<0.000000e+00> : vector<64xf32>
    %reduce_sum3A_1292 = vector.multi_reduction <add>, %convert_element_type3A_1279, %reduce_sum3A_1291 [0] : vector<128x64xf32> to vector<64xf32>
    %broadcast_in_dim3A_1293 = vector.shape_cast %reduce_sum3A_1292 : vector<64xf32> to vector<1x64xf32>
    %add3A_1294 = arith.addf %add3A_1272, %broadcast_in_dim3A_1293 : vector<1x64xf32>
    %get3A_1295 = arith.constant 3456 : index
    %get3A_1296 = arith.constant 0 : index
    %get3A_1297 = vector.load %arg1[%get3A_1295, %get3A_1296] : memref<4096x1xi32, #tpu.memory_space<vmem>>, vector<128x1xi32>
    %eq3A_1298 = vector.broadcast %get3A_1297 : vector<128x1xi32> to vector<128x64xi32>
    %eq3A_1299 = arith.cmpi eq, %eq3A_1298, %iota3A : vector<128x64xi32>
    %convert_element_type3A_1300 = arith.extui %eq3A_1299 : vector<128x64xi1> to vector<128x64xi32>
    %convert_element_type3A_1301 = arith.sitofp %convert_element_type3A_1300 : vector<128x64xi32> to vector<128x64xf32>
    %dot_general3A_1302 = arith.constant dense<0.000000e+00> : vector<128x64xf32>
    %dot_general3A_1303 = tpu.matmul %convert_element_type3A_2, %convert_element_type3A_1301, %dot_general3A_1302 {dimension_numbers = #tpu.dot_dimension_numbers<[1], [0], [0], [1], [0, 0, 1, 1], [], []>, transpose_lhs_hint = false} : vector<128x128xf32>, vector<128x64xf32>, vector<128x64xf32> -> vector<128x64xf32>
    %add3A_1304 = vector.broadcast %add3A_1294 : vector<1x64xf32> to vector<128x64xf32>
    %add3A_1305 = arith.addf %dot_general3A_1303, %add3A_1304 : vector<128x64xf32>
    %mul3A_1306 = arith.mulf %convert_element_type3A_1301, %add3A_1305 : vector<128x64xf32>
    %reduce_sum3A_1307 = arith.constant dense<0.000000e+00> : vector<128xf32>
    %reduce_sum3A_1308 = vector.multi_reduction <add>, %mul3A_1306, %reduce_sum3A_1307 [1] : vector<128x64xf32> to vector<128xf32>
    %broadcast_in_dim3A_1309 = vector.shape_cast %reduce_sum3A_1308 : vector<128xf32> to vector<128x1xf32>
    %swap3A_1310 = arith.constant 3456 : index
    %swap3A_1311 = arith.constant 0 : index
    %swap3A_1312 = vector.load %arg6[%swap3A_1310, %swap3A_1311] : memref<4096x1xf32, #tpu.memory_space<vmem>>, vector<128x1xf32>
    tpu.vector_store %arg6[%swap3A_1310, %swap3A_1311], %broadcast_in_dim3A_1309 {strides = array<i32>} : memref<4096x1xf32, #tpu.memory_space<vmem>>, vector<128x1xf32>,
    %reduce_sum3A_1313 = arith.constant dense<0.000000e+00> : vector<64xf32>
    %reduce_sum3A_1314 = vector.multi_reduction <add>, %convert_element_type3A_1301, %reduce_sum3A_1313 [0] : vector<128x64xf32> to vector<64xf32>
    %broadcast_in_dim3A_1315 = vector.shape_cast %reduce_sum3A_1314 : vector<64xf32> to vector<1x64xf32>
    %add3A_1316 = arith.addf %add3A_1294, %broadcast_in_dim3A_1315 : vector<1x64xf32>
    %get3A_1317 = arith.constant 3584 : index
    %get3A_1318 = arith.constant 0 : index
    %get3A_1319 = vector.load %arg1[%get3A_1317, %get3A_1318] : memref<4096x1xi32, #tpu.memory_space<vmem>>, vector<128x1xi32>
    %eq3A_1320 = vector.broadcast %get3A_1319 : vector<128x1xi32> to vector<128x64xi32>
    %eq3A_1321 = arith.cmpi eq, %eq3A_1320, %iota3A : vector<128x64xi32>
    %convert_element_type3A_1322 = arith.extui %eq3A_1321 : vector<128x64xi1> to vector<128x64xi32>
    %convert_element_type3A_1323 = arith.sitofp %convert_element_type3A_1322 : vector<128x64xi32> to vector<128x64xf32>
    %dot_general3A_1324 = arith.constant dense<0.000000e+00> : vector<128x64xf32>
    %dot_general3A_1325 = tpu.matmul %convert_element_type3A_2, %convert_element_type3A_1323, %dot_general3A_1324 {dimension_numbers = #tpu.dot_dimension_numbers<[1], [0], [0], [1], [0, 0, 1, 1], [], []>, transpose_lhs_hint = false} : vector<128x128xf32>, vector<128x64xf32>, vector<128x64xf32> -> vector<128x64xf32>
    %add3A_1326 = vector.broadcast %add3A_1316 : vector<1x64xf32> to vector<128x64xf32>
    %add3A_1327 = arith.addf %dot_general3A_1325, %add3A_1326 : vector<128x64xf32>
    %mul3A_1328 = arith.mulf %convert_element_type3A_1323, %add3A_1327 : vector<128x64xf32>
    %reduce_sum3A_1329 = arith.constant dense<0.000000e+00> : vector<128xf32>
    %reduce_sum3A_1330 = vector.multi_reduction <add>, %mul3A_1328, %reduce_sum3A_1329 [1] : vector<128x64xf32> to vector<128xf32>
    %broadcast_in_dim3A_1331 = vector.shape_cast %reduce_sum3A_1330 : vector<128xf32> to vector<128x1xf32>
    %swap3A_1332 = arith.constant 3584 : index
    %swap3A_1333 = arith.constant 0 : index
    %swap3A_1334 = vector.load %arg6[%swap3A_1332, %swap3A_1333] : memref<4096x1xf32, #tpu.memory_space<vmem>>, vector<128x1xf32>
    tpu.vector_store %arg6[%swap3A_1332, %swap3A_1333], %broadcast_in_dim3A_1331 {strides = array<i32>} : memref<4096x1xf32, #tpu.memory_space<vmem>>, vector<128x1xf32>,
    %reduce_sum3A_1335 = arith.constant dense<0.000000e+00> : vector<64xf32>
    %reduce_sum3A_1336 = vector.multi_reduction <add>, %convert_element_type3A_1323, %reduce_sum3A_1335 [0] : vector<128x64xf32> to vector<64xf32>
    %broadcast_in_dim3A_1337 = vector.shape_cast %reduce_sum3A_1336 : vector<64xf32> to vector<1x64xf32>
    %add3A_1338 = arith.addf %add3A_1316, %broadcast_in_dim3A_1337 : vector<1x64xf32>
    %get3A_1339 = arith.constant 3712 : index
    %get3A_1340 = arith.constant 0 : index
    %get3A_1341 = vector.load %arg1[%get3A_1339, %get3A_1340] : memref<4096x1xi32, #tpu.memory_space<vmem>>, vector<128x1xi32>
    %eq3A_1342 = vector.broadcast %get3A_1341 : vector<128x1xi32> to vector<128x64xi32>
    %eq3A_1343 = arith.cmpi eq, %eq3A_1342, %iota3A : vector<128x64xi32>
    %convert_element_type3A_1344 = arith.extui %eq3A_1343 : vector<128x64xi1> to vector<128x64xi32>
    %convert_element_type3A_1345 = arith.sitofp %convert_element_type3A_1344 : vector<128x64xi32> to vector<128x64xf32>
    %dot_general3A_1346 = arith.constant dense<0.000000e+00> : vector<128x64xf32>
    %dot_general3A_1347 = tpu.matmul %convert_element_type3A_2, %convert_element_type3A_1345, %dot_general3A_1346 {dimension_numbers = #tpu.dot_dimension_numbers<[1], [0], [0], [1], [0, 0, 1, 1], [], []>, transpose_lhs_hint = false} : vector<128x128xf32>, vector<128x64xf32>, vector<128x64xf32> -> vector<128x64xf32>
    %add3A_1348 = vector.broadcast %add3A_1338 : vector<1x64xf32> to vector<128x64xf32>
    %add3A_1349 = arith.addf %dot_general3A_1347, %add3A_1348 : vector<128x64xf32>
    %mul3A_1350 = arith.mulf %convert_element_type3A_1345, %add3A_1349 : vector<128x64xf32>
    %reduce_sum3A_1351 = arith.constant dense<0.000000e+00> : vector<128xf32>
    %reduce_sum3A_1352 = vector.multi_reduction <add>, %mul3A_1350, %reduce_sum3A_1351 [1] : vector<128x64xf32> to vector<128xf32>
    %broadcast_in_dim3A_1353 = vector.shape_cast %reduce_sum3A_1352 : vector<128xf32> to vector<128x1xf32>
    %swap3A_1354 = arith.constant 3712 : index
    %swap3A_1355 = arith.constant 0 : index
    %swap3A_1356 = vector.load %arg6[%swap3A_1354, %swap3A_1355] : memref<4096x1xf32, #tpu.memory_space<vmem>>, vector<128x1xf32>
    tpu.vector_store %arg6[%swap3A_1354, %swap3A_1355], %broadcast_in_dim3A_1353 {strides = array<i32>} : memref<4096x1xf32, #tpu.memory_space<vmem>>, vector<128x1xf32>,
    %reduce_sum3A_1357 = arith.constant dense<0.000000e+00> : vector<64xf32>
    %reduce_sum3A_1358 = vector.multi_reduction <add>, %convert_element_type3A_1345, %reduce_sum3A_1357 [0] : vector<128x64xf32> to vector<64xf32>
    %broadcast_in_dim3A_1359 = vector.shape_cast %reduce_sum3A_1358 : vector<64xf32> to vector<1x64xf32>
    %add3A_1360 = arith.addf %add3A_1338, %broadcast_in_dim3A_1359 : vector<1x64xf32>
    %get3A_1361 = arith.constant 3840 : index
    %get3A_1362 = arith.constant 0 : index
    %get3A_1363 = vector.load %arg1[%get3A_1361, %get3A_1362] : memref<4096x1xi32, #tpu.memory_space<vmem>>, vector<128x1xi32>
    %eq3A_1364 = vector.broadcast %get3A_1363 : vector<128x1xi32> to vector<128x64xi32>
    %eq3A_1365 = arith.cmpi eq, %eq3A_1364, %iota3A : vector<128x64xi32>
    %convert_element_type3A_1366 = arith.extui %eq3A_1365 : vector<128x64xi1> to vector<128x64xi32>
    %convert_element_type3A_1367 = arith.sitofp %convert_element_type3A_1366 : vector<128x64xi32> to vector<128x64xf32>
    %dot_general3A_1368 = arith.constant dense<0.000000e+00> : vector<128x64xf32>
    %dot_general3A_1369 = tpu.matmul %convert_element_type3A_2, %convert_element_type3A_1367, %dot_general3A_1368 {dimension_numbers = #tpu.dot_dimension_numbers<[1], [0], [0], [1], [0, 0, 1, 1], [], []>, transpose_lhs_hint = false} : vector<128x128xf32>, vector<128x64xf32>, vector<128x64xf32> -> vector<128x64xf32>
    %add3A_1370 = vector.broadcast %add3A_1360 : vector<1x64xf32> to vector<128x64xf32>
    %add3A_1371 = arith.addf %dot_general3A_1369, %add3A_1370 : vector<128x64xf32>
    %mul3A_1372 = arith.mulf %convert_element_type3A_1367, %add3A_1371 : vector<128x64xf32>
    %reduce_sum3A_1373 = arith.constant dense<0.000000e+00> : vector<128xf32>
    %reduce_sum3A_1374 = vector.multi_reduction <add>, %mul3A_1372, %reduce_sum3A_1373 [1] : vector<128x64xf32> to vector<128xf32>
    %broadcast_in_dim3A_1375 = vector.shape_cast %reduce_sum3A_1374 : vector<128xf32> to vector<128x1xf32>
    %swap3A_1376 = arith.constant 3840 : index
    %swap3A_1377 = arith.constant 0 : index
    %swap3A_1378 = vector.load %arg6[%swap3A_1376, %swap3A_1377] : memref<4096x1xf32, #tpu.memory_space<vmem>>, vector<128x1xf32>
    tpu.vector_store %arg6[%swap3A_1376, %swap3A_1377], %broadcast_in_dim3A_1375 {strides = array<i32>} : memref<4096x1xf32, #tpu.memory_space<vmem>>, vector<128x1xf32>,
    %reduce_sum3A_1379 = arith.constant dense<0.000000e+00> : vector<64xf32>
    %reduce_sum3A_1380 = vector.multi_reduction <add>, %convert_element_type3A_1367, %reduce_sum3A_1379 [0] : vector<128x64xf32> to vector<64xf32>
    %broadcast_in_dim3A_1381 = vector.shape_cast %reduce_sum3A_1380 : vector<64xf32> to vector<1x64xf32>
    %add3A_1382 = arith.addf %add3A_1360, %broadcast_in_dim3A_1381 : vector<1x64xf32>
    %get3A_1383 = arith.constant 3968 : index
    %get3A_1384 = arith.constant 0 : index
    %get3A_1385 = vector.load %arg1[%get3A_1383, %get3A_1384] : memref<4096x1xi32, #tpu.memory_space<vmem>>, vector<128x1xi32>
    %eq3A_1386 = vector.broadcast %get3A_1385 : vector<128x1xi32> to vector<128x64xi32>
    %eq3A_1387 = arith.cmpi eq, %eq3A_1386, %iota3A : vector<128x64xi32>
    %convert_element_type3A_1388 = arith.extui %eq3A_1387 : vector<128x64xi1> to vector<128x64xi32>
    %convert_element_type3A_1389 = arith.sitofp %convert_element_type3A_1388 : vector<128x64xi32> to vector<128x64xf32>
    %dot_general3A_1390 = arith.constant dense<0.000000e+00> : vector<128x64xf32>
    %dot_general3A_1391 = tpu.matmul %convert_element_type3A_2, %convert_element_type3A_1389, %dot_general3A_1390 {dimension_numbers = #tpu.dot_dimension_numbers<[1], [0], [0], [1], [0, 0, 1, 1], [], []>, transpose_lhs_hint = false} : vector<128x128xf32>, vector<128x64xf32>, vector<128x64xf32> -> vector<128x64xf32>
    %add3A_1392 = vector.broadcast %add3A_1382 : vector<1x64xf32> to vector<128x64xf32>
    %add3A_1393 = arith.addf %dot_general3A_1391, %add3A_1392 : vector<128x64xf32>
    %mul3A_1394 = arith.mulf %convert_element_type3A_1389, %add3A_1393 : vector<128x64xf32>
    %reduce_sum3A_1395 = arith.constant dense<0.000000e+00> : vector<128xf32>
    %reduce_sum3A_1396 = vector.multi_reduction <add>, %mul3A_1394, %reduce_sum3A_1395 [1] : vector<128x64xf32> to vector<128xf32>
    %broadcast_in_dim3A_1397 = vector.shape_cast %reduce_sum3A_1396 : vector<128xf32> to vector<128x1xf32>
    %swap3A_1398 = arith.constant 3968 : index
    %swap3A_1399 = arith.constant 0 : index
    %swap3A_1400 = vector.load %arg6[%swap3A_1398, %swap3A_1399] : memref<4096x1xf32, #tpu.memory_space<vmem>>, vector<128x1xf32>
    tpu.vector_store %arg6[%swap3A_1398, %swap3A_1399], %broadcast_in_dim3A_1397 {strides = array<i32>} : memref<4096x1xf32, #tpu.memory_space<vmem>>, vector<128x1xf32>,
    %reduce_sum3A_1401 = arith.constant dense<0.000000e+00> : vector<64xf32>
    %reduce_sum3A_1402 = vector.multi_reduction <add>, %convert_element_type3A_1389, %reduce_sum3A_1401 [0] : vector<128x64xf32> to vector<64xf32>
    %broadcast_in_dim3A_1403 = vector.shape_cast %reduce_sum3A_1402 : vector<64xf32> to vector<1x64xf32>
    %add3A_1404 = arith.addf %add3A_1382, %broadcast_in_dim3A_1403 : vector<1x64xf32>
    %convert_element_type3A_1405 = arith.fptosi %add3A_1404 : vector<1x64xf32> to vector<1x64xi32>
    %add3A_1406 = arith.constant 255 : i32
    %add3A_1407 = vector.broadcast %add3A_1406 : i32 to vector<1x64xi32>
    %add3A_1408 = arith.addi %convert_element_type3A_1405, %add3A_1407 : vector<1x64xi32>
    %jit3A = arith.constant 256 : i32
    %div3A = vector.broadcast %jit3A : i32 to vector<1x64xi32>
    %div3A_1409 = arith.divsi %add3A_1408, %div3A : vector<1x64xi32>
    %sign3A = arith.constant 0 : i32
    %sign3A_1410 = vector.broadcast %sign3A : i32 to vector<1x64xi32>
    %sign3A_1411 = arith.cmpi sgt, %add3A_1408, %sign3A_1410 : vector<1x64xi32>
    %sign3A_1412 = arith.extui %sign3A_1411 : vector<1x64xi1> to vector<1x64xi32>
    %sign3A_1413 = arith.constant 0 : i32
    %sign3A_1414 = vector.broadcast %sign3A_1413 : i32 to vector<1x64xi32>
    %sign3A_1415 = arith.cmpi slt, %add3A_1408, %sign3A_1414 : vector<1x64xi32>
    %sign3A_1416 = arith.extui %sign3A_1415 : vector<1x64xi1> to vector<1x64xi32>
    %sign3A_1417 = arith.subi %sign3A_1412, %sign3A_1416 : vector<1x64xi32>
    %sign3A_1418 = arith.constant 0 : i32
    %sign3A_1419 = arith.cmpi sgt, %jit3A, %sign3A_1418 : i32
    %sign3A_1420 = arith.extui %sign3A_1419 : i1 to i32
    %sign3A_1421 = arith.constant 0 : i32
    %sign3A_1422 = arith.cmpi slt, %jit3A, %sign3A_1421 : i32
    %sign3A_1423 = arith.extui %sign3A_1422 : i1 to i32
    %sign3A_1424 = arith.subi %sign3A_1420, %sign3A_1423 : i32
    %ne3A = vector.broadcast %sign3A_1424 : i32 to vector<1x64xi32>
    %ne3A_1425 = arith.cmpi ne, %sign3A_1417, %ne3A : vector<1x64xi32>
    %rem3A = vector.broadcast %jit3A : i32 to vector<1x64xi32>
    %rem3A_1426 = arith.remsi %add3A_1408, %rem3A : vector<1x64xi32>
    %ne3A_1427 = arith.constant 0 : i32
    %ne3A_1428 = vector.broadcast %ne3A_1427 : i32 to vector<1x64xi32>
    %ne3A_1429 = arith.cmpi ne, %rem3A_1426, %ne3A_1428 : vector<1x64xi32>
    %and3A = arith.andi %ne3A_1425, %ne3A_1429 : vector<1x64xi1>
    %sub3A = arith.constant 1 : i32
    %sub3A_1430 = vector.broadcast %sub3A : i32 to vector<1x64xi32>
    %sub3A_1431 = arith.subi %div3A_1409, %sub3A_1430 : vector<1x64xi32>
    %select_n3A = arith.select %and3A, %sub3A_1431, %div3A_1409 : vector<1x64xi1>, vector<1x64xi32>
    %mul3A_1432 = arith.constant 256 : i32
    %mul3A_1433 = vector.broadcast %mul3A_1432 : i32 to vector<1x64xi32>
    %mul3A_1434 = arith.muli %select_n3A, %mul3A_1433 : vector<1x64xi32>
    %convert_element_type3A_1435 = arith.sitofp %mul3A_1434 : vector<1x64xi32> to vector<1x64xf32>
    %iota3A_1436 = tpu.iota {dimensions = array<i32: 0>} : vector<64x64xi32>
    %iota3A_1437 = tpu.iota {dimensions = array<i32: 1>} : vector<64x64xi32>
    %lt3A_1438 = arith.cmpi slt, %iota3A_1436, %iota3A_1437 : vector<64x64xi32>
    %convert_element_type3A_1439 = arith.extui %lt3A_1438 : vector<64x64xi1> to vector<64x64xi32>
    %convert_element_type3A_1440 = arith.sitofp %convert_element_type3A_1439 : vector<64x64xi32> to vector<64x64xf32>
    %dot_general3A_1441 = arith.constant dense<0.000000e+00> : vector<1x64xf32>
    %dot_general3A_1442 = tpu.matmul %convert_element_type3A_1435, %convert_element_type3A_1440, %dot_general3A_1441 {dimension_numbers = #tpu.dot_dimension_numbers<[1], [0], [0], [1], [0, 0, 1, 1], [], []>, transpose_lhs_hint = false} : vector<1x64xf32>, vector<64x64xf32>, vector<1x64xf32> -> vector<1x64xf32>
    %get3A_1443 = arith.constant 0 : index
    %get3A_1444 = arith.constant 0 : index
    %get3A_1445 = vector.load %arg0[%get3A_1443, %get3A_1444] : memref<4096x1xi32, #tpu.memory_space<vmem>>, vector<128x1xi32>
    %eq3A_1446 = vector.broadcast %get3A_1445 : vector<128x1xi32> to vector<128x64xi32>
    %eq3A_1447 = arith.cmpi eq, %eq3A_1446, %iota3A : vector<128x64xi32>
    %convert_element_type3A_1448 = arith.extui %eq3A_1447 : vector<128x64xi1> to vector<128x64xi32>
    %convert_element_type3A_1449 = arith.sitofp %convert_element_type3A_1448 : vector<128x64xi32> to vector<128x64xf32>
    %mul3A_1450 = vector.broadcast %dot_general3A_1442 : vector<1x64xf32> to vector<128x64xf32>
    %mul3A_1451 = arith.mulf %convert_element_type3A_1449, %mul3A_1450 : vector<128x64xf32>
    %reduce_sum3A_1452 = arith.constant dense<0.000000e+00> : vector<128xf32>
    %reduce_sum3A_1453 = vector.multi_reduction <add>, %mul3A_1451, %reduce_sum3A_1452 [1] : vector<128x64xf32> to vector<128xf32>
    %broadcast_in_dim3A_1454 = vector.shape_cast %reduce_sum3A_1453 : vector<128xf32> to vector<128x1xf32>
    %get3A_1455 = arith.constant 0 : index
    %get3A_1456 = arith.constant 0 : index
    %get3A_1457 = vector.load %arg5[%get3A_1455, %get3A_1456] : memref<4096x1xf32, #tpu.memory_space<vmem>>, vector<128x1xf32>
    %add3A_1458 = arith.addf %broadcast_in_dim3A_1454, %get3A_1457 : vector<128x1xf32>
    %convert_element_type3A_1459 = arith.fptosi %add3A_1458 : vector<128x1xf32> to vector<128x1xi32>
    %swap3A_1460 = arith.constant 0 : index
    %swap3A_1461 = arith.constant 0 : index
    %swap3A_1462 = vector.load %arg2[%swap3A_1460, %swap3A_1461] : memref<4096x1xi32, #tpu.memory_space<vmem>>, vector<128x1xi32>
    tpu.vector_store %arg2[%swap3A_1460, %swap3A_1461], %convert_element_type3A_1459 {strides = array<i32>} : memref<4096x1xi32, #tpu.memory_space<vmem>>, vector<128x1xi32>,
    %get3A_1463 = arith.constant 0 : index
    %get3A_1464 = arith.constant 0 : index
    %get3A_1465 = vector.load %arg1[%get3A_1463, %get3A_1464] : memref<4096x1xi32, #tpu.memory_space<vmem>>, vector<128x1xi32>
    %eq3A_1466 = vector.broadcast %get3A_1465 : vector<128x1xi32> to vector<128x64xi32>
    %eq3A_1467 = arith.cmpi eq, %eq3A_1466, %iota3A : vector<128x64xi32>
    %convert_element_type3A_1468 = arith.extui %eq3A_1467 : vector<128x64xi1> to vector<128x64xi32>
    %convert_element_type3A_1469 = arith.sitofp %convert_element_type3A_1468 : vector<128x64xi32> to vector<128x64xf32>
    %mul3A_1470 = vector.broadcast %dot_general3A_1442 : vector<1x64xf32> to vector<128x64xf32>
    %mul3A_1471 = arith.mulf %convert_element_type3A_1469, %mul3A_1470 : vector<128x64xf32>
    %reduce_sum3A_1472 = arith.constant dense<0.000000e+00> : vector<128xf32>
    %reduce_sum3A_1473 = vector.multi_reduction <add>, %mul3A_1471, %reduce_sum3A_1472 [1] : vector<128x64xf32> to vector<128xf32>
    %broadcast_in_dim3A_1474 = vector.shape_cast %reduce_sum3A_1473 : vector<128xf32> to vector<128x1xf32>
    %get3A_1475 = arith.constant 0 : index
    %get3A_1476 = arith.constant 0 : index
    %get3A_1477 = vector.load %arg6[%get3A_1475, %get3A_1476] : memref<4096x1xf32, #tpu.memory_space<vmem>>, vector<128x1xf32>
    %add3A_1478 = arith.addf %broadcast_in_dim3A_1474, %get3A_1477 : vector<128x1xf32>
    %convert_element_type3A_1479 = arith.fptosi %add3A_1478 : vector<128x1xf32> to vector<128x1xi32>
    %swap3A_1480 = arith.constant 0 : index
    %swap3A_1481 = arith.constant 0 : index
    %swap3A_1482 = vector.load %arg3[%swap3A_1480, %swap3A_1481] : memref<4096x1xi32, #tpu.memory_space<vmem>>, vector<128x1xi32>
    tpu.vector_store %arg3[%swap3A_1480, %swap3A_1481], %convert_element_type3A_1479 {strides = array<i32>} : memref<4096x1xi32, #tpu.memory_space<vmem>>, vector<128x1xi32>,
    %get3A_1483 = arith.constant 128 : index
    %get3A_1484 = arith.constant 0 : index
    %get3A_1485 = vector.load %arg0[%get3A_1483, %get3A_1484] : memref<4096x1xi32, #tpu.memory_space<vmem>>, vector<128x1xi32>
    %eq3A_1486 = vector.broadcast %get3A_1485 : vector<128x1xi32> to vector<128x64xi32>
    %eq3A_1487 = arith.cmpi eq, %eq3A_1486, %iota3A : vector<128x64xi32>
    %convert_element_type3A_1488 = arith.extui %eq3A_1487 : vector<128x64xi1> to vector<128x64xi32>
    %convert_element_type3A_1489 = arith.sitofp %convert_element_type3A_1488 : vector<128x64xi32> to vector<128x64xf32>
    %mul3A_1490 = vector.broadcast %dot_general3A_1442 : vector<1x64xf32> to vector<128x64xf32>
    %mul3A_1491 = arith.mulf %convert_element_type3A_1489, %mul3A_1490 : vector<128x64xf32>
    %reduce_sum3A_1492 = arith.constant dense<0.000000e+00> : vector<128xf32>
    %reduce_sum3A_1493 = vector.multi_reduction <add>, %mul3A_1491, %reduce_sum3A_1492 [1] : vector<128x64xf32> to vector<128xf32>
    %broadcast_in_dim3A_1494 = vector.shape_cast %reduce_sum3A_1493 : vector<128xf32> to vector<128x1xf32>
    %get3A_1495 = arith.constant 128 : index
    %get3A_1496 = arith.constant 0 : index
    %get3A_1497 = vector.load %arg5[%get3A_1495, %get3A_1496] : memref<4096x1xf32, #tpu.memory_space<vmem>>, vector<128x1xf32>
    %add3A_1498 = arith.addf %broadcast_in_dim3A_1494, %get3A_1497 : vector<128x1xf32>
    %convert_element_type3A_1499 = arith.fptosi %add3A_1498 : vector<128x1xf32> to vector<128x1xi32>
    %swap3A_1500 = arith.constant 128 : index
    %swap3A_1501 = arith.constant 0 : index
    %swap3A_1502 = vector.load %arg2[%swap3A_1500, %swap3A_1501] : memref<4096x1xi32, #tpu.memory_space<vmem>>, vector<128x1xi32>
    tpu.vector_store %arg2[%swap3A_1500, %swap3A_1501], %convert_element_type3A_1499 {strides = array<i32>} : memref<4096x1xi32, #tpu.memory_space<vmem>>, vector<128x1xi32>,
    %get3A_1503 = arith.constant 128 : index
    %get3A_1504 = arith.constant 0 : index
    %get3A_1505 = vector.load %arg1[%get3A_1503, %get3A_1504] : memref<4096x1xi32, #tpu.memory_space<vmem>>, vector<128x1xi32>
    %eq3A_1506 = vector.broadcast %get3A_1505 : vector<128x1xi32> to vector<128x64xi32>
    %eq3A_1507 = arith.cmpi eq, %eq3A_1506, %iota3A : vector<128x64xi32>
    %convert_element_type3A_1508 = arith.extui %eq3A_1507 : vector<128x64xi1> to vector<128x64xi32>
    %convert_element_type3A_1509 = arith.sitofp %convert_element_type3A_1508 : vector<128x64xi32> to vector<128x64xf32>
    %mul3A_1510 = vector.broadcast %dot_general3A_1442 : vector<1x64xf32> to vector<128x64xf32>
    %mul3A_1511 = arith.mulf %convert_element_type3A_1509, %mul3A_1510 : vector<128x64xf32>
    %reduce_sum3A_1512 = arith.constant dense<0.000000e+00> : vector<128xf32>
    %reduce_sum3A_1513 = vector.multi_reduction <add>, %mul3A_1511, %reduce_sum3A_1512 [1] : vector<128x64xf32> to vector<128xf32>
    %broadcast_in_dim3A_1514 = vector.shape_cast %reduce_sum3A_1513 : vector<128xf32> to vector<128x1xf32>
    %get3A_1515 = arith.constant 128 : index
    %get3A_1516 = arith.constant 0 : index
    %get3A_1517 = vector.load %arg6[%get3A_1515, %get3A_1516] : memref<4096x1xf32, #tpu.memory_space<vmem>>, vector<128x1xf32>
    %add3A_1518 = arith.addf %broadcast_in_dim3A_1514, %get3A_1517 : vector<128x1xf32>
    %convert_element_type3A_1519 = arith.fptosi %add3A_1518 : vector<128x1xf32> to vector<128x1xi32>
    %swap3A_1520 = arith.constant 128 : index
    %swap3A_1521 = arith.constant 0 : index
    %swap3A_1522 = vector.load %arg3[%swap3A_1520, %swap3A_1521] : memref<4096x1xi32, #tpu.memory_space<vmem>>, vector<128x1xi32>
    tpu.vector_store %arg3[%swap3A_1520, %swap3A_1521], %convert_element_type3A_1519 {strides = array<i32>} : memref<4096x1xi32, #tpu.memory_space<vmem>>, vector<128x1xi32>,
    %get3A_1523 = arith.constant 256 : index
    %get3A_1524 = arith.constant 0 : index
    %get3A_1525 = vector.load %arg0[%get3A_1523, %get3A_1524] : memref<4096x1xi32, #tpu.memory_space<vmem>>, vector<128x1xi32>
    %eq3A_1526 = vector.broadcast %get3A_1525 : vector<128x1xi32> to vector<128x64xi32>
    %eq3A_1527 = arith.cmpi eq, %eq3A_1526, %iota3A : vector<128x64xi32>
    %convert_element_type3A_1528 = arith.extui %eq3A_1527 : vector<128x64xi1> to vector<128x64xi32>
    %convert_element_type3A_1529 = arith.sitofp %convert_element_type3A_1528 : vector<128x64xi32> to vector<128x64xf32>
    %mul3A_1530 = vector.broadcast %dot_general3A_1442 : vector<1x64xf32> to vector<128x64xf32>
    %mul3A_1531 = arith.mulf %convert_element_type3A_1529, %mul3A_1530 : vector<128x64xf32>
    %reduce_sum3A_1532 = arith.constant dense<0.000000e+00> : vector<128xf32>
    %reduce_sum3A_1533 = vector.multi_reduction <add>, %mul3A_1531, %reduce_sum3A_1532 [1] : vector<128x64xf32> to vector<128xf32>
    %broadcast_in_dim3A_1534 = vector.shape_cast %reduce_sum3A_1533 : vector<128xf32> to vector<128x1xf32>
    %get3A_1535 = arith.constant 256 : index
    %get3A_1536 = arith.constant 0 : index
    %get3A_1537 = vector.load %arg5[%get3A_1535, %get3A_1536] : memref<4096x1xf32, #tpu.memory_space<vmem>>, vector<128x1xf32>
    %add3A_1538 = arith.addf %broadcast_in_dim3A_1534, %get3A_1537 : vector<128x1xf32>
    %convert_element_type3A_1539 = arith.fptosi %add3A_1538 : vector<128x1xf32> to vector<128x1xi32>
    %swap3A_1540 = arith.constant 256 : index
    %swap3A_1541 = arith.constant 0 : index
    %swap3A_1542 = vector.load %arg2[%swap3A_1540, %swap3A_1541] : memref<4096x1xi32, #tpu.memory_space<vmem>>, vector<128x1xi32>
    tpu.vector_store %arg2[%swap3A_1540, %swap3A_1541], %convert_element_type3A_1539 {strides = array<i32>} : memref<4096x1xi32, #tpu.memory_space<vmem>>, vector<128x1xi32>,
    %get3A_1543 = arith.constant 256 : index
    %get3A_1544 = arith.constant 0 : index
    %get3A_1545 = vector.load %arg1[%get3A_1543, %get3A_1544] : memref<4096x1xi32, #tpu.memory_space<vmem>>, vector<128x1xi32>
    %eq3A_1546 = vector.broadcast %get3A_1545 : vector<128x1xi32> to vector<128x64xi32>
    %eq3A_1547 = arith.cmpi eq, %eq3A_1546, %iota3A : vector<128x64xi32>
    %convert_element_type3A_1548 = arith.extui %eq3A_1547 : vector<128x64xi1> to vector<128x64xi32>
    %convert_element_type3A_1549 = arith.sitofp %convert_element_type3A_1548 : vector<128x64xi32> to vector<128x64xf32>
    %mul3A_1550 = vector.broadcast %dot_general3A_1442 : vector<1x64xf32> to vector<128x64xf32>
    %mul3A_1551 = arith.mulf %convert_element_type3A_1549, %mul3A_1550 : vector<128x64xf32>
    %reduce_sum3A_1552 = arith.constant dense<0.000000e+00> : vector<128xf32>
    %reduce_sum3A_1553 = vector.multi_reduction <add>, %mul3A_1551, %reduce_sum3A_1552 [1] : vector<128x64xf32> to vector<128xf32>
    %broadcast_in_dim3A_1554 = vector.shape_cast %reduce_sum3A_1553 : vector<128xf32> to vector<128x1xf32>
    %get3A_1555 = arith.constant 256 : index
    %get3A_1556 = arith.constant 0 : index
    %get3A_1557 = vector.load %arg6[%get3A_1555, %get3A_1556] : memref<4096x1xf32, #tpu.memory_space<vmem>>, vector<128x1xf32>
    %add3A_1558 = arith.addf %broadcast_in_dim3A_1554, %get3A_1557 : vector<128x1xf32>
    %convert_element_type3A_1559 = arith.fptosi %add3A_1558 : vector<128x1xf32> to vector<128x1xi32>
    %swap3A_1560 = arith.constant 256 : index
    %swap3A_1561 = arith.constant 0 : index
    %swap3A_1562 = vector.load %arg3[%swap3A_1560, %swap3A_1561] : memref<4096x1xi32, #tpu.memory_space<vmem>>, vector<128x1xi32>
    tpu.vector_store %arg3[%swap3A_1560, %swap3A_1561], %convert_element_type3A_1559 {strides = array<i32>} : memref<4096x1xi32, #tpu.memory_space<vmem>>, vector<128x1xi32>,
    %get3A_1563 = arith.constant 384 : index
    %get3A_1564 = arith.constant 0 : index
    %get3A_1565 = vector.load %arg0[%get3A_1563, %get3A_1564] : memref<4096x1xi32, #tpu.memory_space<vmem>>, vector<128x1xi32>
    %eq3A_1566 = vector.broadcast %get3A_1565 : vector<128x1xi32> to vector<128x64xi32>
    %eq3A_1567 = arith.cmpi eq, %eq3A_1566, %iota3A : vector<128x64xi32>
    %convert_element_type3A_1568 = arith.extui %eq3A_1567 : vector<128x64xi1> to vector<128x64xi32>
    %convert_element_type3A_1569 = arith.sitofp %convert_element_type3A_1568 : vector<128x64xi32> to vector<128x64xf32>
    %mul3A_1570 = vector.broadcast %dot_general3A_1442 : vector<1x64xf32> to vector<128x64xf32>
    %mul3A_1571 = arith.mulf %convert_element_type3A_1569, %mul3A_1570 : vector<128x64xf32>
    %reduce_sum3A_1572 = arith.constant dense<0.000000e+00> : vector<128xf32>
    %reduce_sum3A_1573 = vector.multi_reduction <add>, %mul3A_1571, %reduce_sum3A_1572 [1] : vector<128x64xf32> to vector<128xf32>
    %broadcast_in_dim3A_1574 = vector.shape_cast %reduce_sum3A_1573 : vector<128xf32> to vector<128x1xf32>
    %get3A_1575 = arith.constant 384 : index
    %get3A_1576 = arith.constant 0 : index
    %get3A_1577 = vector.load %arg5[%get3A_1575, %get3A_1576] : memref<4096x1xf32, #tpu.memory_space<vmem>>, vector<128x1xf32>
    %add3A_1578 = arith.addf %broadcast_in_dim3A_1574, %get3A_1577 : vector<128x1xf32>
    %convert_element_type3A_1579 = arith.fptosi %add3A_1578 : vector<128x1xf32> to vector<128x1xi32>
    %swap3A_1580 = arith.constant 384 : index
    %swap3A_1581 = arith.constant 0 : index
    %swap3A_1582 = vector.load %arg2[%swap3A_1580, %swap3A_1581] : memref<4096x1xi32, #tpu.memory_space<vmem>>, vector<128x1xi32>
    tpu.vector_store %arg2[%swap3A_1580, %swap3A_1581], %convert_element_type3A_1579 {strides = array<i32>} : memref<4096x1xi32, #tpu.memory_space<vmem>>, vector<128x1xi32>,
    %get3A_1583 = arith.constant 384 : index
    %get3A_1584 = arith.constant 0 : index
    %get3A_1585 = vector.load %arg1[%get3A_1583, %get3A_1584] : memref<4096x1xi32, #tpu.memory_space<vmem>>, vector<128x1xi32>
    %eq3A_1586 = vector.broadcast %get3A_1585 : vector<128x1xi32> to vector<128x64xi32>
    %eq3A_1587 = arith.cmpi eq, %eq3A_1586, %iota3A : vector<128x64xi32>
    %convert_element_type3A_1588 = arith.extui %eq3A_1587 : vector<128x64xi1> to vector<128x64xi32>
    %convert_element_type3A_1589 = arith.sitofp %convert_element_type3A_1588 : vector<128x64xi32> to vector<128x64xf32>
    %mul3A_1590 = vector.broadcast %dot_general3A_1442 : vector<1x64xf32> to vector<128x64xf32>
    %mul3A_1591 = arith.mulf %convert_element_type3A_1589, %mul3A_1590 : vector<128x64xf32>
    %reduce_sum3A_1592 = arith.constant dense<0.000000e+00> : vector<128xf32>
    %reduce_sum3A_1593 = vector.multi_reduction <add>, %mul3A_1591, %reduce_sum3A_1592 [1] : vector<128x64xf32> to vector<128xf32>
    %broadcast_in_dim3A_1594 = vector.shape_cast %reduce_sum3A_1593 : vector<128xf32> to vector<128x1xf32>
    %get3A_1595 = arith.constant 384 : index
    %get3A_1596 = arith.constant 0 : index
    %get3A_1597 = vector.load %arg6[%get3A_1595, %get3A_1596] : memref<4096x1xf32, #tpu.memory_space<vmem>>, vector<128x1xf32>
    %add3A_1598 = arith.addf %broadcast_in_dim3A_1594, %get3A_1597 : vector<128x1xf32>
    %convert_element_type3A_1599 = arith.fptosi %add3A_1598 : vector<128x1xf32> to vector<128x1xi32>
    %swap3A_1600 = arith.constant 384 : index
    %swap3A_1601 = arith.constant 0 : index
    %swap3A_1602 = vector.load %arg3[%swap3A_1600, %swap3A_1601] : memref<4096x1xi32, #tpu.memory_space<vmem>>, vector<128x1xi32>
    tpu.vector_store %arg3[%swap3A_1600, %swap3A_1601], %convert_element_type3A_1599 {strides = array<i32>} : memref<4096x1xi32, #tpu.memory_space<vmem>>, vector<128x1xi32>,
    %get3A_1603 = arith.constant 512 : index
    %get3A_1604 = arith.constant 0 : index
    %get3A_1605 = vector.load %arg0[%get3A_1603, %get3A_1604] : memref<4096x1xi32, #tpu.memory_space<vmem>>, vector<128x1xi32>
    %eq3A_1606 = vector.broadcast %get3A_1605 : vector<128x1xi32> to vector<128x64xi32>
    %eq3A_1607 = arith.cmpi eq, %eq3A_1606, %iota3A : vector<128x64xi32>
    %convert_element_type3A_1608 = arith.extui %eq3A_1607 : vector<128x64xi1> to vector<128x64xi32>
    %convert_element_type3A_1609 = arith.sitofp %convert_element_type3A_1608 : vector<128x64xi32> to vector<128x64xf32>
    %mul3A_1610 = vector.broadcast %dot_general3A_1442 : vector<1x64xf32> to vector<128x64xf32>
    %mul3A_1611 = arith.mulf %convert_element_type3A_1609, %mul3A_1610 : vector<128x64xf32>
    %reduce_sum3A_1612 = arith.constant dense<0.000000e+00> : vector<128xf32>
    %reduce_sum3A_1613 = vector.multi_reduction <add>, %mul3A_1611, %reduce_sum3A_1612 [1] : vector<128x64xf32> to vector<128xf32>
    %broadcast_in_dim3A_1614 = vector.shape_cast %reduce_sum3A_1613 : vector<128xf32> to vector<128x1xf32>
    %get3A_1615 = arith.constant 512 : index
    %get3A_1616 = arith.constant 0 : index
    %get3A_1617 = vector.load %arg5[%get3A_1615, %get3A_1616] : memref<4096x1xf32, #tpu.memory_space<vmem>>, vector<128x1xf32>
    %add3A_1618 = arith.addf %broadcast_in_dim3A_1614, %get3A_1617 : vector<128x1xf32>
    %convert_element_type3A_1619 = arith.fptosi %add3A_1618 : vector<128x1xf32> to vector<128x1xi32>
    %swap3A_1620 = arith.constant 512 : index
    %swap3A_1621 = arith.constant 0 : index
    %swap3A_1622 = vector.load %arg2[%swap3A_1620, %swap3A_1621] : memref<4096x1xi32, #tpu.memory_space<vmem>>, vector<128x1xi32>
    tpu.vector_store %arg2[%swap3A_1620, %swap3A_1621], %convert_element_type3A_1619 {strides = array<i32>} : memref<4096x1xi32, #tpu.memory_space<vmem>>, vector<128x1xi32>,
    %get3A_1623 = arith.constant 512 : index
    %get3A_1624 = arith.constant 0 : index
    %get3A_1625 = vector.load %arg1[%get3A_1623, %get3A_1624] : memref<4096x1xi32, #tpu.memory_space<vmem>>, vector<128x1xi32>
    %eq3A_1626 = vector.broadcast %get3A_1625 : vector<128x1xi32> to vector<128x64xi32>
    %eq3A_1627 = arith.cmpi eq, %eq3A_1626, %iota3A : vector<128x64xi32>
    %convert_element_type3A_1628 = arith.extui %eq3A_1627 : vector<128x64xi1> to vector<128x64xi32>
    %convert_element_type3A_1629 = arith.sitofp %convert_element_type3A_1628 : vector<128x64xi32> to vector<128x64xf32>
    %mul3A_1630 = vector.broadcast %dot_general3A_1442 : vector<1x64xf32> to vector<128x64xf32>
    %mul3A_1631 = arith.mulf %convert_element_type3A_1629, %mul3A_1630 : vector<128x64xf32>
    %reduce_sum3A_1632 = arith.constant dense<0.000000e+00> : vector<128xf32>
    %reduce_sum3A_1633 = vector.multi_reduction <add>, %mul3A_1631, %reduce_sum3A_1632 [1] : vector<128x64xf32> to vector<128xf32>
    %broadcast_in_dim3A_1634 = vector.shape_cast %reduce_sum3A_1633 : vector<128xf32> to vector<128x1xf32>
    %get3A_1635 = arith.constant 512 : index
    %get3A_1636 = arith.constant 0 : index
    %get3A_1637 = vector.load %arg6[%get3A_1635, %get3A_1636] : memref<4096x1xf32, #tpu.memory_space<vmem>>, vector<128x1xf32>
    %add3A_1638 = arith.addf %broadcast_in_dim3A_1634, %get3A_1637 : vector<128x1xf32>
    %convert_element_type3A_1639 = arith.fptosi %add3A_1638 : vector<128x1xf32> to vector<128x1xi32>
    %swap3A_1640 = arith.constant 512 : index
    %swap3A_1641 = arith.constant 0 : index
    %swap3A_1642 = vector.load %arg3[%swap3A_1640, %swap3A_1641] : memref<4096x1xi32, #tpu.memory_space<vmem>>, vector<128x1xi32>
    tpu.vector_store %arg3[%swap3A_1640, %swap3A_1641], %convert_element_type3A_1639 {strides = array<i32>} : memref<4096x1xi32, #tpu.memory_space<vmem>>, vector<128x1xi32>,
    %get3A_1643 = arith.constant 640 : index
    %get3A_1644 = arith.constant 0 : index
    %get3A_1645 = vector.load %arg0[%get3A_1643, %get3A_1644] : memref<4096x1xi32, #tpu.memory_space<vmem>>, vector<128x1xi32>
    %eq3A_1646 = vector.broadcast %get3A_1645 : vector<128x1xi32> to vector<128x64xi32>
    %eq3A_1647 = arith.cmpi eq, %eq3A_1646, %iota3A : vector<128x64xi32>
    %convert_element_type3A_1648 = arith.extui %eq3A_1647 : vector<128x64xi1> to vector<128x64xi32>
    %convert_element_type3A_1649 = arith.sitofp %convert_element_type3A_1648 : vector<128x64xi32> to vector<128x64xf32>
    %mul3A_1650 = vector.broadcast %dot_general3A_1442 : vector<1x64xf32> to vector<128x64xf32>
    %mul3A_1651 = arith.mulf %convert_element_type3A_1649, %mul3A_1650 : vector<128x64xf32>
    %reduce_sum3A_1652 = arith.constant dense<0.000000e+00> : vector<128xf32>
    %reduce_sum3A_1653 = vector.multi_reduction <add>, %mul3A_1651, %reduce_sum3A_1652 [1] : vector<128x64xf32> to vector<128xf32>
    %broadcast_in_dim3A_1654 = vector.shape_cast %reduce_sum3A_1653 : vector<128xf32> to vector<128x1xf32>
    %get3A_1655 = arith.constant 640 : index
    %get3A_1656 = arith.constant 0 : index
    %get3A_1657 = vector.load %arg5[%get3A_1655, %get3A_1656] : memref<4096x1xf32, #tpu.memory_space<vmem>>, vector<128x1xf32>
    %add3A_1658 = arith.addf %broadcast_in_dim3A_1654, %get3A_1657 : vector<128x1xf32>
    %convert_element_type3A_1659 = arith.fptosi %add3A_1658 : vector<128x1xf32> to vector<128x1xi32>
    %swap3A_1660 = arith.constant 640 : index
    %swap3A_1661 = arith.constant 0 : index
    %swap3A_1662 = vector.load %arg2[%swap3A_1660, %swap3A_1661] : memref<4096x1xi32, #tpu.memory_space<vmem>>, vector<128x1xi32>
    tpu.vector_store %arg2[%swap3A_1660, %swap3A_1661], %convert_element_type3A_1659 {strides = array<i32>} : memref<4096x1xi32, #tpu.memory_space<vmem>>, vector<128x1xi32>,
    %get3A_1663 = arith.constant 640 : index
    %get3A_1664 = arith.constant 0 : index
    %get3A_1665 = vector.load %arg1[%get3A_1663, %get3A_1664] : memref<4096x1xi32, #tpu.memory_space<vmem>>, vector<128x1xi32>
    %eq3A_1666 = vector.broadcast %get3A_1665 : vector<128x1xi32> to vector<128x64xi32>
    %eq3A_1667 = arith.cmpi eq, %eq3A_1666, %iota3A : vector<128x64xi32>
    %convert_element_type3A_1668 = arith.extui %eq3A_1667 : vector<128x64xi1> to vector<128x64xi32>
    %convert_element_type3A_1669 = arith.sitofp %convert_element_type3A_1668 : vector<128x64xi32> to vector<128x64xf32>
    %mul3A_1670 = vector.broadcast %dot_general3A_1442 : vector<1x64xf32> to vector<128x64xf32>
    %mul3A_1671 = arith.mulf %convert_element_type3A_1669, %mul3A_1670 : vector<128x64xf32>
    %reduce_sum3A_1672 = arith.constant dense<0.000000e+00> : vector<128xf32>
    %reduce_sum3A_1673 = vector.multi_reduction <add>, %mul3A_1671, %reduce_sum3A_1672 [1] : vector<128x64xf32> to vector<128xf32>
    %broadcast_in_dim3A_1674 = vector.shape_cast %reduce_sum3A_1673 : vector<128xf32> to vector<128x1xf32>
    %get3A_1675 = arith.constant 640 : index
    %get3A_1676 = arith.constant 0 : index
    %get3A_1677 = vector.load %arg6[%get3A_1675, %get3A_1676] : memref<4096x1xf32, #tpu.memory_space<vmem>>, vector<128x1xf32>
    %add3A_1678 = arith.addf %broadcast_in_dim3A_1674, %get3A_1677 : vector<128x1xf32>
    %convert_element_type3A_1679 = arith.fptosi %add3A_1678 : vector<128x1xf32> to vector<128x1xi32>
    %swap3A_1680 = arith.constant 640 : index
    %swap3A_1681 = arith.constant 0 : index
    %swap3A_1682 = vector.load %arg3[%swap3A_1680, %swap3A_1681] : memref<4096x1xi32, #tpu.memory_space<vmem>>, vector<128x1xi32>
    tpu.vector_store %arg3[%swap3A_1680, %swap3A_1681], %convert_element_type3A_1679 {strides = array<i32>} : memref<4096x1xi32, #tpu.memory_space<vmem>>, vector<128x1xi32>,
    %get3A_1683 = arith.constant 768 : index
    %get3A_1684 = arith.constant 0 : index
    %get3A_1685 = vector.load %arg0[%get3A_1683, %get3A_1684] : memref<4096x1xi32, #tpu.memory_space<vmem>>, vector<128x1xi32>
    %eq3A_1686 = vector.broadcast %get3A_1685 : vector<128x1xi32> to vector<128x64xi32>
    %eq3A_1687 = arith.cmpi eq, %eq3A_1686, %iota3A : vector<128x64xi32>
    %convert_element_type3A_1688 = arith.extui %eq3A_1687 : vector<128x64xi1> to vector<128x64xi32>
    %convert_element_type3A_1689 = arith.sitofp %convert_element_type3A_1688 : vector<128x64xi32> to vector<128x64xf32>
    %mul3A_1690 = vector.broadcast %dot_general3A_1442 : vector<1x64xf32> to vector<128x64xf32>
    %mul3A_1691 = arith.mulf %convert_element_type3A_1689, %mul3A_1690 : vector<128x64xf32>
    %reduce_sum3A_1692 = arith.constant dense<0.000000e+00> : vector<128xf32>
    %reduce_sum3A_1693 = vector.multi_reduction <add>, %mul3A_1691, %reduce_sum3A_1692 [1] : vector<128x64xf32> to vector<128xf32>
    %broadcast_in_dim3A_1694 = vector.shape_cast %reduce_sum3A_1693 : vector<128xf32> to vector<128x1xf32>
    %get3A_1695 = arith.constant 768 : index
    %get3A_1696 = arith.constant 0 : index
    %get3A_1697 = vector.load %arg5[%get3A_1695, %get3A_1696] : memref<4096x1xf32, #tpu.memory_space<vmem>>, vector<128x1xf32>
    %add3A_1698 = arith.addf %broadcast_in_dim3A_1694, %get3A_1697 : vector<128x1xf32>
    %convert_element_type3A_1699 = arith.fptosi %add3A_1698 : vector<128x1xf32> to vector<128x1xi32>
    %swap3A_1700 = arith.constant 768 : index
    %swap3A_1701 = arith.constant 0 : index
    %swap3A_1702 = vector.load %arg2[%swap3A_1700, %swap3A_1701] : memref<4096x1xi32, #tpu.memory_space<vmem>>, vector<128x1xi32>
    tpu.vector_store %arg2[%swap3A_1700, %swap3A_1701], %convert_element_type3A_1699 {strides = array<i32>} : memref<4096x1xi32, #tpu.memory_space<vmem>>, vector<128x1xi32>,
    %get3A_1703 = arith.constant 768 : index
    %get3A_1704 = arith.constant 0 : index
    %get3A_1705 = vector.load %arg1[%get3A_1703, %get3A_1704] : memref<4096x1xi32, #tpu.memory_space<vmem>>, vector<128x1xi32>
    %eq3A_1706 = vector.broadcast %get3A_1705 : vector<128x1xi32> to vector<128x64xi32>
    %eq3A_1707 = arith.cmpi eq, %eq3A_1706, %iota3A : vector<128x64xi32>
    %convert_element_type3A_1708 = arith.extui %eq3A_1707 : vector<128x64xi1> to vector<128x64xi32>
    %convert_element_type3A_1709 = arith.sitofp %convert_element_type3A_1708 : vector<128x64xi32> to vector<128x64xf32>
    %mul3A_1710 = vector.broadcast %dot_general3A_1442 : vector<1x64xf32> to vector<128x64xf32>
    %mul3A_1711 = arith.mulf %convert_element_type3A_1709, %mul3A_1710 : vector<128x64xf32>
    %reduce_sum3A_1712 = arith.constant dense<0.000000e+00> : vector<128xf32>
    %reduce_sum3A_1713 = vector.multi_reduction <add>, %mul3A_1711, %reduce_sum3A_1712 [1] : vector<128x64xf32> to vector<128xf32>
    %broadcast_in_dim3A_1714 = vector.shape_cast %reduce_sum3A_1713 : vector<128xf32> to vector<128x1xf32>
    %get3A_1715 = arith.constant 768 : index
    %get3A_1716 = arith.constant 0 : index
    %get3A_1717 = vector.load %arg6[%get3A_1715, %get3A_1716] : memref<4096x1xf32, #tpu.memory_space<vmem>>, vector<128x1xf32>
    %add3A_1718 = arith.addf %broadcast_in_dim3A_1714, %get3A_1717 : vector<128x1xf32>
    %convert_element_type3A_1719 = arith.fptosi %add3A_1718 : vector<128x1xf32> to vector<128x1xi32>
    %swap3A_1720 = arith.constant 768 : index
    %swap3A_1721 = arith.constant 0 : index
    %swap3A_1722 = vector.load %arg3[%swap3A_1720, %swap3A_1721] : memref<4096x1xi32, #tpu.memory_space<vmem>>, vector<128x1xi32>
    tpu.vector_store %arg3[%swap3A_1720, %swap3A_1721], %convert_element_type3A_1719 {strides = array<i32>} : memref<4096x1xi32, #tpu.memory_space<vmem>>, vector<128x1xi32>,
    %get3A_1723 = arith.constant 896 : index
    %get3A_1724 = arith.constant 0 : index
    %get3A_1725 = vector.load %arg0[%get3A_1723, %get3A_1724] : memref<4096x1xi32, #tpu.memory_space<vmem>>, vector<128x1xi32>
    %eq3A_1726 = vector.broadcast %get3A_1725 : vector<128x1xi32> to vector<128x64xi32>
    %eq3A_1727 = arith.cmpi eq, %eq3A_1726, %iota3A : vector<128x64xi32>
    %convert_element_type3A_1728 = arith.extui %eq3A_1727 : vector<128x64xi1> to vector<128x64xi32>
    %convert_element_type3A_1729 = arith.sitofp %convert_element_type3A_1728 : vector<128x64xi32> to vector<128x64xf32>
    %mul3A_1730 = vector.broadcast %dot_general3A_1442 : vector<1x64xf32> to vector<128x64xf32>
    %mul3A_1731 = arith.mulf %convert_element_type3A_1729, %mul3A_1730 : vector<128x64xf32>
    %reduce_sum3A_1732 = arith.constant dense<0.000000e+00> : vector<128xf32>
    %reduce_sum3A_1733 = vector.multi_reduction <add>, %mul3A_1731, %reduce_sum3A_1732 [1] : vector<128x64xf32> to vector<128xf32>
    %broadcast_in_dim3A_1734 = vector.shape_cast %reduce_sum3A_1733 : vector<128xf32> to vector<128x1xf32>
    %get3A_1735 = arith.constant 896 : index
    %get3A_1736 = arith.constant 0 : index
    %get3A_1737 = vector.load %arg5[%get3A_1735, %get3A_1736] : memref<4096x1xf32, #tpu.memory_space<vmem>>, vector<128x1xf32>
    %add3A_1738 = arith.addf %broadcast_in_dim3A_1734, %get3A_1737 : vector<128x1xf32>
    %convert_element_type3A_1739 = arith.fptosi %add3A_1738 : vector<128x1xf32> to vector<128x1xi32>
    %swap3A_1740 = arith.constant 896 : index
    %swap3A_1741 = arith.constant 0 : index
    %swap3A_1742 = vector.load %arg2[%swap3A_1740, %swap3A_1741] : memref<4096x1xi32, #tpu.memory_space<vmem>>, vector<128x1xi32>
    tpu.vector_store %arg2[%swap3A_1740, %swap3A_1741], %convert_element_type3A_1739 {strides = array<i32>} : memref<4096x1xi32, #tpu.memory_space<vmem>>, vector<128x1xi32>,
    %get3A_1743 = arith.constant 896 : index
    %get3A_1744 = arith.constant 0 : index
    %get3A_1745 = vector.load %arg1[%get3A_1743, %get3A_1744] : memref<4096x1xi32, #tpu.memory_space<vmem>>, vector<128x1xi32>
    %eq3A_1746 = vector.broadcast %get3A_1745 : vector<128x1xi32> to vector<128x64xi32>
    %eq3A_1747 = arith.cmpi eq, %eq3A_1746, %iota3A : vector<128x64xi32>
    %convert_element_type3A_1748 = arith.extui %eq3A_1747 : vector<128x64xi1> to vector<128x64xi32>
    %convert_element_type3A_1749 = arith.sitofp %convert_element_type3A_1748 : vector<128x64xi32> to vector<128x64xf32>
    %mul3A_1750 = vector.broadcast %dot_general3A_1442 : vector<1x64xf32> to vector<128x64xf32>
    %mul3A_1751 = arith.mulf %convert_element_type3A_1749, %mul3A_1750 : vector<128x64xf32>
    %reduce_sum3A_1752 = arith.constant dense<0.000000e+00> : vector<128xf32>
    %reduce_sum3A_1753 = vector.multi_reduction <add>, %mul3A_1751, %reduce_sum3A_1752 [1] : vector<128x64xf32> to vector<128xf32>
    %broadcast_in_dim3A_1754 = vector.shape_cast %reduce_sum3A_1753 : vector<128xf32> to vector<128x1xf32>
    %get3A_1755 = arith.constant 896 : index
    %get3A_1756 = arith.constant 0 : index
    %get3A_1757 = vector.load %arg6[%get3A_1755, %get3A_1756] : memref<4096x1xf32, #tpu.memory_space<vmem>>, vector<128x1xf32>
    %add3A_1758 = arith.addf %broadcast_in_dim3A_1754, %get3A_1757 : vector<128x1xf32>
    %convert_element_type3A_1759 = arith.fptosi %add3A_1758 : vector<128x1xf32> to vector<128x1xi32>
    %swap3A_1760 = arith.constant 896 : index
    %swap3A_1761 = arith.constant 0 : index
    %swap3A_1762 = vector.load %arg3[%swap3A_1760, %swap3A_1761] : memref<4096x1xi32, #tpu.memory_space<vmem>>, vector<128x1xi32>
    tpu.vector_store %arg3[%swap3A_1760, %swap3A_1761], %convert_element_type3A_1759 {strides = array<i32>} : memref<4096x1xi32, #tpu.memory_space<vmem>>, vector<128x1xi32>,
    %get3A_1763 = arith.constant 1024 : index
    %get3A_1764 = arith.constant 0 : index
    %get3A_1765 = vector.load %arg0[%get3A_1763, %get3A_1764] : memref<4096x1xi32, #tpu.memory_space<vmem>>, vector<128x1xi32>
    %eq3A_1766 = vector.broadcast %get3A_1765 : vector<128x1xi32> to vector<128x64xi32>
    %eq3A_1767 = arith.cmpi eq, %eq3A_1766, %iota3A : vector<128x64xi32>
    %convert_element_type3A_1768 = arith.extui %eq3A_1767 : vector<128x64xi1> to vector<128x64xi32>
    %convert_element_type3A_1769 = arith.sitofp %convert_element_type3A_1768 : vector<128x64xi32> to vector<128x64xf32>
    %mul3A_1770 = vector.broadcast %dot_general3A_1442 : vector<1x64xf32> to vector<128x64xf32>
    %mul3A_1771 = arith.mulf %convert_element_type3A_1769, %mul3A_1770 : vector<128x64xf32>
    %reduce_sum3A_1772 = arith.constant dense<0.000000e+00> : vector<128xf32>
    %reduce_sum3A_1773 = vector.multi_reduction <add>, %mul3A_1771, %reduce_sum3A_1772 [1] : vector<128x64xf32> to vector<128xf32>
    %broadcast_in_dim3A_1774 = vector.shape_cast %reduce_sum3A_1773 : vector<128xf32> to vector<128x1xf32>
    %get3A_1775 = arith.constant 1024 : index
    %get3A_1776 = arith.constant 0 : index
    %get3A_1777 = vector.load %arg5[%get3A_1775, %get3A_1776] : memref<4096x1xf32, #tpu.memory_space<vmem>>, vector<128x1xf32>
    %add3A_1778 = arith.addf %broadcast_in_dim3A_1774, %get3A_1777 : vector<128x1xf32>
    %convert_element_type3A_1779 = arith.fptosi %add3A_1778 : vector<128x1xf32> to vector<128x1xi32>
    %swap3A_1780 = arith.constant 1024 : index
    %swap3A_1781 = arith.constant 0 : index
    %swap3A_1782 = vector.load %arg2[%swap3A_1780, %swap3A_1781] : memref<4096x1xi32, #tpu.memory_space<vmem>>, vector<128x1xi32>
    tpu.vector_store %arg2[%swap3A_1780, %swap3A_1781], %convert_element_type3A_1779 {strides = array<i32>} : memref<4096x1xi32, #tpu.memory_space<vmem>>, vector<128x1xi32>,
    %get3A_1783 = arith.constant 1024 : index
    %get3A_1784 = arith.constant 0 : index
    %get3A_1785 = vector.load %arg1[%get3A_1783, %get3A_1784] : memref<4096x1xi32, #tpu.memory_space<vmem>>, vector<128x1xi32>
    %eq3A_1786 = vector.broadcast %get3A_1785 : vector<128x1xi32> to vector<128x64xi32>
    %eq3A_1787 = arith.cmpi eq, %eq3A_1786, %iota3A : vector<128x64xi32>
    %convert_element_type3A_1788 = arith.extui %eq3A_1787 : vector<128x64xi1> to vector<128x64xi32>
    %convert_element_type3A_1789 = arith.sitofp %convert_element_type3A_1788 : vector<128x64xi32> to vector<128x64xf32>
    %mul3A_1790 = vector.broadcast %dot_general3A_1442 : vector<1x64xf32> to vector<128x64xf32>
    %mul3A_1791 = arith.mulf %convert_element_type3A_1789, %mul3A_1790 : vector<128x64xf32>
    %reduce_sum3A_1792 = arith.constant dense<0.000000e+00> : vector<128xf32>
    %reduce_sum3A_1793 = vector.multi_reduction <add>, %mul3A_1791, %reduce_sum3A_1792 [1] : vector<128x64xf32> to vector<128xf32>
    %broadcast_in_dim3A_1794 = vector.shape_cast %reduce_sum3A_1793 : vector<128xf32> to vector<128x1xf32>
    %get3A_1795 = arith.constant 1024 : index
    %get3A_1796 = arith.constant 0 : index
    %get3A_1797 = vector.load %arg6[%get3A_1795, %get3A_1796] : memref<4096x1xf32, #tpu.memory_space<vmem>>, vector<128x1xf32>
    %add3A_1798 = arith.addf %broadcast_in_dim3A_1794, %get3A_1797 : vector<128x1xf32>
    %convert_element_type3A_1799 = arith.fptosi %add3A_1798 : vector<128x1xf32> to vector<128x1xi32>
    %swap3A_1800 = arith.constant 1024 : index
    %swap3A_1801 = arith.constant 0 : index
    %swap3A_1802 = vector.load %arg3[%swap3A_1800, %swap3A_1801] : memref<4096x1xi32, #tpu.memory_space<vmem>>, vector<128x1xi32>
    tpu.vector_store %arg3[%swap3A_1800, %swap3A_1801], %convert_element_type3A_1799 {strides = array<i32>} : memref<4096x1xi32, #tpu.memory_space<vmem>>, vector<128x1xi32>,
    %get3A_1803 = arith.constant 1152 : index
    %get3A_1804 = arith.constant 0 : index
    %get3A_1805 = vector.load %arg0[%get3A_1803, %get3A_1804] : memref<4096x1xi32, #tpu.memory_space<vmem>>, vector<128x1xi32>
    %eq3A_1806 = vector.broadcast %get3A_1805 : vector<128x1xi32> to vector<128x64xi32>
    %eq3A_1807 = arith.cmpi eq, %eq3A_1806, %iota3A : vector<128x64xi32>
    %convert_element_type3A_1808 = arith.extui %eq3A_1807 : vector<128x64xi1> to vector<128x64xi32>
    %convert_element_type3A_1809 = arith.sitofp %convert_element_type3A_1808 : vector<128x64xi32> to vector<128x64xf32>
    %mul3A_1810 = vector.broadcast %dot_general3A_1442 : vector<1x64xf32> to vector<128x64xf32>
    %mul3A_1811 = arith.mulf %convert_element_type3A_1809, %mul3A_1810 : vector<128x64xf32>
    %reduce_sum3A_1812 = arith.constant dense<0.000000e+00> : vector<128xf32>
    %reduce_sum3A_1813 = vector.multi_reduction <add>, %mul3A_1811, %reduce_sum3A_1812 [1] : vector<128x64xf32> to vector<128xf32>
    %broadcast_in_dim3A_1814 = vector.shape_cast %reduce_sum3A_1813 : vector<128xf32> to vector<128x1xf32>
    %get3A_1815 = arith.constant 1152 : index
    %get3A_1816 = arith.constant 0 : index
    %get3A_1817 = vector.load %arg5[%get3A_1815, %get3A_1816] : memref<4096x1xf32, #tpu.memory_space<vmem>>, vector<128x1xf32>
    %add3A_1818 = arith.addf %broadcast_in_dim3A_1814, %get3A_1817 : vector<128x1xf32>
    %convert_element_type3A_1819 = arith.fptosi %add3A_1818 : vector<128x1xf32> to vector<128x1xi32>
    %swap3A_1820 = arith.constant 1152 : index
    %swap3A_1821 = arith.constant 0 : index
    %swap3A_1822 = vector.load %arg2[%swap3A_1820, %swap3A_1821] : memref<4096x1xi32, #tpu.memory_space<vmem>>, vector<128x1xi32>
    tpu.vector_store %arg2[%swap3A_1820, %swap3A_1821], %convert_element_type3A_1819 {strides = array<i32>} : memref<4096x1xi32, #tpu.memory_space<vmem>>, vector<128x1xi32>,
    %get3A_1823 = arith.constant 1152 : index
    %get3A_1824 = arith.constant 0 : index
    %get3A_1825 = vector.load %arg1[%get3A_1823, %get3A_1824] : memref<4096x1xi32, #tpu.memory_space<vmem>>, vector<128x1xi32>
    %eq3A_1826 = vector.broadcast %get3A_1825 : vector<128x1xi32> to vector<128x64xi32>
    %eq3A_1827 = arith.cmpi eq, %eq3A_1826, %iota3A : vector<128x64xi32>
    %convert_element_type3A_1828 = arith.extui %eq3A_1827 : vector<128x64xi1> to vector<128x64xi32>
    %convert_element_type3A_1829 = arith.sitofp %convert_element_type3A_1828 : vector<128x64xi32> to vector<128x64xf32>
    %mul3A_1830 = vector.broadcast %dot_general3A_1442 : vector<1x64xf32> to vector<128x64xf32>
    %mul3A_1831 = arith.mulf %convert_element_type3A_1829, %mul3A_1830 : vector<128x64xf32>
    %reduce_sum3A_1832 = arith.constant dense<0.000000e+00> : vector<128xf32>
    %reduce_sum3A_1833 = vector.multi_reduction <add>, %mul3A_1831, %reduce_sum3A_1832 [1] : vector<128x64xf32> to vector<128xf32>
    %broadcast_in_dim3A_1834 = vector.shape_cast %reduce_sum3A_1833 : vector<128xf32> to vector<128x1xf32>
    %get3A_1835 = arith.constant 1152 : index
    %get3A_1836 = arith.constant 0 : index
    %get3A_1837 = vector.load %arg6[%get3A_1835, %get3A_1836] : memref<4096x1xf32, #tpu.memory_space<vmem>>, vector<128x1xf32>
    %add3A_1838 = arith.addf %broadcast_in_dim3A_1834, %get3A_1837 : vector<128x1xf32>
    %convert_element_type3A_1839 = arith.fptosi %add3A_1838 : vector<128x1xf32> to vector<128x1xi32>
    %swap3A_1840 = arith.constant 1152 : index
    %swap3A_1841 = arith.constant 0 : index
    %swap3A_1842 = vector.load %arg3[%swap3A_1840, %swap3A_1841] : memref<4096x1xi32, #tpu.memory_space<vmem>>, vector<128x1xi32>
    tpu.vector_store %arg3[%swap3A_1840, %swap3A_1841], %convert_element_type3A_1839 {strides = array<i32>} : memref<4096x1xi32, #tpu.memory_space<vmem>>, vector<128x1xi32>,
    %get3A_1843 = arith.constant 1280 : index
    %get3A_1844 = arith.constant 0 : index
    %get3A_1845 = vector.load %arg0[%get3A_1843, %get3A_1844] : memref<4096x1xi32, #tpu.memory_space<vmem>>, vector<128x1xi32>
    %eq3A_1846 = vector.broadcast %get3A_1845 : vector<128x1xi32> to vector<128x64xi32>
    %eq3A_1847 = arith.cmpi eq, %eq3A_1846, %iota3A : vector<128x64xi32>
    %convert_element_type3A_1848 = arith.extui %eq3A_1847 : vector<128x64xi1> to vector<128x64xi32>
    %convert_element_type3A_1849 = arith.sitofp %convert_element_type3A_1848 : vector<128x64xi32> to vector<128x64xf32>
    %mul3A_1850 = vector.broadcast %dot_general3A_1442 : vector<1x64xf32> to vector<128x64xf32>
    %mul3A_1851 = arith.mulf %convert_element_type3A_1849, %mul3A_1850 : vector<128x64xf32>
    %reduce_sum3A_1852 = arith.constant dense<0.000000e+00> : vector<128xf32>
    %reduce_sum3A_1853 = vector.multi_reduction <add>, %mul3A_1851, %reduce_sum3A_1852 [1] : vector<128x64xf32> to vector<128xf32>
    %broadcast_in_dim3A_1854 = vector.shape_cast %reduce_sum3A_1853 : vector<128xf32> to vector<128x1xf32>
    %get3A_1855 = arith.constant 1280 : index
    %get3A_1856 = arith.constant 0 : index
    %get3A_1857 = vector.load %arg5[%get3A_1855, %get3A_1856] : memref<4096x1xf32, #tpu.memory_space<vmem>>, vector<128x1xf32>
    %add3A_1858 = arith.addf %broadcast_in_dim3A_1854, %get3A_1857 : vector<128x1xf32>
    %convert_element_type3A_1859 = arith.fptosi %add3A_1858 : vector<128x1xf32> to vector<128x1xi32>
    %swap3A_1860 = arith.constant 1280 : index
    %swap3A_1861 = arith.constant 0 : index
    %swap3A_1862 = vector.load %arg2[%swap3A_1860, %swap3A_1861] : memref<4096x1xi32, #tpu.memory_space<vmem>>, vector<128x1xi32>
    tpu.vector_store %arg2[%swap3A_1860, %swap3A_1861], %convert_element_type3A_1859 {strides = array<i32>} : memref<4096x1xi32, #tpu.memory_space<vmem>>, vector<128x1xi32>,
    %get3A_1863 = arith.constant 1280 : index
    %get3A_1864 = arith.constant 0 : index
    %get3A_1865 = vector.load %arg1[%get3A_1863, %get3A_1864] : memref<4096x1xi32, #tpu.memory_space<vmem>>, vector<128x1xi32>
    %eq3A_1866 = vector.broadcast %get3A_1865 : vector<128x1xi32> to vector<128x64xi32>
    %eq3A_1867 = arith.cmpi eq, %eq3A_1866, %iota3A : vector<128x64xi32>
    %convert_element_type3A_1868 = arith.extui %eq3A_1867 : vector<128x64xi1> to vector<128x64xi32>
    %convert_element_type3A_1869 = arith.sitofp %convert_element_type3A_1868 : vector<128x64xi32> to vector<128x64xf32>
    %mul3A_1870 = vector.broadcast %dot_general3A_1442 : vector<1x64xf32> to vector<128x64xf32>
    %mul3A_1871 = arith.mulf %convert_element_type3A_1869, %mul3A_1870 : vector<128x64xf32>
    %reduce_sum3A_1872 = arith.constant dense<0.000000e+00> : vector<128xf32>
    %reduce_sum3A_1873 = vector.multi_reduction <add>, %mul3A_1871, %reduce_sum3A_1872 [1] : vector<128x64xf32> to vector<128xf32>
    %broadcast_in_dim3A_1874 = vector.shape_cast %reduce_sum3A_1873 : vector<128xf32> to vector<128x1xf32>
    %get3A_1875 = arith.constant 1280 : index
    %get3A_1876 = arith.constant 0 : index
    %get3A_1877 = vector.load %arg6[%get3A_1875, %get3A_1876] : memref<4096x1xf32, #tpu.memory_space<vmem>>, vector<128x1xf32>
    %add3A_1878 = arith.addf %broadcast_in_dim3A_1874, %get3A_1877 : vector<128x1xf32>
    %convert_element_type3A_1879 = arith.fptosi %add3A_1878 : vector<128x1xf32> to vector<128x1xi32>
    %swap3A_1880 = arith.constant 1280 : index
    %swap3A_1881 = arith.constant 0 : index
    %swap3A_1882 = vector.load %arg3[%swap3A_1880, %swap3A_1881] : memref<4096x1xi32, #tpu.memory_space<vmem>>, vector<128x1xi32>
    tpu.vector_store %arg3[%swap3A_1880, %swap3A_1881], %convert_element_type3A_1879 {strides = array<i32>} : memref<4096x1xi32, #tpu.memory_space<vmem>>, vector<128x1xi32>,
    %get3A_1883 = arith.constant 1408 : index
    %get3A_1884 = arith.constant 0 : index
    %get3A_1885 = vector.load %arg0[%get3A_1883, %get3A_1884] : memref<4096x1xi32, #tpu.memory_space<vmem>>, vector<128x1xi32>
    %eq3A_1886 = vector.broadcast %get3A_1885 : vector<128x1xi32> to vector<128x64xi32>
    %eq3A_1887 = arith.cmpi eq, %eq3A_1886, %iota3A : vector<128x64xi32>
    %convert_element_type3A_1888 = arith.extui %eq3A_1887 : vector<128x64xi1> to vector<128x64xi32>
    %convert_element_type3A_1889 = arith.sitofp %convert_element_type3A_1888 : vector<128x64xi32> to vector<128x64xf32>
    %mul3A_1890 = vector.broadcast %dot_general3A_1442 : vector<1x64xf32> to vector<128x64xf32>
    %mul3A_1891 = arith.mulf %convert_element_type3A_1889, %mul3A_1890 : vector<128x64xf32>
    %reduce_sum3A_1892 = arith.constant dense<0.000000e+00> : vector<128xf32>
    %reduce_sum3A_1893 = vector.multi_reduction <add>, %mul3A_1891, %reduce_sum3A_1892 [1] : vector<128x64xf32> to vector<128xf32>
    %broadcast_in_dim3A_1894 = vector.shape_cast %reduce_sum3A_1893 : vector<128xf32> to vector<128x1xf32>
    %get3A_1895 = arith.constant 1408 : index
    %get3A_1896 = arith.constant 0 : index
    %get3A_1897 = vector.load %arg5[%get3A_1895, %get3A_1896] : memref<4096x1xf32, #tpu.memory_space<vmem>>, vector<128x1xf32>
    %add3A_1898 = arith.addf %broadcast_in_dim3A_1894, %get3A_1897 : vector<128x1xf32>
    %convert_element_type3A_1899 = arith.fptosi %add3A_1898 : vector<128x1xf32> to vector<128x1xi32>
    %swap3A_1900 = arith.constant 1408 : index
    %swap3A_1901 = arith.constant 0 : index
    %swap3A_1902 = vector.load %arg2[%swap3A_1900, %swap3A_1901] : memref<4096x1xi32, #tpu.memory_space<vmem>>, vector<128x1xi32>
    tpu.vector_store %arg2[%swap3A_1900, %swap3A_1901], %convert_element_type3A_1899 {strides = array<i32>} : memref<4096x1xi32, #tpu.memory_space<vmem>>, vector<128x1xi32>,
    %get3A_1903 = arith.constant 1408 : index
    %get3A_1904 = arith.constant 0 : index
    %get3A_1905 = vector.load %arg1[%get3A_1903, %get3A_1904] : memref<4096x1xi32, #tpu.memory_space<vmem>>, vector<128x1xi32>
    %eq3A_1906 = vector.broadcast %get3A_1905 : vector<128x1xi32> to vector<128x64xi32>
    %eq3A_1907 = arith.cmpi eq, %eq3A_1906, %iota3A : vector<128x64xi32>
    %convert_element_type3A_1908 = arith.extui %eq3A_1907 : vector<128x64xi1> to vector<128x64xi32>
    %convert_element_type3A_1909 = arith.sitofp %convert_element_type3A_1908 : vector<128x64xi32> to vector<128x64xf32>
    %mul3A_1910 = vector.broadcast %dot_general3A_1442 : vector<1x64xf32> to vector<128x64xf32>
    %mul3A_1911 = arith.mulf %convert_element_type3A_1909, %mul3A_1910 : vector<128x64xf32>
    %reduce_sum3A_1912 = arith.constant dense<0.000000e+00> : vector<128xf32>
    %reduce_sum3A_1913 = vector.multi_reduction <add>, %mul3A_1911, %reduce_sum3A_1912 [1] : vector<128x64xf32> to vector<128xf32>
    %broadcast_in_dim3A_1914 = vector.shape_cast %reduce_sum3A_1913 : vector<128xf32> to vector<128x1xf32>
    %get3A_1915 = arith.constant 1408 : index
    %get3A_1916 = arith.constant 0 : index
    %get3A_1917 = vector.load %arg6[%get3A_1915, %get3A_1916] : memref<4096x1xf32, #tpu.memory_space<vmem>>, vector<128x1xf32>
    %add3A_1918 = arith.addf %broadcast_in_dim3A_1914, %get3A_1917 : vector<128x1xf32>
    %convert_element_type3A_1919 = arith.fptosi %add3A_1918 : vector<128x1xf32> to vector<128x1xi32>
    %swap3A_1920 = arith.constant 1408 : index
    %swap3A_1921 = arith.constant 0 : index
    %swap3A_1922 = vector.load %arg3[%swap3A_1920, %swap3A_1921] : memref<4096x1xi32, #tpu.memory_space<vmem>>, vector<128x1xi32>
    tpu.vector_store %arg3[%swap3A_1920, %swap3A_1921], %convert_element_type3A_1919 {strides = array<i32>} : memref<4096x1xi32, #tpu.memory_space<vmem>>, vector<128x1xi32>,
    %get3A_1923 = arith.constant 1536 : index
    %get3A_1924 = arith.constant 0 : index
    %get3A_1925 = vector.load %arg0[%get3A_1923, %get3A_1924] : memref<4096x1xi32, #tpu.memory_space<vmem>>, vector<128x1xi32>
    %eq3A_1926 = vector.broadcast %get3A_1925 : vector<128x1xi32> to vector<128x64xi32>
    %eq3A_1927 = arith.cmpi eq, %eq3A_1926, %iota3A : vector<128x64xi32>
    %convert_element_type3A_1928 = arith.extui %eq3A_1927 : vector<128x64xi1> to vector<128x64xi32>
    %convert_element_type3A_1929 = arith.sitofp %convert_element_type3A_1928 : vector<128x64xi32> to vector<128x64xf32>
    %mul3A_1930 = vector.broadcast %dot_general3A_1442 : vector<1x64xf32> to vector<128x64xf32>
    %mul3A_1931 = arith.mulf %convert_element_type3A_1929, %mul3A_1930 : vector<128x64xf32>
    %reduce_sum3A_1932 = arith.constant dense<0.000000e+00> : vector<128xf32>
    %reduce_sum3A_1933 = vector.multi_reduction <add>, %mul3A_1931, %reduce_sum3A_1932 [1] : vector<128x64xf32> to vector<128xf32>
    %broadcast_in_dim3A_1934 = vector.shape_cast %reduce_sum3A_1933 : vector<128xf32> to vector<128x1xf32>
    %get3A_1935 = arith.constant 1536 : index
    %get3A_1936 = arith.constant 0 : index
    %get3A_1937 = vector.load %arg5[%get3A_1935, %get3A_1936] : memref<4096x1xf32, #tpu.memory_space<vmem>>, vector<128x1xf32>
    %add3A_1938 = arith.addf %broadcast_in_dim3A_1934, %get3A_1937 : vector<128x1xf32>
    %convert_element_type3A_1939 = arith.fptosi %add3A_1938 : vector<128x1xf32> to vector<128x1xi32>
    %swap3A_1940 = arith.constant 1536 : index
    %swap3A_1941 = arith.constant 0 : index
    %swap3A_1942 = vector.load %arg2[%swap3A_1940, %swap3A_1941] : memref<4096x1xi32, #tpu.memory_space<vmem>>, vector<128x1xi32>
    tpu.vector_store %arg2[%swap3A_1940, %swap3A_1941], %convert_element_type3A_1939 {strides = array<i32>} : memref<4096x1xi32, #tpu.memory_space<vmem>>, vector<128x1xi32>,
    %get3A_1943 = arith.constant 1536 : index
    %get3A_1944 = arith.constant 0 : index
    %get3A_1945 = vector.load %arg1[%get3A_1943, %get3A_1944] : memref<4096x1xi32, #tpu.memory_space<vmem>>, vector<128x1xi32>
    %eq3A_1946 = vector.broadcast %get3A_1945 : vector<128x1xi32> to vector<128x64xi32>
    %eq3A_1947 = arith.cmpi eq, %eq3A_1946, %iota3A : vector<128x64xi32>
    %convert_element_type3A_1948 = arith.extui %eq3A_1947 : vector<128x64xi1> to vector<128x64xi32>
    %convert_element_type3A_1949 = arith.sitofp %convert_element_type3A_1948 : vector<128x64xi32> to vector<128x64xf32>
    %mul3A_1950 = vector.broadcast %dot_general3A_1442 : vector<1x64xf32> to vector<128x64xf32>
    %mul3A_1951 = arith.mulf %convert_element_type3A_1949, %mul3A_1950 : vector<128x64xf32>
    %reduce_sum3A_1952 = arith.constant dense<0.000000e+00> : vector<128xf32>
    %reduce_sum3A_1953 = vector.multi_reduction <add>, %mul3A_1951, %reduce_sum3A_1952 [1] : vector<128x64xf32> to vector<128xf32>
    %broadcast_in_dim3A_1954 = vector.shape_cast %reduce_sum3A_1953 : vector<128xf32> to vector<128x1xf32>
    %get3A_1955 = arith.constant 1536 : index
    %get3A_1956 = arith.constant 0 : index
    %get3A_1957 = vector.load %arg6[%get3A_1955, %get3A_1956] : memref<4096x1xf32, #tpu.memory_space<vmem>>, vector<128x1xf32>
    %add3A_1958 = arith.addf %broadcast_in_dim3A_1954, %get3A_1957 : vector<128x1xf32>
    %convert_element_type3A_1959 = arith.fptosi %add3A_1958 : vector<128x1xf32> to vector<128x1xi32>
    %swap3A_1960 = arith.constant 1536 : index
    %swap3A_1961 = arith.constant 0 : index
    %swap3A_1962 = vector.load %arg3[%swap3A_1960, %swap3A_1961] : memref<4096x1xi32, #tpu.memory_space<vmem>>, vector<128x1xi32>
    tpu.vector_store %arg3[%swap3A_1960, %swap3A_1961], %convert_element_type3A_1959 {strides = array<i32>} : memref<4096x1xi32, #tpu.memory_space<vmem>>, vector<128x1xi32>,
    %get3A_1963 = arith.constant 1664 : index
    %get3A_1964 = arith.constant 0 : index
    %get3A_1965 = vector.load %arg0[%get3A_1963, %get3A_1964] : memref<4096x1xi32, #tpu.memory_space<vmem>>, vector<128x1xi32>
    %eq3A_1966 = vector.broadcast %get3A_1965 : vector<128x1xi32> to vector<128x64xi32>
    %eq3A_1967 = arith.cmpi eq, %eq3A_1966, %iota3A : vector<128x64xi32>
    %convert_element_type3A_1968 = arith.extui %eq3A_1967 : vector<128x64xi1> to vector<128x64xi32>
    %convert_element_type3A_1969 = arith.sitofp %convert_element_type3A_1968 : vector<128x64xi32> to vector<128x64xf32>
    %mul3A_1970 = vector.broadcast %dot_general3A_1442 : vector<1x64xf32> to vector<128x64xf32>
    %mul3A_1971 = arith.mulf %convert_element_type3A_1969, %mul3A_1970 : vector<128x64xf32>
    %reduce_sum3A_1972 = arith.constant dense<0.000000e+00> : vector<128xf32>
    %reduce_sum3A_1973 = vector.multi_reduction <add>, %mul3A_1971, %reduce_sum3A_1972 [1] : vector<128x64xf32> to vector<128xf32>
    %broadcast_in_dim3A_1974 = vector.shape_cast %reduce_sum3A_1973 : vector<128xf32> to vector<128x1xf32>
    %get3A_1975 = arith.constant 1664 : index
    %get3A_1976 = arith.constant 0 : index
    %get3A_1977 = vector.load %arg5[%get3A_1975, %get3A_1976] : memref<4096x1xf32, #tpu.memory_space<vmem>>, vector<128x1xf32>
    %add3A_1978 = arith.addf %broadcast_in_dim3A_1974, %get3A_1977 : vector<128x1xf32>
    %convert_element_type3A_1979 = arith.fptosi %add3A_1978 : vector<128x1xf32> to vector<128x1xi32>
    %swap3A_1980 = arith.constant 1664 : index
    %swap3A_1981 = arith.constant 0 : index
    %swap3A_1982 = vector.load %arg2[%swap3A_1980, %swap3A_1981] : memref<4096x1xi32, #tpu.memory_space<vmem>>, vector<128x1xi32>
    tpu.vector_store %arg2[%swap3A_1980, %swap3A_1981], %convert_element_type3A_1979 {strides = array<i32>} : memref<4096x1xi32, #tpu.memory_space<vmem>>, vector<128x1xi32>,
    %get3A_1983 = arith.constant 1664 : index
    %get3A_1984 = arith.constant 0 : index
    %get3A_1985 = vector.load %arg1[%get3A_1983, %get3A_1984] : memref<4096x1xi32, #tpu.memory_space<vmem>>, vector<128x1xi32>
    %eq3A_1986 = vector.broadcast %get3A_1985 : vector<128x1xi32> to vector<128x64xi32>
    %eq3A_1987 = arith.cmpi eq, %eq3A_1986, %iota3A : vector<128x64xi32>
    %convert_element_type3A_1988 = arith.extui %eq3A_1987 : vector<128x64xi1> to vector<128x64xi32>
    %convert_element_type3A_1989 = arith.sitofp %convert_element_type3A_1988 : vector<128x64xi32> to vector<128x64xf32>
    %mul3A_1990 = vector.broadcast %dot_general3A_1442 : vector<1x64xf32> to vector<128x64xf32>
    %mul3A_1991 = arith.mulf %convert_element_type3A_1989, %mul3A_1990 : vector<128x64xf32>
    %reduce_sum3A_1992 = arith.constant dense<0.000000e+00> : vector<128xf32>
    %reduce_sum3A_1993 = vector.multi_reduction <add>, %mul3A_1991, %reduce_sum3A_1992 [1] : vector<128x64xf32> to vector<128xf32>
    %broadcast_in_dim3A_1994 = vector.shape_cast %reduce_sum3A_1993 : vector<128xf32> to vector<128x1xf32>
    %get3A_1995 = arith.constant 1664 : index
    %get3A_1996 = arith.constant 0 : index
    %get3A_1997 = vector.load %arg6[%get3A_1995, %get3A_1996] : memref<4096x1xf32, #tpu.memory_space<vmem>>, vector<128x1xf32>
    %add3A_1998 = arith.addf %broadcast_in_dim3A_1994, %get3A_1997 : vector<128x1xf32>
    %convert_element_type3A_1999 = arith.fptosi %add3A_1998 : vector<128x1xf32> to vector<128x1xi32>
    %swap3A_2000 = arith.constant 1664 : index
    %swap3A_2001 = arith.constant 0 : index
    %swap3A_2002 = vector.load %arg3[%swap3A_2000, %swap3A_2001] : memref<4096x1xi32, #tpu.memory_space<vmem>>, vector<128x1xi32>
    tpu.vector_store %arg3[%swap3A_2000, %swap3A_2001], %convert_element_type3A_1999 {strides = array<i32>} : memref<4096x1xi32, #tpu.memory_space<vmem>>, vector<128x1xi32>,
    %get3A_2003 = arith.constant 1792 : index
    %get3A_2004 = arith.constant 0 : index
    %get3A_2005 = vector.load %arg0[%get3A_2003, %get3A_2004] : memref<4096x1xi32, #tpu.memory_space<vmem>>, vector<128x1xi32>
    %eq3A_2006 = vector.broadcast %get3A_2005 : vector<128x1xi32> to vector<128x64xi32>
    %eq3A_2007 = arith.cmpi eq, %eq3A_2006, %iota3A : vector<128x64xi32>
    %convert_element_type3A_2008 = arith.extui %eq3A_2007 : vector<128x64xi1> to vector<128x64xi32>
    %convert_element_type3A_2009 = arith.sitofp %convert_element_type3A_2008 : vector<128x64xi32> to vector<128x64xf32>
    %mul3A_2010 = vector.broadcast %dot_general3A_1442 : vector<1x64xf32> to vector<128x64xf32>
    %mul3A_2011 = arith.mulf %convert_element_type3A_2009, %mul3A_2010 : vector<128x64xf32>
    %reduce_sum3A_2012 = arith.constant dense<0.000000e+00> : vector<128xf32>
    %reduce_sum3A_2013 = vector.multi_reduction <add>, %mul3A_2011, %reduce_sum3A_2012 [1] : vector<128x64xf32> to vector<128xf32>
    %broadcast_in_dim3A_2014 = vector.shape_cast %reduce_sum3A_2013 : vector<128xf32> to vector<128x1xf32>
    %get3A_2015 = arith.constant 1792 : index
    %get3A_2016 = arith.constant 0 : index
    %get3A_2017 = vector.load %arg5[%get3A_2015, %get3A_2016] : memref<4096x1xf32, #tpu.memory_space<vmem>>, vector<128x1xf32>
    %add3A_2018 = arith.addf %broadcast_in_dim3A_2014, %get3A_2017 : vector<128x1xf32>
    %convert_element_type3A_2019 = arith.fptosi %add3A_2018 : vector<128x1xf32> to vector<128x1xi32>
    %swap3A_2020 = arith.constant 1792 : index
    %swap3A_2021 = arith.constant 0 : index
    %swap3A_2022 = vector.load %arg2[%swap3A_2020, %swap3A_2021] : memref<4096x1xi32, #tpu.memory_space<vmem>>, vector<128x1xi32>
    tpu.vector_store %arg2[%swap3A_2020, %swap3A_2021], %convert_element_type3A_2019 {strides = array<i32>} : memref<4096x1xi32, #tpu.memory_space<vmem>>, vector<128x1xi32>,
    %get3A_2023 = arith.constant 1792 : index
    %get3A_2024 = arith.constant 0 : index
    %get3A_2025 = vector.load %arg1[%get3A_2023, %get3A_2024] : memref<4096x1xi32, #tpu.memory_space<vmem>>, vector<128x1xi32>
    %eq3A_2026 = vector.broadcast %get3A_2025 : vector<128x1xi32> to vector<128x64xi32>
    %eq3A_2027 = arith.cmpi eq, %eq3A_2026, %iota3A : vector<128x64xi32>
    %convert_element_type3A_2028 = arith.extui %eq3A_2027 : vector<128x64xi1> to vector<128x64xi32>
    %convert_element_type3A_2029 = arith.sitofp %convert_element_type3A_2028 : vector<128x64xi32> to vector<128x64xf32>
    %mul3A_2030 = vector.broadcast %dot_general3A_1442 : vector<1x64xf32> to vector<128x64xf32>
    %mul3A_2031 = arith.mulf %convert_element_type3A_2029, %mul3A_2030 : vector<128x64xf32>
    %reduce_sum3A_2032 = arith.constant dense<0.000000e+00> : vector<128xf32>
    %reduce_sum3A_2033 = vector.multi_reduction <add>, %mul3A_2031, %reduce_sum3A_2032 [1] : vector<128x64xf32> to vector<128xf32>
    %broadcast_in_dim3A_2034 = vector.shape_cast %reduce_sum3A_2033 : vector<128xf32> to vector<128x1xf32>
    %get3A_2035 = arith.constant 1792 : index
    %get3A_2036 = arith.constant 0 : index
    %get3A_2037 = vector.load %arg6[%get3A_2035, %get3A_2036] : memref<4096x1xf32, #tpu.memory_space<vmem>>, vector<128x1xf32>
    %add3A_2038 = arith.addf %broadcast_in_dim3A_2034, %get3A_2037 : vector<128x1xf32>
    %convert_element_type3A_2039 = arith.fptosi %add3A_2038 : vector<128x1xf32> to vector<128x1xi32>
    %swap3A_2040 = arith.constant 1792 : index
    %swap3A_2041 = arith.constant 0 : index
    %swap3A_2042 = vector.load %arg3[%swap3A_2040, %swap3A_2041] : memref<4096x1xi32, #tpu.memory_space<vmem>>, vector<128x1xi32>
    tpu.vector_store %arg3[%swap3A_2040, %swap3A_2041], %convert_element_type3A_2039 {strides = array<i32>} : memref<4096x1xi32, #tpu.memory_space<vmem>>, vector<128x1xi32>,
    %get3A_2043 = arith.constant 1920 : index
    %get3A_2044 = arith.constant 0 : index
    %get3A_2045 = vector.load %arg0[%get3A_2043, %get3A_2044] : memref<4096x1xi32, #tpu.memory_space<vmem>>, vector<128x1xi32>
    %eq3A_2046 = vector.broadcast %get3A_2045 : vector<128x1xi32> to vector<128x64xi32>
    %eq3A_2047 = arith.cmpi eq, %eq3A_2046, %iota3A : vector<128x64xi32>
    %convert_element_type3A_2048 = arith.extui %eq3A_2047 : vector<128x64xi1> to vector<128x64xi32>
    %convert_element_type3A_2049 = arith.sitofp %convert_element_type3A_2048 : vector<128x64xi32> to vector<128x64xf32>
    %mul3A_2050 = vector.broadcast %dot_general3A_1442 : vector<1x64xf32> to vector<128x64xf32>
    %mul3A_2051 = arith.mulf %convert_element_type3A_2049, %mul3A_2050 : vector<128x64xf32>
    %reduce_sum3A_2052 = arith.constant dense<0.000000e+00> : vector<128xf32>
    %reduce_sum3A_2053 = vector.multi_reduction <add>, %mul3A_2051, %reduce_sum3A_2052 [1] : vector<128x64xf32> to vector<128xf32>
    %broadcast_in_dim3A_2054 = vector.shape_cast %reduce_sum3A_2053 : vector<128xf32> to vector<128x1xf32>
    %get3A_2055 = arith.constant 1920 : index
    %get3A_2056 = arith.constant 0 : index
    %get3A_2057 = vector.load %arg5[%get3A_2055, %get3A_2056] : memref<4096x1xf32, #tpu.memory_space<vmem>>, vector<128x1xf32>
    %add3A_2058 = arith.addf %broadcast_in_dim3A_2054, %get3A_2057 : vector<128x1xf32>
    %convert_element_type3A_2059 = arith.fptosi %add3A_2058 : vector<128x1xf32> to vector<128x1xi32>
    %swap3A_2060 = arith.constant 1920 : index
    %swap3A_2061 = arith.constant 0 : index
    %swap3A_2062 = vector.load %arg2[%swap3A_2060, %swap3A_2061] : memref<4096x1xi32, #tpu.memory_space<vmem>>, vector<128x1xi32>
    tpu.vector_store %arg2[%swap3A_2060, %swap3A_2061], %convert_element_type3A_2059 {strides = array<i32>} : memref<4096x1xi32, #tpu.memory_space<vmem>>, vector<128x1xi32>,
    %get3A_2063 = arith.constant 1920 : index
    %get3A_2064 = arith.constant 0 : index
    %get3A_2065 = vector.load %arg1[%get3A_2063, %get3A_2064] : memref<4096x1xi32, #tpu.memory_space<vmem>>, vector<128x1xi32>
    %eq3A_2066 = vector.broadcast %get3A_2065 : vector<128x1xi32> to vector<128x64xi32>
    %eq3A_2067 = arith.cmpi eq, %eq3A_2066, %iota3A : vector<128x64xi32>
    %convert_element_type3A_2068 = arith.extui %eq3A_2067 : vector<128x64xi1> to vector<128x64xi32>
    %convert_element_type3A_2069 = arith.sitofp %convert_element_type3A_2068 : vector<128x64xi32> to vector<128x64xf32>
    %mul3A_2070 = vector.broadcast %dot_general3A_1442 : vector<1x64xf32> to vector<128x64xf32>
    %mul3A_2071 = arith.mulf %convert_element_type3A_2069, %mul3A_2070 : vector<128x64xf32>
    %reduce_sum3A_2072 = arith.constant dense<0.000000e+00> : vector<128xf32>
    %reduce_sum3A_2073 = vector.multi_reduction <add>, %mul3A_2071, %reduce_sum3A_2072 [1] : vector<128x64xf32> to vector<128xf32>
    %broadcast_in_dim3A_2074 = vector.shape_cast %reduce_sum3A_2073 : vector<128xf32> to vector<128x1xf32>
    %get3A_2075 = arith.constant 1920 : index
    %get3A_2076 = arith.constant 0 : index
    %get3A_2077 = vector.load %arg6[%get3A_2075, %get3A_2076] : memref<4096x1xf32, #tpu.memory_space<vmem>>, vector<128x1xf32>
    %add3A_2078 = arith.addf %broadcast_in_dim3A_2074, %get3A_2077 : vector<128x1xf32>
    %convert_element_type3A_2079 = arith.fptosi %add3A_2078 : vector<128x1xf32> to vector<128x1xi32>
    %swap3A_2080 = arith.constant 1920 : index
    %swap3A_2081 = arith.constant 0 : index
    %swap3A_2082 = vector.load %arg3[%swap3A_2080, %swap3A_2081] : memref<4096x1xi32, #tpu.memory_space<vmem>>, vector<128x1xi32>
    tpu.vector_store %arg3[%swap3A_2080, %swap3A_2081], %convert_element_type3A_2079 {strides = array<i32>} : memref<4096x1xi32, #tpu.memory_space<vmem>>, vector<128x1xi32>,
    %get3A_2083 = arith.constant 2048 : index
    %get3A_2084 = arith.constant 0 : index
    %get3A_2085 = vector.load %arg0[%get3A_2083, %get3A_2084] : memref<4096x1xi32, #tpu.memory_space<vmem>>, vector<128x1xi32>
    %eq3A_2086 = vector.broadcast %get3A_2085 : vector<128x1xi32> to vector<128x64xi32>
    %eq3A_2087 = arith.cmpi eq, %eq3A_2086, %iota3A : vector<128x64xi32>
    %convert_element_type3A_2088 = arith.extui %eq3A_2087 : vector<128x64xi1> to vector<128x64xi32>
    %convert_element_type3A_2089 = arith.sitofp %convert_element_type3A_2088 : vector<128x64xi32> to vector<128x64xf32>
    %mul3A_2090 = vector.broadcast %dot_general3A_1442 : vector<1x64xf32> to vector<128x64xf32>
    %mul3A_2091 = arith.mulf %convert_element_type3A_2089, %mul3A_2090 : vector<128x64xf32>
    %reduce_sum3A_2092 = arith.constant dense<0.000000e+00> : vector<128xf32>
    %reduce_sum3A_2093 = vector.multi_reduction <add>, %mul3A_2091, %reduce_sum3A_2092 [1] : vector<128x64xf32> to vector<128xf32>
    %broadcast_in_dim3A_2094 = vector.shape_cast %reduce_sum3A_2093 : vector<128xf32> to vector<128x1xf32>
    %get3A_2095 = arith.constant 2048 : index
    %get3A_2096 = arith.constant 0 : index
    %get3A_2097 = vector.load %arg5[%get3A_2095, %get3A_2096] : memref<4096x1xf32, #tpu.memory_space<vmem>>, vector<128x1xf32>
    %add3A_2098 = arith.addf %broadcast_in_dim3A_2094, %get3A_2097 : vector<128x1xf32>
    %convert_element_type3A_2099 = arith.fptosi %add3A_2098 : vector<128x1xf32> to vector<128x1xi32>
    %swap3A_2100 = arith.constant 2048 : index
    %swap3A_2101 = arith.constant 0 : index
    %swap3A_2102 = vector.load %arg2[%swap3A_2100, %swap3A_2101] : memref<4096x1xi32, #tpu.memory_space<vmem>>, vector<128x1xi32>
    tpu.vector_store %arg2[%swap3A_2100, %swap3A_2101], %convert_element_type3A_2099 {strides = array<i32>} : memref<4096x1xi32, #tpu.memory_space<vmem>>, vector<128x1xi32>,
    %get3A_2103 = arith.constant 2048 : index
    %get3A_2104 = arith.constant 0 : index
    %get3A_2105 = vector.load %arg1[%get3A_2103, %get3A_2104] : memref<4096x1xi32, #tpu.memory_space<vmem>>, vector<128x1xi32>
    %eq3A_2106 = vector.broadcast %get3A_2105 : vector<128x1xi32> to vector<128x64xi32>
    %eq3A_2107 = arith.cmpi eq, %eq3A_2106, %iota3A : vector<128x64xi32>
    %convert_element_type3A_2108 = arith.extui %eq3A_2107 : vector<128x64xi1> to vector<128x64xi32>
    %convert_element_type3A_2109 = arith.sitofp %convert_element_type3A_2108 : vector<128x64xi32> to vector<128x64xf32>
    %mul3A_2110 = vector.broadcast %dot_general3A_1442 : vector<1x64xf32> to vector<128x64xf32>
    %mul3A_2111 = arith.mulf %convert_element_type3A_2109, %mul3A_2110 : vector<128x64xf32>
    %reduce_sum3A_2112 = arith.constant dense<0.000000e+00> : vector<128xf32>
    %reduce_sum3A_2113 = vector.multi_reduction <add>, %mul3A_2111, %reduce_sum3A_2112 [1] : vector<128x64xf32> to vector<128xf32>
    %broadcast_in_dim3A_2114 = vector.shape_cast %reduce_sum3A_2113 : vector<128xf32> to vector<128x1xf32>
    %get3A_2115 = arith.constant 2048 : index
    %get3A_2116 = arith.constant 0 : index
    %get3A_2117 = vector.load %arg6[%get3A_2115, %get3A_2116] : memref<4096x1xf32, #tpu.memory_space<vmem>>, vector<128x1xf32>
    %add3A_2118 = arith.addf %broadcast_in_dim3A_2114, %get3A_2117 : vector<128x1xf32>
    %convert_element_type3A_2119 = arith.fptosi %add3A_2118 : vector<128x1xf32> to vector<128x1xi32>
    %swap3A_2120 = arith.constant 2048 : index
    %swap3A_2121 = arith.constant 0 : index
    %swap3A_2122 = vector.load %arg3[%swap3A_2120, %swap3A_2121] : memref<4096x1xi32, #tpu.memory_space<vmem>>, vector<128x1xi32>
    tpu.vector_store %arg3[%swap3A_2120, %swap3A_2121], %convert_element_type3A_2119 {strides = array<i32>} : memref<4096x1xi32, #tpu.memory_space<vmem>>, vector<128x1xi32>,
    %get3A_2123 = arith.constant 2176 : index
    %get3A_2124 = arith.constant 0 : index
    %get3A_2125 = vector.load %arg0[%get3A_2123, %get3A_2124] : memref<4096x1xi32, #tpu.memory_space<vmem>>, vector<128x1xi32>
    %eq3A_2126 = vector.broadcast %get3A_2125 : vector<128x1xi32> to vector<128x64xi32>
    %eq3A_2127 = arith.cmpi eq, %eq3A_2126, %iota3A : vector<128x64xi32>
    %convert_element_type3A_2128 = arith.extui %eq3A_2127 : vector<128x64xi1> to vector<128x64xi32>
    %convert_element_type3A_2129 = arith.sitofp %convert_element_type3A_2128 : vector<128x64xi32> to vector<128x64xf32>
    %mul3A_2130 = vector.broadcast %dot_general3A_1442 : vector<1x64xf32> to vector<128x64xf32>
    %mul3A_2131 = arith.mulf %convert_element_type3A_2129, %mul3A_2130 : vector<128x64xf32>
    %reduce_sum3A_2132 = arith.constant dense<0.000000e+00> : vector<128xf32>
    %reduce_sum3A_2133 = vector.multi_reduction <add>, %mul3A_2131, %reduce_sum3A_2132 [1] : vector<128x64xf32> to vector<128xf32>
    %broadcast_in_dim3A_2134 = vector.shape_cast %reduce_sum3A_2133 : vector<128xf32> to vector<128x1xf32>
    %get3A_2135 = arith.constant 2176 : index
    %get3A_2136 = arith.constant 0 : index
    %get3A_2137 = vector.load %arg5[%get3A_2135, %get3A_2136] : memref<4096x1xf32, #tpu.memory_space<vmem>>, vector<128x1xf32>
    %add3A_2138 = arith.addf %broadcast_in_dim3A_2134, %get3A_2137 : vector<128x1xf32>
    %convert_element_type3A_2139 = arith.fptosi %add3A_2138 : vector<128x1xf32> to vector<128x1xi32>
    %swap3A_2140 = arith.constant 2176 : index
    %swap3A_2141 = arith.constant 0 : index
    %swap3A_2142 = vector.load %arg2[%swap3A_2140, %swap3A_2141] : memref<4096x1xi32, #tpu.memory_space<vmem>>, vector<128x1xi32>
    tpu.vector_store %arg2[%swap3A_2140, %swap3A_2141], %convert_element_type3A_2139 {strides = array<i32>} : memref<4096x1xi32, #tpu.memory_space<vmem>>, vector<128x1xi32>,
    %get3A_2143 = arith.constant 2176 : index
    %get3A_2144 = arith.constant 0 : index
    %get3A_2145 = vector.load %arg1[%get3A_2143, %get3A_2144] : memref<4096x1xi32, #tpu.memory_space<vmem>>, vector<128x1xi32>
    %eq3A_2146 = vector.broadcast %get3A_2145 : vector<128x1xi32> to vector<128x64xi32>
    %eq3A_2147 = arith.cmpi eq, %eq3A_2146, %iota3A : vector<128x64xi32>
    %convert_element_type3A_2148 = arith.extui %eq3A_2147 : vector<128x64xi1> to vector<128x64xi32>
    %convert_element_type3A_2149 = arith.sitofp %convert_element_type3A_2148 : vector<128x64xi32> to vector<128x64xf32>
    %mul3A_2150 = vector.broadcast %dot_general3A_1442 : vector<1x64xf32> to vector<128x64xf32>
    %mul3A_2151 = arith.mulf %convert_element_type3A_2149, %mul3A_2150 : vector<128x64xf32>
    %reduce_sum3A_2152 = arith.constant dense<0.000000e+00> : vector<128xf32>
    %reduce_sum3A_2153 = vector.multi_reduction <add>, %mul3A_2151, %reduce_sum3A_2152 [1] : vector<128x64xf32> to vector<128xf32>
    %broadcast_in_dim3A_2154 = vector.shape_cast %reduce_sum3A_2153 : vector<128xf32> to vector<128x1xf32>
    %get3A_2155 = arith.constant 2176 : index
    %get3A_2156 = arith.constant 0 : index
    %get3A_2157 = vector.load %arg6[%get3A_2155, %get3A_2156] : memref<4096x1xf32, #tpu.memory_space<vmem>>, vector<128x1xf32>
    %add3A_2158 = arith.addf %broadcast_in_dim3A_2154, %get3A_2157 : vector<128x1xf32>
    %convert_element_type3A_2159 = arith.fptosi %add3A_2158 : vector<128x1xf32> to vector<128x1xi32>
    %swap3A_2160 = arith.constant 2176 : index
    %swap3A_2161 = arith.constant 0 : index
    %swap3A_2162 = vector.load %arg3[%swap3A_2160, %swap3A_2161] : memref<4096x1xi32, #tpu.memory_space<vmem>>, vector<128x1xi32>
    tpu.vector_store %arg3[%swap3A_2160, %swap3A_2161], %convert_element_type3A_2159 {strides = array<i32>} : memref<4096x1xi32, #tpu.memory_space<vmem>>, vector<128x1xi32>,
    %get3A_2163 = arith.constant 2304 : index
    %get3A_2164 = arith.constant 0 : index
    %get3A_2165 = vector.load %arg0[%get3A_2163, %get3A_2164] : memref<4096x1xi32, #tpu.memory_space<vmem>>, vector<128x1xi32>
    %eq3A_2166 = vector.broadcast %get3A_2165 : vector<128x1xi32> to vector<128x64xi32>
    %eq3A_2167 = arith.cmpi eq, %eq3A_2166, %iota3A : vector<128x64xi32>
    %convert_element_type3A_2168 = arith.extui %eq3A_2167 : vector<128x64xi1> to vector<128x64xi32>
    %convert_element_type3A_2169 = arith.sitofp %convert_element_type3A_2168 : vector<128x64xi32> to vector<128x64xf32>
    %mul3A_2170 = vector.broadcast %dot_general3A_1442 : vector<1x64xf32> to vector<128x64xf32>
    %mul3A_2171 = arith.mulf %convert_element_type3A_2169, %mul3A_2170 : vector<128x64xf32>
    %reduce_sum3A_2172 = arith.constant dense<0.000000e+00> : vector<128xf32>
    %reduce_sum3A_2173 = vector.multi_reduction <add>, %mul3A_2171, %reduce_sum3A_2172 [1] : vector<128x64xf32> to vector<128xf32>
    %broadcast_in_dim3A_2174 = vector.shape_cast %reduce_sum3A_2173 : vector<128xf32> to vector<128x1xf32>
    %get3A_2175 = arith.constant 2304 : index
    %get3A_2176 = arith.constant 0 : index
    %get3A_2177 = vector.load %arg5[%get3A_2175, %get3A_2176] : memref<4096x1xf32, #tpu.memory_space<vmem>>, vector<128x1xf32>
    %add3A_2178 = arith.addf %broadcast_in_dim3A_2174, %get3A_2177 : vector<128x1xf32>
    %convert_element_type3A_2179 = arith.fptosi %add3A_2178 : vector<128x1xf32> to vector<128x1xi32>
    %swap3A_2180 = arith.constant 2304 : index
    %swap3A_2181 = arith.constant 0 : index
    %swap3A_2182 = vector.load %arg2[%swap3A_2180, %swap3A_2181] : memref<4096x1xi32, #tpu.memory_space<vmem>>, vector<128x1xi32>
    tpu.vector_store %arg2[%swap3A_2180, %swap3A_2181], %convert_element_type3A_2179 {strides = array<i32>} : memref<4096x1xi32, #tpu.memory_space<vmem>>, vector<128x1xi32>,
    %get3A_2183 = arith.constant 2304 : index
    %get3A_2184 = arith.constant 0 : index
    %get3A_2185 = vector.load %arg1[%get3A_2183, %get3A_2184] : memref<4096x1xi32, #tpu.memory_space<vmem>>, vector<128x1xi32>
    %eq3A_2186 = vector.broadcast %get3A_2185 : vector<128x1xi32> to vector<128x64xi32>
    %eq3A_2187 = arith.cmpi eq, %eq3A_2186, %iota3A : vector<128x64xi32>
    %convert_element_type3A_2188 = arith.extui %eq3A_2187 : vector<128x64xi1> to vector<128x64xi32>
    %convert_element_type3A_2189 = arith.sitofp %convert_element_type3A_2188 : vector<128x64xi32> to vector<128x64xf32>
    %mul3A_2190 = vector.broadcast %dot_general3A_1442 : vector<1x64xf32> to vector<128x64xf32>
    %mul3A_2191 = arith.mulf %convert_element_type3A_2189, %mul3A_2190 : vector<128x64xf32>
    %reduce_sum3A_2192 = arith.constant dense<0.000000e+00> : vector<128xf32>
    %reduce_sum3A_2193 = vector.multi_reduction <add>, %mul3A_2191, %reduce_sum3A_2192 [1] : vector<128x64xf32> to vector<128xf32>
    %broadcast_in_dim3A_2194 = vector.shape_cast %reduce_sum3A_2193 : vector<128xf32> to vector<128x1xf32>
    %get3A_2195 = arith.constant 2304 : index
    %get3A_2196 = arith.constant 0 : index
    %get3A_2197 = vector.load %arg6[%get3A_2195, %get3A_2196] : memref<4096x1xf32, #tpu.memory_space<vmem>>, vector<128x1xf32>
    %add3A_2198 = arith.addf %broadcast_in_dim3A_2194, %get3A_2197 : vector<128x1xf32>
    %convert_element_type3A_2199 = arith.fptosi %add3A_2198 : vector<128x1xf32> to vector<128x1xi32>
    %swap3A_2200 = arith.constant 2304 : index
    %swap3A_2201 = arith.constant 0 : index
    %swap3A_2202 = vector.load %arg3[%swap3A_2200, %swap3A_2201] : memref<4096x1xi32, #tpu.memory_space<vmem>>, vector<128x1xi32>
    tpu.vector_store %arg3[%swap3A_2200, %swap3A_2201], %convert_element_type3A_2199 {strides = array<i32>} : memref<4096x1xi32, #tpu.memory_space<vmem>>, vector<128x1xi32>,
    %get3A_2203 = arith.constant 2432 : index
    %get3A_2204 = arith.constant 0 : index
    %get3A_2205 = vector.load %arg0[%get3A_2203, %get3A_2204] : memref<4096x1xi32, #tpu.memory_space<vmem>>, vector<128x1xi32>
    %eq3A_2206 = vector.broadcast %get3A_2205 : vector<128x1xi32> to vector<128x64xi32>
    %eq3A_2207 = arith.cmpi eq, %eq3A_2206, %iota3A : vector<128x64xi32>
    %convert_element_type3A_2208 = arith.extui %eq3A_2207 : vector<128x64xi1> to vector<128x64xi32>
    %convert_element_type3A_2209 = arith.sitofp %convert_element_type3A_2208 : vector<128x64xi32> to vector<128x64xf32>
    %mul3A_2210 = vector.broadcast %dot_general3A_1442 : vector<1x64xf32> to vector<128x64xf32>
    %mul3A_2211 = arith.mulf %convert_element_type3A_2209, %mul3A_2210 : vector<128x64xf32>
    %reduce_sum3A_2212 = arith.constant dense<0.000000e+00> : vector<128xf32>
    %reduce_sum3A_2213 = vector.multi_reduction <add>, %mul3A_2211, %reduce_sum3A_2212 [1] : vector<128x64xf32> to vector<128xf32>
    %broadcast_in_dim3A_2214 = vector.shape_cast %reduce_sum3A_2213 : vector<128xf32> to vector<128x1xf32>
    %get3A_2215 = arith.constant 2432 : index
    %get3A_2216 = arith.constant 0 : index
    %get3A_2217 = vector.load %arg5[%get3A_2215, %get3A_2216] : memref<4096x1xf32, #tpu.memory_space<vmem>>, vector<128x1xf32>
    %add3A_2218 = arith.addf %broadcast_in_dim3A_2214, %get3A_2217 : vector<128x1xf32>
    %convert_element_type3A_2219 = arith.fptosi %add3A_2218 : vector<128x1xf32> to vector<128x1xi32>
    %swap3A_2220 = arith.constant 2432 : index
    %swap3A_2221 = arith.constant 0 : index
    %swap3A_2222 = vector.load %arg2[%swap3A_2220, %swap3A_2221] : memref<4096x1xi32, #tpu.memory_space<vmem>>, vector<128x1xi32>
    tpu.vector_store %arg2[%swap3A_2220, %swap3A_2221], %convert_element_type3A_2219 {strides = array<i32>} : memref<4096x1xi32, #tpu.memory_space<vmem>>, vector<128x1xi32>,
    %get3A_2223 = arith.constant 2432 : index
    %get3A_2224 = arith.constant 0 : index
    %get3A_2225 = vector.load %arg1[%get3A_2223, %get3A_2224] : memref<4096x1xi32, #tpu.memory_space<vmem>>, vector<128x1xi32>
    %eq3A_2226 = vector.broadcast %get3A_2225 : vector<128x1xi32> to vector<128x64xi32>
    %eq3A_2227 = arith.cmpi eq, %eq3A_2226, %iota3A : vector<128x64xi32>
    %convert_element_type3A_2228 = arith.extui %eq3A_2227 : vector<128x64xi1> to vector<128x64xi32>
    %convert_element_type3A_2229 = arith.sitofp %convert_element_type3A_2228 : vector<128x64xi32> to vector<128x64xf32>
    %mul3A_2230 = vector.broadcast %dot_general3A_1442 : vector<1x64xf32> to vector<128x64xf32>
    %mul3A_2231 = arith.mulf %convert_element_type3A_2229, %mul3A_2230 : vector<128x64xf32>
    %reduce_sum3A_2232 = arith.constant dense<0.000000e+00> : vector<128xf32>
    %reduce_sum3A_2233 = vector.multi_reduction <add>, %mul3A_2231, %reduce_sum3A_2232 [1] : vector<128x64xf32> to vector<128xf32>
    %broadcast_in_dim3A_2234 = vector.shape_cast %reduce_sum3A_2233 : vector<128xf32> to vector<128x1xf32>
    %get3A_2235 = arith.constant 2432 : index
    %get3A_2236 = arith.constant 0 : index
    %get3A_2237 = vector.load %arg6[%get3A_2235, %get3A_2236] : memref<4096x1xf32, #tpu.memory_space<vmem>>, vector<128x1xf32>
    %add3A_2238 = arith.addf %broadcast_in_dim3A_2234, %get3A_2237 : vector<128x1xf32>
    %convert_element_type3A_2239 = arith.fptosi %add3A_2238 : vector<128x1xf32> to vector<128x1xi32>
    %swap3A_2240 = arith.constant 2432 : index
    %swap3A_2241 = arith.constant 0 : index
    %swap3A_2242 = vector.load %arg3[%swap3A_2240, %swap3A_2241] : memref<4096x1xi32, #tpu.memory_space<vmem>>, vector<128x1xi32>
    tpu.vector_store %arg3[%swap3A_2240, %swap3A_2241], %convert_element_type3A_2239 {strides = array<i32>} : memref<4096x1xi32, #tpu.memory_space<vmem>>, vector<128x1xi32>,
    %get3A_2243 = arith.constant 2560 : index
    %get3A_2244 = arith.constant 0 : index
    %get3A_2245 = vector.load %arg0[%get3A_2243, %get3A_2244] : memref<4096x1xi32, #tpu.memory_space<vmem>>, vector<128x1xi32>
    %eq3A_2246 = vector.broadcast %get3A_2245 : vector<128x1xi32> to vector<128x64xi32>
    %eq3A_2247 = arith.cmpi eq, %eq3A_2246, %iota3A : vector<128x64xi32>
    %convert_element_type3A_2248 = arith.extui %eq3A_2247 : vector<128x64xi1> to vector<128x64xi32>
    %convert_element_type3A_2249 = arith.sitofp %convert_element_type3A_2248 : vector<128x64xi32> to vector<128x64xf32>
    %mul3A_2250 = vector.broadcast %dot_general3A_1442 : vector<1x64xf32> to vector<128x64xf32>
    %mul3A_2251 = arith.mulf %convert_element_type3A_2249, %mul3A_2250 : vector<128x64xf32>
    %reduce_sum3A_2252 = arith.constant dense<0.000000e+00> : vector<128xf32>
    %reduce_sum3A_2253 = vector.multi_reduction <add>, %mul3A_2251, %reduce_sum3A_2252 [1] : vector<128x64xf32> to vector<128xf32>
    %broadcast_in_dim3A_2254 = vector.shape_cast %reduce_sum3A_2253 : vector<128xf32> to vector<128x1xf32>
    %get3A_2255 = arith.constant 2560 : index
    %get3A_2256 = arith.constant 0 : index
    %get3A_2257 = vector.load %arg5[%get3A_2255, %get3A_2256] : memref<4096x1xf32, #tpu.memory_space<vmem>>, vector<128x1xf32>
    %add3A_2258 = arith.addf %broadcast_in_dim3A_2254, %get3A_2257 : vector<128x1xf32>
    %convert_element_type3A_2259 = arith.fptosi %add3A_2258 : vector<128x1xf32> to vector<128x1xi32>
    %swap3A_2260 = arith.constant 2560 : index
    %swap3A_2261 = arith.constant 0 : index
    %swap3A_2262 = vector.load %arg2[%swap3A_2260, %swap3A_2261] : memref<4096x1xi32, #tpu.memory_space<vmem>>, vector<128x1xi32>
    tpu.vector_store %arg2[%swap3A_2260, %swap3A_2261], %convert_element_type3A_2259 {strides = array<i32>} : memref<4096x1xi32, #tpu.memory_space<vmem>>, vector<128x1xi32>,
    %get3A_2263 = arith.constant 2560 : index
    %get3A_2264 = arith.constant 0 : index
    %get3A_2265 = vector.load %arg1[%get3A_2263, %get3A_2264] : memref<4096x1xi32, #tpu.memory_space<vmem>>, vector<128x1xi32>
    %eq3A_2266 = vector.broadcast %get3A_2265 : vector<128x1xi32> to vector<128x64xi32>
    %eq3A_2267 = arith.cmpi eq, %eq3A_2266, %iota3A : vector<128x64xi32>
    %convert_element_type3A_2268 = arith.extui %eq3A_2267 : vector<128x64xi1> to vector<128x64xi32>
    %convert_element_type3A_2269 = arith.sitofp %convert_element_type3A_2268 : vector<128x64xi32> to vector<128x64xf32>
    %mul3A_2270 = vector.broadcast %dot_general3A_1442 : vector<1x64xf32> to vector<128x64xf32>
    %mul3A_2271 = arith.mulf %convert_element_type3A_2269, %mul3A_2270 : vector<128x64xf32>
    %reduce_sum3A_2272 = arith.constant dense<0.000000e+00> : vector<128xf32>
    %reduce_sum3A_2273 = vector.multi_reduction <add>, %mul3A_2271, %reduce_sum3A_2272 [1] : vector<128x64xf32> to vector<128xf32>
    %broadcast_in_dim3A_2274 = vector.shape_cast %reduce_sum3A_2273 : vector<128xf32> to vector<128x1xf32>
    %get3A_2275 = arith.constant 2560 : index
    %get3A_2276 = arith.constant 0 : index
    %get3A_2277 = vector.load %arg6[%get3A_2275, %get3A_2276] : memref<4096x1xf32, #tpu.memory_space<vmem>>, vector<128x1xf32>
    %add3A_2278 = arith.addf %broadcast_in_dim3A_2274, %get3A_2277 : vector<128x1xf32>
    %convert_element_type3A_2279 = arith.fptosi %add3A_2278 : vector<128x1xf32> to vector<128x1xi32>
    %swap3A_2280 = arith.constant 2560 : index
    %swap3A_2281 = arith.constant 0 : index
    %swap3A_2282 = vector.load %arg3[%swap3A_2280, %swap3A_2281] : memref<4096x1xi32, #tpu.memory_space<vmem>>, vector<128x1xi32>
    tpu.vector_store %arg3[%swap3A_2280, %swap3A_2281], %convert_element_type3A_2279 {strides = array<i32>} : memref<4096x1xi32, #tpu.memory_space<vmem>>, vector<128x1xi32>,
    %get3A_2283 = arith.constant 2688 : index
    %get3A_2284 = arith.constant 0 : index
    %get3A_2285 = vector.load %arg0[%get3A_2283, %get3A_2284] : memref<4096x1xi32, #tpu.memory_space<vmem>>, vector<128x1xi32>
    %eq3A_2286 = vector.broadcast %get3A_2285 : vector<128x1xi32> to vector<128x64xi32>
    %eq3A_2287 = arith.cmpi eq, %eq3A_2286, %iota3A : vector<128x64xi32>
    %convert_element_type3A_2288 = arith.extui %eq3A_2287 : vector<128x64xi1> to vector<128x64xi32>
    %convert_element_type3A_2289 = arith.sitofp %convert_element_type3A_2288 : vector<128x64xi32> to vector<128x64xf32>
    %mul3A_2290 = vector.broadcast %dot_general3A_1442 : vector<1x64xf32> to vector<128x64xf32>
    %mul3A_2291 = arith.mulf %convert_element_type3A_2289, %mul3A_2290 : vector<128x64xf32>
    %reduce_sum3A_2292 = arith.constant dense<0.000000e+00> : vector<128xf32>
    %reduce_sum3A_2293 = vector.multi_reduction <add>, %mul3A_2291, %reduce_sum3A_2292 [1] : vector<128x64xf32> to vector<128xf32>
    %broadcast_in_dim3A_2294 = vector.shape_cast %reduce_sum3A_2293 : vector<128xf32> to vector<128x1xf32>
    %get3A_2295 = arith.constant 2688 : index
    %get3A_2296 = arith.constant 0 : index
    %get3A_2297 = vector.load %arg5[%get3A_2295, %get3A_2296] : memref<4096x1xf32, #tpu.memory_space<vmem>>, vector<128x1xf32>
    %add3A_2298 = arith.addf %broadcast_in_dim3A_2294, %get3A_2297 : vector<128x1xf32>
    %convert_element_type3A_2299 = arith.fptosi %add3A_2298 : vector<128x1xf32> to vector<128x1xi32>
    %swap3A_2300 = arith.constant 2688 : index
    %swap3A_2301 = arith.constant 0 : index
    %swap3A_2302 = vector.load %arg2[%swap3A_2300, %swap3A_2301] : memref<4096x1xi32, #tpu.memory_space<vmem>>, vector<128x1xi32>
    tpu.vector_store %arg2[%swap3A_2300, %swap3A_2301], %convert_element_type3A_2299 {strides = array<i32>} : memref<4096x1xi32, #tpu.memory_space<vmem>>, vector<128x1xi32>,
    %get3A_2303 = arith.constant 2688 : index
    %get3A_2304 = arith.constant 0 : index
    %get3A_2305 = vector.load %arg1[%get3A_2303, %get3A_2304] : memref<4096x1xi32, #tpu.memory_space<vmem>>, vector<128x1xi32>
    %eq3A_2306 = vector.broadcast %get3A_2305 : vector<128x1xi32> to vector<128x64xi32>
    %eq3A_2307 = arith.cmpi eq, %eq3A_2306, %iota3A : vector<128x64xi32>
    %convert_element_type3A_2308 = arith.extui %eq3A_2307 : vector<128x64xi1> to vector<128x64xi32>
    %convert_element_type3A_2309 = arith.sitofp %convert_element_type3A_2308 : vector<128x64xi32> to vector<128x64xf32>
    %mul3A_2310 = vector.broadcast %dot_general3A_1442 : vector<1x64xf32> to vector<128x64xf32>
    %mul3A_2311 = arith.mulf %convert_element_type3A_2309, %mul3A_2310 : vector<128x64xf32>
    %reduce_sum3A_2312 = arith.constant dense<0.000000e+00> : vector<128xf32>
    %reduce_sum3A_2313 = vector.multi_reduction <add>, %mul3A_2311, %reduce_sum3A_2312 [1] : vector<128x64xf32> to vector<128xf32>
    %broadcast_in_dim3A_2314 = vector.shape_cast %reduce_sum3A_2313 : vector<128xf32> to vector<128x1xf32>
    %get3A_2315 = arith.constant 2688 : index
    %get3A_2316 = arith.constant 0 : index
    %get3A_2317 = vector.load %arg6[%get3A_2315, %get3A_2316] : memref<4096x1xf32, #tpu.memory_space<vmem>>, vector<128x1xf32>
    %add3A_2318 = arith.addf %broadcast_in_dim3A_2314, %get3A_2317 : vector<128x1xf32>
    %convert_element_type3A_2319 = arith.fptosi %add3A_2318 : vector<128x1xf32> to vector<128x1xi32>
    %swap3A_2320 = arith.constant 2688 : index
    %swap3A_2321 = arith.constant 0 : index
    %swap3A_2322 = vector.load %arg3[%swap3A_2320, %swap3A_2321] : memref<4096x1xi32, #tpu.memory_space<vmem>>, vector<128x1xi32>
    tpu.vector_store %arg3[%swap3A_2320, %swap3A_2321], %convert_element_type3A_2319 {strides = array<i32>} : memref<4096x1xi32, #tpu.memory_space<vmem>>, vector<128x1xi32>,
    %get3A_2323 = arith.constant 2816 : index
    %get3A_2324 = arith.constant 0 : index
    %get3A_2325 = vector.load %arg0[%get3A_2323, %get3A_2324] : memref<4096x1xi32, #tpu.memory_space<vmem>>, vector<128x1xi32>
    %eq3A_2326 = vector.broadcast %get3A_2325 : vector<128x1xi32> to vector<128x64xi32>
    %eq3A_2327 = arith.cmpi eq, %eq3A_2326, %iota3A : vector<128x64xi32>
    %convert_element_type3A_2328 = arith.extui %eq3A_2327 : vector<128x64xi1> to vector<128x64xi32>
    %convert_element_type3A_2329 = arith.sitofp %convert_element_type3A_2328 : vector<128x64xi32> to vector<128x64xf32>
    %mul3A_2330 = vector.broadcast %dot_general3A_1442 : vector<1x64xf32> to vector<128x64xf32>
    %mul3A_2331 = arith.mulf %convert_element_type3A_2329, %mul3A_2330 : vector<128x64xf32>
    %reduce_sum3A_2332 = arith.constant dense<0.000000e+00> : vector<128xf32>
    %reduce_sum3A_2333 = vector.multi_reduction <add>, %mul3A_2331, %reduce_sum3A_2332 [1] : vector<128x64xf32> to vector<128xf32>
    %broadcast_in_dim3A_2334 = vector.shape_cast %reduce_sum3A_2333 : vector<128xf32> to vector<128x1xf32>
    %get3A_2335 = arith.constant 2816 : index
    %get3A_2336 = arith.constant 0 : index
    %get3A_2337 = vector.load %arg5[%get3A_2335, %get3A_2336] : memref<4096x1xf32, #tpu.memory_space<vmem>>, vector<128x1xf32>
    %add3A_2338 = arith.addf %broadcast_in_dim3A_2334, %get3A_2337 : vector<128x1xf32>
    %convert_element_type3A_2339 = arith.fptosi %add3A_2338 : vector<128x1xf32> to vector<128x1xi32>
    %swap3A_2340 = arith.constant 2816 : index
    %swap3A_2341 = arith.constant 0 : index
    %swap3A_2342 = vector.load %arg2[%swap3A_2340, %swap3A_2341] : memref<4096x1xi32, #tpu.memory_space<vmem>>, vector<128x1xi32>
    tpu.vector_store %arg2[%swap3A_2340, %swap3A_2341], %convert_element_type3A_2339 {strides = array<i32>} : memref<4096x1xi32, #tpu.memory_space<vmem>>, vector<128x1xi32>,
    %get3A_2343 = arith.constant 2816 : index
    %get3A_2344 = arith.constant 0 : index
    %get3A_2345 = vector.load %arg1[%get3A_2343, %get3A_2344] : memref<4096x1xi32, #tpu.memory_space<vmem>>, vector<128x1xi32>
    %eq3A_2346 = vector.broadcast %get3A_2345 : vector<128x1xi32> to vector<128x64xi32>
    %eq3A_2347 = arith.cmpi eq, %eq3A_2346, %iota3A : vector<128x64xi32>
    %convert_element_type3A_2348 = arith.extui %eq3A_2347 : vector<128x64xi1> to vector<128x64xi32>
    %convert_element_type3A_2349 = arith.sitofp %convert_element_type3A_2348 : vector<128x64xi32> to vector<128x64xf32>
    %mul3A_2350 = vector.broadcast %dot_general3A_1442 : vector<1x64xf32> to vector<128x64xf32>
    %mul3A_2351 = arith.mulf %convert_element_type3A_2349, %mul3A_2350 : vector<128x64xf32>
    %reduce_sum3A_2352 = arith.constant dense<0.000000e+00> : vector<128xf32>
    %reduce_sum3A_2353 = vector.multi_reduction <add>, %mul3A_2351, %reduce_sum3A_2352 [1] : vector<128x64xf32> to vector<128xf32>
    %broadcast_in_dim3A_2354 = vector.shape_cast %reduce_sum3A_2353 : vector<128xf32> to vector<128x1xf32>
    %get3A_2355 = arith.constant 2816 : index
    %get3A_2356 = arith.constant 0 : index
    %get3A_2357 = vector.load %arg6[%get3A_2355, %get3A_2356] : memref<4096x1xf32, #tpu.memory_space<vmem>>, vector<128x1xf32>
    %add3A_2358 = arith.addf %broadcast_in_dim3A_2354, %get3A_2357 : vector<128x1xf32>
    %convert_element_type3A_2359 = arith.fptosi %add3A_2358 : vector<128x1xf32> to vector<128x1xi32>
    %swap3A_2360 = arith.constant 2816 : index
    %swap3A_2361 = arith.constant 0 : index
    %swap3A_2362 = vector.load %arg3[%swap3A_2360, %swap3A_2361] : memref<4096x1xi32, #tpu.memory_space<vmem>>, vector<128x1xi32>
    tpu.vector_store %arg3[%swap3A_2360, %swap3A_2361], %convert_element_type3A_2359 {strides = array<i32>} : memref<4096x1xi32, #tpu.memory_space<vmem>>, vector<128x1xi32>,
    %get3A_2363 = arith.constant 2944 : index
    %get3A_2364 = arith.constant 0 : index
    %get3A_2365 = vector.load %arg0[%get3A_2363, %get3A_2364] : memref<4096x1xi32, #tpu.memory_space<vmem>>, vector<128x1xi32>
    %eq3A_2366 = vector.broadcast %get3A_2365 : vector<128x1xi32> to vector<128x64xi32>
    %eq3A_2367 = arith.cmpi eq, %eq3A_2366, %iota3A : vector<128x64xi32>
    %convert_element_type3A_2368 = arith.extui %eq3A_2367 : vector<128x64xi1> to vector<128x64xi32>
    %convert_element_type3A_2369 = arith.sitofp %convert_element_type3A_2368 : vector<128x64xi32> to vector<128x64xf32>
    %mul3A_2370 = vector.broadcast %dot_general3A_1442 : vector<1x64xf32> to vector<128x64xf32>
    %mul3A_2371 = arith.mulf %convert_element_type3A_2369, %mul3A_2370 : vector<128x64xf32>
    %reduce_sum3A_2372 = arith.constant dense<0.000000e+00> : vector<128xf32>
    %reduce_sum3A_2373 = vector.multi_reduction <add>, %mul3A_2371, %reduce_sum3A_2372 [1] : vector<128x64xf32> to vector<128xf32>
    %broadcast_in_dim3A_2374 = vector.shape_cast %reduce_sum3A_2373 : vector<128xf32> to vector<128x1xf32>
    %get3A_2375 = arith.constant 2944 : index
    %get3A_2376 = arith.constant 0 : index
    %get3A_2377 = vector.load %arg5[%get3A_2375, %get3A_2376] : memref<4096x1xf32, #tpu.memory_space<vmem>>, vector<128x1xf32>
    %add3A_2378 = arith.addf %broadcast_in_dim3A_2374, %get3A_2377 : vector<128x1xf32>
    %convert_element_type3A_2379 = arith.fptosi %add3A_2378 : vector<128x1xf32> to vector<128x1xi32>
    %swap3A_2380 = arith.constant 2944 : index
    %swap3A_2381 = arith.constant 0 : index
    %swap3A_2382 = vector.load %arg2[%swap3A_2380, %swap3A_2381] : memref<4096x1xi32, #tpu.memory_space<vmem>>, vector<128x1xi32>
    tpu.vector_store %arg2[%swap3A_2380, %swap3A_2381], %convert_element_type3A_2379 {strides = array<i32>} : memref<4096x1xi32, #tpu.memory_space<vmem>>, vector<128x1xi32>,
    %get3A_2383 = arith.constant 2944 : index
    %get3A_2384 = arith.constant 0 : index
    %get3A_2385 = vector.load %arg1[%get3A_2383, %get3A_2384] : memref<4096x1xi32, #tpu.memory_space<vmem>>, vector<128x1xi32>
    %eq3A_2386 = vector.broadcast %get3A_2385 : vector<128x1xi32> to vector<128x64xi32>
    %eq3A_2387 = arith.cmpi eq, %eq3A_2386, %iota3A : vector<128x64xi32>
    %convert_element_type3A_2388 = arith.extui %eq3A_2387 : vector<128x64xi1> to vector<128x64xi32>
    %convert_element_type3A_2389 = arith.sitofp %convert_element_type3A_2388 : vector<128x64xi32> to vector<128x64xf32>
    %mul3A_2390 = vector.broadcast %dot_general3A_1442 : vector<1x64xf32> to vector<128x64xf32>
    %mul3A_2391 = arith.mulf %convert_element_type3A_2389, %mul3A_2390 : vector<128x64xf32>
    %reduce_sum3A_2392 = arith.constant dense<0.000000e+00> : vector<128xf32>
    %reduce_sum3A_2393 = vector.multi_reduction <add>, %mul3A_2391, %reduce_sum3A_2392 [1] : vector<128x64xf32> to vector<128xf32>
    %broadcast_in_dim3A_2394 = vector.shape_cast %reduce_sum3A_2393 : vector<128xf32> to vector<128x1xf32>
    %get3A_2395 = arith.constant 2944 : index
    %get3A_2396 = arith.constant 0 : index
    %get3A_2397 = vector.load %arg6[%get3A_2395, %get3A_2396] : memref<4096x1xf32, #tpu.memory_space<vmem>>, vector<128x1xf32>
    %add3A_2398 = arith.addf %broadcast_in_dim3A_2394, %get3A_2397 : vector<128x1xf32>
    %convert_element_type3A_2399 = arith.fptosi %add3A_2398 : vector<128x1xf32> to vector<128x1xi32>
    %swap3A_2400 = arith.constant 2944 : index
    %swap3A_2401 = arith.constant 0 : index
    %swap3A_2402 = vector.load %arg3[%swap3A_2400, %swap3A_2401] : memref<4096x1xi32, #tpu.memory_space<vmem>>, vector<128x1xi32>
    tpu.vector_store %arg3[%swap3A_2400, %swap3A_2401], %convert_element_type3A_2399 {strides = array<i32>} : memref<4096x1xi32, #tpu.memory_space<vmem>>, vector<128x1xi32>,
    %get3A_2403 = arith.constant 3072 : index
    %get3A_2404 = arith.constant 0 : index
    %get3A_2405 = vector.load %arg0[%get3A_2403, %get3A_2404] : memref<4096x1xi32, #tpu.memory_space<vmem>>, vector<128x1xi32>
    %eq3A_2406 = vector.broadcast %get3A_2405 : vector<128x1xi32> to vector<128x64xi32>
    %eq3A_2407 = arith.cmpi eq, %eq3A_2406, %iota3A : vector<128x64xi32>
    %convert_element_type3A_2408 = arith.extui %eq3A_2407 : vector<128x64xi1> to vector<128x64xi32>
    %convert_element_type3A_2409 = arith.sitofp %convert_element_type3A_2408 : vector<128x64xi32> to vector<128x64xf32>
    %mul3A_2410 = vector.broadcast %dot_general3A_1442 : vector<1x64xf32> to vector<128x64xf32>
    %mul3A_2411 = arith.mulf %convert_element_type3A_2409, %mul3A_2410 : vector<128x64xf32>
    %reduce_sum3A_2412 = arith.constant dense<0.000000e+00> : vector<128xf32>
    %reduce_sum3A_2413 = vector.multi_reduction <add>, %mul3A_2411, %reduce_sum3A_2412 [1] : vector<128x64xf32> to vector<128xf32>
    %broadcast_in_dim3A_2414 = vector.shape_cast %reduce_sum3A_2413 : vector<128xf32> to vector<128x1xf32>
    %get3A_2415 = arith.constant 3072 : index
    %get3A_2416 = arith.constant 0 : index
    %get3A_2417 = vector.load %arg5[%get3A_2415, %get3A_2416] : memref<4096x1xf32, #tpu.memory_space<vmem>>, vector<128x1xf32>
    %add3A_2418 = arith.addf %broadcast_in_dim3A_2414, %get3A_2417 : vector<128x1xf32>
    %convert_element_type3A_2419 = arith.fptosi %add3A_2418 : vector<128x1xf32> to vector<128x1xi32>
    %swap3A_2420 = arith.constant 3072 : index
    %swap3A_2421 = arith.constant 0 : index
    %swap3A_2422 = vector.load %arg2[%swap3A_2420, %swap3A_2421] : memref<4096x1xi32, #tpu.memory_space<vmem>>, vector<128x1xi32>
    tpu.vector_store %arg2[%swap3A_2420, %swap3A_2421], %convert_element_type3A_2419 {strides = array<i32>} : memref<4096x1xi32, #tpu.memory_space<vmem>>, vector<128x1xi32>,
    %get3A_2423 = arith.constant 3072 : index
    %get3A_2424 = arith.constant 0 : index
    %get3A_2425 = vector.load %arg1[%get3A_2423, %get3A_2424] : memref<4096x1xi32, #tpu.memory_space<vmem>>, vector<128x1xi32>
    %eq3A_2426 = vector.broadcast %get3A_2425 : vector<128x1xi32> to vector<128x64xi32>
    %eq3A_2427 = arith.cmpi eq, %eq3A_2426, %iota3A : vector<128x64xi32>
    %convert_element_type3A_2428 = arith.extui %eq3A_2427 : vector<128x64xi1> to vector<128x64xi32>
    %convert_element_type3A_2429 = arith.sitofp %convert_element_type3A_2428 : vector<128x64xi32> to vector<128x64xf32>
    %mul3A_2430 = vector.broadcast %dot_general3A_1442 : vector<1x64xf32> to vector<128x64xf32>
    %mul3A_2431 = arith.mulf %convert_element_type3A_2429, %mul3A_2430 : vector<128x64xf32>
    %reduce_sum3A_2432 = arith.constant dense<0.000000e+00> : vector<128xf32>
    %reduce_sum3A_2433 = vector.multi_reduction <add>, %mul3A_2431, %reduce_sum3A_2432 [1] : vector<128x64xf32> to vector<128xf32>
    %broadcast_in_dim3A_2434 = vector.shape_cast %reduce_sum3A_2433 : vector<128xf32> to vector<128x1xf32>
    %get3A_2435 = arith.constant 3072 : index
    %get3A_2436 = arith.constant 0 : index
    %get3A_2437 = vector.load %arg6[%get3A_2435, %get3A_2436] : memref<4096x1xf32, #tpu.memory_space<vmem>>, vector<128x1xf32>
    %add3A_2438 = arith.addf %broadcast_in_dim3A_2434, %get3A_2437 : vector<128x1xf32>
    %convert_element_type3A_2439 = arith.fptosi %add3A_2438 : vector<128x1xf32> to vector<128x1xi32>
    %swap3A_2440 = arith.constant 3072 : index
    %swap3A_2441 = arith.constant 0 : index
    %swap3A_2442 = vector.load %arg3[%swap3A_2440, %swap3A_2441] : memref<4096x1xi32, #tpu.memory_space<vmem>>, vector<128x1xi32>
    tpu.vector_store %arg3[%swap3A_2440, %swap3A_2441], %convert_element_type3A_2439 {strides = array<i32>} : memref<4096x1xi32, #tpu.memory_space<vmem>>, vector<128x1xi32>,
    %get3A_2443 = arith.constant 3200 : index
    %get3A_2444 = arith.constant 0 : index
    %get3A_2445 = vector.load %arg0[%get3A_2443, %get3A_2444] : memref<4096x1xi32, #tpu.memory_space<vmem>>, vector<128x1xi32>
    %eq3A_2446 = vector.broadcast %get3A_2445 : vector<128x1xi32> to vector<128x64xi32>
    %eq3A_2447 = arith.cmpi eq, %eq3A_2446, %iota3A : vector<128x64xi32>
    %convert_element_type3A_2448 = arith.extui %eq3A_2447 : vector<128x64xi1> to vector<128x64xi32>
    %convert_element_type3A_2449 = arith.sitofp %convert_element_type3A_2448 : vector<128x64xi32> to vector<128x64xf32>
    %mul3A_2450 = vector.broadcast %dot_general3A_1442 : vector<1x64xf32> to vector<128x64xf32>
    %mul3A_2451 = arith.mulf %convert_element_type3A_2449, %mul3A_2450 : vector<128x64xf32>
    %reduce_sum3A_2452 = arith.constant dense<0.000000e+00> : vector<128xf32>
    %reduce_sum3A_2453 = vector.multi_reduction <add>, %mul3A_2451, %reduce_sum3A_2452 [1] : vector<128x64xf32> to vector<128xf32>
    %broadcast_in_dim3A_2454 = vector.shape_cast %reduce_sum3A_2453 : vector<128xf32> to vector<128x1xf32>
    %get3A_2455 = arith.constant 3200 : index
    %get3A_2456 = arith.constant 0 : index
    %get3A_2457 = vector.load %arg5[%get3A_2455, %get3A_2456] : memref<4096x1xf32, #tpu.memory_space<vmem>>, vector<128x1xf32>
    %add3A_2458 = arith.addf %broadcast_in_dim3A_2454, %get3A_2457 : vector<128x1xf32>
    %convert_element_type3A_2459 = arith.fptosi %add3A_2458 : vector<128x1xf32> to vector<128x1xi32>
    %swap3A_2460 = arith.constant 3200 : index
    %swap3A_2461 = arith.constant 0 : index
    %swap3A_2462 = vector.load %arg2[%swap3A_2460, %swap3A_2461] : memref<4096x1xi32, #tpu.memory_space<vmem>>, vector<128x1xi32>
    tpu.vector_store %arg2[%swap3A_2460, %swap3A_2461], %convert_element_type3A_2459 {strides = array<i32>} : memref<4096x1xi32, #tpu.memory_space<vmem>>, vector<128x1xi32>,
    %get3A_2463 = arith.constant 3200 : index
    %get3A_2464 = arith.constant 0 : index
    %get3A_2465 = vector.load %arg1[%get3A_2463, %get3A_2464] : memref<4096x1xi32, #tpu.memory_space<vmem>>, vector<128x1xi32>
    %eq3A_2466 = vector.broadcast %get3A_2465 : vector<128x1xi32> to vector<128x64xi32>
    %eq3A_2467 = arith.cmpi eq, %eq3A_2466, %iota3A : vector<128x64xi32>
    %convert_element_type3A_2468 = arith.extui %eq3A_2467 : vector<128x64xi1> to vector<128x64xi32>
    %convert_element_type3A_2469 = arith.sitofp %convert_element_type3A_2468 : vector<128x64xi32> to vector<128x64xf32>
    %mul3A_2470 = vector.broadcast %dot_general3A_1442 : vector<1x64xf32> to vector<128x64xf32>
    %mul3A_2471 = arith.mulf %convert_element_type3A_2469, %mul3A_2470 : vector<128x64xf32>
    %reduce_sum3A_2472 = arith.constant dense<0.000000e+00> : vector<128xf32>
    %reduce_sum3A_2473 = vector.multi_reduction <add>, %mul3A_2471, %reduce_sum3A_2472 [1] : vector<128x64xf32> to vector<128xf32>
    %broadcast_in_dim3A_2474 = vector.shape_cast %reduce_sum3A_2473 : vector<128xf32> to vector<128x1xf32>
    %get3A_2475 = arith.constant 3200 : index
    %get3A_2476 = arith.constant 0 : index
    %get3A_2477 = vector.load %arg6[%get3A_2475, %get3A_2476] : memref<4096x1xf32, #tpu.memory_space<vmem>>, vector<128x1xf32>
    %add3A_2478 = arith.addf %broadcast_in_dim3A_2474, %get3A_2477 : vector<128x1xf32>
    %convert_element_type3A_2479 = arith.fptosi %add3A_2478 : vector<128x1xf32> to vector<128x1xi32>
    %swap3A_2480 = arith.constant 3200 : index
    %swap3A_2481 = arith.constant 0 : index
    %swap3A_2482 = vector.load %arg3[%swap3A_2480, %swap3A_2481] : memref<4096x1xi32, #tpu.memory_space<vmem>>, vector<128x1xi32>
    tpu.vector_store %arg3[%swap3A_2480, %swap3A_2481], %convert_element_type3A_2479 {strides = array<i32>} : memref<4096x1xi32, #tpu.memory_space<vmem>>, vector<128x1xi32>,
    %get3A_2483 = arith.constant 3328 : index
    %get3A_2484 = arith.constant 0 : index
    %get3A_2485 = vector.load %arg0[%get3A_2483, %get3A_2484] : memref<4096x1xi32, #tpu.memory_space<vmem>>, vector<128x1xi32>
    %eq3A_2486 = vector.broadcast %get3A_2485 : vector<128x1xi32> to vector<128x64xi32>
    %eq3A_2487 = arith.cmpi eq, %eq3A_2486, %iota3A : vector<128x64xi32>
    %convert_element_type3A_2488 = arith.extui %eq3A_2487 : vector<128x64xi1> to vector<128x64xi32>
    %convert_element_type3A_2489 = arith.sitofp %convert_element_type3A_2488 : vector<128x64xi32> to vector<128x64xf32>
    %mul3A_2490 = vector.broadcast %dot_general3A_1442 : vector<1x64xf32> to vector<128x64xf32>
    %mul3A_2491 = arith.mulf %convert_element_type3A_2489, %mul3A_2490 : vector<128x64xf32>
    %reduce_sum3A_2492 = arith.constant dense<0.000000e+00> : vector<128xf32>
    %reduce_sum3A_2493 = vector.multi_reduction <add>, %mul3A_2491, %reduce_sum3A_2492 [1] : vector<128x64xf32> to vector<128xf32>
    %broadcast_in_dim3A_2494 = vector.shape_cast %reduce_sum3A_2493 : vector<128xf32> to vector<128x1xf32>
    %get3A_2495 = arith.constant 3328 : index
    %get3A_2496 = arith.constant 0 : index
    %get3A_2497 = vector.load %arg5[%get3A_2495, %get3A_2496] : memref<4096x1xf32, #tpu.memory_space<vmem>>, vector<128x1xf32>
    %add3A_2498 = arith.addf %broadcast_in_dim3A_2494, %get3A_2497 : vector<128x1xf32>
    %convert_element_type3A_2499 = arith.fptosi %add3A_2498 : vector<128x1xf32> to vector<128x1xi32>
    %swap3A_2500 = arith.constant 3328 : index
    %swap3A_2501 = arith.constant 0 : index
    %swap3A_2502 = vector.load %arg2[%swap3A_2500, %swap3A_2501] : memref<4096x1xi32, #tpu.memory_space<vmem>>, vector<128x1xi32>
    tpu.vector_store %arg2[%swap3A_2500, %swap3A_2501], %convert_element_type3A_2499 {strides = array<i32>} : memref<4096x1xi32, #tpu.memory_space<vmem>>, vector<128x1xi32>,
    %get3A_2503 = arith.constant 3328 : index
    %get3A_2504 = arith.constant 0 : index
    %get3A_2505 = vector.load %arg1[%get3A_2503, %get3A_2504] : memref<4096x1xi32, #tpu.memory_space<vmem>>, vector<128x1xi32>
    %eq3A_2506 = vector.broadcast %get3A_2505 : vector<128x1xi32> to vector<128x64xi32>
    %eq3A_2507 = arith.cmpi eq, %eq3A_2506, %iota3A : vector<128x64xi32>
    %convert_element_type3A_2508 = arith.extui %eq3A_2507 : vector<128x64xi1> to vector<128x64xi32>
    %convert_element_type3A_2509 = arith.sitofp %convert_element_type3A_2508 : vector<128x64xi32> to vector<128x64xf32>
    %mul3A_2510 = vector.broadcast %dot_general3A_1442 : vector<1x64xf32> to vector<128x64xf32>
    %mul3A_2511 = arith.mulf %convert_element_type3A_2509, %mul3A_2510 : vector<128x64xf32>
    %reduce_sum3A_2512 = arith.constant dense<0.000000e+00> : vector<128xf32>
    %reduce_sum3A_2513 = vector.multi_reduction <add>, %mul3A_2511, %reduce_sum3A_2512 [1] : vector<128x64xf32> to vector<128xf32>
    %broadcast_in_dim3A_2514 = vector.shape_cast %reduce_sum3A_2513 : vector<128xf32> to vector<128x1xf32>
    %get3A_2515 = arith.constant 3328 : index
    %get3A_2516 = arith.constant 0 : index
    %get3A_2517 = vector.load %arg6[%get3A_2515, %get3A_2516] : memref<4096x1xf32, #tpu.memory_space<vmem>>, vector<128x1xf32>
    %add3A_2518 = arith.addf %broadcast_in_dim3A_2514, %get3A_2517 : vector<128x1xf32>
    %convert_element_type3A_2519 = arith.fptosi %add3A_2518 : vector<128x1xf32> to vector<128x1xi32>
    %swap3A_2520 = arith.constant 3328 : index
    %swap3A_2521 = arith.constant 0 : index
    %swap3A_2522 = vector.load %arg3[%swap3A_2520, %swap3A_2521] : memref<4096x1xi32, #tpu.memory_space<vmem>>, vector<128x1xi32>
    tpu.vector_store %arg3[%swap3A_2520, %swap3A_2521], %convert_element_type3A_2519 {strides = array<i32>} : memref<4096x1xi32, #tpu.memory_space<vmem>>, vector<128x1xi32>,
    %get3A_2523 = arith.constant 3456 : index
    %get3A_2524 = arith.constant 0 : index
    %get3A_2525 = vector.load %arg0[%get3A_2523, %get3A_2524] : memref<4096x1xi32, #tpu.memory_space<vmem>>, vector<128x1xi32>
    %eq3A_2526 = vector.broadcast %get3A_2525 : vector<128x1xi32> to vector<128x64xi32>
    %eq3A_2527 = arith.cmpi eq, %eq3A_2526, %iota3A : vector<128x64xi32>
    %convert_element_type3A_2528 = arith.extui %eq3A_2527 : vector<128x64xi1> to vector<128x64xi32>
    %convert_element_type3A_2529 = arith.sitofp %convert_element_type3A_2528 : vector<128x64xi32> to vector<128x64xf32>
    %mul3A_2530 = vector.broadcast %dot_general3A_1442 : vector<1x64xf32> to vector<128x64xf32>
    %mul3A_2531 = arith.mulf %convert_element_type3A_2529, %mul3A_2530 : vector<128x64xf32>
    %reduce_sum3A_2532 = arith.constant dense<0.000000e+00> : vector<128xf32>
    %reduce_sum3A_2533 = vector.multi_reduction <add>, %mul3A_2531, %reduce_sum3A_2532 [1] : vector<128x64xf32> to vector<128xf32>
    %broadcast_in_dim3A_2534 = vector.shape_cast %reduce_sum3A_2533 : vector<128xf32> to vector<128x1xf32>
    %get3A_2535 = arith.constant 3456 : index
    %get3A_2536 = arith.constant 0 : index
    %get3A_2537 = vector.load %arg5[%get3A_2535, %get3A_2536] : memref<4096x1xf32, #tpu.memory_space<vmem>>, vector<128x1xf32>
    %add3A_2538 = arith.addf %broadcast_in_dim3A_2534, %get3A_2537 : vector<128x1xf32>
    %convert_element_type3A_2539 = arith.fptosi %add3A_2538 : vector<128x1xf32> to vector<128x1xi32>
    %swap3A_2540 = arith.constant 3456 : index
    %swap3A_2541 = arith.constant 0 : index
    %swap3A_2542 = vector.load %arg2[%swap3A_2540, %swap3A_2541] : memref<4096x1xi32, #tpu.memory_space<vmem>>, vector<128x1xi32>
    tpu.vector_store %arg2[%swap3A_2540, %swap3A_2541], %convert_element_type3A_2539 {strides = array<i32>} : memref<4096x1xi32, #tpu.memory_space<vmem>>, vector<128x1xi32>,
    %get3A_2543 = arith.constant 3456 : index
    %get3A_2544 = arith.constant 0 : index
    %get3A_2545 = vector.load %arg1[%get3A_2543, %get3A_2544] : memref<4096x1xi32, #tpu.memory_space<vmem>>, vector<128x1xi32>
    %eq3A_2546 = vector.broadcast %get3A_2545 : vector<128x1xi32> to vector<128x64xi32>
    %eq3A_2547 = arith.cmpi eq, %eq3A_2546, %iota3A : vector<128x64xi32>
    %convert_element_type3A_2548 = arith.extui %eq3A_2547 : vector<128x64xi1> to vector<128x64xi32>
    %convert_element_type3A_2549 = arith.sitofp %convert_element_type3A_2548 : vector<128x64xi32> to vector<128x64xf32>
    %mul3A_2550 = vector.broadcast %dot_general3A_1442 : vector<1x64xf32> to vector<128x64xf32>
    %mul3A_2551 = arith.mulf %convert_element_type3A_2549, %mul3A_2550 : vector<128x64xf32>
    %reduce_sum3A_2552 = arith.constant dense<0.000000e+00> : vector<128xf32>
    %reduce_sum3A_2553 = vector.multi_reduction <add>, %mul3A_2551, %reduce_sum3A_2552 [1] : vector<128x64xf32> to vector<128xf32>
    %broadcast_in_dim3A_2554 = vector.shape_cast %reduce_sum3A_2553 : vector<128xf32> to vector<128x1xf32>
    %get3A_2555 = arith.constant 3456 : index
    %get3A_2556 = arith.constant 0 : index
    %get3A_2557 = vector.load %arg6[%get3A_2555, %get3A_2556] : memref<4096x1xf32, #tpu.memory_space<vmem>>, vector<128x1xf32>
    %add3A_2558 = arith.addf %broadcast_in_dim3A_2554, %get3A_2557 : vector<128x1xf32>
    %convert_element_type3A_2559 = arith.fptosi %add3A_2558 : vector<128x1xf32> to vector<128x1xi32>
    %swap3A_2560 = arith.constant 3456 : index
    %swap3A_2561 = arith.constant 0 : index
    %swap3A_2562 = vector.load %arg3[%swap3A_2560, %swap3A_2561] : memref<4096x1xi32, #tpu.memory_space<vmem>>, vector<128x1xi32>
    tpu.vector_store %arg3[%swap3A_2560, %swap3A_2561], %convert_element_type3A_2559 {strides = array<i32>} : memref<4096x1xi32, #tpu.memory_space<vmem>>, vector<128x1xi32>,
    %get3A_2563 = arith.constant 3584 : index
    %get3A_2564 = arith.constant 0 : index
    %get3A_2565 = vector.load %arg0[%get3A_2563, %get3A_2564] : memref<4096x1xi32, #tpu.memory_space<vmem>>, vector<128x1xi32>
    %eq3A_2566 = vector.broadcast %get3A_2565 : vector<128x1xi32> to vector<128x64xi32>
    %eq3A_2567 = arith.cmpi eq, %eq3A_2566, %iota3A : vector<128x64xi32>
    %convert_element_type3A_2568 = arith.extui %eq3A_2567 : vector<128x64xi1> to vector<128x64xi32>
    %convert_element_type3A_2569 = arith.sitofp %convert_element_type3A_2568 : vector<128x64xi32> to vector<128x64xf32>
    %mul3A_2570 = vector.broadcast %dot_general3A_1442 : vector<1x64xf32> to vector<128x64xf32>
    %mul3A_2571 = arith.mulf %convert_element_type3A_2569, %mul3A_2570 : vector<128x64xf32>
    %reduce_sum3A_2572 = arith.constant dense<0.000000e+00> : vector<128xf32>
    %reduce_sum3A_2573 = vector.multi_reduction <add>, %mul3A_2571, %reduce_sum3A_2572 [1] : vector<128x64xf32> to vector<128xf32>
    %broadcast_in_dim3A_2574 = vector.shape_cast %reduce_sum3A_2573 : vector<128xf32> to vector<128x1xf32>
    %get3A_2575 = arith.constant 3584 : index
    %get3A_2576 = arith.constant 0 : index
    %get3A_2577 = vector.load %arg5[%get3A_2575, %get3A_2576] : memref<4096x1xf32, #tpu.memory_space<vmem>>, vector<128x1xf32>
    %add3A_2578 = arith.addf %broadcast_in_dim3A_2574, %get3A_2577 : vector<128x1xf32>
    %convert_element_type3A_2579 = arith.fptosi %add3A_2578 : vector<128x1xf32> to vector<128x1xi32>
    %swap3A_2580 = arith.constant 3584 : index
    %swap3A_2581 = arith.constant 0 : index
    %swap3A_2582 = vector.load %arg2[%swap3A_2580, %swap3A_2581] : memref<4096x1xi32, #tpu.memory_space<vmem>>, vector<128x1xi32>
    tpu.vector_store %arg2[%swap3A_2580, %swap3A_2581], %convert_element_type3A_2579 {strides = array<i32>} : memref<4096x1xi32, #tpu.memory_space<vmem>>, vector<128x1xi32>,
    %get3A_2583 = arith.constant 3584 : index
    %get3A_2584 = arith.constant 0 : index
    %get3A_2585 = vector.load %arg1[%get3A_2583, %get3A_2584] : memref<4096x1xi32, #tpu.memory_space<vmem>>, vector<128x1xi32>
    %eq3A_2586 = vector.broadcast %get3A_2585 : vector<128x1xi32> to vector<128x64xi32>
    %eq3A_2587 = arith.cmpi eq, %eq3A_2586, %iota3A : vector<128x64xi32>
    %convert_element_type3A_2588 = arith.extui %eq3A_2587 : vector<128x64xi1> to vector<128x64xi32>
    %convert_element_type3A_2589 = arith.sitofp %convert_element_type3A_2588 : vector<128x64xi32> to vector<128x64xf32>
    %mul3A_2590 = vector.broadcast %dot_general3A_1442 : vector<1x64xf32> to vector<128x64xf32>
    %mul3A_2591 = arith.mulf %convert_element_type3A_2589, %mul3A_2590 : vector<128x64xf32>
    %reduce_sum3A_2592 = arith.constant dense<0.000000e+00> : vector<128xf32>
    %reduce_sum3A_2593 = vector.multi_reduction <add>, %mul3A_2591, %reduce_sum3A_2592 [1] : vector<128x64xf32> to vector<128xf32>
    %broadcast_in_dim3A_2594 = vector.shape_cast %reduce_sum3A_2593 : vector<128xf32> to vector<128x1xf32>
    %get3A_2595 = arith.constant 3584 : index
    %get3A_2596 = arith.constant 0 : index
    %get3A_2597 = vector.load %arg6[%get3A_2595, %get3A_2596] : memref<4096x1xf32, #tpu.memory_space<vmem>>, vector<128x1xf32>
    %add3A_2598 = arith.addf %broadcast_in_dim3A_2594, %get3A_2597 : vector<128x1xf32>
    %convert_element_type3A_2599 = arith.fptosi %add3A_2598 : vector<128x1xf32> to vector<128x1xi32>
    %swap3A_2600 = arith.constant 3584 : index
    %swap3A_2601 = arith.constant 0 : index
    %swap3A_2602 = vector.load %arg3[%swap3A_2600, %swap3A_2601] : memref<4096x1xi32, #tpu.memory_space<vmem>>, vector<128x1xi32>
    tpu.vector_store %arg3[%swap3A_2600, %swap3A_2601], %convert_element_type3A_2599 {strides = array<i32>} : memref<4096x1xi32, #tpu.memory_space<vmem>>, vector<128x1xi32>,
    %get3A_2603 = arith.constant 3712 : index
    %get3A_2604 = arith.constant 0 : index
    %get3A_2605 = vector.load %arg0[%get3A_2603, %get3A_2604] : memref<4096x1xi32, #tpu.memory_space<vmem>>, vector<128x1xi32>
    %eq3A_2606 = vector.broadcast %get3A_2605 : vector<128x1xi32> to vector<128x64xi32>
    %eq3A_2607 = arith.cmpi eq, %eq3A_2606, %iota3A : vector<128x64xi32>
    %convert_element_type3A_2608 = arith.extui %eq3A_2607 : vector<128x64xi1> to vector<128x64xi32>
    %convert_element_type3A_2609 = arith.sitofp %convert_element_type3A_2608 : vector<128x64xi32> to vector<128x64xf32>
    %mul3A_2610 = vector.broadcast %dot_general3A_1442 : vector<1x64xf32> to vector<128x64xf32>
    %mul3A_2611 = arith.mulf %convert_element_type3A_2609, %mul3A_2610 : vector<128x64xf32>
    %reduce_sum3A_2612 = arith.constant dense<0.000000e+00> : vector<128xf32>
    %reduce_sum3A_2613 = vector.multi_reduction <add>, %mul3A_2611, %reduce_sum3A_2612 [1] : vector<128x64xf32> to vector<128xf32>
    %broadcast_in_dim3A_2614 = vector.shape_cast %reduce_sum3A_2613 : vector<128xf32> to vector<128x1xf32>
    %get3A_2615 = arith.constant 3712 : index
    %get3A_2616 = arith.constant 0 : index
    %get3A_2617 = vector.load %arg5[%get3A_2615, %get3A_2616] : memref<4096x1xf32, #tpu.memory_space<vmem>>, vector<128x1xf32>
    %add3A_2618 = arith.addf %broadcast_in_dim3A_2614, %get3A_2617 : vector<128x1xf32>
    %convert_element_type3A_2619 = arith.fptosi %add3A_2618 : vector<128x1xf32> to vector<128x1xi32>
    %swap3A_2620 = arith.constant 3712 : index
    %swap3A_2621 = arith.constant 0 : index
    %swap3A_2622 = vector.load %arg2[%swap3A_2620, %swap3A_2621] : memref<4096x1xi32, #tpu.memory_space<vmem>>, vector<128x1xi32>
    tpu.vector_store %arg2[%swap3A_2620, %swap3A_2621], %convert_element_type3A_2619 {strides = array<i32>} : memref<4096x1xi32, #tpu.memory_space<vmem>>, vector<128x1xi32>,
    %get3A_2623 = arith.constant 3712 : index
    %get3A_2624 = arith.constant 0 : index
    %get3A_2625 = vector.load %arg1[%get3A_2623, %get3A_2624] : memref<4096x1xi32, #tpu.memory_space<vmem>>, vector<128x1xi32>
    %eq3A_2626 = vector.broadcast %get3A_2625 : vector<128x1xi32> to vector<128x64xi32>
    %eq3A_2627 = arith.cmpi eq, %eq3A_2626, %iota3A : vector<128x64xi32>
    %convert_element_type3A_2628 = arith.extui %eq3A_2627 : vector<128x64xi1> to vector<128x64xi32>
    %convert_element_type3A_2629 = arith.sitofp %convert_element_type3A_2628 : vector<128x64xi32> to vector<128x64xf32>
    %mul3A_2630 = vector.broadcast %dot_general3A_1442 : vector<1x64xf32> to vector<128x64xf32>
    %mul3A_2631 = arith.mulf %convert_element_type3A_2629, %mul3A_2630 : vector<128x64xf32>
    %reduce_sum3A_2632 = arith.constant dense<0.000000e+00> : vector<128xf32>
    %reduce_sum3A_2633 = vector.multi_reduction <add>, %mul3A_2631, %reduce_sum3A_2632 [1] : vector<128x64xf32> to vector<128xf32>
    %broadcast_in_dim3A_2634 = vector.shape_cast %reduce_sum3A_2633 : vector<128xf32> to vector<128x1xf32>
    %get3A_2635 = arith.constant 3712 : index
    %get3A_2636 = arith.constant 0 : index
    %get3A_2637 = vector.load %arg6[%get3A_2635, %get3A_2636] : memref<4096x1xf32, #tpu.memory_space<vmem>>, vector<128x1xf32>
    %add3A_2638 = arith.addf %broadcast_in_dim3A_2634, %get3A_2637 : vector<128x1xf32>
    %convert_element_type3A_2639 = arith.fptosi %add3A_2638 : vector<128x1xf32> to vector<128x1xi32>
    %swap3A_2640 = arith.constant 3712 : index
    %swap3A_2641 = arith.constant 0 : index
    %swap3A_2642 = vector.load %arg3[%swap3A_2640, %swap3A_2641] : memref<4096x1xi32, #tpu.memory_space<vmem>>, vector<128x1xi32>
    tpu.vector_store %arg3[%swap3A_2640, %swap3A_2641], %convert_element_type3A_2639 {strides = array<i32>} : memref<4096x1xi32, #tpu.memory_space<vmem>>, vector<128x1xi32>,
    %get3A_2643 = arith.constant 3840 : index
    %get3A_2644 = arith.constant 0 : index
    %get3A_2645 = vector.load %arg0[%get3A_2643, %get3A_2644] : memref<4096x1xi32, #tpu.memory_space<vmem>>, vector<128x1xi32>
    %eq3A_2646 = vector.broadcast %get3A_2645 : vector<128x1xi32> to vector<128x64xi32>
    %eq3A_2647 = arith.cmpi eq, %eq3A_2646, %iota3A : vector<128x64xi32>
    %convert_element_type3A_2648 = arith.extui %eq3A_2647 : vector<128x64xi1> to vector<128x64xi32>
    %convert_element_type3A_2649 = arith.sitofp %convert_element_type3A_2648 : vector<128x64xi32> to vector<128x64xf32>
    %mul3A_2650 = vector.broadcast %dot_general3A_1442 : vector<1x64xf32> to vector<128x64xf32>
    %mul3A_2651 = arith.mulf %convert_element_type3A_2649, %mul3A_2650 : vector<128x64xf32>
    %reduce_sum3A_2652 = arith.constant dense<0.000000e+00> : vector<128xf32>
    %reduce_sum3A_2653 = vector.multi_reduction <add>, %mul3A_2651, %reduce_sum3A_2652 [1] : vector<128x64xf32> to vector<128xf32>
    %broadcast_in_dim3A_2654 = vector.shape_cast %reduce_sum3A_2653 : vector<128xf32> to vector<128x1xf32>
    %get3A_2655 = arith.constant 3840 : index
    %get3A_2656 = arith.constant 0 : index
    %get3A_2657 = vector.load %arg5[%get3A_2655, %get3A_2656] : memref<4096x1xf32, #tpu.memory_space<vmem>>, vector<128x1xf32>
    %add3A_2658 = arith.addf %broadcast_in_dim3A_2654, %get3A_2657 : vector<128x1xf32>
    %convert_element_type3A_2659 = arith.fptosi %add3A_2658 : vector<128x1xf32> to vector<128x1xi32>
    %swap3A_2660 = arith.constant 3840 : index
    %swap3A_2661 = arith.constant 0 : index
    %swap3A_2662 = vector.load %arg2[%swap3A_2660, %swap3A_2661] : memref<4096x1xi32, #tpu.memory_space<vmem>>, vector<128x1xi32>
    tpu.vector_store %arg2[%swap3A_2660, %swap3A_2661], %convert_element_type3A_2659 {strides = array<i32>} : memref<4096x1xi32, #tpu.memory_space<vmem>>, vector<128x1xi32>,
    %get3A_2663 = arith.constant 3840 : index
    %get3A_2664 = arith.constant 0 : index
    %get3A_2665 = vector.load %arg1[%get3A_2663, %get3A_2664] : memref<4096x1xi32, #tpu.memory_space<vmem>>, vector<128x1xi32>
    %eq3A_2666 = vector.broadcast %get3A_2665 : vector<128x1xi32> to vector<128x64xi32>
    %eq3A_2667 = arith.cmpi eq, %eq3A_2666, %iota3A : vector<128x64xi32>
    %convert_element_type3A_2668 = arith.extui %eq3A_2667 : vector<128x64xi1> to vector<128x64xi32>
    %convert_element_type3A_2669 = arith.sitofp %convert_element_type3A_2668 : vector<128x64xi32> to vector<128x64xf32>
    %mul3A_2670 = vector.broadcast %dot_general3A_1442 : vector<1x64xf32> to vector<128x64xf32>
    %mul3A_2671 = arith.mulf %convert_element_type3A_2669, %mul3A_2670 : vector<128x64xf32>
    %reduce_sum3A_2672 = arith.constant dense<0.000000e+00> : vector<128xf32>
    %reduce_sum3A_2673 = vector.multi_reduction <add>, %mul3A_2671, %reduce_sum3A_2672 [1] : vector<128x64xf32> to vector<128xf32>
    %broadcast_in_dim3A_2674 = vector.shape_cast %reduce_sum3A_2673 : vector<128xf32> to vector<128x1xf32>
    %get3A_2675 = arith.constant 3840 : index
    %get3A_2676 = arith.constant 0 : index
    %get3A_2677 = vector.load %arg6[%get3A_2675, %get3A_2676] : memref<4096x1xf32, #tpu.memory_space<vmem>>, vector<128x1xf32>
    %add3A_2678 = arith.addf %broadcast_in_dim3A_2674, %get3A_2677 : vector<128x1xf32>
    %convert_element_type3A_2679 = arith.fptosi %add3A_2678 : vector<128x1xf32> to vector<128x1xi32>
    %swap3A_2680 = arith.constant 3840 : index
    %swap3A_2681 = arith.constant 0 : index
    %swap3A_2682 = vector.load %arg3[%swap3A_2680, %swap3A_2681] : memref<4096x1xi32, #tpu.memory_space<vmem>>, vector<128x1xi32>
    tpu.vector_store %arg3[%swap3A_2680, %swap3A_2681], %convert_element_type3A_2679 {strides = array<i32>} : memref<4096x1xi32, #tpu.memory_space<vmem>>, vector<128x1xi32>,
    %get3A_2683 = arith.constant 3968 : index
    %get3A_2684 = arith.constant 0 : index
    %get3A_2685 = vector.load %arg0[%get3A_2683, %get3A_2684] : memref<4096x1xi32, #tpu.memory_space<vmem>>, vector<128x1xi32>
    %eq3A_2686 = vector.broadcast %get3A_2685 : vector<128x1xi32> to vector<128x64xi32>
    %eq3A_2687 = arith.cmpi eq, %eq3A_2686, %iota3A : vector<128x64xi32>
    %convert_element_type3A_2688 = arith.extui %eq3A_2687 : vector<128x64xi1> to vector<128x64xi32>
    %convert_element_type3A_2689 = arith.sitofp %convert_element_type3A_2688 : vector<128x64xi32> to vector<128x64xf32>
    %mul3A_2690 = vector.broadcast %dot_general3A_1442 : vector<1x64xf32> to vector<128x64xf32>
    %mul3A_2691 = arith.mulf %convert_element_type3A_2689, %mul3A_2690 : vector<128x64xf32>
    %reduce_sum3A_2692 = arith.constant dense<0.000000e+00> : vector<128xf32>
    %reduce_sum3A_2693 = vector.multi_reduction <add>, %mul3A_2691, %reduce_sum3A_2692 [1] : vector<128x64xf32> to vector<128xf32>
    %broadcast_in_dim3A_2694 = vector.shape_cast %reduce_sum3A_2693 : vector<128xf32> to vector<128x1xf32>
    %get3A_2695 = arith.constant 3968 : index
    %get3A_2696 = arith.constant 0 : index
    %get3A_2697 = vector.load %arg5[%get3A_2695, %get3A_2696] : memref<4096x1xf32, #tpu.memory_space<vmem>>, vector<128x1xf32>
    %add3A_2698 = arith.addf %broadcast_in_dim3A_2694, %get3A_2697 : vector<128x1xf32>
    %convert_element_type3A_2699 = arith.fptosi %add3A_2698 : vector<128x1xf32> to vector<128x1xi32>
    %swap3A_2700 = arith.constant 3968 : index
    %swap3A_2701 = arith.constant 0 : index
    %swap3A_2702 = vector.load %arg2[%swap3A_2700, %swap3A_2701] : memref<4096x1xi32, #tpu.memory_space<vmem>>, vector<128x1xi32>
    tpu.vector_store %arg2[%swap3A_2700, %swap3A_2701], %convert_element_type3A_2699 {strides = array<i32>} : memref<4096x1xi32, #tpu.memory_space<vmem>>, vector<128x1xi32>,
    %get3A_2703 = arith.constant 3968 : index
    %get3A_2704 = arith.constant 0 : index
    %get3A_2705 = vector.load %arg1[%get3A_2703, %get3A_2704] : memref<4096x1xi32, #tpu.memory_space<vmem>>, vector<128x1xi32>
    %eq3A_2706 = vector.broadcast %get3A_2705 : vector<128x1xi32> to vector<128x64xi32>
    %eq3A_2707 = arith.cmpi eq, %eq3A_2706, %iota3A : vector<128x64xi32>
    %convert_element_type3A_2708 = arith.extui %eq3A_2707 : vector<128x64xi1> to vector<128x64xi32>
    %convert_element_type3A_2709 = arith.sitofp %convert_element_type3A_2708 : vector<128x64xi32> to vector<128x64xf32>
    %mul3A_2710 = vector.broadcast %dot_general3A_1442 : vector<1x64xf32> to vector<128x64xf32>
    %mul3A_2711 = arith.mulf %convert_element_type3A_2709, %mul3A_2710 : vector<128x64xf32>
    %reduce_sum3A_2712 = arith.constant dense<0.000000e+00> : vector<128xf32>
    %reduce_sum3A_2713 = vector.multi_reduction <add>, %mul3A_2711, %reduce_sum3A_2712 [1] : vector<128x64xf32> to vector<128xf32>
    %broadcast_in_dim3A_2714 = vector.shape_cast %reduce_sum3A_2713 : vector<128xf32> to vector<128x1xf32>
    %get3A_2715 = arith.constant 3968 : index
    %get3A_2716 = arith.constant 0 : index
    %get3A_2717 = vector.load %arg6[%get3A_2715, %get3A_2716] : memref<4096x1xf32, #tpu.memory_space<vmem>>, vector<128x1xf32>
    %add3A_2718 = arith.addf %broadcast_in_dim3A_2714, %get3A_2717 : vector<128x1xf32>
    %convert_element_type3A_2719 = arith.fptosi %add3A_2718 : vector<128x1xf32> to vector<128x1xi32>
    %swap3A_2720 = arith.constant 3968 : index
    %swap3A_2721 = arith.constant 0 : index
    %swap3A_2722 = vector.load %arg3[%swap3A_2720, %swap3A_2721] : memref<4096x1xi32, #tpu.memory_space<vmem>>, vector<128x1xi32>
    tpu.vector_store %arg3[%swap3A_2720, %swap3A_2721], %convert_element_type3A_2719 {strides = array<i32>} : memref<4096x1xi32, #tpu.memory_space<vmem>>, vector<128x1xi32>,
    %lt3A_2723 = arith.cmpi slt, %iota3A_1437, %iota3A_1436 : vector<64x64xi32>
    %convert_element_type3A_2724 = arith.extui %lt3A_2723 : vector<64x64xi1> to vector<64x64xi32>
    %convert_element_type3A_2725 = arith.sitofp %convert_element_type3A_2724 : vector<64x64xi32> to vector<64x64xf32>
    %dot_general3A_2726 = arith.constant dense<0.000000e+00> : vector<64x1xf32>
    %dot_general3A_2727 = tpu.matmul %convert_element_type3A_2725, %convert_element_type3A_1435, %dot_general3A_2726 {dimension_numbers = #tpu.dot_dimension_numbers<[1], [1], [0], [0], [0, 0, 1, 0], [], []>, transpose_lhs_hint = false} : vector<64x64xf32>, vector<1x64xf32>, vector<64x1xf32> -> vector<64x1xf32>
    %iota3A_2728 = tpu.iota {dimensions = array<i32: 1>} : vector<1x96xi32>
    %mul3A_2729 = arith.constant 256 : i32
    %mul3A_2730 = vector.broadcast %mul3A_2729 : i32 to vector<1x96xi32>
    %mul3A_2731 = arith.muli %iota3A_2728, %mul3A_2730 : vector<1x96xi32>
    %convert_element_type3A_2732 = arith.sitofp %mul3A_2731 : vector<1x96xi32> to vector<1x96xf32>
    %le3A = vector.broadcast %dot_general3A_2727 : vector<64x1xf32> to vector<64x96xf32>
    %le3A_2733 = vector.broadcast %convert_element_type3A_2732 : vector<1x96xf32> to vector<64x96xf32>
    %le3A_2734 = arith.cmpf ole, %le3A, %le3A_2733 : vector<64x96xf32>
    %convert_element_type3A_2735 = arith.extui %le3A_2734 : vector<64x96xi1> to vector<64x96xi32>
    %convert_element_type3A_2736 = arith.sitofp %convert_element_type3A_2735 : vector<64x96xi32> to vector<64x96xf32>
    %reduce_sum3A_2737 = arith.constant dense<0.000000e+00> : vector<96xf32>
    %reduce_sum3A_2738 = vector.multi_reduction <add>, %convert_element_type3A_2736, %reduce_sum3A_2737 [0] : vector<64x96xf32> to vector<96xf32>
    %broadcast_in_dim3A_2739 = vector.shape_cast %reduce_sum3A_2738 : vector<96xf32> to vector<1x96xf32>
    %sub3A_2740 = arith.constant 1.000000e+00 : f32
    %sub3A_2741 = vector.broadcast %sub3A_2740 : f32 to vector<1x96xf32>
    %sub3A_2742 = arith.subf %broadcast_in_dim3A_2739, %sub3A_2741 : vector<1x96xf32>
    %convert_element_type3A_2743 = arith.fptosi %sub3A_2742 : vector<1x96xf32> to vector<1x96xi32>
    %swap3A_2744 = arith.constant 0 : index
    %swap3A_2745 = arith.constant 0 : index
    %swap3A_2746 = vector.load %arg4[%swap3A_2744, %swap3A_2745] : memref<1x96xi32, #tpu.memory_space<vmem>>, vector<1x96xi32>
    tpu.vector_store %arg4[%swap3A_2744, %swap3A_2745], %convert_element_type3A_2743 {strides = array<i32>} : memref<1x96xi32, #tpu.memory_space<vmem>>, vector<1x96xi32>,
    return
  }
}

module attributes {stable_mosaic.version = 14 : i64} {
  func.func @_combine_kernel(%arg0: i32, %arg1: memref<512x1024xf32, #tpu.memory_space<vmem>>, %arg2: memref<512x1024xf32, #tpu.memory_space<vmem>>, %arg3: memref<512x1024xf32, #tpu.memory_space<vmem>>, %arg4: memref<512x1xf32, #tpu.memory_space<vmem>>, %arg5: memref<512x1xf32, #tpu.memory_space<vmem>>, %arg6: memref<512x1024xf32, #tpu.memory_space<vmem>>) attributes {dimension_semantics = [#tpu.dimension_semantics<arbitrary>], iteration_bounds = array<i64: 8>, scalar_prefetch = 0 : i64, scratch_operands = 0 : i64, tpu.core_type = #tpu.core_type<tc>, window_params = [{transform_indices = @transform_0, window_bounds = array<i64: 512, 1024>}, {transform_indices = @transform_1, window_bounds = array<i64: 512, 1024>}, {transform_indices = @transform_2, window_bounds = array<i64: 512, 1024>}, {transform_indices = @transform_3, window_bounds = array<i64: 512, 1>}, {transform_indices = @transform_4, window_bounds = array<i64: 512, 1>}, {transform_indices = @transform_5, window_bounds = array<i64: 512, 1024>}]} {
    %get3A = arith.constant 0 : index
    %get3A_0 = arith.constant 0 : index
    %get3A_1 = vector.load %arg1[%get3A, %get3A_0] : memref<512x1024xf32, #tpu.memory_space<vmem>>, vector<512x1024xf32>
    %get3A_2 = arith.constant 0 : index
    %get3A_3 = arith.constant 0 : index
    %get3A_4 = vector.load %arg4[%get3A_2, %get3A_3] : memref<512x1xf32, #tpu.memory_space<vmem>>, vector<512x1xf32>
    %get3A_5 = arith.constant 0 : index
    %get3A_6 = arith.constant 0 : index
    %get3A_7 = vector.load %arg2[%get3A_5, %get3A_6] : memref<512x1024xf32, #tpu.memory_space<vmem>>, vector<512x1024xf32>
    %mul3A = vector.broadcast %get3A_4 : vector<512x1xf32> to vector<512x1024xf32>
    %mul3A_8 = arith.mulf %mul3A, %get3A_7 : vector<512x1024xf32>
    %add3A = arith.addf %get3A_1, %mul3A_8 : vector<512x1024xf32>
    %get3A_9 = arith.constant 0 : index
    %get3A_10 = arith.constant 0 : index
    %get3A_11 = vector.load %arg5[%get3A_9, %get3A_10] : memref<512x1xf32, #tpu.memory_space<vmem>>, vector<512x1xf32>
    %get3A_12 = arith.constant 0 : index
    %get3A_13 = arith.constant 0 : index
    %get3A_14 = vector.load %arg3[%get3A_12, %get3A_13] : memref<512x1024xf32, #tpu.memory_space<vmem>>, vector<512x1024xf32>
    %mul3A_15 = vector.broadcast %get3A_11 : vector<512x1xf32> to vector<512x1024xf32>
    %mul3A_16 = arith.mulf %mul3A_15, %get3A_14 : vector<512x1024xf32>
    %add3A_17 = arith.addf %add3A, %mul3A_16 : vector<512x1024xf32>
    %swap3A = arith.constant 0 : index
    %swap3A_18 = arith.constant 0 : index
    %swap3A_19 = vector.load %arg6[%swap3A, %swap3A_18] : memref<512x1024xf32, #tpu.memory_space<vmem>>, vector<512x1024xf32>
    tpu.vector_store %arg6[%swap3A, %swap3A_18], %add3A_17 {strides = array<i32>} : memref<512x1024xf32, #tpu.memory_space<vmem>>, vector<512x1024xf32>,
    return
  }
  func.func @transform_0(%arg0: i32) -> (i32, i32) {
    %c0_i32 = arith.constant 0 : i32
    %c0_i32_0 = arith.constant 0 : i32
    return %arg0, %c0_i32 : i32, i32
  }
  func.func @transform_1(%arg0: i32) -> (i32, i32) {
    %c0_i32 = arith.constant 0 : i32
    %c0_i32_0 = arith.constant 0 : i32
    return %arg0, %c0_i32 : i32, i32
  }
  func.func @transform_2(%arg0: i32) -> (i32, i32) {
    %c0_i32 = arith.constant 0 : i32
    %c0_i32_0 = arith.constant 0 : i32
    return %arg0, %c0_i32 : i32, i32
  }
  func.func @transform_3(%arg0: i32) -> (i32, i32) {
    %c0_i32 = arith.constant 0 : i32
    %c0_i32_0 = arith.constant 0 : i32
    return %arg0, %c0_i32 : i32, i32
  }
  func.func @transform_4(%arg0: i32) -> (i32, i32) {
    %c0_i32 = arith.constant 0 : i32
    %c0_i32_0 = arith.constant 0 : i32
    return %arg0, %c0_i32 : i32, i32
  }
  func.func @transform_5(%arg0: i32) -> (i32, i32) {
    %c0_i32 = arith.constant 0 : i32
    %c0_i32_0 = arith.constant 0 : i32
    return %arg0, %c0_i32 : i32, i32
  }
}

</mosaic_0001>

<sc_bundles>
// kernel: kernel.11.cloned.1.call-start
scs
__scs_entry_jumppad:
0x0: {  	(pc) =	sbr.rel $0x88, $3  }
0x1: {  	(tag) =	ssettag $0x0;
	lr =	simm.s32 $0x1  }
0x2: {  	[smem:$0x3F9C] =	sst lr;
	_ =	strace $0xD0000000  }
0x3: {  	_ = 	snop  }
0x4: {  	_ = 	snop  }
0x5: {  	_ = 	snop  }
0x6: {  	_ = 	snop  }
0x7: {  	_ = 	snop  }
__scs_overlays_trampoline_lowered:
0x8: {  	[smem:$0x3FAB] =	sst s0  }
0x9: {  	[smem:$0x3FAC] =	sst s1  }
0xa: {  	[smem:$0x3FAD] =	sst s2  }
0xb: {  	[smem:$0x3FAE] =	sst s3  }
0xc: {  	[smem:$0x3FAF] =	sst s4  }
0xd: {  	[smem:$0x3FB0] =	sst s5  }
0xe: {  	[smem:$0x3FB1] =	sst s6  }
0xf: {  	[smem:$0x3FB2] =	sst s7  }
0x10: {  	[smem:$0x3FB3] =	sst s8  }
0x11: {  	[smem:$0x3FB4] =	sst s9;
	s0 =	simm.s32 @!p0 $0x0  }
0x12: {  	s1 =	sld [smem:$0x3F9A];
	s0 =	simm.s32 @p0 $0x1  }
0x13: {  	[smem:$0x3FB5] =	sst s0;
	s0 =	simm.s32 @!p1 $0x0  }
0x14: {  	s2 =	sld [smem:$0x3F99];
	s0 =	simm.s32 @p1 $0x1  }
0x15: {  	[smem:$0x3FB6] =	sst s0;
	s0 =	simm.s32 @!p2 $0x0  }
0x16: {  	s3 =	sld [smem:$0x3FDB];
	s0 =	simm.s32 @p2 $0x1  }
0x17: {  	s4 =	simm.s32 $0x1BF5;
	[smem:$0x3FB8] =	sst s0  }
0x18: {  	s0 =	sld [smem:$0x3F9B];
	_ =	swait.ge [sflag:s4], $0x0  }
0x19: {  	s7 =	sld [smem:$0x3F9C]  }
0x1a: {  	s8 =	sadd.s32 $0xFFFFE003, lr  }
0x1b: {  	s9 =	sadd.s32 $0xFFFFFEF7, lr;
	s5 =	simm.s32 $0xFFFFFFFF;
	p2 =	slt.u32 s8, $0xFFFFF086  }
0x1c: {  	p1 =	slt.u32 s9, $0xF7A;
	s5 =	simm.s32 @!p2 $0x0  }
0x1d: {  	s5 =	simm.s32 @p1 $0x1;
	p0 =	seq.s32 s7, s2  }
0x1e: {  	s7 =	smul.u32 @!p0 $0xF7A, s2;
	p2 =	seq.s32 @!p0 s5, $0x0  }
0x1f: {  	s9 =	smul.u32 $0xF7A, s1;
	s8 =	simm.s32 @!p0 $0x1BF5;
	p2 =	por !p2, p0  }
0x20: {  	[sflag:s8] =	ssyncset.s32 @!p0 $0xFFFFF086;
	s6 =	sadd.s32 @!p0 s3, s7;
	s7 =	simm.s32 @!p0 $0x108  }
0x21: {  	s3 =	sadd.s32 s3, s9;
	s6 =	sadd.s32 @!p0 $0x88, s6;
	s7 =	simm.s32 @p2 $0x1082  }
0x22: {  	[simem:s7], [sflag:s8] =	dma.local @!p0 [hbm:s6], $0xF7A  }
0x23: {  	s9 =	sor.u32 $0xD0000000, s2;
	s6 =	simm.s32 $0x108;
	_ =	swait.ge @!p0 [sflag:s8], $0x0  }
0x24: {  	s3 =	sadd.s32 $0x88, s3;
	s6 =	simm.s32 @!p1 $0x1082;
	[sflag:s4] =	ssyncset.s32 $0xFFFFF086  }
0x25: {  	[simem:s6], [sflag:s4] =	dma.local [hbm:s3], $0xF7A  }
0x26: {  	[smem:$0x3F9C] =	sst s1;
	(tag) =	ssettag s2;
	_ =	strace s9  }
0x27: {  	s1 =	sld [smem:$0x3FAC]  }
0x28: {  	s2 =	sld [smem:$0x3FAD]  }
0x29: {  	s4 =	sld [smem:$0x3FAF]  }
0x2a: {  	p0 =	seq.s32 s5, $0x0;
	s5 =	sld [smem:$0x3FB0]  }
0x2b: {  	s6 =	sld [smem:$0x3FB1]  }
0x2c: {  	s7 =	sld [smem:$0x3FB2]  }
0x2d: {  	s3 =	simm.s32 $0x108;
	s8 =	sld [smem:$0x3FB3]  }
0x2e: {  	s3 =	simm.s32 @!p0 $0x1082;
	s9 =	sld [smem:$0x3FB4]  }
0x2f: {  	lr =	sadd.s32 s0, s3;
	s0 =	sld [smem:$0x3FAB]  }
0x30: {  	s3 =	sld [smem:$0x3FAE]  }
0x31: {  	[smem:$0x3FB7] =	sst s10  }
0x32: {  	s10 =	sld [smem:$0x3FB5];
	_ =	sdelay $0x3  }
0x33: {  	p0 =	seq.s32 s10, $0x1;
	s10 =	sld [smem:$0x3FB7];
	_ =	sdelay $0x3  }
0x34: {  	[smem:$0x3FB7] =	sst s10  }
0x35: {  	s10 =	sld [smem:$0x3FB6];
	_ =	sdelay $0x3  }
0x36: {  	p1 =	seq.s32 s10, $0x1;
	s10 =	sld [smem:$0x3FB7];
	_ =	sdelay $0x3  }
0x37: {  	[smem:$0x3FB7] =	sst s10  }
0x38: {  	s10 =	sld [smem:$0x3FB8]  }
0x39: {  	_ = 	snop;
	(pc) =	sbr.ind lr, $3  }
0x3a: {  	_ = 	snop  }
0x3b: {  	_ = 	snop  }
0x3c: {  	p2 =	seq.s32 s10, $0x1;
	s10 =	sld [smem:$0x3FB7]  }
0x3d: {  	_ =	shalt  }
0x3e: {  	_ =	shalt  }
0x3f: {  	_ =	shalt  }
0x40: {  	_ =	shalt  }
0x41: {  	_ =	shalt  }
0x42: {  	_ =	shalt  }
0x43: {  	_ =	shalt  }
0x44: {  	_ =	shalt  }
0x45: {  	_ =	shalt  }
0x46: {  	_ =	shalt  }
0x47: {  	_ =	shalt  }
0x48: {  	_ =	shalt  }
0x49: {  	_ =	shalt  }
0x4a: {  	_ =	shalt  }
0x4b: {  	_ =	shalt  }
0x4c: {  	_ =	shalt  }
0x4d: {  	_ =	shalt  }
0x4e: {  	_ =	shalt  }
0x4f: {  	_ =	shalt  }
0x50: {  	_ =	shalt  }
0x51: {  	_ =	shalt  }
0x52: {  	_ =	shalt  }
0x53: {  	_ =	shalt  }
0x54: {  	_ =	shalt  }
0x55: {  	_ =	shalt  }
0x56: {  	_ =	shalt  }
0x57: {  	_ =	shalt  }
0x58: {  	_ =	shalt  }
0x59: {  	_ =	shalt  }
0x5a: {  	_ =	shalt  }
0x5b: {  	_ =	shalt  }
0x5c: {  	_ =	shalt  }
0x5d: {  	_ =	shalt  }
0x5e: {  	_ =	shalt  }
0x5f: {  	_ =	shalt  }
0x60: {  	_ =	shalt  }
0x61: {  	_ =	shalt  }
0x62: {  	_ =	shalt  }
0x63: {  	_ =	shalt  }
0x64: {  	_ =	shalt  }
0x65: {  	_ =	shalt  }
0x66: {  	_ =	shalt  }
0x67: {  	_ =	shalt  }
0x68: {  	_ =	shalt  }
0x69: {  	_ =	shalt  }
0x6a: {  	_ =	shalt  }
0x6b: {  	_ =	shalt  }
0x6c: {  	_ =	shalt  }
0x6d: {  	_ =	shalt  }
0x6e: {  	_ =	shalt  }
0x6f: {  	_ =	shalt  }
0x70: {  	_ =	shalt  }
0x71: {  	_ =	shalt  }
0x72: {  	_ =	shalt  }
0x73: {  	_ =	shalt  }
0x74: {  	_ =	shalt  }
0x75: {  	_ =	shalt  }
0x76: {  	_ =	shalt  }
0x77: {  	_ =	shalt  }
0x78: {  	_ =	shalt  }
0x79: {  	_ =	shalt  }
0x7a: {  	_ =	shalt  }
0x7b: {  	_ =	shalt  }
0x7c: {  	_ =	shalt  }
0x7d: {  	_ =	shalt  }
0x7e: {  	_ =	shalt  }
0x7f: {  	_ =	shalt  }
0x80: {  	_ =	shalt  }
0x81: {  	_ =	shalt  }
0x82: {  	_ =	shalt  }
0x83: {  	_ =	shalt  }
0x84: {  	_ =	shalt  }
0x85: {  	_ =	shalt  }
0x86: {  	_ =	shalt  }
0x87: {  	_ =	shalt  }
.Lfunc_end0:
.L_simem_size_0:
called_computation.1_lowered:
.L_overlay_start_0:
0x88: {  	s2 =	sld [smem:$0x3FD9]  }
0x89: {  	s3 =	sld [smem:$0x3FFE];
	_ =	sdelay $0x1  }
0x8a: {  	s1 =	srdreg.scid  }
0x8b: {  	s0 =	sand.u32 $0x1, s1  }
0x8c: {  	s16 =	sshll.u32 s0, $0xA;
	s2 =	sadd.s32 s3, s2  }
0x8d: {  	s2 =	sadd.s32 s2, s16  }
0x8e: {  	[smem:$0x3FC3] =	sst s2  }
0x8f: {  	_ = 	snop  }
0x90: {  	(tm) =	ssettm $0x1  }
0x91: {  	s17 =	sld [smem:$0x3FFB];
	_ =	sdelay $0x3  }
0x92: {  	_ =	strace s17  }
0x93: {  	s2 =	sld [smem:$0x3FFC];
	_ =	sdelay $0x3  }
0x94: {  	_ =	strace s2  }
0x95: {  	s2 =	sld [smem:$0x3FFD];
	_ =	sdelay $0x3  }
0x96: {  	_ =	strace s2  }
0x97: {  	_ =	strace $0x8FFFFFFF  }
0x98: {  	s18 =	sld [smem:$0x3FDB];
	_ =	sdelay $0x1  }
0x99: {  	s19 =	simm.s32 $_scs_section_size  }
0x9a: {  	s4 =	simm.s32 $_size__tile_overlayer_lowered;
	s5 =	simm.s32 $_tile_overlayer_lowered  }
0x9b: {  	s22 =	simm.s32 $0x1BFF;
	s21 =	sshll.u32 s5, $0x1;
	s2 =	sadd.s32 s19, s18  }
0x9c: {  	s6 =	simm.s32 $0x0;
	s20 =	sshll.u32 s4, $0x1;
	s4 =	sadd.s32 s21, s2  }
0x9d: {  	[timem:s6], [sflag:s22] =	dma.local [hbm:s4], s20  }
0x9e: {  	_ =	swait.ge [sflag:s22], s20  }
0x9f: {  	s3 =	ssub.s32 $0x0, s20;
	[sflag:s22] =	ssyncset.done $0x0  }
0xa0: {  	[sflag:s22] =	ssyncadd.s32 s3;
	_ =	sdelay $0x1  }
0xa1: {  	s23 =	simm.s32 $0x1B8B  }
0xa2: {  	_ =	swait.ge [sflag:s23], $0x1  }
0xa3: {  	[sflag:s23] =	ssyncset.done $0x0  }
0xa4: {  	s25 =	simm.s32 $0x1B8E;
	s24 =	sld [smem:$0x3FFE];
	[sflag:s23] =	ssyncadd.s32 $0xFFFFFFFF  }
0xa5: {  	s26 =	simm.s32 $execute0_lowered;
	[smem:$0x3FD2] =	sst s25  }
0xa6: {  	s4 =	sshll.u32 s26, $0x1;
	_ =	strace $0x80000049;
	[dreg:$0x1] =	wrdreg $0xFFFFFFFF  }
0xa7: {  	s28 =	simm.s32 $_size_execute0_lowered;
	s2 =	sadd.s32 s2, s4;
	[dreg:$0x0] =	wrdreg $0x0  }
0xa8: {  	s4 =	sshll.u32 s28, $0x1;
	[dreg:$0x2] =	wrdreg s2  }
0xa9: {  	[dreg:$0x3] =	wrdreg s4  }
0xaa: {  	[dreg:$0x4] =	wrdreg $0xC0  }
0xab: {  	_ =	task [dreg:s6], $0x5FFFF  }
0xac: {  	[dreg:$0x1] =	wrdreg $0xFFFFFFFF  }
0xad: {  	[dreg:$0x0] =	wrdreg $0x60  }
0xae: {  	[dreg:$0x2] =	wrdreg s24  }
0xaf: {  	[dreg:$0x3] =	wrdreg $0x9  }
0xb0: {  	_ =	task.clear_ibuf [dreg:s6], $0x4FFFF;
	_ =	strace $0x90000049  }
0xb1: {  	s29 =	simm.s32 $0x9;
	_ =	strace $0x8000004B  }
0xb2: {  	_ =	swait.ge [sflag:s29], $0x1  }
0xb3: {  	[sflag:s29] =	ssyncadd.s32 $0xFFFFFFFF  }
0xb4: {  	_ =	strace $0x9000004B  }
0xb5: {  	_ =	sfence  }
0xb6: {  	s30 =	sld [smem:$0x0];
	_ =	sdelay $0x2  }
0xb7: {  	s31 =	sshll.u32 s1, $0xD;
	s1 =	sshrl.u32 s1, $0x2  }
0xb8: {  	s3 =	sand.u32 $0x4000, s31;
	s1 =	sadd.s32 s1, s30  }
0xb9: {  	s0 =	sor.u32 s3, s0;
	s1 =	sshll.u32 s1, $0x11  }
0xba: {  	s0 =	sor.u32 s1, s0  }
0xbb: {  	s0 =	sadd.s32 $0x8F2B, s0  }
0xbc: {  	[sflag:s0] =	ssyncadd.remote.s32 $0x1  }
0xbd: {  	_ =	sfence.sel $0xFFFF  }
0xbe: {  	[dreg:$0x0] =	wrdreg $0xFFFFFFFF;
	(pc) =	sbr.abs _section_cstart, $3  }
0xbf: {  	[dreg:$0x1] =	wrdreg $0xFFFFFFFF  }
0xc0: {  	_ =	task.clear_ibuf [dreg:s6], $0x2FFFF;
	_ =	strace $0x9FFFFFFF  }
0xc1: {  	(tm) =	ssettm $0x7FFFFFFF  }
tec
execute0_lowered:
.L_overlay_start_1:
0x0: {  	(tag) =	ssettag $0x1  }
0x1: {  	s0 =	rddreg [dreg:$0x0];
	s1 =	simm.s32 $0x0;
	s4 =	srdreg.scid  }
0x2: {  	s2 =	stileid.u32;
	s28 =	simm.s32 $0x5880;
	s29 =	simm.s32 $0x6080  }
0x3: {  	s30 =	simm.s32 $0x6880;
	s31 =	simm.s32 $0x7080;
	[smem:$0x7FF] =	sst s1  }
0x4: {  	s3 =	sadd.s32 $0x1E3000, s0;
	s5 =	sadd.s32 $0x62800, s0;
	s4 =	sand.u32 $0x1, s4  }
0x5: {  	s12 =	sadd.s32 $0x62A00, s0;
	s6 =	sshll.u32 s2, $0x8;
	s8 =	sadd.s32 $0x62C00, s0  }
0x6: {  	s13 =	sadd.s32 $0xE2C00, s0;
	s7 =	sshll.u32 s4, $0x7;
	s4 =	ssub.s32 $0x2, s4  }
0x7: {  	_ =	strace $0x8000004A;
	s6 =	sor.u32 s7, s6;
	s19 =	sshrl.u32 s4, $0x1  }
0x8: {  	s9 =	sshrl.u32 s6, $0x3;
	s11 =	sshll.u32 s6, $0x7;
	s14 =	sor.u32 $0x20, s6  }
0x9: {  	s16 =	sor.u32 $0x40, s6;
	s17 =	ssub.s32 s4, s19;
	s6 =	sor.u32 $0x60, s6  }
0xa: {  	s4 =	sadd.s32 $0x1E3100, s0;
	s10 =	sadd.s32 s5, s9;
	s20 =	sadd.s32 s8, s11  }
0xb: {  	s15 =	sshrl.u32 s14, $0x3;
	s14 =	sshll.u32 s14, $0x7;
	s23 =	sshrl.u32 s16, $0x3  }
0xc: {  	s16 =	sshll.u32 s16, $0x7;
	s18 =	sshrl.u32 s6, $0x3;
	s19 =	sshll.u32 s6, $0x7  }
0xd: {  	s26 =	sadd.s32 s12, s9;
	s7 =	sadd.s32 s13, s11;
	[dreg:$0x2] =	wrdreg s10  }
0xe: {  	[dreg:$0x3] =	wrdreg s20;
	s21 =	sadd.s32 s5, s15;
	s22 =	sadd.s32 s8, s14  }
0xf: {  	s24 =	sadd.s32 s5, s23;
	s25 =	sadd.s32 s8, s16;
	s5 =	sadd.s32 s5, s18  }
0x10: {  	s6 =	sadd.s32 s8, s19;
	[dreg:$0xa] =	wrdreg s26;
	s8 =	sadd.s32 s12, s15  }
0x11: {  	s9 =	sadd.s32 s13, s14;
	s10 =	sadd.s32 s12, s23;
	s11 =	sadd.s32 s13, s16  }
0x12: {  	s12 =	sadd.s32 s12, s18;
	s13 =	sadd.s32 s13, s19;
	[dreg:$0x4] =	wrdreg s21  }
0x13: {  	s14 =	smax.u32 s17, $0x1;
	s15 =	simm.s32 $0x1;
	[dreg:$0x5] =	wrdreg s22  }
0x14: {  	s16 =	simm.s32 $0x80;
	s17 =	simm.s32 $0x880;
	[dreg:$0x6] =	wrdreg s24  }
0x15: {  	s18 =	simm.s32 $0x1080;
	s19 =	simm.s32 $0x1880;
	[dreg:$0x7] =	wrdreg s25  }
0x16: {  	s20 =	simm.s32 $0x2080;
	s23 =	simm.s32 $0x3880;
	[dreg:$0x8] =	wrdreg s5  }
0x17: {  	v2 =	vlaneseq.u32;
	s26 =	simm.s32 $0x5080;
	s5 =	sadd.s32 $0x1E3200, s0;
	[dreg:$0x9] =	wrdreg s6  }
0x18: {  	vm0 =	vmmov $0xffff;
	v1 =	vshrl.u32 v2, $0x3;
	s6 =	sadd.s32 $0x1E3300, s0;
	s21 =	simm.s32 $0x2880;
	s22 =	simm.s32 $0x3080  }
0x19: {  	v0 =	vand.u32 $0x7, v2;
	v2 =	vor.u32 $0x8, v2;
	v1 =	vmul.u32 $0x8, v1;
	s24 =	simm.s32 $0x4080;
	s25 =	simm.s32 $0x4880;
	s0 =	simm.s32 $0x7880  }
.LBB2_1:
0x1a: {  	s2 =	rddreg [dreg:$0x2]  }
0x1b: {  	[tilespmem:s1], [sflag:$0x1] =	stream.linear.gather [hbm4b:s2+s1], $0x20, $0x38;
	[tilespmem:$0x8080] =	vst v63  }
0x1c: {  	_ =	swait.ge [sflag:s15], $0x20  }
0x1d: {  	[sflag:s15] =	ssyncset.done $0x0  }
0x1e: {  	[sflag:s15] =	ssyncadd.s32 $0xFFFFFFE0  }
0x1f: {  	v3 =	vld [tilespmem:$0x0];
	_ =	sdelay $0x4  }
0x20: {  	v4 =	vshll.u32 v3, $0x3  }
0x21: {  	v3 =	vand.u32 $0x7, v3;
	v4 =	vand.u32 $0xFFFFFFC0, v4  }
0x22: {  	v3 =	vor.u32 v3, v4  }
0x23: {  	v4 =	vperm.xlane v3, v0;
	_ =	sdelay $0x1  }
0x24: {  	v4 =	vadd.s32 v1, v4;
	_ =	sdelay $0x4  }
0x25: {  	[tilespmem:s16], [sflag:$0x1] =	stream.indirect_vreg.gather [hbm4b:s3+s1], $0x80, v4, vm0, $0xb8;
	[tilespmem:$0x8080] =	vst v63  }
0x26: {  	v3 =	vperm.xlane v3, v2  }
0x27: {  	[tilespmem:s17], [sflag:$0x1] =	stream.indirect_vreg.gather [hbm4b:s4+s1], $0x80, v4, vm0, $0xb8;
	[tilespmem:$0x8080] =	vst v63  }
0x28: {  	v3 =	vadd.s32 v1, v3  }
0x29: {  	[tilespmem:s18], [sflag:$0x1] =	stream.indirect_vreg.gather [hbm4b:s5+s1], $0x80, v4, vm0, $0xb8;
	[tilespmem:$0x8080] =	vst v63  }
0x2a: {  	_ = 	snop  }
0x2b: {  	[tilespmem:s19], [sflag:$0x1] =	stream.indirect_vreg.gather [hbm4b:s6+s1], $0x80, v4, vm0, $0xb8;
	[tilespmem:$0x8080] =	vst v63  }
0x2c: {  	_ = 	snop  }
0x2d: {  	[tilespmem:s20], [sflag:$0x1] =	stream.indirect_vreg.gather [hbm4b:s3+s1], $0x80, v3, vm0, $0xb8;
	[tilespmem:$0x8080] =	vst v63  }
0x2e: {  	_ = 	snop  }
0x2f: {  	[tilespmem:s21], [sflag:$0x1] =	stream.indirect_vreg.gather [hbm4b:s4+s1], $0x80, v3, vm0, $0xb8;
	[tilespmem:$0x8080] =	vst v63  }
0x30: {  	_ = 	snop  }
0x31: {  	[tilespmem:s22], [sflag:$0x1] =	stream.indirect_vreg.gather [hbm4b:s5+s1], $0x80, v3, vm0, $0xb8;
	[tilespmem:$0x8080] =	vst v63  }
0x32: {  	_ = 	snop  }
0x33: {  	[tilespmem:s23], [sflag:$0x1] =	stream.indirect_vreg.gather [hbm4b:s6+s1], $0x80, v3, vm0, $0xb8;
	[tilespmem:$0x8080] =	vst v63  }
0x34: {  	v3 =	vld [tilespmem:$0x10];
	_ =	sdelay $0x4  }
0x35: {  	v49 =	vshll.u32 v3, $0x3  }
0x36: {  	v3 =	vand.u32 $0x7, v3;
	v4 =	vand.u32 $0xFFFFFFC0, v49  }
0x37: {  	v3 =	vor.u32 v3, v4  }
0x38: {  	v4 =	vperm.xlane v3, v0;
	_ =	sdelay $0x1  }
0x39: {  	v4 =	vadd.s32 v1, v4;
	_ =	sdelay $0x4  }
0x3a: {  	[tilespmem:s24], [sflag:$0x1] =	stream.indirect_vreg.gather [hbm4b:s3+s1], $0x80, v4, vm0, $0xb8;
	[tilespmem:$0x8080] =	vst v63  }
0x3b: {  	v3 =	vperm.xlane v3, v2  }
0x3c: {  	[tilespmem:s25], [sflag:$0x1] =	stream.indirect_vreg.gather [hbm4b:s4+s1], $0x80, v4, vm0, $0xb8;
	[tilespmem:$0x8080] =	vst v63  }
0x3d: {  	v3 =	vadd.s32 v1, v3  }
0x3e: {  	[tilespmem:s26], [sflag:$0x1] =	stream.indirect_vreg.gather [hbm4b:s5+s1], $0x80, v4, vm0, $0xb8;
	[tilespmem:$0x8080] =	vst v63  }
0x3f: {  	_ = 	snop  }
0x40: {  	[tilespmem:s28], [sflag:$0x1] =	stream.indirect_vreg.gather [hbm4b:s6+s1], $0x80, v4, vm0, $0xb8;
	[tilespmem:$0x8080] =	vst v63  }
0x41: {  	_ = 	snop  }
0x42: {  	[tilespmem:s29], [sflag:$0x1] =	stream.indirect_vreg.gather [hbm4b:s3+s1], $0x80, v3, vm0, $0xb8;
	[tilespmem:$0x8080] =	vst v63  }
0x43: {  	_ = 	snop  }
0x44: {  	[tilespmem:s30], [sflag:$0x1] =	stream.indirect_vreg.gather [hbm4b:s4+s1], $0x80, v3, vm0, $0xb8;
	[tilespmem:$0x8080] =	vst v63  }
0x45: {  	_ = 	snop  }
0x46: {  	[tilespmem:s31], [sflag:$0x1] =	stream.indirect_vreg.gather [hbm4b:s5+s1], $0x80, v3, vm0, $0xb8;
	[tilespmem:$0x8080] =	vst v63  }
0x47: {  	_ = 	snop  }
0x48: {  	[tilespmem:s0], [sflag:$0x1] =	stream.indirect_vreg.gather [hbm4b:s6+s1], $0x80, v3, vm0, $0xb8;
	[tilespmem:$0x8080] =	vst v63  }
0x49: {  	_ =	swait.ge [sflag:s15], $0x8000  }
0x4a: {  	[sflag:s15] =	ssyncset.done $0x0  }
0x4b: {  	s2 =	rddreg [dreg:$0x3];
	[sflag:s15] =	ssyncadd.s32 $0xFFFF8000  }
0x4c: {  	[hbm4b:s2+s1] =	stream.linear.scatter [tilespmem:s16], [sflag:$0x1], $0x8000, $0x38;
	[tilespmem:$0x8080] =	vst v63  }
0x4d: {  	_ =	swait.ge [sflag:s15], $0x8000  }
0x4e: {  	[sflag:s15] =	ssyncset.done $0x0  }
0x4f: {  	s2 =	rddreg [dreg:$0x4];
	[sflag:s15] =	ssyncadd.s32 $0xFFFF8000  }
0x50: {  	[tilespmem:s1], [sflag:$0x1] =	stream.linear.gather [hbm4b:s2+s1], $0x20, $0x38;
	[tilespmem:$0x8080] =	vst v63  }
0x51: {  	_ =	swait.ge [sflag:s15], $0x20  }
0x52: {  	[sflag:s15] =	ssyncset.done $0x0  }
0x53: {  	[sflag:s15] =	ssyncadd.s32 $0xFFFFFFE0  }
0x54: {  	v3 =	vld [tilespmem:$0x0];
	_ =	sdelay $0x4  }
0x55: {  	v50 =	vshll.u32 v3, $0x3  }
0x56: {  	v3 =	vand.u32 $0x7, v3;
	v4 =	vand.u32 $0xFFFFFFC0, v50  }
0x57: {  	v3 =	vor.u32 v3, v4  }
0x58: {  	v4 =	vperm.xlane v3, v0;
	_ =	sdelay $0x1  }
0x59: {  	v4 =	vadd.s32 v1, v4;
	_ =	sdelay $0x4  }
0x5a: {  	[tilespmem:s16], [sflag:$0x1] =	stream.indirect_vreg.gather [hbm4b:s3+s1], $0x80, v4, vm0, $0xb8;
	[tilespmem:$0x8080] =	vst v63  }
0x5b: {  	v3 =	vperm.xlane v3, v2  }
0x5c: {  	[tilespmem:s17], [sflag:$0x1] =	stream.indirect_vreg.gather [hbm4b:s4+s1], $0x80, v4, vm0, $0xb8;
	[tilespmem:$0x8080] =	vst v63  }
0x5d: {  	v3 =	vadd.s32 v1, v3  }
0x5e: {  	[tilespmem:s18], [sflag:$0x1] =	stream.indirect_vreg.gather [hbm4b:s5+s1], $0x80, v4, vm0, $0xb8;
	[tilespmem:$0x8080] =	vst v63  }
0x5f: {  	_ = 	snop  }
0x60: {  	[tilespmem:s19], [sflag:$0x1] =	stream.indirect_vreg.gather [hbm4b:s6+s1], $0x80, v4, vm0, $0xb8;
	[tilespmem:$0x8080] =	vst v63  }
0x61: {  	_ = 	snop  }
0x62: {  	[tilespmem:s20], [sflag:$0x1] =	stream.indirect_vreg.gather [hbm4b:s3+s1], $0x80, v3, vm0, $0xb8;
	[tilespmem:$0x8080] =	vst v63  }
0x63: {  	_ = 	snop  }
0x64: {  	[tilespmem:s21], [sflag:$0x1] =	stream.indirect_vreg.gather [hbm4b:s4+s1], $0x80, v3, vm0, $0xb8;
	[tilespmem:$0x8080] =	vst v63  }
0x65: {  	_ = 	snop  }
0x66: {  	[tilespmem:s22], [sflag:$0x1] =	stream.indirect_vreg.gather [hbm4b:s5+s1], $0x80, v3, vm0, $0xb8;
	[tilespmem:$0x8080] =	vst v63  }
0x67: {  	_ = 	snop  }
0x68: {  	[tilespmem:s23], [sflag:$0x1] =	stream.indirect_vreg.gather [hbm4b:s6+s1], $0x80, v3, vm0, $0xb8;
	[tilespmem:$0x8080] =	vst v63  }
0x69: {  	v3 =	vld [tilespmem:$0x10];
	_ =	sdelay $0x4  }
0x6a: {  	v51 =	vshll.u32 v3, $0x3  }
0x6b: {  	v3 =	vand.u32 $0x7, v3;
	v4 =	vand.u32 $0xFFFFFFC0, v51  }
0x6c: {  	v3 =	vor.u32 v3, v4  }
0x6d: {  	v4 =	vperm.xlane v3, v0;
	_ =	sdelay $0x1  }
0x6e: {  	v4 =	vadd.s32 v1, v4;
	_ =	sdelay $0x4  }
0x6f: {  	[tilespmem:s24], [sflag:$0x1] =	stream.indirect_vreg.gather [hbm4b:s3+s1], $0x80, v4, vm0, $0xb8;
	[tilespmem:$0x8080] =	vst v63  }
0x70: {  	v3 =	vperm.xlane v3, v2  }
0x71: {  	[tilespmem:s25], [sflag:$0x1] =	stream.indirect_vreg.gather [hbm4b:s4+s1], $0x80, v4, vm0, $0xb8;
	[tilespmem:$0x8080] =	vst v63  }
0x72: {  	v3 =	vadd.s32 v1, v3  }
0x73: {  	[tilespmem:s26], [sflag:$0x1] =	stream.indirect_vreg.gather [hbm4b:s5+s1], $0x80, v4, vm0, $0xb8;
	[tilespmem:$0x8080] =	vst v63  }
0x74: {  	_ = 	snop  }
0x75: {  	[tilespmem:s28], [sflag:$0x1] =	stream.indirect_vreg.gather [hbm4b:s6+s1], $0x80, v4, vm0, $0xb8;
	[tilespmem:$0x8080] =	vst v63  }
0x76: {  	_ = 	snop  }
0x77: {  	[tilespmem:s29], [sflag:$0x1] =	stream.indirect_vreg.gather [hbm4b:s3+s1], $0x80, v3, vm0, $0xb8;
	[tilespmem:$0x8080] =	vst v63  }
0x78: {  	_ = 	snop  }
0x79: {  	[tilespmem:s30], [sflag:$0x1] =	stream.indirect_vreg.gather [hbm4b:s4+s1], $0x80, v3, vm0, $0xb8;
	[tilespmem:$0x8080] =	vst v63  }
0x7a: {  	_ = 	snop  }
0x7b: {  	[tilespmem:s31], [sflag:$0x1] =	stream.indirect_vreg.gather [hbm4b:s5+s1], $0x80, v3, vm0, $0xb8;
	[tilespmem:$0x8080] =	vst v63  }
0x7c: {  	_ = 	snop  }
0x7d: {  	[tilespmem:s0], [sflag:$0x1] =	stream.indirect_vreg.gather [hbm4b:s6+s1], $0x80, v3, vm0, $0xb8;
	[tilespmem:$0x8080] =	vst v63  }
0x7e: {  	_ =	swait.ge [sflag:s15], $0x8000  }
0x7f: {  	[sflag:s15] =	ssyncset.done $0x0  }
0x80: {  	s2 =	rddreg [dreg:$0x5];
	[sflag:s15] =	ssyncadd.s32 $0xFFFF8000  }
0x81: {  	[hbm4b:s2+s1] =	stream.linear.scatter [tilespmem:s16], [sflag:$0x1], $0x8000, $0x38;
	[tilespmem:$0x8080] =	vst v63  }
0x82: {  	_ =	swait.ge [sflag:s15], $0x8000  }
0x83: {  	[sflag:s15] =	ssyncset.done $0x0  }
0x84: {  	s2 =	rddreg [dreg:$0x6];
	[sflag:s15] =	ssyncadd.s32 $0xFFFF8000  }
0x85: {  	[tilespmem:s1], [sflag:$0x1] =	stream.linear.gather [hbm4b:s2+s1], $0x20, $0x38;
	[tilespmem:$0x8080] =	vst v63  }
0x86: {  	_ =	swait.ge [sflag:s15], $0x20  }
0x87: {  	[sflag:s15] =	ssyncset.done $0x0  }
0x88: {  	[sflag:s15] =	ssyncadd.s32 $0xFFFFFFE0  }
0x89: {  	v3 =	vld [tilespmem:$0x0];
	_ =	sdelay $0x4  }
0x8a: {  	v52 =	vshll.u32 v3, $0x3  }
0x8b: {  	v3 =	vand.u32 $0x7, v3;
	v4 =	vand.u32 $0xFFFFFFC0, v52  }
0x8c: {  	v3 =	vor.u32 v3, v4  }
0x8d: {  	v4 =	vperm.xlane v3, v0;
	_ =	sdelay $0x1  }
0x8e: {  	v4 =	vadd.s32 v1, v4;
	_ =	sdelay $0x4  }
0x8f: {  	[tilespmem:s16], [sflag:$0x1] =	stream.indirect_vreg.gather [hbm4b:s3+s1], $0x80, v4, vm0, $0xb8;
	[tilespmem:$0x8080] =	vst v63  }
0x90: {  	v3 =	vperm.xlane v3, v2  }
0x91: {  	[tilespmem:s17], [sflag:$0x1] =	stream.indirect_vreg.gather [hbm4b:s4+s1], $0x80, v4, vm0, $0xb8;
	[tilespmem:$0x8080] =	vst v63  }
0x92: {  	v3 =	vadd.s32 v1, v3  }
0x93: {  	[tilespmem:s18], [sflag:$0x1] =	stream.indirect_vreg.gather [hbm4b:s5+s1], $0x80, v4, vm0, $0xb8;
	[tilespmem:$0x8080] =	vst v63  }
0x94: {  	_ = 	snop  }
0x95: {  	[tilespmem:s19], [sflag:$0x1] =	stream.indirect_vreg.gather [hbm4b:s6+s1], $0x80, v4, vm0, $0xb8;
	[tilespmem:$0x8080] =	vst v63  }
0x96: {  	_ = 	snop  }
0x97: {  	[tilespmem:s20], [sflag:$0x1] =	stream.indirect_vreg.gather [hbm4b:s3+s1], $0x80, v3, vm0, $0xb8;
	[tilespmem:$0x8080] =	vst v63  }
0x98: {  	_ = 	snop  }
0x99: {  	[tilespmem:s21], [sflag:$0x1] =	stream.indirect_vreg.gather [hbm4b:s4+s1], $0x80, v3, vm0, $0xb8;
	[tilespmem:$0x8080] =	vst v63  }
0x9a: {  	_ = 	snop  }
0x9b: {  	[tilespmem:s22], [sflag:$0x1] =	stream.indirect_vreg.gather [hbm4b:s5+s1], $0x80, v3, vm0, $0xb8;
	[tilespmem:$0x8080] =	vst v63  }
0x9c: {  	_ = 	snop  }
0x9d: {  	[tilespmem:s23], [sflag:$0x1] =	stream.indirect_vreg.gather [hbm4b:s6+s1], $0x80, v3, vm0, $0xb8;
	[tilespmem:$0x8080] =	vst v63  }
0x9e: {  	v3 =	vld [tilespmem:$0x10];
	_ =	sdelay $0x4  }
0x9f: {  	v53 =	vshll.u32 v3, $0x3  }
0xa0: {  	v3 =	vand.u32 $0x7, v3;
	v4 =	vand.u32 $0xFFFFFFC0, v53  }
0xa1: {  	v3 =	vor.u32 v3, v4  }
0xa2: {  	v4 =	vperm.xlane v3, v0;
	_ =	sdelay $0x1  }
0xa3: {  	v4 =	vadd.s32 v1, v4;
	_ =	sdelay $0x4  }
0xa4: {  	[tilespmem:s24], [sflag:$0x1] =	stream.indirect_vreg.gather [hbm4b:s3+s1], $0x80, v4, vm0, $0xb8;
	[tilespmem:$0x8080] =	vst v63  }
0xa5: {  	v3 =	vperm.xlane v3, v2  }
0xa6: {  	[tilespmem:s25], [sflag:$0x1] =	stream.indirect_vreg.gather [hbm4b:s4+s1], $0x80, v4, vm0, $0xb8;
	[tilespmem:$0x8080] =	vst v63  }
0xa7: {  	v3 =	vadd.s32 v1, v3  }
0xa8: {  	[tilespmem:s26], [sflag:$0x1] =	stream.indirect_vreg.gather [hbm4b:s5+s1], $0x80, v4, vm0, $0xb8;
	[tilespmem:$0x8080] =	vst v63  }
0xa9: {  	_ = 	snop  }
0xaa: {  	[tilespmem:s28], [sflag:$0x1] =	stream.indirect_vreg.gather [hbm4b:s6+s1], $0x80, v4, vm0, $0xb8;
	[tilespmem:$0x8080] =	vst v63  }
0xab: {  	_ = 	snop  }
0xac: {  	[tilespmem:s29], [sflag:$0x1] =	stream.indirect_vreg.gather [hbm4b:s3+s1], $0x80, v3, vm0, $0xb8;
	[tilespmem:$0x8080] =	vst v63  }
0xad: {  	_ = 	snop  }
0xae: {  	[tilespmem:s30], [sflag:$0x1] =	stream.indirect_vreg.gather [hbm4b:s4+s1], $0x80, v3, vm0, $0xb8;
	[tilespmem:$0x8080] =	vst v63  }
0xaf: {  	_ = 	snop  }
0xb0: {  	[tilespmem:s31], [sflag:$0x1] =	stream.indirect_vreg.gather [hbm4b:s5+s1], $0x80, v3, vm0, $0xb8;
	[tilespmem:$0x8080] =	vst v63  }
0xb1: {  	_ = 	snop  }
0xb2: {  	[tilespmem:s0], [sflag:$0x1] =	stream.indirect_vreg.gather [hbm4b:s6+s1], $0x80, v3, vm0, $0xb8;
	[tilespmem:$0x8080] =	vst v63  }
0xb3: {  	_ =	swait.ge [sflag:s15], $0x8000  }
0xb4: {  	[sflag:s15] =	ssyncset.done $0x0  }
0xb5: {  	s2 =	rddreg [dreg:$0x7];
	[sflag:s15] =	ssyncadd.s32 $0xFFFF8000  }
0xb6: {  	[hbm4b:s2+s1] =	stream.linear.scatter [tilespmem:s16], [sflag:$0x1], $0x8000, $0x38;
	[tilespmem:$0x8080] =	vst v63  }
0xb7: {  	_ =	swait.ge [sflag:s15], $0x8000  }
0xb8: {  	[sflag:s15] =	ssyncset.done $0x0  }
0xb9: {  	s2 =	rddreg [dreg:$0x8];
	[sflag:s15] =	ssyncadd.s32 $0xFFFF8000  }
0xba: {  	[tilespmem:s1], [sflag:$0x1] =	stream.linear.gather [hbm4b:s2+s1], $0x20, $0x38;
	[tilespmem:$0x8080] =	vst v63  }
0xbb: {  	_ =	swait.ge [sflag:s15], $0x20  }
0xbc: {  	[sflag:s15] =	ssyncset.done $0x0  }
0xbd: {  	[sflag:s15] =	ssyncadd.s32 $0xFFFFFFE0  }
0xbe: {  	v3 =	vld [tilespmem:$0x0];
	_ =	sdelay $0x4  }
0xbf: {  	v54 =	vshll.u32 v3, $0x3  }
0xc0: {  	v3 =	vand.u32 $0x7, v3;
	v4 =	vand.u32 $0xFFFFFFC0, v54  }
0xc1: {  	v3 =	vor.u32 v3, v4  }
0xc2: {  	v4 =	vperm.xlane v3, v0;
	_ =	sdelay $0x1  }
0xc3: {  	v4 =	vadd.s32 v1, v4;
	_ =	sdelay $0x4  }
0xc4: {  	[tilespmem:s16], [sflag:$0x1] =	stream.indirect_vreg.gather [hbm4b:s3+s1], $0x80, v4, vm0, $0xb8;
	[tilespmem:$0x8080] =	vst v63  }
0xc5: {  	v3 =	vperm.xlane v3, v2  }
0xc6: {  	[tilespmem:s17], [sflag:$0x1] =	stream.indirect_vreg.gather [hbm4b:s4+s1], $0x80, v4, vm0, $0xb8;
	[tilespmem:$0x8080] =	vst v63  }
0xc7: {  	v3 =	vadd.s32 v1, v3  }
0xc8: {  	[tilespmem:s18], [sflag:$0x1] =	stream.indirect_vreg.gather [hbm4b:s5+s1], $0x80, v4, vm0, $0xb8;
	[tilespmem:$0x8080] =	vst v63  }
0xc9: {  	_ = 	snop  }
0xca: {  	[tilespmem:s19], [sflag:$0x1] =	stream.indirect_vreg.gather [hbm4b:s6+s1], $0x80, v4, vm0, $0xb8;
	[tilespmem:$0x8080] =	vst v63  }
0xcb: {  	_ = 	snop  }
0xcc: {  	[tilespmem:s20], [sflag:$0x1] =	stream.indirect_vreg.gather [hbm4b:s3+s1], $0x80, v3, vm0, $0xb8;
	[tilespmem:$0x8080] =	vst v63  }
0xcd: {  	_ = 	snop  }
0xce: {  	[tilespmem:s21], [sflag:$0x1] =	stream.indirect_vreg.gather [hbm4b:s4+s1], $0x80, v3, vm0, $0xb8;
	[tilespmem:$0x8080] =	vst v63  }
0xcf: {  	_ = 	snop  }
0xd0: {  	[tilespmem:s22], [sflag:$0x1] =	stream.indirect_vreg.gather [hbm4b:s5+s1], $0x80, v3, vm0, $0xb8;
	[tilespmem:$0x8080] =	vst v63  }
0xd1: {  	_ = 	snop  }
0xd2: {  	[tilespmem:s23], [sflag:$0x1] =	stream.indirect_vreg.gather [hbm4b:s6+s1], $0x80, v3, vm0, $0xb8;
	[tilespmem:$0x8080] =	vst v63  }
0xd3: {  	v3 =	vld [tilespmem:$0x10];
	_ =	sdelay $0x4  }
0xd4: {  	v55 =	vshll.u32 v3, $0x3  }
0xd5: {  	v3 =	vand.u32 $0x7, v3;
	v4 =	vand.u32 $0xFFFFFFC0, v55  }
0xd6: {  	v3 =	vor.u32 v3, v4  }
0xd7: {  	v4 =	vperm.xlane v3, v0;
	_ =	sdelay $0x1  }
0xd8: {  	v4 =	vadd.s32 v1, v4;
	_ =	sdelay $0x4  }
0xd9: {  	[tilespmem:s24], [sflag:$0x1] =	stream.indirect_vreg.gather [hbm4b:s3+s1], $0x80, v4, vm0, $0xb8;
	[tilespmem:$0x8080] =	vst v63  }
0xda: {  	v3 =	vperm.xlane v3, v2  }
0xdb: {  	[tilespmem:s25], [sflag:$0x1] =	stream.indirect_vreg.gather [hbm4b:s4+s1], $0x80, v4, vm0, $0xb8;
	[tilespmem:$0x8080] =	vst v63  }
0xdc: {  	v3 =	vadd.s32 v1, v3  }
0xdd: {  	[tilespmem:s26], [sflag:$0x1] =	stream.indirect_vreg.gather [hbm4b:s5+s1], $0x80, v4, vm0, $0xb8;
	[tilespmem:$0x8080] =	vst v63  }
0xde: {  	_ = 	snop  }
0xdf: {  	[tilespmem:s28], [sflag:$0x1] =	stream.indirect_vreg.gather [hbm4b:s6+s1], $0x80, v4, vm0, $0xb8;
	[tilespmem:$0x8080] =	vst v63  }
0xe0: {  	_ = 	snop  }
0xe1: {  	[tilespmem:s29], [sflag:$0x1] =	stream.indirect_vreg.gather [hbm4b:s3+s1], $0x80, v3, vm0, $0xb8;
	[tilespmem:$0x8080] =	vst v63  }
0xe2: {  	_ = 	snop  }
0xe3: {  	[tilespmem:s30], [sflag:$0x1] =	stream.indirect_vreg.gather [hbm4b:s4+s1], $0x80, v3, vm0, $0xb8;
	[tilespmem:$0x8080] =	vst v63  }
0xe4: {  	_ = 	snop  }
0xe5: {  	[tilespmem:s31], [sflag:$0x1] =	stream.indirect_vreg.gather [hbm4b:s5+s1], $0x80, v3, vm0, $0xb8;
	[tilespmem:$0x8080] =	vst v63  }
0xe6: {  	_ = 	snop  }
0xe7: {  	[tilespmem:s0], [sflag:$0x1] =	stream.indirect_vreg.gather [hbm4b:s6+s1], $0x80, v3, vm0, $0xb8;
	[tilespmem:$0x8080] =	vst v63  }
0xe8: {  	_ =	swait.ge [sflag:s15], $0x8000  }
0xe9: {  	[sflag:s15] =	ssyncset.done $0x0  }
0xea: {  	s2 =	rddreg [dreg:$0x9];
	[sflag:s15] =	ssyncadd.s32 $0xFFFF8000  }
0xeb: {  	[hbm4b:s2+s1] =	stream.linear.scatter [tilespmem:s16], [sflag:$0x1], $0x8000, $0x38;
	[tilespmem:$0x8080] =	vst v63  }
0xec: {  	_ =	swait.ge [sflag:s15], $0x8000  }
0xed: {  	[sflag:s15] =	ssyncset.done $0x0  }
0xee: {  	s2 =	rddreg [dreg:$0xa];
	[sflag:s15] =	ssyncadd.s32 $0xFFFF8000  }
0xef: {  	[tilespmem:s1], [sflag:$0x1] =	stream.linear.gather [hbm4b:s2+s1], $0x20, $0x38;
	[tilespmem:$0x8080] =	vst v63  }
0xf0: {  	_ =	swait.ge [sflag:s15], $0x20  }
0xf1: {  	[sflag:s15] =	ssyncset.done $0x0  }
0xf2: {  	[sflag:s15] =	ssyncadd.s32 $0xFFFFFFE0  }
0xf3: {  	v3 =	vld [tilespmem:$0x0];
	_ =	sdelay $0x4  }
0xf4: {  	v56 =	vshll.u32 v3, $0x3  }
0xf5: {  	v3 =	vand.u32 $0x7, v3;
	v4 =	vand.u32 $0xFFFFFFC0, v56  }
0xf6: {  	v3 =	vor.u32 v3, v4  }
0xf7: {  	v4 =	vperm.xlane v3, v0;
	_ =	sdelay $0x1  }
0xf8: {  	v4 =	vadd.s32 v1, v4;
	_ =	sdelay $0x4  }
0xf9: {  	[tilespmem:s16], [sflag:$0x1] =	stream.indirect_vreg.gather [hbm4b:s3+s1], $0x80, v4, vm0, $0xb8;
	[tilespmem:$0x8080] =	vst v63  }
0xfa: {  	v3 =	vperm.xlane v3, v2  }
0xfb: {  	[tilespmem:s17], [sflag:$0x1] =	stream.indirect_vreg.gather [hbm4b:s4+s1], $0x80, v4, vm0, $0xb8;
	[tilespmem:$0x8080] =	vst v63  }
0xfc: {  	v3 =	vadd.s32 v1, v3  }
0xfd: {  	[tilespmem:s18], [sflag:$0x1] =	stream.indirect_vreg.gather [hbm4b:s5+s1], $0x80, v4, vm0, $0xb8;
	[tilespmem:$0x8080] =	vst v63  }
0xfe: {  	_ = 	snop  }
0xff: {  	[tilespmem:s19], [sflag:$0x1] =	stream.indirect_vreg.gather [hbm4b:s6+s1], $0x80, v4, vm0, $0xb8;
	[tilespmem:$0x8080] =	vst v63  }
0x100: {  	_ = 	snop  }
0x101: {  	[tilespmem:s20], [sflag:$0x1] =	stream.indirect_vreg.gather [hbm4b:s3+s1], $0x80, v3, vm0, $0xb8;
	[tilespmem:$0x8080] =	vst v63  }
0x102: {  	_ = 	snop  }
0x103: {  	[tilespmem:s21], [sflag:$0x1] =	stream.indirect_vreg.gather [hbm4b:s4+s1], $0x80, v3, vm0, $0xb8;
	[tilespmem:$0x8080] =	vst v63  }
0x104: {  	_ = 	snop  }
0x105: {  	[tilespmem:s22], [sflag:$0x1] =	stream.indirect_vreg.gather [hbm4b:s5+s1], $0x80, v3, vm0, $0xb8;
	[tilespmem:$0x8080] =	vst v63  }
0x106: {  	_ = 	snop  }
0x107: {  	[tilespmem:s23], [sflag:$0x1] =	stream.indirect_vreg.gather [hbm4b:s6+s1], $0x80, v3, vm0, $0xb8;
	[tilespmem:$0x8080] =	vst v63  }
0x108: {  	v3 =	vld [tilespmem:$0x10];
	_ =	sdelay $0x4  }
0x109: {  	v57 =	vshll.u32 v3, $0x3  }
0x10a: {  	v3 =	vand.u32 $0x7, v3;
	v4 =	vand.u32 $0xFFFFFFC0, v57  }
0x10b: {  	v3 =	vor.u32 v3, v4  }
0x10c: {  	v4 =	vperm.xlane v3, v0;
	_ =	sdelay $0x1  }
0x10d: {  	v4 =	vadd.s32 v1, v4;
	_ =	sdelay $0x4  }
0x10e: {  	[tilespmem:s24], [sflag:$0x1] =	stream.indirect_vreg.gather [hbm4b:s3+s1], $0x80, v4, vm0, $0xb8;
	[tilespmem:$0x8080] =	vst v63  }
0x10f: {  	v3 =	vperm.xlane v3, v2  }
0x110: {  	[tilespmem:s25], [sflag:$0x1] =	stream.indirect_vreg.gather [hbm4b:s4+s1], $0x80, v4, vm0, $0xb8;
	[tilespmem:$0x8080] =	vst v63  }
0x111: {  	v3 =	vadd.s32 v1, v3  }
0x112: {  	[tilespmem:s26], [sflag:$0x1] =	stream.indirect_vreg.gather [hbm4b:s5+s1], $0x80, v4, vm0, $0xb8;
	[tilespmem:$0x8080] =	vst v63  }
0x113: {  	_ = 	snop  }
0x114: {  	[tilespmem:s28], [sflag:$0x1] =	stream.indirect_vreg.gather [hbm4b:s6+s1], $0x80, v4, vm0, $0xb8;
	[tilespmem:$0x8080] =	vst v63  }
0x115: {  	_ = 	snop  }
0x116: {  	[tilespmem:s29], [sflag:$0x1] =	stream.indirect_vreg.gather [hbm4b:s3+s1], $0x80, v3, vm0, $0xb8;
	[tilespmem:$0x8080] =	vst v63  }
0x117: {  	_ = 	snop  }
0x118: {  	[tilespmem:s30], [sflag:$0x1] =	stream.indirect_vreg.gather [hbm4b:s4+s1], $0x80, v3, vm0, $0xb8;
	[tilespmem:$0x8080] =	vst v63  }
0x119: {  	_ = 	snop  }
0x11a: {  	[tilespmem:s31], [sflag:$0x1] =	stream.indirect_vreg.gather [hbm4b:s5+s1], $0x80, v3, vm0, $0xb8;
	[tilespmem:$0x8080] =	vst v63  }
0x11b: {  	_ = 	snop  }
0x11c: {  	[tilespmem:s0], [sflag:$0x1] =	stream.indirect_vreg.gather [hbm4b:s6+s1], $0x80, v3, vm0, $0xb8;
	[tilespmem:$0x8080] =	vst v63  }
0x11d: {  	_ =	swait.ge [sflag:s15], $0x8000  }
0x11e: {  	[sflag:s15] =	ssyncset.done $0x0  }
0x11f: {  	[sflag:s15] =	ssyncadd.s32 $0xFFFF8000  }
0x120: {  	[hbm4b:s7+s1] =	stream.linear.scatter [tilespmem:s16], [sflag:$0x1], $0x8000, $0x38;
	[tilespmem:$0x8080] =	vst v63  }
0x121: {  	_ =	swait.ge [sflag:s15], $0x8000  }
0x122: {  	[sflag:s15] =	ssyncset.done $0x0  }
0x123: {  	[sflag:s15] =	ssyncadd.s32 $0xFFFF8000  }
0x124: {  	[tilespmem:s1], [sflag:$0x1] =	stream.linear.gather [hbm4b:s8+s1], $0x20, $0x38;
	[tilespmem:$0x8080] =	vst v63  }
0x125: {  	_ =	swait.ge [sflag:s15], $0x20  }
0x126: {  	[sflag:s15] =	ssyncset.done $0x0  }
0x127: {  	[sflag:s15] =	ssyncadd.s32 $0xFFFFFFE0  }
0x128: {  	v3 =	vld [tilespmem:$0x0];
	_ =	sdelay $0x4  }
0x129: {  	v58 =	vshll.u32 v3, $0x3  }
0x12a: {  	v3 =	vand.u32 $0x7, v3;
	v4 =	vand.u32 $0xFFFFFFC0, v58  }
0x12b: {  	v3 =	vor.u32 v3, v4  }
0x12c: {  	v4 =	vperm.xlane v3, v0;
	_ =	sdelay $0x1  }
0x12d: {  	v4 =	vadd.s32 v1, v4;
	_ =	sdelay $0x4  }
0x12e: {  	[tilespmem:s16], [sflag:$0x1] =	stream.indirect_vreg.gather [hbm4b:s3+s1], $0x80, v4, vm0, $0xb8;
	[tilespmem:$0x8080] =	vst v63  }
0x12f: {  	v3 =	vperm.xlane v3, v2  }
0x130: {  	[tilespmem:s17], [sflag:$0x1] =	stream.indirect_vreg.gather [hbm4b:s4+s1], $0x80, v4, vm0, $0xb8;
	[tilespmem:$0x8080] =	vst v63  }
0x131: {  	v3 =	vadd.s32 v1, v3  }
0x132: {  	[tilespmem:s18], [sflag:$0x1] =	stream.indirect_vreg.gather [hbm4b:s5+s1], $0x80, v4, vm0, $0xb8;
	[tilespmem:$0x8080] =	vst v63  }
0x133: {  	_ = 	snop  }
0x134: {  	[tilespmem:s19], [sflag:$0x1] =	stream.indirect_vreg.gather [hbm4b:s6+s1], $0x80, v4, vm0, $0xb8;
	[tilespmem:$0x8080] =	vst v63  }
0x135: {  	_ = 	snop  }
0x136: {  	[tilespmem:s20], [sflag:$0x1] =	stream.indirect_vreg.gather [hbm4b:s3+s1], $0x80, v3, vm0, $0xb8;
	[tilespmem:$0x8080] =	vst v63  }
0x137: {  	_ = 	snop  }
0x138: {  	[tilespmem:s21], [sflag:$0x1] =	stream.indirect_vreg.gather [hbm4b:s4+s1], $0x80, v3, vm0, $0xb8;
	[tilespmem:$0x8080] =	vst v63  }
0x139: {  	_ = 	snop  }
0x13a: {  	[tilespmem:s22], [sflag:$0x1] =	stream.indirect_vreg.gather [hbm4b:s5+s1], $0x80, v3, vm0, $0xb8;
	[tilespmem:$0x8080] =	vst v63  }
0x13b: {  	_ = 	snop  }
0x13c: {  	[tilespmem:s23], [sflag:$0x1] =	stream.indirect_vreg.gather [hbm4b:s6+s1], $0x80, v3, vm0, $0xb8;
	[tilespmem:$0x8080] =	vst v63  }
0x13d: {  	v3 =	vld [tilespmem:$0x10];
	_ =	sdelay $0x4  }
0x13e: {  	v59 =	vshll.u32 v3, $0x3  }
0x13f: {  	v3 =	vand.u32 $0x7, v3;
	v4 =	vand.u32 $0xFFFFFFC0, v59  }
0x140: {  	v3 =	vor.u32 v3, v4  }
0x141: {  	v4 =	vperm.xlane v3, v0;
	_ =	sdelay $0x1  }
0x142: {  	v4 =	vadd.s32 v1, v4;
	_ =	sdelay $0x4  }
0x143: {  	[tilespmem:s24], [sflag:$0x1] =	stream.indirect_vreg.gather [hbm4b:s3+s1], $0x80, v4, vm0, $0xb8;
	[tilespmem:$0x8080] =	vst v63  }
0x144: {  	v3 =	vperm.xlane v3, v2  }
0x145: {  	[tilespmem:s25], [sflag:$0x1] =	stream.indirect_vreg.gather [hbm4b:s4+s1], $0x80, v4, vm0, $0xb8;
	[tilespmem:$0x8080] =	vst v63  }
0x146: {  	v3 =	vadd.s32 v1, v3  }
0x147: {  	[tilespmem:s26], [sflag:$0x1] =	stream.indirect_vreg.gather [hbm4b:s5+s1], $0x80, v4, vm0, $0xb8;
	[tilespmem:$0x8080] =	vst v63  }
0x148: {  	_ = 	snop  }
0x149: {  	[tilespmem:s28], [sflag:$0x1] =	stream.indirect_vreg.gather [hbm4b:s6+s1], $0x80, v4, vm0, $0xb8;
	[tilespmem:$0x8080] =	vst v63  }
0x14a: {  	_ = 	snop  }
0x14b: {  	[tilespmem:s29], [sflag:$0x1] =	stream.indirect_vreg.gather [hbm4b:s3+s1], $0x80, v3, vm0, $0xb8;
	[tilespmem:$0x8080] =	vst v63  }
0x14c: {  	_ = 	snop  }
0x14d: {  	[tilespmem:s30], [sflag:$0x1] =	stream.indirect_vreg.gather [hbm4b:s4+s1], $0x80, v3, vm0, $0xb8;
	[tilespmem:$0x8080] =	vst v63  }
0x14e: {  	_ = 	snop  }
0x14f: {  	[tilespmem:s31], [sflag:$0x1] =	stream.indirect_vreg.gather [hbm4b:s5+s1], $0x80, v3, vm0, $0xb8;
	[tilespmem:$0x8080] =	vst v63  }
0x150: {  	_ = 	snop  }
0x151: {  	[tilespmem:s0], [sflag:$0x1] =	stream.indirect_vreg.gather [hbm4b:s6+s1], $0x80, v3, vm0, $0xb8;
	[tilespmem:$0x8080] =	vst v63  }
0x152: {  	_ =	swait.ge [sflag:s15], $0x8000  }
0x153: {  	[sflag:s15] =	ssyncset.done $0x0  }
0x154: {  	[sflag:s15] =	ssyncadd.s32 $0xFFFF8000  }
0x155: {  	[hbm4b:s9+s1] =	stream.linear.scatter [tilespmem:s16], [sflag:$0x1], $0x8000, $0x38;
	[tilespmem:$0x8080] =	vst v63  }
0x156: {  	_ =	swait.ge [sflag:s15], $0x8000  }
0x157: {  	[sflag:s15] =	ssyncset.done $0x0  }
0x158: {  	[sflag:s15] =	ssyncadd.s32 $0xFFFF8000  }
0x159: {  	[tilespmem:s1], [sflag:$0x1] =	stream.linear.gather [hbm4b:s10+s1], $0x20, $0x38;
	[tilespmem:$0x8080] =	vst v63  }
0x15a: {  	_ =	swait.ge [sflag:s15], $0x20  }
0x15b: {  	[sflag:s15] =	ssyncset.done $0x0  }
0x15c: {  	[sflag:s15] =	ssyncadd.s32 $0xFFFFFFE0  }
0x15d: {  	v3 =	vld [tilespmem:$0x0];
	_ =	sdelay $0x4  }
0x15e: {  	v60 =	vshll.u32 v3, $0x3  }
0x15f: {  	v3 =	vand.u32 $0x7, v3;
	v4 =	vand.u32 $0xFFFFFFC0, v60  }
0x160: {  	v3 =	vor.u32 v3, v4  }
0x161: {  	v4 =	vperm.xlane v3, v0;
	_ =	sdelay $0x1  }
0x162: {  	v4 =	vadd.s32 v1, v4;
	_ =	sdelay $0x4  }
0x163: {  	[tilespmem:s16], [sflag:$0x1] =	stream.indirect_vreg.gather [hbm4b:s3+s1], $0x80, v4, vm0, $0xb8;
	[tilespmem:$0x8080] =	vst v63  }
0x164: {  	v3 =	vperm.xlane v3, v2  }
0x165: {  	[tilespmem:s17], [sflag:$0x1] =	stream.indirect_vreg.gather [hbm4b:s4+s1], $0x80, v4, vm0, $0xb8;
	[tilespmem:$0x8080] =	vst v63  }
0x166: {  	v3 =	vadd.s32 v1, v3  }
0x167: {  	[tilespmem:s18], [sflag:$0x1] =	stream.indirect_vreg.gather [hbm4b:s5+s1], $0x80, v4, vm0, $0xb8;
	[tilespmem:$0x8080] =	vst v63  }
0x168: {  	_ = 	snop  }
0x169: {  	[tilespmem:s19], [sflag:$0x1] =	stream.indirect_vreg.gather [hbm4b:s6+s1], $0x80, v4, vm0, $0xb8;
	[tilespmem:$0x8080] =	vst v63  }
0x16a: {  	_ = 	snop  }
0x16b: {  	[tilespmem:s20], [sflag:$0x1] =	stream.indirect_vreg.gather [hbm4b:s3+s1], $0x80, v3, vm0, $0xb8;
	[tilespmem:$0x8080] =	vst v63  }
0x16c: {  	_ = 	snop  }
0x16d: {  	[tilespmem:s21], [sflag:$0x1] =	stream.indirect_vreg.gather [hbm4b:s4+s1], $0x80, v3, vm0, $0xb8;
	[tilespmem:$0x8080] =	vst v63  }
0x16e: {  	_ = 	snop  }
0x16f: {  	[tilespmem:s22], [sflag:$0x1] =	stream.indirect_vreg.gather [hbm4b:s5+s1], $0x80, v3, vm0, $0xb8;
	[tilespmem:$0x8080] =	vst v63  }
0x170: {  	_ = 	snop  }
0x171: {  	[tilespmem:s23], [sflag:$0x1] =	stream.indirect_vreg.gather [hbm4b:s6+s1], $0x80, v3, vm0, $0xb8;
	[tilespmem:$0x8080] =	vst v63  }
0x172: {  	v3 =	vld [tilespmem:$0x10];
	_ =	sdelay $0x4  }
0x173: {  	v61 =	vshll.u32 v3, $0x3  }
0x174: {  	v3 =	vand.u32 $0x7, v3;
	v4 =	vand.u32 $0xFFFFFFC0, v61  }
0x175: {  	v3 =	vor.u32 v3, v4  }
0x176: {  	v4 =	vperm.xlane v3, v0;
	_ =	sdelay $0x1  }
0x177: {  	v4 =	vadd.s32 v1, v4;
	_ =	sdelay $0x4  }
0x178: {  	[tilespmem:s24], [sflag:$0x1] =	stream.indirect_vreg.gather [hbm4b:s3+s1], $0x80, v4, vm0, $0xb8;
	[tilespmem:$0x8080] =	vst v63  }
0x179: {  	v3 =	vperm.xlane v3, v2  }
0x17a: {  	[tilespmem:s25], [sflag:$0x1] =	stream.indirect_vreg.gather [hbm4b:s4+s1], $0x80, v4, vm0, $0xb8;
	[tilespmem:$0x8080] =	vst v63  }
0x17b: {  	v3 =	vadd.s32 v1, v3  }
0x17c: {  	[tilespmem:s26], [sflag:$0x1] =	stream.indirect_vreg.gather [hbm4b:s5+s1], $0x80, v4, vm0, $0xb8;
	[tilespmem:$0x8080] =	vst v63  }
0x17d: {  	_ = 	snop  }
0x17e: {  	[tilespmem:s28], [sflag:$0x1] =	stream.indirect_vreg.gather [hbm4b:s6+s1], $0x80, v4, vm0, $0xb8;
	[tilespmem:$0x8080] =	vst v63  }
0x17f: {  	_ = 	snop  }
0x180: {  	[tilespmem:s29], [sflag:$0x1] =	stream.indirect_vreg.gather [hbm4b:s3+s1], $0x80, v3, vm0, $0xb8;
	[tilespmem:$0x8080] =	vst v63  }
0x181: {  	_ = 	snop  }
0x182: {  	[tilespmem:s30], [sflag:$0x1] =	stream.indirect_vreg.gather [hbm4b:s4+s1], $0x80, v3, vm0, $0xb8;
	[tilespmem:$0x8080] =	vst v63  }
0x183: {  	_ = 	snop  }
0x184: {  	[tilespmem:s31], [sflag:$0x1] =	stream.indirect_vreg.gather [hbm4b:s5+s1], $0x80, v3, vm0, $0xb8;
	[tilespmem:$0x8080] =	vst v63  }
0x185: {  	_ = 	snop  }
0x186: {  	[tilespmem:s0], [sflag:$0x1] =	stream.indirect_vreg.gather [hbm4b:s6+s1], $0x80, v3, vm0, $0xb8;
	[tilespmem:$0x8080] =	vst v63  }
0x187: {  	_ =	swait.ge [sflag:s15], $0x8000  }
0x188: {  	[sflag:s15] =	ssyncset.done $0x0  }
0x189: {  	[sflag:s15] =	ssyncadd.s32 $0xFFFF8000  }
0x18a: {  	[hbm4b:s11+s1] =	stream.linear.scatter [tilespmem:s16], [sflag:$0x1], $0x8000, $0x38;
	[tilespmem:$0x8080] =	vst v63  }
0x18b: {  	_ =	swait.ge [sflag:s15], $0x8000  }
0x18c: {  	[sflag:s15] =	ssyncset.done $0x0  }
0x18d: {  	[sflag:s15] =	ssyncadd.s32 $0xFFFF8000  }
0x18e: {  	[tilespmem:s1], [sflag:$0x1] =	stream.linear.gather [hbm4b:s12+s1], $0x20, $0x38;
	[tilespmem:$0x8080] =	vst v63  }
0x18f: {  	_ =	swait.ge [sflag:s15], $0x20  }
0x190: {  	[sflag:s15] =	ssyncset.done $0x0  }
0x191: {  	[sflag:s15] =	ssyncadd.s32 $0xFFFFFFE0  }
0x192: {  	v3 =	vld [tilespmem:$0x0];
	_ =	sdelay $0x4  }
0x193: {  	v62 =	vshll.u32 v3, $0x3  }
0x194: {  	v3 =	vand.u32 $0x7, v3;
	v4 =	vand.u32 $0xFFFFFFC0, v62  }
0x195: {  	v3 =	vor.u32 v3, v4  }
0x196: {  	v4 =	vperm.xlane v3, v0;
	_ =	sdelay $0x1  }
0x197: {  	v4 =	vadd.s32 v1, v4;
	_ =	sdelay $0x4  }
0x198: {  	[tilespmem:s16], [sflag:$0x1] =	stream.indirect_vreg.gather [hbm4b:s3+s1], $0x80, v4, vm0, $0xb8;
	[tilespmem:$0x8080] =	vst v63  }
0x199: {  	v3 =	vperm.xlane v3, v2  }
0x19a: {  	[tilespmem:s17], [sflag:$0x1] =	stream.indirect_vreg.gather [hbm4b:s4+s1], $0x80, v4, vm0, $0xb8;
	[tilespmem:$0x8080] =	vst v63  }
0x19b: {  	v3 =	vadd.s32 v1, v3  }
0x19c: {  	[tilespmem:s18], [sflag:$0x1] =	stream.indirect_vreg.gather [hbm4b:s5+s1], $0x80, v4, vm0, $0xb8;
	[tilespmem:$0x8080] =	vst v63  }
0x19d: {  	_ = 	snop  }
0x19e: {  	[tilespmem:s19], [sflag:$0x1] =	stream.indirect_vreg.gather [hbm4b:s6+s1], $0x80, v4, vm0, $0xb8;
	[tilespmem:$0x8080] =	vst v63  }
0x19f: {  	_ = 	snop  }
0x1a0: {  	[tilespmem:s20], [sflag:$0x1] =	stream.indirect_vreg.gather [hbm4b:s3+s1], $0x80, v3, vm0, $0xb8;
	[tilespmem:$0x8080] =	vst v63  }
0x1a1: {  	_ = 	snop  }
0x1a2: {  	[tilespmem:s21], [sflag:$0x1] =	stream.indirect_vreg.gather [hbm4b:s4+s1], $0x80, v3, vm0, $0xb8;
	[tilespmem:$0x8080] =	vst v63  }
0x1a3: {  	_ = 	snop  }
0x1a4: {  	[tilespmem:s22], [sflag:$0x1] =	stream.indirect_vreg.gather [hbm4b:s5+s1], $0x80, v3, vm0, $0xb8;
	[tilespmem:$0x8080] =	vst v63  }
0x1a5: {  	_ = 	snop  }
0x1a6: {  	[tilespmem:s23], [sflag:$0x1] =	stream.indirect_vreg.gather [hbm4b:s6+s1], $0x80, v3, vm0, $0xb8;
	[tilespmem:$0x8080] =	vst v63  }
0x1a7: {  	v3 =	vld [tilespmem:$0x10];
	_ =	sdelay $0x4  }
0x1a8: {  	v63 =	vshll.u32 v3, $0x3  }
0x1a9: {  	v3 =	vand.u32 $0x7, v3;
	v4 =	vand.u32 $0xFFFFFFC0, v63  }
0x1aa: {  	v3 =	vor.u32 v3, v4  }
0x1ab: {  	v4 =	vperm.xlane v3, v0;
	_ =	sdelay $0x1  }
0x1ac: {  	v4 =	vadd.s32 v1, v4;
	_ =	sdelay $0x4  }
0x1ad: {  	[tilespmem:s24], [sflag:$0x1] =	stream.indirect_vreg.gather [hbm4b:s3+s1], $0x80, v4, vm0, $0xb8;
	[tilespmem:$0x8080] =	vst v63  }
0x1ae: {  	v3 =	vperm.xlane v3, v2  }
0x1af: {  	[tilespmem:s25], [sflag:$0x1] =	stream.indirect_vreg.gather [hbm4b:s4+s1], $0x80, v4, vm0, $0xb8;
	[tilespmem:$0x8080] =	vst v63  }
0x1b0: {  	v3 =	vadd.s32 v1, v3  }
0x1b1: {  	[tilespmem:s26], [sflag:$0x1] =	stream.indirect_vreg.gather [hbm4b:s5+s1], $0x80, v4, vm0, $0xb8;
	[tilespmem:$0x8080] =	vst v63  }
0x1b2: {  	_ = 	snop  }
0x1b3: {  	[tilespmem:s28], [sflag:$0x1] =	stream.indirect_vreg.gather [hbm4b:s6+s1], $0x80, v4, vm0, $0xb8;
	[tilespmem:$0x8080] =	vst v63  }
0x1b4: {  	_ = 	snop  }
0x1b5: {  	[tilespmem:s29], [sflag:$0x1] =	stream.indirect_vreg.gather [hbm4b:s3+s1], $0x80, v3, vm0, $0xb8;
	[tilespmem:$0x8080] =	vst v63  }
0x1b6: {  	_ = 	snop  }
0x1b7: {  	[tilespmem:s30], [sflag:$0x1] =	stream.indirect_vreg.gather [hbm4b:s4+s1], $0x80, v3, vm0, $0xb8;
	[tilespmem:$0x8080] =	vst v63  }
0x1b8: {  	_ = 	snop  }
0x1b9: {  	[tilespmem:s31], [sflag:$0x1] =	stream.indirect_vreg.gather [hbm4b:s5+s1], $0x80, v3, vm0, $0xb8;
	[tilespmem:$0x8080] =	vst v63  }
0x1ba: {  	_ = 	snop  }
0x1bb: {  	[tilespmem:s0], [sflag:$0x1] =	stream.indirect_vreg.gather [hbm4b:s6+s1], $0x80, v3, vm0, $0xb8;
	[tilespmem:$0x8080] =	vst v63  }
0x1bc: {  	_ =	swait.ge [sflag:s15], $0x8000  }
0x1bd: {  	p0 =	sne.s32 s14, $0x1;
	[sflag:s15] =	ssyncset.done $0x0  }
.Ltmp0:
0x1be: {  	[sflag:s15] =	ssyncadd.s32 $0xFFFF8000;
	(pc) =	sbr.rel @p0 .LBB2_1-.Ltmp0, $4  }
0x1bf: {  	[hbm4b:s13+s1] =	stream.linear.scatter [tilespmem:s16], [sflag:$0x1], $0x8000, $0x38;
	[tilespmem:$0x8080] =	vst v63  }
0x1c0: {  	_ =	swait.ge [sflag:s15], $0x8000  }
0x1c1: {  	[sflag:s15] =	ssyncset.done $0x0  }
0x1c2: {  	s14 =	sadd.s32 $0xFFFFFFFF, s14;
	[sflag:s15] =	ssyncadd.s32 $0xFFFF8000  }
0x1c3: {  	_ =	sfence.sel $0x180000  }
0x1c4: {  	[bflag:$0x0] =	sbarrier.arrive $0xFFFF  }
0x1c5: {  	_ =	strace $0x9000004A  }
0x1c6: {  	s0 =	stileid.u32;
	[bflag:$0x2] =	sbarrier.arrive $0xFFFF  }
0x1c7: {  	p0 =	sne.s32 s0, $0x0;
	s0 =	rddreg [dreg:$0x1]  }
0x1c8: {  	s0 =	sadd.s32 @!p0 $0x100000, s0  }
0x1c9: {  	[sflag:s0] =	ssyncadd.tile.s32 @!p0 $0x1;
	_ =	shalt  }
.Lfunc_end2:
_tile_overlayer_lowered:
.L_overlay_start_2:
0x1ca: {  	(tag) =	ssettag $0x2  }
0x1cb: {  	s0 =	rddreg [dreg:$0x0];
	s2 =	stileid.u32  }
0x1cc: {  	s1 =	rddreg [dreg:$0x1];
	p0 =	sne.s32 s2, $0x0  }
0x1cd: {  	s3 =	rddreg [dreg:$0x2];
	[bflag:$0x3] =	sbarrier.arrive $0xFFFF;
	s2 =	simm.s32 @!p0 $0x1C01  }
0x1ce: {  	[timem:s3], [sflag:s2] =	dma.local @!p0 [hbm:s0], s1  }
0x1cf: {  	s0 =	simm.s32 @!p0 $0x1  }
0x1d0: {  	_ =	swait.ge @!p0 [sflag:s0], s1  }
0x1d1: {  	s1 =	ssub.s32 @!p0 $0x0, s1;
	[sflag:s0] =	ssyncset.done @!p0 $0x0  }
0x1d2: {  	[sflag:s0] =	ssyncadd.s32 @!p0 s1  }
0x1d3: {  	[bflag:$0x3] =	sbarrier.arrive $0xFFFF  }
0x1d4: {  	_ =	shalt  }

// kernel: kernel.8.cloned.1.call-start
scs
__scs_entry_jumppad:
0x0: {  	(pc) =	sbr.rel $0x88, $3  }
0x1: {  	(tag) =	ssettag $0x0;
	lr =	simm.s32 $0x1  }
0x2: {  	[smem:$0x3F9C] =	sst lr;
	_ =	strace $0xD0000000  }
0x3: {  	_ = 	snop  }
0x4: {  	_ = 	snop  }
0x5: {  	_ = 	snop  }
0x6: {  	_ = 	snop  }
0x7: {  	_ = 	snop  }
__scs_overlays_trampoline_lowered:
0x8: {  	[smem:$0x3FAB] =	sst s0  }
0x9: {  	[smem:$0x3FAC] =	sst s1  }
0xa: {  	[smem:$0x3FAD] =	sst s2  }
0xb: {  	[smem:$0x3FAE] =	sst s3  }
0xc: {  	[smem:$0x3FAF] =	sst s4  }
0xd: {  	[smem:$0x3FB0] =	sst s5  }
0xe: {  	[smem:$0x3FB1] =	sst s6  }
0xf: {  	[smem:$0x3FB2] =	sst s7  }
0x10: {  	[smem:$0x3FB3] =	sst s8  }
0x11: {  	[smem:$0x3FB4] =	sst s9;
	s0 =	simm.s32 @!p0 $0x0  }
0x12: {  	s1 =	sld [smem:$0x3F9A];
	s0 =	simm.s32 @p0 $0x1  }
0x13: {  	[smem:$0x3FB5] =	sst s0;
	s0 =	simm.s32 @!p1 $0x0  }
0x14: {  	s2 =	sld [smem:$0x3F99];
	s0 =	simm.s32 @p1 $0x1  }
0x15: {  	[smem:$0x3FB6] =	sst s0;
	s0 =	simm.s32 @!p2 $0x0  }
0x16: {  	s3 =	sld [smem:$0x3FDB];
	s0 =	simm.s32 @p2 $0x1  }
0x17: {  	s4 =	simm.s32 $0x1BF5;
	[smem:$0x3FB8] =	sst s0  }
0x18: {  	s0 =	sld [smem:$0x3F9B];
	_ =	swait.ge [sflag:s4], $0x0  }
0x19: {  	s7 =	sld [smem:$0x3F9C]  }
0x1a: {  	s8 =	sadd.s32 $0xFFFFE003, lr  }
0x1b: {  	s9 =	sadd.s32 $0xFFFFFEF7, lr;
	s5 =	simm.s32 $0xFFFFFFFF;
	p2 =	slt.u32 s8, $0xFFFFF086  }
0x1c: {  	p1 =	slt.u32 s9, $0xF7A;
	s5 =	simm.s32 @!p2 $0x0  }
0x1d: {  	s5 =	simm.s32 @p1 $0x1;
	p0 =	seq.s32 s7, s2  }
0x1e: {  	s7 =	smul.u32 @!p0 $0xF7A, s2;
	p2 =	seq.s32 @!p0 s5, $0x0  }
0x1f: {  	s9 =	smul.u32 $0xF7A, s1;
	s8 =	simm.s32 @!p0 $0x1BF5;
	p2 =	por !p2, p0  }
0x20: {  	[sflag:s8] =	ssyncset.s32 @!p0 $0xFFFFF086;
	s6 =	sadd.s32 @!p0 s3, s7;
	s7 =	simm.s32 @!p0 $0x108  }
0x21: {  	s3 =	sadd.s32 s3, s9;
	s6 =	sadd.s32 @!p0 $0x88, s6;
	s7 =	simm.s32 @p2 $0x1082  }
0x22: {  	[simem:s7], [sflag:s8] =	dma.local @!p0 [hbm:s6], $0xF7A  }
0x23: {  	s9 =	sor.u32 $0xD0000000, s2;
	s6 =	simm.s32 $0x108;
	_ =	swait.ge @!p0 [sflag:s8], $0x0  }
0x24: {  	s3 =	sadd.s32 $0x88, s3;
	s6 =	simm.s32 @!p1 $0x1082;
	[sflag:s4] =	ssyncset.s32 $0xFFFFF086  }
0x25: {  	[simem:s6], [sflag:s4] =	dma.local [hbm:s3], $0xF7A  }
0x26: {  	[smem:$0x3F9C] =	sst s1;
	(tag) =	ssettag s2;
	_ =	strace s9  }
0x27: {  	s1 =	sld [smem:$0x3FAC]  }
0x28: {  	s2 =	sld [smem:$0x3FAD]  }
0x29: {  	s4 =	sld [smem:$0x3FAF]  }
0x2a: {  	p0 =	seq.s32 s5, $0x0;
	s5 =	sld [smem:$0x3FB0]  }
0x2b: {  	s6 =	sld [smem:$0x3FB1]  }
0x2c: {  	s7 =	sld [smem:$0x3FB2]  }
0x2d: {  	s3 =	simm.s32 $0x108;
	s8 =	sld [smem:$0x3FB3]  }
0x2e: {  	s3 =	simm.s32 @!p0 $0x1082;
	s9 =	sld [smem:$0x3FB4]  }
0x2f: {  	lr =	sadd.s32 s0, s3;
	s0 =	sld [smem:$0x3FAB]  }
0x30: {  	s3 =	sld [smem:$0x3FAE]  }
0x31: {  	[smem:$0x3FB7] =	sst s10  }
0x32: {  	s10 =	sld [smem:$0x3FB5];
	_ =	sdelay $0x3  }
0x33: {  	p0 =	seq.s32 s10, $0x1;
	s10 =	sld [smem:$0x3FB7];
	_ =	sdelay $0x3  }
0x34: {  	[smem:$0x3FB7] =	sst s10  }
0x35: {  	s10 =	sld [smem:$0x3FB6];
	_ =	sdelay $0x3  }
0x36: {  	p1 =	seq.s32 s10, $0x1;
	s10 =	sld [smem:$0x3FB7];
	_ =	sdelay $0x3  }
0x37: {  	[smem:$0x3FB7] =	sst s10  }
0x38: {  	s10 =	sld [smem:$0x3FB8]  }
0x39: {  	_ = 	snop;
	(pc) =	sbr.ind lr, $3  }
0x3a: {  	_ = 	snop  }
0x3b: {  	_ = 	snop  }
0x3c: {  	p2 =	seq.s32 s10, $0x1;
	s10 =	sld [smem:$0x3FB7]  }
0x3d: {  	_ =	shalt  }
0x3e: {  	_ =	shalt  }
0x3f: {  	_ =	shalt  }
0x40: {  	_ =	shalt  }
0x41: {  	_ =	shalt  }
0x42: {  	_ =	shalt  }
0x43: {  	_ =	shalt  }
0x44: {  	_ =	shalt  }
0x45: {  	_ =	shalt  }
0x46: {  	_ =	shalt  }
0x47: {  	_ =	shalt  }
0x48: {  	_ =	shalt  }
0x49: {  	_ =	shalt  }
0x4a: {  	_ =	shalt  }
0x4b: {  	_ =	shalt  }
0x4c: {  	_ =	shalt  }
0x4d: {  	_ =	shalt  }
0x4e: {  	_ =	shalt  }
0x4f: {  	_ =	shalt  }
0x50: {  	_ =	shalt  }
0x51: {  	_ =	shalt  }
0x52: {  	_ =	shalt  }
0x53: {  	_ =	shalt  }
0x54: {  	_ =	shalt  }
0x55: {  	_ =	shalt  }
0x56: {  	_ =	shalt  }
0x57: {  	_ =	shalt  }
0x58: {  	_ =	shalt  }
0x59: {  	_ =	shalt  }
0x5a: {  	_ =	shalt  }
0x5b: {  	_ =	shalt  }
0x5c: {  	_ =	shalt  }
0x5d: {  	_ =	shalt  }
0x5e: {  	_ =	shalt  }
0x5f: {  	_ =	shalt  }
0x60: {  	_ =	shalt  }
0x61: {  	_ =	shalt  }
0x62: {  	_ =	shalt  }
0x63: {  	_ =	shalt  }
0x64: {  	_ =	shalt  }
0x65: {  	_ =	shalt  }
0x66: {  	_ =	shalt  }
0x67: {  	_ =	shalt  }
0x68: {  	_ =	shalt  }
0x69: {  	_ =	shalt  }
0x6a: {  	_ =	shalt  }
0x6b: {  	_ =	shalt  }
0x6c: {  	_ =	shalt  }
0x6d: {  	_ =	shalt  }
0x6e: {  	_ =	shalt  }
0x6f: {  	_ =	shalt  }
0x70: {  	_ =	shalt  }
0x71: {  	_ =	shalt  }
0x72: {  	_ =	shalt  }
0x73: {  	_ =	shalt  }
0x74: {  	_ =	shalt  }
0x75: {  	_ =	shalt  }
0x76: {  	_ =	shalt  }
0x77: {  	_ =	shalt  }
0x78: {  	_ =	shalt  }
0x79: {  	_ =	shalt  }
0x7a: {  	_ =	shalt  }
0x7b: {  	_ =	shalt  }
0x7c: {  	_ =	shalt  }
0x7d: {  	_ =	shalt  }
0x7e: {  	_ =	shalt  }
0x7f: {  	_ =	shalt  }
0x80: {  	_ =	shalt  }
0x81: {  	_ =	shalt  }
0x82: {  	_ =	shalt  }
0x83: {  	_ =	shalt  }
0x84: {  	_ =	shalt  }
0x85: {  	_ =	shalt  }
0x86: {  	_ =	shalt  }
0x87: {  	_ =	shalt  }
.Lfunc_end0:
.L_simem_size_0:
called_computation_lowered:
.L_overlay_start_0:
0x88: {  	s2 =	sld [smem:$0x3FD9]  }
0x89: {  	s3 =	sld [smem:$0x3FFE];
	_ =	sdelay $0x1  }
0x8a: {  	s1 =	srdreg.scid  }
0x8b: {  	s0 =	sand.u32 $0x1, s1  }
0x8c: {  	s16 =	sshll.u32 s0, $0xA;
	s2 =	sadd.s32 s3, s2  }
0x8d: {  	s2 =	sadd.s32 s2, s16  }
0x8e: {  	[smem:$0x3FC3] =	sst s2  }
0x8f: {  	_ = 	snop  }
0x90: {  	(tm) =	ssettm $0x1  }
0x91: {  	s17 =	sld [smem:$0x3FFB];
	_ =	sdelay $0x3  }
0x92: {  	_ =	strace s17  }
0x93: {  	s2 =	sld [smem:$0x3FFC];
	_ =	sdelay $0x3  }
0x94: {  	_ =	strace s2  }
0x95: {  	s2 =	sld [smem:$0x3FFD];
	_ =	sdelay $0x3  }
0x96: {  	_ =	strace s2  }
0x97: {  	_ =	strace $0x8FFFFFFF  }
0x98: {  	s18 =	sld [smem:$0x3FDB];
	_ =	sdelay $0x1  }
0x99: {  	s19 =	simm.s32 $_scs_section_size  }
0x9a: {  	s4 =	simm.s32 $_size__tile_overlayer_lowered;
	s5 =	simm.s32 $_tile_overlayer_lowered  }
0x9b: {  	s22 =	simm.s32 $0x1BFF;
	s21 =	sshll.u32 s5, $0x1;
	s2 =	sadd.s32 s19, s18  }
0x9c: {  	s6 =	simm.s32 $0x0;
	s20 =	sshll.u32 s4, $0x1;
	s4 =	sadd.s32 s21, s2  }
0x9d: {  	[timem:s6], [sflag:s22] =	dma.local [hbm:s4], s20  }
0x9e: {  	_ =	swait.ge [sflag:s22], s20  }
0x9f: {  	s3 =	ssub.s32 $0x0, s20;
	[sflag:s22] =	ssyncset.done $0x0  }
0xa0: {  	[sflag:s22] =	ssyncadd.s32 s3;
	_ =	sdelay $0x1  }
0xa1: {  	s23 =	simm.s32 $0x1B8B  }
0xa2: {  	_ =	swait.ge [sflag:s23], $0x1  }
0xa3: {  	[sflag:s23] =	ssyncset.done $0x0  }
0xa4: {  	s25 =	simm.s32 $0x1B8E;
	s24 =	sld [smem:$0x3FFE];
	[sflag:s23] =	ssyncadd.s32 $0xFFFFFFFF  }
0xa5: {  	s26 =	simm.s32 $execute0_lowered;
	[smem:$0x3FD2] =	sst s25  }
0xa6: {  	s4 =	sshll.u32 s26, $0x1;
	_ =	strace $0x80000046;
	[dreg:$0x1] =	wrdreg $0xFFFFFFFF  }
0xa7: {  	s28 =	simm.s32 $_size_execute0_lowered;
	s2 =	sadd.s32 s2, s4;
	[dreg:$0x0] =	wrdreg $0x0  }
0xa8: {  	s4 =	sshll.u32 s28, $0x1;
	[dreg:$0x2] =	wrdreg s2  }
0xa9: {  	[dreg:$0x3] =	wrdreg s4  }
0xaa: {  	[dreg:$0x4] =	wrdreg $0xC0  }
0xab: {  	_ =	task [dreg:s6], $0x5FFFF  }
0xac: {  	[dreg:$0x1] =	wrdreg $0xFFFFFFFF  }
0xad: {  	[dreg:$0x0] =	wrdreg $0x60  }
0xae: {  	[dreg:$0x2] =	wrdreg s24  }
0xaf: {  	[dreg:$0x3] =	wrdreg $0x9  }
0xb0: {  	_ =	task.clear_ibuf [dreg:s6], $0x4FFFF;
	_ =	strace $0x90000046  }
0xb1: {  	s29 =	simm.s32 $0x9;
	_ =	strace $0x80000048  }
0xb2: {  	_ =	swait.ge [sflag:s29], $0x1  }
0xb3: {  	[sflag:s29] =	ssyncadd.s32 $0xFFFFFFFF  }
0xb4: {  	_ =	strace $0x90000048  }
0xb5: {  	_ =	sfence  }
0xb6: {  	s30 =	sld [smem:$0x0];
	_ =	sdelay $0x2  }
0xb7: {  	s31 =	sshll.u32 s1, $0xD;
	s1 =	sshrl.u32 s1, $0x2  }
0xb8: {  	s3 =	sand.u32 $0x4000, s31;
	s1 =	sadd.s32 s1, s30  }
0xb9: {  	s0 =	sor.u32 s3, s0;
	s1 =	sshll.u32 s1, $0x11  }
0xba: {  	s0 =	sor.u32 s1, s0  }
0xbb: {  	s0 =	sadd.s32 $0x8F2B, s0  }
0xbc: {  	[sflag:s0] =	ssyncadd.remote.s32 $0x1  }
0xbd: {  	_ =	sfence.sel $0xFFFF  }
0xbe: {  	[dreg:$0x0] =	wrdreg $0xFFFFFFFF;
	(pc) =	sbr.abs _section_cstart, $3  }
0xbf: {  	[dreg:$0x1] =	wrdreg $0xFFFFFFFF  }
0xc0: {  	_ =	task.clear_ibuf [dreg:s6], $0x2FFFF;
	_ =	strace $0x9FFFFFFF  }
0xc1: {  	(tm) =	ssettm $0x7FFFFFFF  }
tec
execute0_lowered:
.L_overlay_start_1:
0x0: {  	(tag) =	ssettag $0x1  }
0x1: {  	s0 =	srdreg.scid;
	s1 =	stileid.u32  }
0x2: {  	s4 =	rddreg [dreg:$0x0];
	s2 =	simm.s32 $0x0;
	s15 =	simm.s32 $0x900  }
0x3: {  	s16 =	simm.s32 $0x1100;
	s17 =	simm.s32 $0x1900;
	s18 =	simm.s32 $0x2100  }
0x4: {  	s19 =	simm.s32 $0x2900;
	s20 =	simm.s32 $0x3100;
	s21 =	simm.s32 $0x3900  }
0x5: {  	s22 =	simm.s32 $0x4100;
	s23 =	simm.s32 $0x4900;
	s24 =	simm.s32 $0x5100  }
0x6: {  	s28 =	simm.s32 $0x6900;
	s29 =	simm.s32 $0x7100;
	s30 =	simm.s32 $0x7900  }
0x7: {  	s31 =	simm.s32 $0x8100;
	s8 =	simm.s32 $0x9900;
	s9 =	simm.s32 $0xA100  }
0x8: {  	s10 =	simm.s32 $0xA900;
	s11 =	simm.s32 $0xB100;
	s12 =	simm.s32 $0xB900  }
0x9: {  	s0 =	sand.u32 $0x1, s0;
	s1 =	sshll.u32 s1, $0x1;
	[smem:$0x7FF] =	sst s2  }
0xa: {  	s13 =	simm.s32 $0xC100;
	s1 =	sor.u32 s0, s1;
	_ =	strace $0x80000047  }
0xb: {  	s0 =	ssub.s32 $0x2, s0;
	s3 =	sshll.u32 s1, $0xE;
	s1 =	sshll.u32 s1, $0x5  }
0xc: {  	s6 =	sshrl.u32 s0, $0x1;
	s3 =	sand.u32 $0x3C000, s3;
	s1 =	sadd.s32 s1, s4  }
0xd: {  	s0 =	ssub.s32 s0, s6;
	s6 =	simm.s32 $0x1;
	s5 =	sadd.s32 s3, s4  }
0xe: {  	s3 =	sadd.s32 $0x63000, s4;
	s1 =	sadd.s32 $0x62C00, s1;
	s4 =	sadd.s32 $0x63100, s4  }
0xf: {  	v2 =	vlaneseq.u32;
	[dreg:$0x2] =	wrdreg s1;
	s25 =	sadd.s32 $0x2800, s5;
	s26 =	sadd.s32 $0x4800, s5  }
0x10: {  	vm0 =	vmmov $0xffff;
	v1 =	vshrl.u32 v2, $0x3;
	s5 =	smax.u32 s0, $0x1;
	s1 =	simm.s32 $0x8900;
	[dreg:$0x3] =	wrdreg s25  }
0x11: {  	v0 =	vand.u32 $0x7, v2;
	v2 =	vor.u32 $0x8, v2;
	v1 =	vmul.u32 $0x8, v1;
	[dreg:$0x4] =	wrdreg s26;
	s25 =	simm.s32 $0x5900;
	s26 =	simm.s32 $0x6100  }
.LBB2_1:
0x12: {  	s14 =	rddreg [dreg:$0x2]  }
0x13: {  	[tilespmem:s2], [sflag:$0x1] =	stream.linear.gather [hbm4b:s14+s2], $0x100, $0x38;
	[tilespmem:$0x10100] =	vst v63  }
0x14: {  	_ =	swait.ge [sflag:s6], $0x100  }
0x15: {  	[sflag:s6] =	ssyncset.done $0x0  }
0x16: {  	s0 =	simm.s32 $0x100;
	s7 =	rddreg [dreg:$0x3];
	[sflag:s6] =	ssyncadd.s32 $0xFFFFFF00  }
0x17: {  	[tilespmem:s0], [sflag:$0x1] =	stream.linear.gather [hbm4b:s7+s2], $0x10000, $0x38;
	[tilespmem:$0x10100] =	vst v63  }
0x18: {  	_ =	swait.ge [sflag:s6], $0x10000  }
0x19: {  	[sflag:s6] =	ssyncset.done $0x0  }
0x1a: {  	[sflag:s6] =	ssyncadd.s32 $0xFFFF0000  }
0x1b: {  	v3 =	vld [tilespmem:$0x0];
	_ =	sdelay $0x4  }
0x1c: {  	v4 =	vshll.u32 v3, $0x2  }
0x1d: {  	v3 =	vand.u32 $0x7, v3;
	v4 =	vand.u32 $0xFFFFFFE0, v4  }
0x1e: {  	v3 =	vor.u32 v3, v4  }
0x1f: {  	v4 =	vperm.xlane v3, v0;
	_ =	sdelay $0x1  }
0x20: {  	v4 =	vadd.s32 v1, v4;
	_ =	sdelay $0x1  }
0x21: {  	v3 =	vperm.xlane v3, v2;
	_ =	sdelay $0x1  }
0x22: {  	v3 =	vadd.s32 v1, v3  }
0x23: {  	[hbm4b:s3+s2] =	stream.indirect_vreg.scatter [tilespmem:s0], [sflag:$0x1], $0x80, v4, vm0, $0xb8;
	[tilespmem:$0x10100] =	vst v63  }
0x24: {  	_ = 	snop  }
0x25: {  	[hbm4b:s4+s2] =	stream.indirect_vreg.scatter [tilespmem:s15], [sflag:$0x1], $0x80, v4, vm0, $0xb8;
	[tilespmem:$0x10100] =	vst v63  }
0x26: {  	_ = 	snop  }
0x27: {  	[hbm4b:s3+s2] =	stream.indirect_vreg.scatter [tilespmem:s16], [sflag:$0x1], $0x80, v3, vm0, $0xb8;
	[tilespmem:$0x10100] =	vst v63  }
0x28: {  	_ = 	snop  }
0x29: {  	[hbm4b:s4+s2] =	stream.indirect_vreg.scatter [tilespmem:s17], [sflag:$0x1], $0x80, v3, vm0, $0xb8;
	[tilespmem:$0x10100] =	vst v63  }
0x2a: {  	v3 =	vld [tilespmem:$0x10];
	_ =	sdelay $0x4  }
0x2b: {  	v49 =	vshll.u32 v3, $0x2  }
0x2c: {  	v3 =	vand.u32 $0x7, v3;
	v4 =	vand.u32 $0xFFFFFFE0, v49  }
0x2d: {  	v3 =	vor.u32 v3, v4  }
0x2e: {  	v4 =	vperm.xlane v3, v0;
	_ =	sdelay $0x1  }
0x2f: {  	v4 =	vadd.s32 v1, v4;
	_ =	sdelay $0x1  }
0x30: {  	v3 =	vperm.xlane v3, v2;
	_ =	sdelay $0x1  }
0x31: {  	v3 =	vadd.s32 v1, v3  }
0x32: {  	[hbm4b:s3+s2] =	stream.indirect_vreg.scatter [tilespmem:s18], [sflag:$0x1], $0x80, v4, vm0, $0xb8;
	[tilespmem:$0x10100] =	vst v63  }
0x33: {  	_ = 	snop  }
0x34: {  	[hbm4b:s4+s2] =	stream.indirect_vreg.scatter [tilespmem:s19], [sflag:$0x1], $0x80, v4, vm0, $0xb8;
	[tilespmem:$0x10100] =	vst v63  }
0x35: {  	_ = 	snop  }
0x36: {  	[hbm4b:s3+s2] =	stream.indirect_vreg.scatter [tilespmem:s20], [sflag:$0x1], $0x80, v3, vm0, $0xb8;
	[tilespmem:$0x10100] =	vst v63  }
0x37: {  	_ = 	snop  }
0x38: {  	[hbm4b:s4+s2] =	stream.indirect_vreg.scatter [tilespmem:s21], [sflag:$0x1], $0x80, v3, vm0, $0xb8;
	[tilespmem:$0x10100] =	vst v63  }
0x39: {  	v3 =	vld [tilespmem:$0x20];
	_ =	sdelay $0x4  }
0x3a: {  	v50 =	vshll.u32 v3, $0x2  }
0x3b: {  	v3 =	vand.u32 $0x7, v3;
	v4 =	vand.u32 $0xFFFFFFE0, v50  }
0x3c: {  	v3 =	vor.u32 v3, v4  }
0x3d: {  	v4 =	vperm.xlane v3, v0;
	_ =	sdelay $0x1  }
0x3e: {  	v4 =	vadd.s32 v1, v4;
	_ =	sdelay $0x1  }
0x3f: {  	v3 =	vperm.xlane v3, v2;
	_ =	sdelay $0x1  }
0x40: {  	v3 =	vadd.s32 v1, v3  }
0x41: {  	[hbm4b:s3+s2] =	stream.indirect_vreg.scatter [tilespmem:s22], [sflag:$0x1], $0x80, v4, vm0, $0xb8;
	[tilespmem:$0x10100] =	vst v63  }
0x42: {  	_ = 	snop  }
0x43: {  	[hbm4b:s4+s2] =	stream.indirect_vreg.scatter [tilespmem:s23], [sflag:$0x1], $0x80, v4, vm0, $0xb8;
	[tilespmem:$0x10100] =	vst v63  }
0x44: {  	_ = 	snop  }
0x45: {  	[hbm4b:s3+s2] =	stream.indirect_vreg.scatter [tilespmem:s24], [sflag:$0x1], $0x80, v3, vm0, $0xb8;
	[tilespmem:$0x10100] =	vst v63  }
0x46: {  	_ = 	snop  }
0x47: {  	[hbm4b:s4+s2] =	stream.indirect_vreg.scatter [tilespmem:s25], [sflag:$0x1], $0x80, v3, vm0, $0xb8;
	[tilespmem:$0x10100] =	vst v63  }
0x48: {  	v3 =	vld [tilespmem:$0x30];
	_ =	sdelay $0x4  }
0x49: {  	v51 =	vshll.u32 v3, $0x2  }
0x4a: {  	v3 =	vand.u32 $0x7, v3;
	v4 =	vand.u32 $0xFFFFFFE0, v51  }
0x4b: {  	v3 =	vor.u32 v3, v4  }
0x4c: {  	v4 =	vperm.xlane v3, v0;
	_ =	sdelay $0x1  }
0x4d: {  	v4 =	vadd.s32 v1, v4;
	_ =	sdelay $0x1  }
0x4e: {  	v3 =	vperm.xlane v3, v2;
	_ =	sdelay $0x1  }
0x4f: {  	v3 =	vadd.s32 v1, v3  }
0x50: {  	[hbm4b:s3+s2] =	stream.indirect_vreg.scatter [tilespmem:s26], [sflag:$0x1], $0x80, v4, vm0, $0xb8;
	[tilespmem:$0x10100] =	vst v63  }
0x51: {  	_ = 	snop  }
0x52: {  	[hbm4b:s4+s2] =	stream.indirect_vreg.scatter [tilespmem:s28], [sflag:$0x1], $0x80, v4, vm0, $0xb8;
	[tilespmem:$0x10100] =	vst v63  }
0x53: {  	_ = 	snop  }
0x54: {  	[hbm4b:s3+s2] =	stream.indirect_vreg.scatter [tilespmem:s29], [sflag:$0x1], $0x80, v3, vm0, $0xb8;
	[tilespmem:$0x10100] =	vst v63  }
0x55: {  	_ = 	snop  }
0x56: {  	[hbm4b:s4+s2] =	stream.indirect_vreg.scatter [tilespmem:s30], [sflag:$0x1], $0x80, v3, vm0, $0xb8;
	[tilespmem:$0x10100] =	vst v63  }
0x57: {  	v3 =	vld [tilespmem:$0x40];
	_ =	sdelay $0x4  }
0x58: {  	v52 =	vshll.u32 v3, $0x2  }
0x59: {  	v3 =	vand.u32 $0x7, v3;
	v4 =	vand.u32 $0xFFFFFFE0, v52  }
0x5a: {  	v3 =	vor.u32 v3, v4  }
0x5b: {  	v4 =	vperm.xlane v3, v0;
	_ =	sdelay $0x1  }
0x5c: {  	v4 =	vadd.s32 v1, v4;
	_ =	sdelay $0x1  }
0x5d: {  	v3 =	vperm.xlane v3, v2;
	_ =	sdelay $0x1  }
0x5e: {  	v3 =	vadd.s32 v1, v3  }
0x5f: {  	[hbm4b:s3+s2] =	stream.indirect_vreg.scatter [tilespmem:s31], [sflag:$0x1], $0x80, v4, vm0, $0xb8;
	[tilespmem:$0x10100] =	vst v63  }
0x60: {  	_ = 	snop  }
0x61: {  	[hbm4b:s4+s2] =	stream.indirect_vreg.scatter [tilespmem:s1], [sflag:$0x1], $0x80, v4, vm0, $0xb8;
	[tilespmem:$0x10100] =	vst v63  }
0x62: {  	s7 =	simm.s32 $0x9100  }
0x63: {  	[hbm4b:s3+s2] =	stream.indirect_vreg.scatter [tilespmem:s7], [sflag:$0x1], $0x80, v3, vm0, $0xb8;
	[tilespmem:$0x10100] =	vst v63  }
0x64: {  	_ = 	snop  }
0x65: {  	[hbm4b:s4+s2] =	stream.indirect_vreg.scatter [tilespmem:s8], [sflag:$0x1], $0x80, v3, vm0, $0xb8;
	[tilespmem:$0x10100] =	vst v63  }
0x66: {  	v3 =	vld [tilespmem:$0x50];
	_ =	sdelay $0x4  }
0x67: {  	v53 =	vshll.u32 v3, $0x2  }
0x68: {  	v3 =	vand.u32 $0x7, v3;
	v4 =	vand.u32 $0xFFFFFFE0, v53  }
0x69: {  	v3 =	vor.u32 v3, v4  }
0x6a: {  	v4 =	vperm.xlane v3, v0;
	_ =	sdelay $0x1  }
0x6b: {  	v4 =	vadd.s32 v1, v4;
	_ =	sdelay $0x1  }
0x6c: {  	v3 =	vperm.xlane v3, v2;
	_ =	sdelay $0x1  }
0x6d: {  	v3 =	vadd.s32 v1, v3  }
0x6e: {  	[hbm4b:s3+s2] =	stream.indirect_vreg.scatter [tilespmem:s9], [sflag:$0x1], $0x80, v4, vm0, $0xb8;
	[tilespmem:$0x10100] =	vst v63  }
0x6f: {  	_ = 	snop  }
0x70: {  	[hbm4b:s4+s2] =	stream.indirect_vreg.scatter [tilespmem:s10], [sflag:$0x1], $0x80, v4, vm0, $0xb8;
	[tilespmem:$0x10100] =	vst v63  }
0x71: {  	_ = 	snop  }
0x72: {  	[hbm4b:s3+s2] =	stream.indirect_vreg.scatter [tilespmem:s11], [sflag:$0x1], $0x80, v3, vm0, $0xb8;
	[tilespmem:$0x10100] =	vst v63  }
0x73: {  	_ = 	snop  }
0x74: {  	[hbm4b:s4+s2] =	stream.indirect_vreg.scatter [tilespmem:s12], [sflag:$0x1], $0x80, v3, vm0, $0xb8;
	[tilespmem:$0x10100] =	vst v63  }
0x75: {  	v3 =	vld [tilespmem:$0x60];
	_ =	sdelay $0x4  }
0x76: {  	v54 =	vshll.u32 v3, $0x2  }
0x77: {  	v3 =	vand.u32 $0x7, v3;
	v4 =	vand.u32 $0xFFFFFFE0, v54  }
0x78: {  	v3 =	vor.u32 v3, v4  }
0x79: {  	v4 =	vperm.xlane v3, v0;
	_ =	sdelay $0x1  }
0x7a: {  	v4 =	vadd.s32 v1, v4;
	_ =	sdelay $0x1  }
0x7b: {  	v3 =	vperm.xlane v3, v2;
	_ =	sdelay $0x1  }
0x7c: {  	v3 =	vadd.s32 v1, v3  }
0x7d: {  	[hbm4b:s3+s2] =	stream.indirect_vreg.scatter [tilespmem:s13], [sflag:$0x1], $0x80, v4, vm0, $0xb8;
	[tilespmem:$0x10100] =	vst v63  }
0x7e: {  	s7 =	simm.s32 $0xC900  }
0x7f: {  	[hbm4b:s4+s2] =	stream.indirect_vreg.scatter [tilespmem:s7], [sflag:$0x1], $0x80, v4, vm0, $0xb8;
	[tilespmem:$0x10100] =	vst v63  }
0x80: {  	s14 =	simm.s32 $0xD100  }
0x81: {  	[hbm4b:s3+s2] =	stream.indirect_vreg.scatter [tilespmem:s14], [sflag:$0x1], $0x80, v3, vm0, $0xb8;
	[tilespmem:$0x10100] =	vst v63  }
0x82: {  	s14 =	simm.s32 $0xD900  }
0x83: {  	[hbm4b:s4+s2] =	stream.indirect_vreg.scatter [tilespmem:s14], [sflag:$0x1], $0x80, v3, vm0, $0xb8;
	[tilespmem:$0x10100] =	vst v63  }
0x84: {  	v3 =	vld [tilespmem:$0x70];
	_ =	sdelay $0x4  }
0x85: {  	v55 =	vshll.u32 v3, $0x2  }
0x86: {  	v3 =	vand.u32 $0x7, v3;
	v4 =	vand.u32 $0xFFFFFFE0, v55  }
0x87: {  	v3 =	vor.u32 v3, v4  }
0x88: {  	v4 =	vperm.xlane v3, v0;
	_ =	sdelay $0x1  }
0x89: {  	v4 =	vadd.s32 v1, v4;
	_ =	sdelay $0x1  }
0x8a: {  	v3 =	vperm.xlane v3, v2;
	_ =	sdelay $0x1  }
0x8b: {  	s14 =	simm.s32 $0xE100;
	v3 =	vadd.s32 v1, v3  }
0x8c: {  	[hbm4b:s3+s2] =	stream.indirect_vreg.scatter [tilespmem:s14], [sflag:$0x1], $0x80, v4, vm0, $0xb8;
	[tilespmem:$0x10100] =	vst v63  }
0x8d: {  	s14 =	simm.s32 $0xE900  }
0x8e: {  	[hbm4b:s4+s2] =	stream.indirect_vreg.scatter [tilespmem:s14], [sflag:$0x1], $0x80, v4, vm0, $0xb8;
	[tilespmem:$0x10100] =	vst v63  }
0x8f: {  	s14 =	simm.s32 $0xF100  }
0x90: {  	[hbm4b:s3+s2] =	stream.indirect_vreg.scatter [tilespmem:s14], [sflag:$0x1], $0x80, v3, vm0, $0xb8;
	[tilespmem:$0x10100] =	vst v63  }
0x91: {  	s14 =	simm.s32 $0xF900  }
0x92: {  	[hbm4b:s4+s2] =	stream.indirect_vreg.scatter [tilespmem:s14], [sflag:$0x1], $0x80, v3, vm0, $0xb8;
	[tilespmem:$0x10100] =	vst v63  }
0x93: {  	_ =	swait.ge [sflag:s6], $0x10000  }
0x94: {  	[sflag:s6] =	ssyncset.done $0x0  }
0x95: {  	s14 =	rddreg [dreg:$0x4];
	[sflag:s6] =	ssyncadd.s32 $0xFFFF0000  }
0x96: {  	[tilespmem:s0], [sflag:$0x1] =	stream.linear.gather [hbm4b:s14+s2], $0x10000, $0x38;
	[tilespmem:$0x10100] =	vst v63  }
0x97: {  	_ =	swait.ge [sflag:s6], $0x10000  }
0x98: {  	[sflag:s6] =	ssyncset.done $0x0  }
0x99: {  	[sflag:s6] =	ssyncadd.s32 $0xFFFF0000  }
0x9a: {  	v3 =	vld [tilespmem:$0x80];
	_ =	sdelay $0x4  }
0x9b: {  	v56 =	vshll.u32 v3, $0x2  }
0x9c: {  	v3 =	vand.u32 $0x7, v3;
	v4 =	vand.u32 $0xFFFFFFE0, v56  }
0x9d: {  	v3 =	vor.u32 v3, v4  }
0x9e: {  	v4 =	vperm.xlane v3, v0;
	_ =	sdelay $0x1  }
0x9f: {  	v4 =	vadd.s32 v1, v4;
	_ =	sdelay $0x1  }
0xa0: {  	v3 =	vperm.xlane v3, v2;
	_ =	sdelay $0x1  }
0xa1: {  	v3 =	vadd.s32 v1, v3  }
0xa2: {  	[hbm4b:s3+s2] =	stream.indirect_vreg.scatter [tilespmem:s0], [sflag:$0x1], $0x80, v4, vm0, $0xb8;
	[tilespmem:$0x10100] =	vst v63  }
0xa3: {  	_ = 	snop  }
0xa4: {  	[hbm4b:s4+s2] =	stream.indirect_vreg.scatter [tilespmem:s15], [sflag:$0x1], $0x80, v4, vm0, $0xb8;
	[tilespmem:$0x10100] =	vst v63  }
0xa5: {  	_ = 	snop  }
0xa6: {  	[hbm4b:s3+s2] =	stream.indirect_vreg.scatter [tilespmem:s16], [sflag:$0x1], $0x80, v3, vm0, $0xb8;
	[tilespmem:$0x10100] =	vst v63  }
0xa7: {  	_ = 	snop  }
0xa8: {  	[hbm4b:s4+s2] =	stream.indirect_vreg.scatter [tilespmem:s17], [sflag:$0x1], $0x80, v3, vm0, $0xb8;
	[tilespmem:$0x10100] =	vst v63  }
0xa9: {  	v3 =	vld [tilespmem:$0x90];
	_ =	sdelay $0x4  }
0xaa: {  	v57 =	vshll.u32 v3, $0x2  }
0xab: {  	v3 =	vand.u32 $0x7, v3;
	v4 =	vand.u32 $0xFFFFFFE0, v57  }
0xac: {  	v3 =	vor.u32 v3, v4  }
0xad: {  	v4 =	vperm.xlane v3, v0;
	_ =	sdelay $0x1  }
0xae: {  	v4 =	vadd.s32 v1, v4;
	_ =	sdelay $0x1  }
0xaf: {  	v3 =	vperm.xlane v3, v2;
	_ =	sdelay $0x1  }
0xb0: {  	v3 =	vadd.s32 v1, v3  }
0xb1: {  	[hbm4b:s3+s2] =	stream.indirect_vreg.scatter [tilespmem:s18], [sflag:$0x1], $0x80, v4, vm0, $0xb8;
	[tilespmem:$0x10100] =	vst v63  }
0xb2: {  	_ = 	snop  }
0xb3: {  	[hbm4b:s4+s2] =	stream.indirect_vreg.scatter [tilespmem:s19], [sflag:$0x1], $0x80, v4, vm0, $0xb8;
	[tilespmem:$0x10100] =	vst v63  }
0xb4: {  	_ = 	snop  }
0xb5: {  	[hbm4b:s3+s2] =	stream.indirect_vreg.scatter [tilespmem:s20], [sflag:$0x1], $0x80, v3, vm0, $0xb8;
	[tilespmem:$0x10100] =	vst v63  }
0xb6: {  	_ = 	snop  }
0xb7: {  	[hbm4b:s4+s2] =	stream.indirect_vreg.scatter [tilespmem:s21], [sflag:$0x1], $0x80, v3, vm0, $0xb8;
	[tilespmem:$0x10100] =	vst v63  }
0xb8: {  	v3 =	vld [tilespmem:$0xA0];
	_ =	sdelay $0x4  }
0xb9: {  	v58 =	vshll.u32 v3, $0x2  }
0xba: {  	v3 =	vand.u32 $0x7, v3;
	v4 =	vand.u32 $0xFFFFFFE0, v58  }
0xbb: {  	v3 =	vor.u32 v3, v4  }
0xbc: {  	v4 =	vperm.xlane v3, v0;
	_ =	sdelay $0x1  }
0xbd: {  	v4 =	vadd.s32 v1, v4;
	_ =	sdelay $0x1  }
0xbe: {  	v3 =	vperm.xlane v3, v2;
	_ =	sdelay $0x1  }
0xbf: {  	v3 =	vadd.s32 v1, v3  }
0xc0: {  	[hbm4b:s3+s2] =	stream.indirect_vreg.scatter [tilespmem:s22], [sflag:$0x1], $0x80, v4, vm0, $0xb8;
	[tilespmem:$0x10100] =	vst v63  }
0xc1: {  	_ = 	snop  }
0xc2: {  	[hbm4b:s4+s2] =	stream.indirect_vreg.scatter [tilespmem:s23], [sflag:$0x1], $0x80, v4, vm0, $0xb8;
	[tilespmem:$0x10100] =	vst v63  }
0xc3: {  	_ = 	snop  }
0xc4: {  	[hbm4b:s3+s2] =	stream.indirect_vreg.scatter [tilespmem:s24], [sflag:$0x1], $0x80, v3, vm0, $0xb8;
	[tilespmem:$0x10100] =	vst v63  }
0xc5: {  	_ = 	snop  }
0xc6: {  	[hbm4b:s4+s2] =	stream.indirect_vreg.scatter [tilespmem:s25], [sflag:$0x1], $0x80, v3, vm0, $0xb8;
	[tilespmem:$0x10100] =	vst v63  }
0xc7: {  	v3 =	vld [tilespmem:$0xB0];
	_ =	sdelay $0x4  }
0xc8: {  	v59 =	vshll.u32 v3, $0x2  }
0xc9: {  	v3 =	vand.u32 $0x7, v3;
	v4 =	vand.u32 $0xFFFFFFE0, v59  }
0xca: {  	v3 =	vor.u32 v3, v4  }
0xcb: {  	v4 =	vperm.xlane v3, v0;
	_ =	sdelay $0x1  }
0xcc: {  	v4 =	vadd.s32 v1, v4;
	_ =	sdelay $0x1  }
0xcd: {  	v3 =	vperm.xlane v3, v2;
	_ =	sdelay $0x1  }
0xce: {  	v3 =	vadd.s32 v1, v3  }
0xcf: {  	[hbm4b:s3+s2] =	stream.indirect_vreg.scatter [tilespmem:s26], [sflag:$0x1], $0x80, v4, vm0, $0xb8;
	[tilespmem:$0x10100] =	vst v63  }
0xd0: {  	_ = 	snop  }
0xd1: {  	[hbm4b:s4+s2] =	stream.indirect_vreg.scatter [tilespmem:s28], [sflag:$0x1], $0x80, v4, vm0, $0xb8;
	[tilespmem:$0x10100] =	vst v63  }
0xd2: {  	_ = 	snop  }
0xd3: {  	[hbm4b:s3+s2] =	stream.indirect_vreg.scatter [tilespmem:s29], [sflag:$0x1], $0x80, v3, vm0, $0xb8;
	[tilespmem:$0x10100] =	vst v63  }
0xd4: {  	_ = 	snop  }
0xd5: {  	[hbm4b:s4+s2] =	stream.indirect_vreg.scatter [tilespmem:s30], [sflag:$0x1], $0x80, v3, vm0, $0xb8;
	[tilespmem:$0x10100] =	vst v63  }
0xd6: {  	v3 =	vld [tilespmem:$0xC0];
	_ =	sdelay $0x4  }
0xd7: {  	v60 =	vshll.u32 v3, $0x2  }
0xd8: {  	v3 =	vand.u32 $0x7, v3;
	v4 =	vand.u32 $0xFFFFFFE0, v60  }
0xd9: {  	v3 =	vor.u32 v3, v4  }
0xda: {  	v4 =	vperm.xlane v3, v0;
	_ =	sdelay $0x1  }
0xdb: {  	v4 =	vadd.s32 v1, v4;
	_ =	sdelay $0x1  }
0xdc: {  	v3 =	vperm.xlane v3, v2;
	_ =	sdelay $0x1  }
0xdd: {  	v3 =	vadd.s32 v1, v3  }
0xde: {  	[hbm4b:s3+s2] =	stream.indirect_vreg.scatter [tilespmem:s31], [sflag:$0x1], $0x80, v4, vm0, $0xb8;
	[tilespmem:$0x10100] =	vst v63  }
0xdf: {  	_ = 	snop  }
0xe0: {  	[hbm4b:s4+s2] =	stream.indirect_vreg.scatter [tilespmem:s1], [sflag:$0x1], $0x80, v4, vm0, $0xb8;
	[tilespmem:$0x10100] =	vst v63  }
0xe1: {  	s14 =	simm.s32 $0x9100  }
0xe2: {  	[hbm4b:s3+s2] =	stream.indirect_vreg.scatter [tilespmem:s14], [sflag:$0x1], $0x80, v3, vm0, $0xb8;
	[tilespmem:$0x10100] =	vst v63  }
0xe3: {  	_ = 	snop  }
0xe4: {  	[hbm4b:s4+s2] =	stream.indirect_vreg.scatter [tilespmem:s8], [sflag:$0x1], $0x80, v3, vm0, $0xb8;
	[tilespmem:$0x10100] =	vst v63  }
0xe5: {  	v3 =	vld [tilespmem:$0xD0];
	_ =	sdelay $0x4  }
0xe6: {  	v61 =	vshll.u32 v3, $0x2  }
0xe7: {  	v3 =	vand.u32 $0x7, v3;
	v4 =	vand.u32 $0xFFFFFFE0, v61  }
0xe8: {  	v3 =	vor.u32 v3, v4  }
0xe9: {  	v4 =	vperm.xlane v3, v0;
	_ =	sdelay $0x1  }
0xea: {  	v4 =	vadd.s32 v1, v4;
	_ =	sdelay $0x1  }
0xeb: {  	v3 =	vperm.xlane v3, v2;
	_ =	sdelay $0x1  }
0xec: {  	v3 =	vadd.s32 v1, v3  }
0xed: {  	[hbm4b:s3+s2] =	stream.indirect_vreg.scatter [tilespmem:s9], [sflag:$0x1], $0x80, v4, vm0, $0xb8;
	[tilespmem:$0x10100] =	vst v63  }
0xee: {  	_ = 	snop  }
0xef: {  	[hbm4b:s4+s2] =	stream.indirect_vreg.scatter [tilespmem:s10], [sflag:$0x1], $0x80, v4, vm0, $0xb8;
	[tilespmem:$0x10100] =	vst v63  }
0xf0: {  	_ = 	snop  }
0xf1: {  	[hbm4b:s3+s2] =	stream.indirect_vreg.scatter [tilespmem:s11], [sflag:$0x1], $0x80, v3, vm0, $0xb8;
	[tilespmem:$0x10100] =	vst v63  }
0xf2: {  	_ = 	snop  }
0xf3: {  	[hbm4b:s4+s2] =	stream.indirect_vreg.scatter [tilespmem:s12], [sflag:$0x1], $0x80, v3, vm0, $0xb8;
	[tilespmem:$0x10100] =	vst v63  }
0xf4: {  	v3 =	vld [tilespmem:$0xE0];
	_ =	sdelay $0x4  }
0xf5: {  	v62 =	vshll.u32 v3, $0x2  }
0xf6: {  	v3 =	vand.u32 $0x7, v3;
	v4 =	vand.u32 $0xFFFFFFE0, v62  }
0xf7: {  	v3 =	vor.u32 v3, v4  }
0xf8: {  	v4 =	vperm.xlane v3, v0;
	_ =	sdelay $0x1  }
0xf9: {  	v4 =	vadd.s32 v1, v4;
	_ =	sdelay $0x1  }
0xfa: {  	v3 =	vperm.xlane v3, v2;
	_ =	sdelay $0x1  }
0xfb: {  	v3 =	vadd.s32 v1, v3  }
0xfc: {  	[hbm4b:s3+s2] =	stream.indirect_vreg.scatter [tilespmem:s13], [sflag:$0x1], $0x80, v4, vm0, $0xb8;
	[tilespmem:$0x10100] =	vst v63  }
0xfd: {  	_ = 	snop  }
0xfe: {  	[hbm4b:s4+s2] =	stream.indirect_vreg.scatter [tilespmem:s7], [sflag:$0x1], $0x80, v4, vm0, $0xb8;
	[tilespmem:$0x10100] =	vst v63  }
0xff: {  	s7 =	simm.s32 $0xD100  }
0x100: {  	[hbm4b:s3+s2] =	stream.indirect_vreg.scatter [tilespmem:s7], [sflag:$0x1], $0x80, v3, vm0, $0xb8;
	[tilespmem:$0x10100] =	vst v63  }
0x101: {  	s14 =	simm.s32 $0xD900  }
0x102: {  	[hbm4b:s4+s2] =	stream.indirect_vreg.scatter [tilespmem:s14], [sflag:$0x1], $0x80, v3, vm0, $0xb8;
	[tilespmem:$0x10100] =	vst v63  }
0x103: {  	v3 =	vld [tilespmem:$0xF0];
	_ =	sdelay $0x4  }
0x104: {  	v63 =	vshll.u32 v3, $0x2  }
0x105: {  	v3 =	vand.u32 $0x7, v3;
	v4 =	vand.u32 $0xFFFFFFE0, v63  }
0x106: {  	v3 =	vor.u32 v3, v4  }
0x107: {  	v4 =	vperm.xlane v3, v0;
	_ =	sdelay $0x1  }
0x108: {  	v4 =	vadd.s32 v1, v4;
	_ =	sdelay $0x1  }
0x109: {  	v3 =	vperm.xlane v3, v2;
	_ =	sdelay $0x1  }
0x10a: {  	s7 =	simm.s32 $0xE100;
	v3 =	vadd.s32 v1, v3  }
0x10b: {  	[hbm4b:s3+s2] =	stream.indirect_vreg.scatter [tilespmem:s7], [sflag:$0x1], $0x80, v4, vm0, $0xb8;
	[tilespmem:$0x10100] =	vst v63  }
0x10c: {  	s14 =	simm.s32 $0xE900  }
0x10d: {  	[hbm4b:s4+s2] =	stream.indirect_vreg.scatter [tilespmem:s14], [sflag:$0x1], $0x80, v4, vm0, $0xb8;
	[tilespmem:$0x10100] =	vst v63  }
0x10e: {  	p0 =	sne.s32 s5, $0x1;
	s7 =	simm.s32 $0xF100  }
0x10f: {  	[hbm4b:s3+s2] =	stream.indirect_vreg.scatter [tilespmem:s7], [sflag:$0x1], $0x80, v3, vm0, $0xb8;
	[tilespmem:$0x10100] =	vst v63  }
.Ltmp0:
0x110: {  	s14 =	simm.s32 $0xF900;
	(pc) =	sbr.rel @p0 .LBB2_1-.Ltmp0, $4  }
0x111: {  	[hbm4b:s4+s2] =	stream.indirect_vreg.scatter [tilespmem:s14], [sflag:$0x1], $0x80, v3, vm0, $0xb8;
	[tilespmem:$0x10100] =	vst v63  }
0x112: {  	_ =	swait.ge [sflag:s6], $0x10000  }
0x113: {  	[sflag:s6] =	ssyncset.done $0x0  }
0x114: {  	s5 =	sadd.s32 $0xFFFFFFFF, s5;
	[sflag:s6] =	ssyncadd.s32 $0xFFFF0000  }
0x115: {  	_ =	sfence.sel $0x180000  }
0x116: {  	[bflag:$0x0] =	sbarrier.arrive $0xFFFF  }
0x117: {  	_ =	strace $0x90000047  }
0x118: {  	s0 =	stileid.u32;
	[bflag:$0x2] =	sbarrier.arrive $0xFFFF  }
0x119: {  	p0 =	sne.s32 s0, $0x0;
	s0 =	rddreg [dreg:$0x1]  }
0x11a: {  	s0 =	sadd.s32 @!p0 $0x100000, s0  }
0x11b: {  	[sflag:s0] =	ssyncadd.tile.s32 @!p0 $0x1;
	_ =	shalt  }
.Lfunc_end2:
_tile_overlayer_lowered:
.L_overlay_start_2:
0x11c: {  	(tag) =	ssettag $0x2  }
0x11d: {  	s0 =	rddreg [dreg:$0x0];
	s2 =	stileid.u32  }
0x11e: {  	s1 =	rddreg [dreg:$0x1];
	p0 =	sne.s32 s2, $0x0  }
0x11f: {  	s3 =	rddreg [dreg:$0x2];
	[bflag:$0x3] =	sbarrier.arrive $0xFFFF;
	s2 =	simm.s32 @!p0 $0x1C01  }
0x120: {  	[timem:s3], [sflag:s2] =	dma.local @!p0 [hbm:s0], s1  }
0x121: {  	s0 =	simm.s32 @!p0 $0x1  }
0x122: {  	_ =	swait.ge @!p0 [sflag:s0], s1  }
0x123: {  	s1 =	ssub.s32 @!p0 $0x0, s1;
	[sflag:s0] =	ssyncset.done @!p0 $0x0  }
0x124: {  	[sflag:s0] =	ssyncadd.s32 @!p0 s1  }
0x125: {  	[bflag:$0x3] =	sbarrier.arrive $0xFFFF  }
0x126: {  	_ =	shalt  }

</sc_bundles>
